<compile_context>
chip_gen: v7x
topology: tpu7x:2x2x1
jax: 0.10.2.dev20260603
libtpu: 0.0.44.dev20260713+nightly
codegen_flags: <defaults>
</compile_context>

<pallas_src>
import functools

import jax
import jax.numpy as jnp
from jax import lax
from jax.experimental import pallas as pl
from jax.experimental.pallas import tpu as pltpu
from jax.experimental.pallas import tpu_sc as plsc

EPS = 1e-12
ROWS = 256
PREC = lax.Precision.DEFAULT

NC = 2
NS = 16
NW = NC * NS
GCH = 128


def _norm_codebook(cb):
    norms = jnp.sqrt(jnp.sum(cb * cb, axis=1, keepdims=True))
    return cb / (norms + EPS)


def _sim_argmax(rn, cn, k):
    sim = lax.dot_general(rn, cn, (((1,), (1,)), ((), ())),
                          preferred_element_type=jnp.float32,
                          precision=PREC)
    m = jnp.max(sim, axis=1)
    iota = lax.broadcasted_iota(jnp.int32, sim.shape, 1)
    idx = jnp.min(jnp.where(sim == m[:, None], iota, k), axis=1)
    return m, idx


def _first_body(x_ref, cb_ref, idx_ref, scal_ref, cn_ref):
    i = pl.program_id(0)
    k = cb_ref.shape[0]

    @pl.when(i == 0)
    def _():
        cn_ref[...] = _norm_codebook(cb_ref[...])

    r = x_ref[...]
    sumsq = jnp.sum(r * r, axis=1, keepdims=True)
    rn = r / (jnp.sqrt(sumsq) + EPS)
    m, idx = _sim_argmax(rn, cn_ref[...], k)
    idx_ref[0, 0, :] = idx
    scal_ref[0, 0, :] = m


def _level_body(prev_ref, q_ref, cb_ref, res_ref, idx_ref, scal_ref, s_ref,
                cn_ref):
    i = pl.program_id(0)
    k = cb_ref.shape[0]

    @pl.when(i == 0)
    def _():
        cn_ref[...] = _norm_codebook(cb_ref[...])
        s_ref[0, 0] = 0.0

    r = prev_ref[...] - q_ref[...]
    res_ref[...] = r
    sumsq = jnp.sum(r * r, axis=1, keepdims=True)
    rn = r / (jnp.sqrt(sumsq) + EPS)
    m, idx = _sim_argmax(rn, cn_ref[...], k)
    idx_ref[0, 0, :] = idx
    scal_ref[0, 0, :] = m
    s_ref[0, 0] += jnp.sum(sumsq)


def _fin_body(flat_ref, res3_ref, q3_ref, s1_ref, s2_ref, s3_ref,
              xq_ref, loss_ref, *, inv_count):
    i = pl.program_id(0)

    @pl.when(i == 0)
    def _():
        loss_ref[0, 0] = 0.0

    r4 = res3_ref[...] - q3_ref[...]
    xq_ref[...] = flat_ref[...] - r4
    loss_ref[0, 0] += jnp.sum(r4 * r4)

    @pl.when(i == pl.num_programs(0) - 1)
    def _():
        total = s1_ref[0, 0] + s2_ref[0, 0] + s3_ref[0, 0] + loss_ref[0, 0]
        loss_ref[0, 0] = total * inv_count


def _row_spec(rows, d):
    return pl.BlockSpec((rows, d), lambda i: (i, 0))


def _lane_spec(rows):
    return pl.BlockSpec((1, 1, rows), lambda i: (i, 0, 0))


def _scalar_spec():
    return pl.BlockSpec((1, 1), lambda i: (0, 0), memory_space=pltpu.SMEM)


def _level_first(flat, cb):
    n, d = flat.shape
    k = cb.shape[0]
    nt = n // ROWS
    idx3, scal3 = pl.pallas_call(
        _first_body,
        grid=(nt,),
        in_specs=[_row_spec(ROWS, d), pl.BlockSpec((k, d), lambda i: (0, 0))],
        out_specs=[_lane_spec(ROWS), _lane_spec(ROWS)],
        out_shape=[
            jax.ShapeDtypeStruct((nt, 1, ROWS), jnp.int32),
            jax.ShapeDtypeStruct((nt, 1, ROWS), jnp.float32),
        ],
        scratch_shapes=[pltpu.VMEM((k, d), jnp.float32)],
        compiler_params=pltpu.CompilerParams(
            dimension_semantics=("arbitrary",)),
    )(flat, cb)
    return idx3.reshape(n), scal3.reshape(n)


def _level_next(prev, q, cb):
    n, d = prev.shape
    k = cb.shape[0]
    nt = n // ROWS
    res, idx3, scal3, s = pl.pallas_call(
        _level_body,
        grid=(nt,),
        in_specs=[_row_spec(ROWS, d), _row_spec(ROWS, d),
                  pl.BlockSpec((k, d), lambda i: (0, 0))],
        out_specs=[_row_spec(ROWS, d), _lane_spec(ROWS), _lane_spec(ROWS),
                   _scalar_spec()],
        out_shape=[
            jax.ShapeDtypeStruct((n, d), jnp.float32),
            jax.ShapeDtypeStruct((nt, 1, ROWS), jnp.int32),
            jax.ShapeDtypeStruct((nt, 1, ROWS), jnp.float32),
            jax.ShapeDtypeStruct((1, 1), jnp.float32),
        ],
        scratch_shapes=[pltpu.VMEM((k, d), jnp.float32)],
        compiler_params=pltpu.CompilerParams(
            dimension_semantics=("arbitrary",)),
    )(prev, q, cb)
    return res, idx3.reshape(n), scal3.reshape(n), s


def _finalize(flat, res3, q3, s1, s2, s3):
    n, d = flat.shape
    nt = n // ROWS
    inv_count = 1.25 / (4.0 * n * d)
    xq, loss = pl.pallas_call(
        functools.partial(_fin_body, inv_count=inv_count),
        grid=(nt,),
        in_specs=[_row_spec(ROWS, d), _row_spec(ROWS, d), _row_spec(ROWS, d),
                  _scalar_spec(), _scalar_spec(), _scalar_spec()],
        out_specs=[_row_spec(ROWS, d), _scalar_spec()],
        out_shape=[
            jax.ShapeDtypeStruct((n, d), jnp.float32),
            jax.ShapeDtypeStruct((1, 1), jnp.float32),
        ],
        compiler_params=pltpu.CompilerParams(
            dimension_semantics=("arbitrary",)),
    )(flat, res3, q3, s1, s2, s3)
    return xq, loss.reshape(())


def _sc_gather(table, idx, n, d):
    per_w = n // NW
    ch = per_w // GCH
    idx3 = idx.reshape(NW, ch, GCH)
    mesh = plsc.VectorSubcoreMesh(core_axis_name="c", subcore_axis_name="s")

    @functools.partial(
        pl.kernel,
        out_type=jax.ShapeDtypeStruct((n, d), jnp.float32),
        mesh=mesh,
        scratch_types=[
            pltpu.VMEM((GCH,), jnp.int32),
            pltpu.VMEM((GCH, d), jnp.float32),
            pltpu.SemaphoreType.DMA,
        ],
    )
    def gather(table_hbm, idx_hbm, out_hbm, idx_v, rows_v, sem):
        wid = lax.axis_index("s") * NC + lax.axis_index("c")
        base = wid * per_w
        for c in range(ch):
            pltpu.sync_copy(idx_hbm.at[wid, c], idx_v)
            pltpu.async_copy(table_hbm.at[idx_v], rows_v, sem).wait()
            pltpu.sync_copy(rows_v, out_hbm.at[pl.ds(base + c * GCH, GCH)])

    return gather(table, idx3)


def kernel(x, codebooks):
    b, t, d = x.shape
    n_levels, k, _ = codebooks.shape
    n = b * t
    flat = x.reshape(n, d)

    idx0, scal0 = _level_first(flat, codebooks[0])
    q0 = _sc_gather(codebooks[0], idx0, n, d)
    res1, idx1, scal1, s1 = _level_next(flat, q0, codebooks[1])
    q1 = _sc_gather(codebooks[1], idx1, n, d)
    res2, idx2, scal2, s2 = _level_next(res1, q1, codebooks[2])
    q2 = _sc_gather(codebooks[2], idx2, n, d)
    res3, idx3, scal3, s3 = _level_next(res2, q2, codebooks[3])
    q3 = _sc_gather(codebooks[3], idx3, n, d)
    x_q, mean_loss = _finalize(flat, res3, q3, s1, s2, s3)

    x_q = x_q.reshape(b, t, d)
    all_indices = jnp.stack([idx0, idx1, idx2, idx3], axis=-1)
    all_indices = all_indices.reshape(b, t, n_levels)
    all_scalars = jnp.stack([scal0, scal1, scal2, scal3], axis=-1)
    all_scalars = all_scalars.reshape(b, t, n_levels)
    return (x_q, mean_loss, all_indices, all_scalars)

# --- scband reference (transcript-rebuilt; emitter-appended) ---
"""Pipeline reference for scband-residual-vector-quantizer-76510547410980 (READ-ONLY COPY).

The authoritative reference and input builder live on the scoring server;
editing this copy changes nothing except your own understanding.
"""

import jax, jax.numpy as jnp
import numpy as np


def _l2norm(v, axis=-1, eps=1e-12):
    return v / (jnp.linalg.norm(v, axis=axis, keepdims=True) + eps)


def setup_inputs(seed: int = 0) -> dict:
    key = jax.random.key(seed)
    k1, k2 = jax.random.split(key)
    x = jax.random.normal(k1, (32, 1024, 256), dtype=jnp.float32)
    # 4 residual VQ levels, each with an 8192 x 256 cosine codebook
    codebooks = jax.random.normal(k2, (4, 8192, 256), dtype=jnp.float32)
    return {"x": x, "codebooks": codebooks}


def reference(x, codebooks):
    beta = 0.25
    B, T, D = x.shape
    flat = x.reshape(-1, D)
    residual = flat
    x_q = jnp.zeros_like(flat)
    losses = []
    all_indices = []
    all_scalars = []
    n_levels = codebooks.shape[0]
    for l in range(n_levels):
        cb = codebooks[l]
        # cosine similarity between residual and codebook entries
        rn = _l2norm(residual)
        cn = _l2norm(cb)
        sim = rn @ cn.T  # [B*T, K]
        indices = jnp.argmax(sim, axis=-1)
        scalar = jnp.max(sim, axis=-1)
        q = jnp.take(cb, indices, axis=0)
        # commitment + codebook losses
        commit = jnp.mean((jax.lax.stop_gradient(q) - residual) ** 2)
        codebook_loss = jnp.mean((q - jax.lax.stop_gradient(residual)) ** 2)
        loss = beta * commit + codebook_loss
        # straight-through estimator
        q_st = residual + jax.lax.stop_gradient(q - residual)
        x_q = x_q + q_st
        residual = residual - q_st
        losses.append(loss)
        all_indices.append(indices)
        all_scalars.append(scalar)
    x_q = x_q.reshape(B, T, D)
    mean_loss = jnp.mean(jnp.stack(losses))
    all_indices = jnp.stack(all_indices, axis=-1).reshape(B, T, n_levels)
    all_scalars = jnp.stack(all_scalars, axis=-1).reshape(B, T, n_levels)
    return (x_q, mean_loss, all_indices, all_scalars)

if __name__ == "__main__":
    import jax
    _d = setup_inputs()
    print(jax.jit(kernel)(*tuple(_d.values())))

</pallas_src>

<mosaic_0001>
#map = affine_map<(d0, d1) -> (0, 0)>
#map1 = affine_map<(d0, d1) -> (0, 0, 0)>
module attributes {stable_mosaic.version = 14 : i64} {
  func.func @gather(%arg0: i32, %arg1: i32, %arg2: memref<8192x256xf32, #tpu.memory_space<hbm>>, %arg3: memref<32x8x128xi32, #tpu.memory_space<hbm>>, %arg4: memref<32768x256xf32, #tpu.memory_space<hbm>>, %arg5: memref<128xi32, #tpu.memory_space<vmem>>, %arg6: memref<128x256xf32, #tpu.memory_space<vmem>>, %arg7: memref<!tpu.dma_semaphore, #tpu.memory_space<semaphore_mem>>) attributes {dimension_semantics = [#tpu.dimension_semantics<core_parallel>, #tpu.dimension_semantics<subcore_parallel>], iteration_bounds = array<i64: 2, 16>, scalar_prefetch = 0 : i64, scratch_operands = 3 : i64, tpu.core_type = #tpu.core_type<sc_vector_subcore>, window_params = [{transform_indices = #map}, {transform_indices = #map1}, {transform_indices = #map}]} {
    %mul3A = arith.constant 2 : i32
    %mul3A_0 = arith.muli %arg1, %mul3A : i32
    %add3A = arith.addi %mul3A_0, %arg0 : i32
    %mul3A_1 = arith.constant 1024 : i32
    %mul3A_2 = arith.muli %add3A, %mul3A_1 : i32
    %run_scoped3A = arith.constant 0 : i32
    "tpu.region"() ({
      %run_scoped3A_72 = tpu.sem_alloc : memref<!tpu.dma_semaphore, #tpu.memory_space<semaphore_mem>>
      %dma_start3A_73 = arith.constant 0 : i32
      %dma_start3A_74 = tpu.memref_slice %arg3[%add3A, %run_scoped3A, %dma_start3A_73] : memref<32x8x128xi32, #tpu.memory_space<hbm>> -> memref<1x1x128xi32, #tpu.memory_space<hbm>>
      %dma_start3A_75 = tpu.memref_squeeze %dma_start3A_74 : memref<1x1x128xi32, #tpu.memory_space<hbm>> -> memref<128xi32, #tpu.memory_space<hbm>>
      %dma_start3A_76 = arith.constant 0 : i32
      %dma_start3A_77 = tpu.memref_slice %arg3[%add3A, %run_scoped3A, %dma_start3A_76] : memref<32x8x128xi32, #tpu.memory_space<hbm>> -> memref<1x1x128xi32, #tpu.memory_space<hbm>>
      %dma_start3A_78 = tpu.memref_squeeze %dma_start3A_77 : memref<1x1x128xi32, #tpu.memory_space<hbm>> -> memref<128xi32, #tpu.memory_space<hbm>>
      tpu.enqueue_dma source(%dma_start3A_78 : memref<128xi32, #tpu.memory_space<hbm>>) target(%arg5 : memref<128xi32, #tpu.memory_space<vmem>>) target_semaphore(%run_scoped3A_72 : memref<!tpu.dma_semaphore, #tpu.memory_space<semaphore_mem>>)
      %dma_wait3A_79 = arith.constant 0 : i32
      %dma_wait3A_80 = tpu.memref_slice %arg3[%add3A, %run_scoped3A, %dma_wait3A_79] : memref<32x8x128xi32, #tpu.memory_space<hbm>> -> memref<1x1x128xi32, #tpu.memory_space<hbm>>
      %dma_wait3A_81 = tpu.memref_squeeze %dma_wait3A_80 : memref<1x1x128xi32, #tpu.memory_space<hbm>> -> memref<128xi32, #tpu.memory_space<hbm>>
      %dma_wait3A_82 = arith.constant 0 : i32
      %dma_wait3A_83 = tpu.memref_slice %arg3[%add3A, %run_scoped3A, %dma_wait3A_82] : memref<32x8x128xi32, #tpu.memory_space<hbm>> -> memref<1x1x128xi32, #tpu.memory_space<hbm>>
      %dma_wait3A_84 = tpu.memref_squeeze %dma_wait3A_83 : memref<1x1x128xi32, #tpu.memory_space<hbm>> -> memref<128xi32, #tpu.memory_space<hbm>>
      tpu.wait_dma2 semaphore(%run_scoped3A_72 : memref<!tpu.dma_semaphore, #tpu.memory_space<semaphore_mem>>) src(%dma_wait3A_84 : memref<128xi32, #tpu.memory_space<hbm>>) dst(%arg5 : memref<128xi32, #tpu.memory_space<vmem>>)
      tpu.yield
    }) : () -> ()
    %dma_start3A = arith.constant 0 : i32
    %dma_start3A_3 = arith.constant 0 : i32
    %dma_start3A_4 = tpu.memref_slice %arg2[%dma_start3A, %dma_start3A_3] : memref<8192x256xf32, #tpu.memory_space<hbm>> -> memref<8192x256xf32, #tpu.memory_space<hbm>>
    tpu.enqueue_indirect_dma source(%dma_start3A_4 : memref<8192x256xf32, #tpu.memory_space<hbm>>) target(%arg6 : memref<128x256xf32, #tpu.memory_space<vmem>>) offsets(%arg5 : memref<128xi32, #tpu.memory_space<vmem>>) semaphore(%arg7 : memref<!tpu.dma_semaphore, #tpu.memory_space<semaphore_mem>>)
    %dma_wait3A = arith.constant 0 : i32
    %dma_wait3A_5 = arith.constant 0 : i32
    %dma_wait3A_6 = tpu.memref_slice %arg2[%dma_wait3A, %dma_wait3A_5] : memref<8192x256xf32, #tpu.memory_space<hbm>> -> memref<8192x256xf32, #tpu.memory_space<hbm>>
    tpu.wait_indirect_dma semaphore(%arg7 : memref<!tpu.dma_semaphore, #tpu.memory_space<semaphore_mem>>) src(%dma_wait3A_6 : memref<8192x256xf32, #tpu.memory_space<hbm>>) dst(%arg6 : memref<128x256xf32, #tpu.memory_space<vmem>>)
    %add3A_7 = arith.constant 0 : i32
    %add3A_8 = arith.addi %mul3A_2, %add3A_7 : i32
    "tpu.region"() ({
      %run_scoped3A_72 = tpu.sem_alloc : memref<!tpu.dma_semaphore, #tpu.memory_space<semaphore_mem>>
      %dma_start3A_73 = arith.constant 0 : i32
      %dma_start3A_74 = tpu.memref_slice %arg4[%add3A_8, %dma_start3A_73] : memref<32768x256xf32, #tpu.memory_space<hbm>> -> memref<128x256xf32, #tpu.memory_space<hbm>>
      %dma_start3A_75 = arith.constant 0 : i32
      %dma_start3A_76 = tpu.memref_slice %arg4[%add3A_8, %dma_start3A_75] : memref<32768x256xf32, #tpu.memory_space<hbm>> -> memref<128x256xf32, #tpu.memory_space<hbm>>
      tpu.enqueue_dma source(%arg6 : memref<128x256xf32, #tpu.memory_space<vmem>>) target(%dma_start3A_76 : memref<128x256xf32, #tpu.memory_space<hbm>>) target_semaphore(%run_scoped3A_72 : memref<!tpu.dma_semaphore, #tpu.memory_space<semaphore_mem>>)
      %dma_wait3A_77 = arith.constant 0 : i32
      %dma_wait3A_78 = tpu.memref_slice %arg4[%add3A_8, %dma_wait3A_77] : memref<32768x256xf32, #tpu.memory_space<hbm>> -> memref<128x256xf32, #tpu.memory_space<hbm>>
      %dma_wait3A_79 = arith.constant 0 : i32
      %dma_wait3A_80 = tpu.memref_slice %arg4[%add3A_8, %dma_wait3A_79] : memref<32768x256xf32, #tpu.memory_space<hbm>> -> memref<128x256xf32, #tpu.memory_space<hbm>>
      tpu.wait_dma2 semaphore(%run_scoped3A_72 : memref<!tpu.dma_semaphore, #tpu.memory_space<semaphore_mem>>) src(%arg6 : memref<128x256xf32, #tpu.memory_space<vmem>>) dst(%dma_wait3A_80 : memref<128x256xf32, #tpu.memory_space<hbm>>)
      tpu.yield
    }) : () -> ()
    %run_scoped3A_9 = arith.constant 1 : i32
    "tpu.region"() ({
      %run_scoped3A_72 = tpu.sem_alloc : memref<!tpu.dma_semaphore, #tpu.memory_space<semaphore_mem>>
      %dma_start3A_73 = arith.constant 0 : i32
      %dma_start3A_74 = tpu.memref_slice %arg3[%add3A, %run_scoped3A_9, %dma_start3A_73] : memref<32x8x128xi32, #tpu.memory_space<hbm>> -> memref<1x1x128xi32, #tpu.memory_space<hbm>>
      %dma_start3A_75 = tpu.memref_squeeze %dma_start3A_74 : memref<1x1x128xi32, #tpu.memory_space<hbm>> -> memref<128xi32, #tpu.memory_space<hbm>>
      %dma_start3A_76 = arith.constant 0 : i32
      %dma_start3A_77 = tpu.memref_slice %arg3[%add3A, %run_scoped3A_9, %dma_start3A_76] : memref<32x8x128xi32, #tpu.memory_space<hbm>> -> memref<1x1x128xi32, #tpu.memory_space<hbm>>
      %dma_start3A_78 = tpu.memref_squeeze %dma_start3A_77 : memref<1x1x128xi32, #tpu.memory_space<hbm>> -> memref<128xi32, #tpu.memory_space<hbm>>
      tpu.enqueue_dma source(%dma_start3A_78 : memref<128xi32, #tpu.memory_space<hbm>>) target(%arg5 : memref<128xi32, #tpu.memory_space<vmem>>) target_semaphore(%run_scoped3A_72 : memref<!tpu.dma_semaphore, #tpu.memory_space<semaphore_mem>>)
      %dma_wait3A_79 = arith.constant 0 : i32
      %dma_wait3A_80 = tpu.memref_slice %arg3[%add3A, %run_scoped3A_9, %dma_wait3A_79] : memref<32x8x128xi32, #tpu.memory_space<hbm>> -> memref<1x1x128xi32, #tpu.memory_space<hbm>>
      %dma_wait3A_81 = tpu.memref_squeeze %dma_wait3A_80 : memref<1x1x128xi32, #tpu.memory_space<hbm>> -> memref<128xi32, #tpu.memory_space<hbm>>
      %dma_wait3A_82 = arith.constant 0 : i32
      %dma_wait3A_83 = tpu.memref_slice %arg3[%add3A, %run_scoped3A_9, %dma_wait3A_82] : memref<32x8x128xi32, #tpu.memory_space<hbm>> -> memref<1x1x128xi32, #tpu.memory_space<hbm>>
      %dma_wait3A_84 = tpu.memref_squeeze %dma_wait3A_83 : memref<1x1x128xi32, #tpu.memory_space<hbm>> -> memref<128xi32, #tpu.memory_space<hbm>>
      tpu.wait_dma2 semaphore(%run_scoped3A_72 : memref<!tpu.dma_semaphore, #tpu.memory_space<semaphore_mem>>) src(%dma_wait3A_84 : memref<128xi32, #tpu.memory_space<hbm>>) dst(%arg5 : memref<128xi32, #tpu.memory_space<vmem>>)
      tpu.yield
    }) : () -> ()
    %dma_start3A_10 = arith.constant 0 : i32
    %dma_start3A_11 = arith.constant 0 : i32
    %dma_start3A_12 = tpu.memref_slice %arg2[%dma_start3A_10, %dma_start3A_11] : memref<8192x256xf32, #tpu.memory_space<hbm>> -> memref<8192x256xf32, #tpu.memory_space<hbm>>
    tpu.enqueue_indirect_dma source(%dma_start3A_12 : memref<8192x256xf32, #tpu.memory_space<hbm>>) target(%arg6 : memref<128x256xf32, #tpu.memory_space<vmem>>) offsets(%arg5 : memref<128xi32, #tpu.memory_space<vmem>>) semaphore(%arg7 : memref<!tpu.dma_semaphore, #tpu.memory_space<semaphore_mem>>)
    %dma_wait3A_13 = arith.constant 0 : i32
    %dma_wait3A_14 = arith.constant 0 : i32
    %dma_wait3A_15 = tpu.memref_slice %arg2[%dma_wait3A_13, %dma_wait3A_14] : memref<8192x256xf32, #tpu.memory_space<hbm>> -> memref<8192x256xf32, #tpu.memory_space<hbm>>
    tpu.wait_indirect_dma semaphore(%arg7 : memref<!tpu.dma_semaphore, #tpu.memory_space<semaphore_mem>>) src(%dma_wait3A_15 : memref<8192x256xf32, #tpu.memory_space<hbm>>) dst(%arg6 : memref<128x256xf32, #tpu.memory_space<vmem>>)
    %add3A_16 = arith.constant 128 : i32
    %add3A_17 = arith.addi %mul3A_2, %add3A_16 : i32
    "tpu.region"() ({
      %run_scoped3A_72 = tpu.sem_alloc : memref<!tpu.dma_semaphore, #tpu.memory_space<semaphore_mem>>
      %dma_start3A_73 = arith.constant 0 : i32
      %dma_start3A_74 = tpu.memref_slice %arg4[%add3A_17, %dma_start3A_73] : memref<32768x256xf32, #tpu.memory_space<hbm>> -> memref<128x256xf32, #tpu.memory_space<hbm>>
      %dma_start3A_75 = arith.constant 0 : i32
      %dma_start3A_76 = tpu.memref_slice %arg4[%add3A_17, %dma_start3A_75] : memref<32768x256xf32, #tpu.memory_space<hbm>> -> memref<128x256xf32, #tpu.memory_space<hbm>>
      tpu.enqueue_dma source(%arg6 : memref<128x256xf32, #tpu.memory_space<vmem>>) target(%dma_start3A_76 : memref<128x256xf32, #tpu.memory_space<hbm>>) target_semaphore(%run_scoped3A_72 : memref<!tpu.dma_semaphore, #tpu.memory_space<semaphore_mem>>)
      %dma_wait3A_77 = arith.constant 0 : i32
      %dma_wait3A_78 = tpu.memref_slice %arg4[%add3A_17, %dma_wait3A_77] : memref<32768x256xf32, #tpu.memory_space<hbm>> -> memref<128x256xf32, #tpu.memory_space<hbm>>
      %dma_wait3A_79 = arith.constant 0 : i32
      %dma_wait3A_80 = tpu.memref_slice %arg4[%add3A_17, %dma_wait3A_79] : memref<32768x256xf32, #tpu.memory_space<hbm>> -> memref<128x256xf32, #tpu.memory_space<hbm>>
      tpu.wait_dma2 semaphore(%run_scoped3A_72 : memref<!tpu.dma_semaphore, #tpu.memory_space<semaphore_mem>>) src(%arg6 : memref<128x256xf32, #tpu.memory_space<vmem>>) dst(%dma_wait3A_80 : memref<128x256xf32, #tpu.memory_space<hbm>>)
      tpu.yield
    }) : () -> ()
    %run_scoped3A_18 = arith.constant 2 : i32
    "tpu.region"() ({
      %run_scoped3A_72 = tpu.sem_alloc : memref<!tpu.dma_semaphore, #tpu.memory_space<semaphore_mem>>
      %dma_start3A_73 = arith.constant 0 : i32
      %dma_start3A_74 = tpu.memref_slice %arg3[%add3A, %run_scoped3A_18, %dma_start3A_73] : memref<32x8x128xi32, #tpu.memory_space<hbm>> -> memref<1x1x128xi32, #tpu.memory_space<hbm>>
      %dma_start3A_75 = tpu.memref_squeeze %dma_start3A_74 : memref<1x1x128xi32, #tpu.memory_space<hbm>> -> memref<128xi32, #tpu.memory_space<hbm>>
      %dma_start3A_76 = arith.constant 0 : i32
      %dma_start3A_77 = tpu.memref_slice %arg3[%add3A, %run_scoped3A_18, %dma_start3A_76] : memref<32x8x128xi32, #tpu.memory_space<hbm>> -> memref<1x1x128xi32, #tpu.memory_space<hbm>>
      %dma_start3A_78 = tpu.memref_squeeze %dma_start3A_77 : memref<1x1x128xi32, #tpu.memory_space<hbm>> -> memref<128xi32, #tpu.memory_space<hbm>>
      tpu.enqueue_dma source(%dma_start3A_78 : memref<128xi32, #tpu.memory_space<hbm>>) target(%arg5 : memref<128xi32, #tpu.memory_space<vmem>>) target_semaphore(%run_scoped3A_72 : memref<!tpu.dma_semaphore, #tpu.memory_space<semaphore_mem>>)
      %dma_wait3A_79 = arith.constant 0 : i32
      %dma_wait3A_80 = tpu.memref_slice %arg3[%add3A, %run_scoped3A_18, %dma_wait3A_79] : memref<32x8x128xi32, #tpu.memory_space<hbm>> -> memref<1x1x128xi32, #tpu.memory_space<hbm>>
      %dma_wait3A_81 = tpu.memref_squeeze %dma_wait3A_80 : memref<1x1x128xi32, #tpu.memory_space<hbm>> -> memref<128xi32, #tpu.memory_space<hbm>>
      %dma_wait3A_82 = arith.constant 0 : i32
      %dma_wait3A_83 = tpu.memref_slice %arg3[%add3A, %run_scoped3A_18, %dma_wait3A_82] : memref<32x8x128xi32, #tpu.memory_space<hbm>> -> memref<1x1x128xi32, #tpu.memory_space<hbm>>
      %dma_wait3A_84 = tpu.memref_squeeze %dma_wait3A_83 : memref<1x1x128xi32, #tpu.memory_space<hbm>> -> memref<128xi32, #tpu.memory_space<hbm>>
      tpu.wait_dma2 semaphore(%run_scoped3A_72 : memref<!tpu.dma_semaphore, #tpu.memory_space<semaphore_mem>>) src(%dma_wait3A_84 : memref<128xi32, #tpu.memory_space<hbm>>) dst(%arg5 : memref<128xi32, #tpu.memory_space<vmem>>)
      tpu.yield
    }) : () -> ()
    %dma_start3A_19 = arith.constant 0 : i32
    %dma_start3A_20 = arith.constant 0 : i32
    %dma_start3A_21 = tpu.memref_slice %arg2[%dma_start3A_19, %dma_start3A_20] : memref<8192x256xf32, #tpu.memory_space<hbm>> -> memref<8192x256xf32, #tpu.memory_space<hbm>>
    tpu.enqueue_indirect_dma source(%dma_start3A_21 : memref<8192x256xf32, #tpu.memory_space<hbm>>) target(%arg6 : memref<128x256xf32, #tpu.memory_space<vmem>>) offsets(%arg5 : memref<128xi32, #tpu.memory_space<vmem>>) semaphore(%arg7 : memref<!tpu.dma_semaphore, #tpu.memory_space<semaphore_mem>>)
    %dma_wait3A_22 = arith.constant 0 : i32
    %dma_wait3A_23 = arith.constant 0 : i32
    %dma_wait3A_24 = tpu.memref_slice %arg2[%dma_wait3A_22, %dma_wait3A_23] : memref<8192x256xf32, #tpu.memory_space<hbm>> -> memref<8192x256xf32, #tpu.memory_space<hbm>>
    tpu.wait_indirect_dma semaphore(%arg7 : memref<!tpu.dma_semaphore, #tpu.memory_space<semaphore_mem>>) src(%dma_wait3A_24 : memref<8192x256xf32, #tpu.memory_space<hbm>>) dst(%arg6 : memref<128x256xf32, #tpu.memory_space<vmem>>)
    %add3A_25 = arith.constant 256 : i32
    %add3A_26 = arith.addi %mul3A_2, %add3A_25 : i32
    "tpu.region"() ({
      %run_scoped3A_72 = tpu.sem_alloc : memref<!tpu.dma_semaphore, #tpu.memory_space<semaphore_mem>>
      %dma_start3A_73 = arith.constant 0 : i32
      %dma_start3A_74 = tpu.memref_slice %arg4[%add3A_26, %dma_start3A_73] : memref<32768x256xf32, #tpu.memory_space<hbm>> -> memref<128x256xf32, #tpu.memory_space<hbm>>
      %dma_start3A_75 = arith.constant 0 : i32
      %dma_start3A_76 = tpu.memref_slice %arg4[%add3A_26, %dma_start3A_75] : memref<32768x256xf32, #tpu.memory_space<hbm>> -> memref<128x256xf32, #tpu.memory_space<hbm>>
      tpu.enqueue_dma source(%arg6 : memref<128x256xf32, #tpu.memory_space<vmem>>) target(%dma_start3A_76 : memref<128x256xf32, #tpu.memory_space<hbm>>) target_semaphore(%run_scoped3A_72 : memref<!tpu.dma_semaphore, #tpu.memory_space<semaphore_mem>>)
      %dma_wait3A_77 = arith.constant 0 : i32
      %dma_wait3A_78 = tpu.memref_slice %arg4[%add3A_26, %dma_wait3A_77] : memref<32768x256xf32, #tpu.memory_space<hbm>> -> memref<128x256xf32, #tpu.memory_space<hbm>>
      %dma_wait3A_79 = arith.constant 0 : i32
      %dma_wait3A_80 = tpu.memref_slice %arg4[%add3A_26, %dma_wait3A_79] : memref<32768x256xf32, #tpu.memory_space<hbm>> -> memref<128x256xf32, #tpu.memory_space<hbm>>
      tpu.wait_dma2 semaphore(%run_scoped3A_72 : memref<!tpu.dma_semaphore, #tpu.memory_space<semaphore_mem>>) src(%arg6 : memref<128x256xf32, #tpu.memory_space<vmem>>) dst(%dma_wait3A_80 : memref<128x256xf32, #tpu.memory_space<hbm>>)
      tpu.yield
    }) : () -> ()
    %run_scoped3A_27 = arith.constant 3 : i32
    "tpu.region"() ({
      %run_scoped3A_72 = tpu.sem_alloc : memref<!tpu.dma_semaphore, #tpu.memory_space<semaphore_mem>>
      %dma_start3A_73 = arith.constant 0 : i32
      %dma_start3A_74 = tpu.memref_slice %arg3[%add3A, %run_scoped3A_27, %dma_start3A_73] : memref<32x8x128xi32, #tpu.memory_space<hbm>> -> memref<1x1x128xi32, #tpu.memory_space<hbm>>
      %dma_start3A_75 = tpu.memref_squeeze %dma_start3A_74 : memref<1x1x128xi32, #tpu.memory_space<hbm>> -> memref<128xi32, #tpu.memory_space<hbm>>
      %dma_start3A_76 = arith.constant 0 : i32
      %dma_start3A_77 = tpu.memref_slice %arg3[%add3A, %run_scoped3A_27, %dma_start3A_76] : memref<32x8x128xi32, #tpu.memory_space<hbm>> -> memref<1x1x128xi32, #tpu.memory_space<hbm>>
      %dma_start3A_78 = tpu.memref_squeeze %dma_start3A_77 : memref<1x1x128xi32, #tpu.memory_space<hbm>> -> memref<128xi32, #tpu.memory_space<hbm>>
      tpu.enqueue_dma source(%dma_start3A_78 : memref<128xi32, #tpu.memory_space<hbm>>) target(%arg5 : memref<128xi32, #tpu.memory_space<vmem>>) target_semaphore(%run_scoped3A_72 : memref<!tpu.dma_semaphore, #tpu.memory_space<semaphore_mem>>)
      %dma_wait3A_79 = arith.constant 0 : i32
      %dma_wait3A_80 = tpu.memref_slice %arg3[%add3A, %run_scoped3A_27, %dma_wait3A_79] : memref<32x8x128xi32, #tpu.memory_space<hbm>> -> memref<1x1x128xi32, #tpu.memory_space<hbm>>
      %dma_wait3A_81 = tpu.memref_squeeze %dma_wait3A_80 : memref<1x1x128xi32, #tpu.memory_space<hbm>> -> memref<128xi32, #tpu.memory_space<hbm>>
      %dma_wait3A_82 = arith.constant 0 : i32
      %dma_wait3A_83 = tpu.memref_slice %arg3[%add3A, %run_scoped3A_27, %dma_wait3A_82] : memref<32x8x128xi32, #tpu.memory_space<hbm>> -> memref<1x1x128xi32, #tpu.memory_space<hbm>>
      %dma_wait3A_84 = tpu.memref_squeeze %dma_wait3A_83 : memref<1x1x128xi32, #tpu.memory_space<hbm>> -> memref<128xi32, #tpu.memory_space<hbm>>
      tpu.wait_dma2 semaphore(%run_scoped3A_72 : memref<!tpu.dma_semaphore, #tpu.memory_space<semaphore_mem>>) src(%dma_wait3A_84 : memref<128xi32, #tpu.memory_space<hbm>>) dst(%arg5 : memref<128xi32, #tpu.memory_space<vmem>>)
      tpu.yield
    }) : () -> ()
    %dma_start3A_28 = arith.constant 0 : i32
    %dma_start3A_29 = arith.constant 0 : i32
    %dma_start3A_30 = tpu.memref_slice %arg2[%dma_start3A_28, %dma_start3A_29] : memref<8192x256xf32, #tpu.memory_space<hbm>> -> memref<8192x256xf32, #tpu.memory_space<hbm>>
    tpu.enqueue_indirect_dma source(%dma_start3A_30 : memref<8192x256xf32, #tpu.memory_space<hbm>>) target(%arg6 : memref<128x256xf32, #tpu.memory_space<vmem>>) offsets(%arg5 : memref<128xi32, #tpu.memory_space<vmem>>) semaphore(%arg7 : memref<!tpu.dma_semaphore, #tpu.memory_space<semaphore_mem>>)
    %dma_wait3A_31 = arith.constant 0 : i32
    %dma_wait3A_32 = arith.constant 0 : i32
    %dma_wait3A_33 = tpu.memref_slice %arg2[%dma_wait3A_31, %dma_wait3A_32] : memref<8192x256xf32, #tpu.memory_space<hbm>> -> memref<8192x256xf32, #tpu.memory_space<hbm>>
    tpu.wait_indirect_dma semaphore(%arg7 : memref<!tpu.dma_semaphore, #tpu.memory_space<semaphore_mem>>) src(%dma_wait3A_33 : memref<8192x256xf32, #tpu.memory_space<hbm>>) dst(%arg6 : memref<128x256xf32, #tpu.memory_space<vmem>>)
    %add3A_34 = arith.constant 384 : i32
    %add3A_35 = arith.addi %mul3A_2, %add3A_34 : i32
    "tpu.region"() ({
      %run_scoped3A_72 = tpu.sem_alloc : memref<!tpu.dma_semaphore, #tpu.memory_space<semaphore_mem>>
      %dma_start3A_73 = arith.constant 0 : i32
      %dma_start3A_74 = tpu.memref_slice %arg4[%add3A_35, %dma_start3A_73] : memref<32768x256xf32, #tpu.memory_space<hbm>> -> memref<128x256xf32, #tpu.memory_space<hbm>>
      %dma_start3A_75 = arith.constant 0 : i32
      %dma_start3A_76 = tpu.memref_slice %arg4[%add3A_35, %dma_start3A_75] : memref<32768x256xf32, #tpu.memory_space<hbm>> -> memref<128x256xf32, #tpu.memory_space<hbm>>
      tpu.enqueue_dma source(%arg6 : memref<128x256xf32, #tpu.memory_space<vmem>>) target(%dma_start3A_76 : memref<128x256xf32, #tpu.memory_space<hbm>>) target_semaphore(%run_scoped3A_72 : memref<!tpu.dma_semaphore, #tpu.memory_space<semaphore_mem>>)
      %dma_wait3A_77 = arith.constant 0 : i32
      %dma_wait3A_78 = tpu.memref_slice %arg4[%add3A_35, %dma_wait3A_77] : memref<32768x256xf32, #tpu.memory_space<hbm>> -> memref<128x256xf32, #tpu.memory_space<hbm>>
      %dma_wait3A_79 = arith.constant 0 : i32
      %dma_wait3A_80 = tpu.memref_slice %arg4[%add3A_35, %dma_wait3A_79] : memref<32768x256xf32, #tpu.memory_space<hbm>> -> memref<128x256xf32, #tpu.memory_space<hbm>>
      tpu.wait_dma2 semaphore(%run_scoped3A_72 : memref<!tpu.dma_semaphore, #tpu.memory_space<semaphore_mem>>) src(%arg6 : memref<128x256xf32, #tpu.memory_space<vmem>>) dst(%dma_wait3A_80 : memref<128x256xf32, #tpu.memory_space<hbm>>)
      tpu.yield
    }) : () -> ()
    %run_scoped3A_36 = arith.constant 4 : i32
    "tpu.region"() ({
      %run_scoped3A_72 = tpu.sem_alloc : memref<!tpu.dma_semaphore, #tpu.memory_space<semaphore_mem>>
      %dma_start3A_73 = arith.constant 0 : i32
      %dma_start3A_74 = tpu.memref_slice %arg3[%add3A, %run_scoped3A_36, %dma_start3A_73] : memref<32x8x128xi32, #tpu.memory_space<hbm>> -> memref<1x1x128xi32, #tpu.memory_space<hbm>>
      %dma_start3A_75 = tpu.memref_squeeze %dma_start3A_74 : memref<1x1x128xi32, #tpu.memory_space<hbm>> -> memref<128xi32, #tpu.memory_space<hbm>>
      %dma_start3A_76 = arith.constant 0 : i32
      %dma_start3A_77 = tpu.memref_slice %arg3[%add3A, %run_scoped3A_36, %dma_start3A_76] : memref<32x8x128xi32, #tpu.memory_space<hbm>> -> memref<1x1x128xi32, #tpu.memory_space<hbm>>
      %dma_start3A_78 = tpu.memref_squeeze %dma_start3A_77 : memref<1x1x128xi32, #tpu.memory_space<hbm>> -> memref<128xi32, #tpu.memory_space<hbm>>
      tpu.enqueue_dma source(%dma_start3A_78 : memref<128xi32, #tpu.memory_space<hbm>>) target(%arg5 : memref<128xi32, #tpu.memory_space<vmem>>) target_semaphore(%run_scoped3A_72 : memref<!tpu.dma_semaphore, #tpu.memory_space<semaphore_mem>>)
      %dma_wait3A_79 = arith.constant 0 : i32
      %dma_wait3A_80 = tpu.memref_slice %arg3[%add3A, %run_scoped3A_36, %dma_wait3A_79] : memref<32x8x128xi32, #tpu.memory_space<hbm>> -> memref<1x1x128xi32, #tpu.memory_space<hbm>>
      %dma_wait3A_81 = tpu.memref_squeeze %dma_wait3A_80 : memref<1x1x128xi32, #tpu.memory_space<hbm>> -> memref<128xi32, #tpu.memory_space<hbm>>
      %dma_wait3A_82 = arith.constant 0 : i32
      %dma_wait3A_83 = tpu.memref_slice %arg3[%add3A, %run_scoped3A_36, %dma_wait3A_82] : memref<32x8x128xi32, #tpu.memory_space<hbm>> -> memref<1x1x128xi32, #tpu.memory_space<hbm>>
      %dma_wait3A_84 = tpu.memref_squeeze %dma_wait3A_83 : memref<1x1x128xi32, #tpu.memory_space<hbm>> -> memref<128xi32, #tpu.memory_space<hbm>>
      tpu.wait_dma2 semaphore(%run_scoped3A_72 : memref<!tpu.dma_semaphore, #tpu.memory_space<semaphore_mem>>) src(%dma_wait3A_84 : memref<128xi32, #tpu.memory_space<hbm>>) dst(%arg5 : memref<128xi32, #tpu.memory_space<vmem>>)
      tpu.yield
    }) : () -> ()
    %dma_start3A_37 = arith.constant 0 : i32
    %dma_start3A_38 = arith.constant 0 : i32
    %dma_start3A_39 = tpu.memref_slice %arg2[%dma_start3A_37, %dma_start3A_38] : memref<8192x256xf32, #tpu.memory_space<hbm>> -> memref<8192x256xf32, #tpu.memory_space<hbm>>
    tpu.enqueue_indirect_dma source(%dma_start3A_39 : memref<8192x256xf32, #tpu.memory_space<hbm>>) target(%arg6 : memref<128x256xf32, #tpu.memory_space<vmem>>) offsets(%arg5 : memref<128xi32, #tpu.memory_space<vmem>>) semaphore(%arg7 : memref<!tpu.dma_semaphore, #tpu.memory_space<semaphore_mem>>)
    %dma_wait3A_40 = arith.constant 0 : i32
    %dma_wait3A_41 = arith.constant 0 : i32
    %dma_wait3A_42 = tpu.memref_slice %arg2[%dma_wait3A_40, %dma_wait3A_41] : memref<8192x256xf32, #tpu.memory_space<hbm>> -> memref<8192x256xf32, #tpu.memory_space<hbm>>
    tpu.wait_indirect_dma semaphore(%arg7 : memref<!tpu.dma_semaphore, #tpu.memory_space<semaphore_mem>>) src(%dma_wait3A_42 : memref<8192x256xf32, #tpu.memory_space<hbm>>) dst(%arg6 : memref<128x256xf32, #tpu.memory_space<vmem>>)
    %add3A_43 = arith.constant 512 : i32
    %add3A_44 = arith.addi %mul3A_2, %add3A_43 : i32
    "tpu.region"() ({
      %run_scoped3A_72 = tpu.sem_alloc : memref<!tpu.dma_semaphore, #tpu.memory_space<semaphore_mem>>
      %dma_start3A_73 = arith.constant 0 : i32
      %dma_start3A_74 = tpu.memref_slice %arg4[%add3A_44, %dma_start3A_73] : memref<32768x256xf32, #tpu.memory_space<hbm>> -> memref<128x256xf32, #tpu.memory_space<hbm>>
      %dma_start3A_75 = arith.constant 0 : i32
      %dma_start3A_76 = tpu.memref_slice %arg4[%add3A_44, %dma_start3A_75] : memref<32768x256xf32, #tpu.memory_space<hbm>> -> memref<128x256xf32, #tpu.memory_space<hbm>>
      tpu.enqueue_dma source(%arg6 : memref<128x256xf32, #tpu.memory_space<vmem>>) target(%dma_start3A_76 : memref<128x256xf32, #tpu.memory_space<hbm>>) target_semaphore(%run_scoped3A_72 : memref<!tpu.dma_semaphore, #tpu.memory_space<semaphore_mem>>)
      %dma_wait3A_77 = arith.constant 0 : i32
      %dma_wait3A_78 = tpu.memref_slice %arg4[%add3A_44, %dma_wait3A_77] : memref<32768x256xf32, #tpu.memory_space<hbm>> -> memref<128x256xf32, #tpu.memory_space<hbm>>
      %dma_wait3A_79 = arith.constant 0 : i32
      %dma_wait3A_80 = tpu.memref_slice %arg4[%add3A_44, %dma_wait3A_79] : memref<32768x256xf32, #tpu.memory_space<hbm>> -> memref<128x256xf32, #tpu.memory_space<hbm>>
      tpu.wait_dma2 semaphore(%run_scoped3A_72 : memref<!tpu.dma_semaphore, #tpu.memory_space<semaphore_mem>>) src(%arg6 : memref<128x256xf32, #tpu.memory_space<vmem>>) dst(%dma_wait3A_80 : memref<128x256xf32, #tpu.memory_space<hbm>>)
      tpu.yield
    }) : () -> ()
    %run_scoped3A_45 = arith.constant 5 : i32
    "tpu.region"() ({
      %run_scoped3A_72 = tpu.sem_alloc : memref<!tpu.dma_semaphore, #tpu.memory_space<semaphore_mem>>
      %dma_start3A_73 = arith.constant 0 : i32
      %dma_start3A_74 = tpu.memref_slice %arg3[%add3A, %run_scoped3A_45, %dma_start3A_73] : memref<32x8x128xi32, #tpu.memory_space<hbm>> -> memref<1x1x128xi32, #tpu.memory_space<hbm>>
      %dma_start3A_75 = tpu.memref_squeeze %dma_start3A_74 : memref<1x1x128xi32, #tpu.memory_space<hbm>> -> memref<128xi32, #tpu.memory_space<hbm>>
      %dma_start3A_76 = arith.constant 0 : i32
      %dma_start3A_77 = tpu.memref_slice %arg3[%add3A, %run_scoped3A_45, %dma_start3A_76] : memref<32x8x128xi32, #tpu.memory_space<hbm>> -> memref<1x1x128xi32, #tpu.memory_space<hbm>>
      %dma_start3A_78 = tpu.memref_squeeze %dma_start3A_77 : memref<1x1x128xi32, #tpu.memory_space<hbm>> -> memref<128xi32, #tpu.memory_space<hbm>>
      tpu.enqueue_dma source(%dma_start3A_78 : memref<128xi32, #tpu.memory_space<hbm>>) target(%arg5 : memref<128xi32, #tpu.memory_space<vmem>>) target_semaphore(%run_scoped3A_72 : memref<!tpu.dma_semaphore, #tpu.memory_space<semaphore_mem>>)
      %dma_wait3A_79 = arith.constant 0 : i32
      %dma_wait3A_80 = tpu.memref_slice %arg3[%add3A, %run_scoped3A_45, %dma_wait3A_79] : memref<32x8x128xi32, #tpu.memory_space<hbm>> -> memref<1x1x128xi32, #tpu.memory_space<hbm>>
      %dma_wait3A_81 = tpu.memref_squeeze %dma_wait3A_80 : memref<1x1x128xi32, #tpu.memory_space<hbm>> -> memref<128xi32, #tpu.memory_space<hbm>>
      %dma_wait3A_82 = arith.constant 0 : i32
      %dma_wait3A_83 = tpu.memref_slice %arg3[%add3A, %run_scoped3A_45, %dma_wait3A_82] : memref<32x8x128xi32, #tpu.memory_space<hbm>> -> memref<1x1x128xi32, #tpu.memory_space<hbm>>
      %dma_wait3A_84 = tpu.memref_squeeze %dma_wait3A_83 : memref<1x1x128xi32, #tpu.memory_space<hbm>> -> memref<128xi32, #tpu.memory_space<hbm>>
      tpu.wait_dma2 semaphore(%run_scoped3A_72 : memref<!tpu.dma_semaphore, #tpu.memory_space<semaphore_mem>>) src(%dma_wait3A_84 : memref<128xi32, #tpu.memory_space<hbm>>) dst(%arg5 : memref<128xi32, #tpu.memory_space<vmem>>)
      tpu.yield
    }) : () -> ()
    %dma_start3A_46 = arith.constant 0 : i32
    %dma_start3A_47 = arith.constant 0 : i32
    %dma_start3A_48 = tpu.memref_slice %arg2[%dma_start3A_46, %dma_start3A_47] : memref<8192x256xf32, #tpu.memory_space<hbm>> -> memref<8192x256xf32, #tpu.memory_space<hbm>>
    tpu.enqueue_indirect_dma source(%dma_start3A_48 : memref<8192x256xf32, #tpu.memory_space<hbm>>) target(%arg6 : memref<128x256xf32, #tpu.memory_space<vmem>>) offsets(%arg5 : memref<128xi32, #tpu.memory_space<vmem>>) semaphore(%arg7 : memref<!tpu.dma_semaphore, #tpu.memory_space<semaphore_mem>>)
    %dma_wait3A_49 = arith.constant 0 : i32
    %dma_wait3A_50 = arith.constant 0 : i32
    %dma_wait3A_51 = tpu.memref_slice %arg2[%dma_wait3A_49, %dma_wait3A_50] : memref<8192x256xf32, #tpu.memory_space<hbm>> -> memref<8192x256xf32, #tpu.memory_space<hbm>>
    tpu.wait_indirect_dma semaphore(%arg7 : memref<!tpu.dma_semaphore, #tpu.memory_space<semaphore_mem>>) src(%dma_wait3A_51 : memref<8192x256xf32, #tpu.memory_space<hbm>>) dst(%arg6 : memref<128x256xf32, #tpu.memory_space<vmem>>)
    %add3A_52 = arith.constant 640 : i32
    %add3A_53 = arith.addi %mul3A_2, %add3A_52 : i32
    "tpu.region"() ({
      %run_scoped3A_72 = tpu.sem_alloc : memref<!tpu.dma_semaphore, #tpu.memory_space<semaphore_mem>>
      %dma_start3A_73 = arith.constant 0 : i32
      %dma_start3A_74 = tpu.memref_slice %arg4[%add3A_53, %dma_start3A_73] : memref<32768x256xf32, #tpu.memory_space<hbm>> -> memref<128x256xf32, #tpu.memory_space<hbm>>
      %dma_start3A_75 = arith.constant 0 : i32
      %dma_start3A_76 = tpu.memref_slice %arg4[%add3A_53, %dma_start3A_75] : memref<32768x256xf32, #tpu.memory_space<hbm>> -> memref<128x256xf32, #tpu.memory_space<hbm>>
      tpu.enqueue_dma source(%arg6 : memref<128x256xf32, #tpu.memory_space<vmem>>) target(%dma_start3A_76 : memref<128x256xf32, #tpu.memory_space<hbm>>) target_semaphore(%run_scoped3A_72 : memref<!tpu.dma_semaphore, #tpu.memory_space<semaphore_mem>>)
      %dma_wait3A_77 = arith.constant 0 : i32
      %dma_wait3A_78 = tpu.memref_slice %arg4[%add3A_53, %dma_wait3A_77] : memref<32768x256xf32, #tpu.memory_space<hbm>> -> memref<128x256xf32, #tpu.memory_space<hbm>>
      %dma_wait3A_79 = arith.constant 0 : i32
      %dma_wait3A_80 = tpu.memref_slice %arg4[%add3A_53, %dma_wait3A_79] : memref<32768x256xf32, #tpu.memory_space<hbm>> -> memref<128x256xf32, #tpu.memory_space<hbm>>
      tpu.wait_dma2 semaphore(%run_scoped3A_72 : memref<!tpu.dma_semaphore, #tpu.memory_space<semaphore_mem>>) src(%arg6 : memref<128x256xf32, #tpu.memory_space<vmem>>) dst(%dma_wait3A_80 : memref<128x256xf32, #tpu.memory_space<hbm>>)
      tpu.yield
    }) : () -> ()
    %run_scoped3A_54 = arith.constant 6 : i32
    "tpu.region"() ({
      %run_scoped3A_72 = tpu.sem_alloc : memref<!tpu.dma_semaphore, #tpu.memory_space<semaphore_mem>>
      %dma_start3A_73 = arith.constant 0 : i32
      %dma_start3A_74 = tpu.memref_slice %arg3[%add3A, %run_scoped3A_54, %dma_start3A_73] : memref<32x8x128xi32, #tpu.memory_space<hbm>> -> memref<1x1x128xi32, #tpu.memory_space<hbm>>
      %dma_start3A_75 = tpu.memref_squeeze %dma_start3A_74 : memref<1x1x128xi32, #tpu.memory_space<hbm>> -> memref<128xi32, #tpu.memory_space<hbm>>
      %dma_start3A_76 = arith.constant 0 : i32
      %dma_start3A_77 = tpu.memref_slice %arg3[%add3A, %run_scoped3A_54, %dma_start3A_76] : memref<32x8x128xi32, #tpu.memory_space<hbm>> -> memref<1x1x128xi32, #tpu.memory_space<hbm>>
      %dma_start3A_78 = tpu.memref_squeeze %dma_start3A_77 : memref<1x1x128xi32, #tpu.memory_space<hbm>> -> memref<128xi32, #tpu.memory_space<hbm>>
      tpu.enqueue_dma source(%dma_start3A_78 : memref<128xi32, #tpu.memory_space<hbm>>) target(%arg5 : memref<128xi32, #tpu.memory_space<vmem>>) target_semaphore(%run_scoped3A_72 : memref<!tpu.dma_semaphore, #tpu.memory_space<semaphore_mem>>)
      %dma_wait3A_79 = arith.constant 0 : i32
      %dma_wait3A_80 = tpu.memref_slice %arg3[%add3A, %run_scoped3A_54, %dma_wait3A_79] : memref<32x8x128xi32, #tpu.memory_space<hbm>> -> memref<1x1x128xi32, #tpu.memory_space<hbm>>
      %dma_wait3A_81 = tpu.memref_squeeze %dma_wait3A_80 : memref<1x1x128xi32, #tpu.memory_space<hbm>> -> memref<128xi32, #tpu.memory_space<hbm>>
      %dma_wait3A_82 = arith.constant 0 : i32
      %dma_wait3A_83 = tpu.memref_slice %arg3[%add3A, %run_scoped3A_54, %dma_wait3A_82] : memref<32x8x128xi32, #tpu.memory_space<hbm>> -> memref<1x1x128xi32, #tpu.memory_space<hbm>>
      %dma_wait3A_84 = tpu.memref_squeeze %dma_wait3A_83 : memref<1x1x128xi32, #tpu.memory_space<hbm>> -> memref<128xi32, #tpu.memory_space<hbm>>
      tpu.wait_dma2 semaphore(%run_scoped3A_72 : memref<!tpu.dma_semaphore, #tpu.memory_space<semaphore_mem>>) src(%dma_wait3A_84 : memref<128xi32, #tpu.memory_space<hbm>>) dst(%arg5 : memref<128xi32, #tpu.memory_space<vmem>>)
      tpu.yield
    }) : () -> ()
    %dma_start3A_55 = arith.constant 0 : i32
    %dma_start3A_56 = arith.constant 0 : i32
    %dma_start3A_57 = tpu.memref_slice %arg2[%dma_start3A_55, %dma_start3A_56] : memref<8192x256xf32, #tpu.memory_space<hbm>> -> memref<8192x256xf32, #tpu.memory_space<hbm>>
    tpu.enqueue_indirect_dma source(%dma_start3A_57 : memref<8192x256xf32, #tpu.memory_space<hbm>>) target(%arg6 : memref<128x256xf32, #tpu.memory_space<vmem>>) offsets(%arg5 : memref<128xi32, #tpu.memory_space<vmem>>) semaphore(%arg7 : memref<!tpu.dma_semaphore, #tpu.memory_space<semaphore_mem>>)
    %dma_wait3A_58 = arith.constant 0 : i32
    %dma_wait3A_59 = arith.constant 0 : i32
    %dma_wait3A_60 = tpu.memref_slice %arg2[%dma_wait3A_58, %dma_wait3A_59] : memref<8192x256xf32, #tpu.memory_space<hbm>> -> memref<8192x256xf32, #tpu.memory_space<hbm>>
    tpu.wait_indirect_dma semaphore(%arg7 : memref<!tpu.dma_semaphore, #tpu.memory_space<semaphore_mem>>) src(%dma_wait3A_60 : memref<8192x256xf32, #tpu.memory_space<hbm>>) dst(%arg6 : memref<128x256xf32, #tpu.memory_space<vmem>>)
    %add3A_61 = arith.constant 768 : i32
    %add3A_62 = arith.addi %mul3A_2, %add3A_61 : i32
    "tpu.region"() ({
      %run_scoped3A_72 = tpu.sem_alloc : memref<!tpu.dma_semaphore, #tpu.memory_space<semaphore_mem>>
      %dma_start3A_73 = arith.constant 0 : i32
      %dma_start3A_74 = tpu.memref_slice %arg4[%add3A_62, %dma_start3A_73] : memref<32768x256xf32, #tpu.memory_space<hbm>> -> memref<128x256xf32, #tpu.memory_space<hbm>>
      %dma_start3A_75 = arith.constant 0 : i32
      %dma_start3A_76 = tpu.memref_slice %arg4[%add3A_62, %dma_start3A_75] : memref<32768x256xf32, #tpu.memory_space<hbm>> -> memref<128x256xf32, #tpu.memory_space<hbm>>
      tpu.enqueue_dma source(%arg6 : memref<128x256xf32, #tpu.memory_space<vmem>>) target(%dma_start3A_76 : memref<128x256xf32, #tpu.memory_space<hbm>>) target_semaphore(%run_scoped3A_72 : memref<!tpu.dma_semaphore, #tpu.memory_space<semaphore_mem>>)
      %dma_wait3A_77 = arith.constant 0 : i32
      %dma_wait3A_78 = tpu.memref_slice %arg4[%add3A_62, %dma_wait3A_77] : memref<32768x256xf32, #tpu.memory_space<hbm>> -> memref<128x256xf32, #tpu.memory_space<hbm>>
      %dma_wait3A_79 = arith.constant 0 : i32
      %dma_wait3A_80 = tpu.memref_slice %arg4[%add3A_62, %dma_wait3A_79] : memref<32768x256xf32, #tpu.memory_space<hbm>> -> memref<128x256xf32, #tpu.memory_space<hbm>>
      tpu.wait_dma2 semaphore(%run_scoped3A_72 : memref<!tpu.dma_semaphore, #tpu.memory_space<semaphore_mem>>) src(%arg6 : memref<128x256xf32, #tpu.memory_space<vmem>>) dst(%dma_wait3A_80 : memref<128x256xf32, #tpu.memory_space<hbm>>)
      tpu.yield
    }) : () -> ()
    %run_scoped3A_63 = arith.constant 7 : i32
    "tpu.region"() ({
      %run_scoped3A_72 = tpu.sem_alloc : memref<!tpu.dma_semaphore, #tpu.memory_space<semaphore_mem>>
      %dma_start3A_73 = arith.constant 0 : i32
      %dma_start3A_74 = tpu.memref_slice %arg3[%add3A, %run_scoped3A_63, %dma_start3A_73] : memref<32x8x128xi32, #tpu.memory_space<hbm>> -> memref<1x1x128xi32, #tpu.memory_space<hbm>>
      %dma_start3A_75 = tpu.memref_squeeze %dma_start3A_74 : memref<1x1x128xi32, #tpu.memory_space<hbm>> -> memref<128xi32, #tpu.memory_space<hbm>>
      %dma_start3A_76 = arith.constant 0 : i32
      %dma_start3A_77 = tpu.memref_slice %arg3[%add3A, %run_scoped3A_63, %dma_start3A_76] : memref<32x8x128xi32, #tpu.memory_space<hbm>> -> memref<1x1x128xi32, #tpu.memory_space<hbm>>
      %dma_start3A_78 = tpu.memref_squeeze %dma_start3A_77 : memref<1x1x128xi32, #tpu.memory_space<hbm>> -> memref<128xi32, #tpu.memory_space<hbm>>
      tpu.enqueue_dma source(%dma_start3A_78 : memref<128xi32, #tpu.memory_space<hbm>>) target(%arg5 : memref<128xi32, #tpu.memory_space<vmem>>) target_semaphore(%run_scoped3A_72 : memref<!tpu.dma_semaphore, #tpu.memory_space<semaphore_mem>>)
      %dma_wait3A_79 = arith.constant 0 : i32
      %dma_wait3A_80 = tpu.memref_slice %arg3[%add3A, %run_scoped3A_63, %dma_wait3A_79] : memref<32x8x128xi32, #tpu.memory_space<hbm>> -> memref<1x1x128xi32, #tpu.memory_space<hbm>>
      %dma_wait3A_81 = tpu.memref_squeeze %dma_wait3A_80 : memref<1x1x128xi32, #tpu.memory_space<hbm>> -> memref<128xi32, #tpu.memory_space<hbm>>
      %dma_wait3A_82 = arith.constant 0 : i32
      %dma_wait3A_83 = tpu.memref_slice %arg3[%add3A, %run_scoped3A_63, %dma_wait3A_82] : memref<32x8x128xi32, #tpu.memory_space<hbm>> -> memref<1x1x128xi32, #tpu.memory_space<hbm>>
      %dma_wait3A_84 = tpu.memref_squeeze %dma_wait3A_83 : memref<1x1x128xi32, #tpu.memory_space<hbm>> -> memref<128xi32, #tpu.memory_space<hbm>>
      tpu.wait_dma2 semaphore(%run_scoped3A_72 : memref<!tpu.dma_semaphore, #tpu.memory_space<semaphore_mem>>) src(%dma_wait3A_84 : memref<128xi32, #tpu.memory_space<hbm>>) dst(%arg5 : memref<128xi32, #tpu.memory_space<vmem>>)
      tpu.yield
    }) : () -> ()
    %dma_start3A_64 = arith.constant 0 : i32
    %dma_start3A_65 = arith.constant 0 : i32
    %dma_start3A_66 = tpu.memref_slice %arg2[%dma_start3A_64, %dma_start3A_65] : memref<8192x256xf32, #tpu.memory_space<hbm>> -> memref<8192x256xf32, #tpu.memory_space<hbm>>
    tpu.enqueue_indirect_dma source(%dma_start3A_66 : memref<8192x256xf32, #tpu.memory_space<hbm>>) target(%arg6 : memref<128x256xf32, #tpu.memory_space<vmem>>) offsets(%arg5 : memref<128xi32, #tpu.memory_space<vmem>>) semaphore(%arg7 : memref<!tpu.dma_semaphore, #tpu.memory_space<semaphore_mem>>)
    %dma_wait3A_67 = arith.constant 0 : i32
    %dma_wait3A_68 = arith.constant 0 : i32
    %dma_wait3A_69 = tpu.memref_slice %arg2[%dma_wait3A_67, %dma_wait3A_68] : memref<8192x256xf32, #tpu.memory_space<hbm>> -> memref<8192x256xf32, #tpu.memory_space<hbm>>
    tpu.wait_indirect_dma semaphore(%arg7 : memref<!tpu.dma_semaphore, #tpu.memory_space<semaphore_mem>>) src(%dma_wait3A_69 : memref<8192x256xf32, #tpu.memory_space<hbm>>) dst(%arg6 : memref<128x256xf32, #tpu.memory_space<vmem>>)
    %add3A_70 = arith.constant 896 : i32
    %add3A_71 = arith.addi %mul3A_2, %add3A_70 : i32
    "tpu.region"() ({
      %run_scoped3A_72 = tpu.sem_alloc : memref<!tpu.dma_semaphore, #tpu.memory_space<semaphore_mem>>
      %dma_start3A_73 = arith.constant 0 : i32
      %dma_start3A_74 = tpu.memref_slice %arg4[%add3A_71, %dma_start3A_73] : memref<32768x256xf32, #tpu.memory_space<hbm>> -> memref<128x256xf32, #tpu.memory_space<hbm>>
      %dma_start3A_75 = arith.constant 0 : i32
      %dma_start3A_76 = tpu.memref_slice %arg4[%add3A_71, %dma_start3A_75] : memref<32768x256xf32, #tpu.memory_space<hbm>> -> memref<128x256xf32, #tpu.memory_space<hbm>>
      tpu.enqueue_dma source(%arg6 : memref<128x256xf32, #tpu.memory_space<vmem>>) target(%dma_start3A_76 : memref<128x256xf32, #tpu.memory_space<hbm>>) target_semaphore(%run_scoped3A_72 : memref<!tpu.dma_semaphore, #tpu.memory_space<semaphore_mem>>)
      %dma_wait3A_77 = arith.constant 0 : i32
      %dma_wait3A_78 = tpu.memref_slice %arg4[%add3A_71, %dma_wait3A_77] : memref<32768x256xf32, #tpu.memory_space<hbm>> -> memref<128x256xf32, #tpu.memory_space<hbm>>
      %dma_wait3A_79 = arith.constant 0 : i32
      %dma_wait3A_80 = tpu.memref_slice %arg4[%add3A_71, %dma_wait3A_79] : memref<32768x256xf32, #tpu.memory_space<hbm>> -> memref<128x256xf32, #tpu.memory_space<hbm>>
      tpu.wait_dma2 semaphore(%run_scoped3A_72 : memref<!tpu.dma_semaphore, #tpu.memory_space<semaphore_mem>>) src(%arg6 : memref<128x256xf32, #tpu.memory_space<vmem>>) dst(%dma_wait3A_80 : memref<128x256xf32, #tpu.memory_space<hbm>>)
      tpu.yield
    }) : () -> ()
    return
  }
}

#map = affine_map<(d0, d1) -> (0, 0)>
#map1 = affine_map<(d0, d1) -> (0, 0, 0)>
module attributes {stable_mosaic.version = 14 : i64} {
  func.func @gather(%arg0: i32, %arg1: i32, %arg2: memref<8192x256xf32, #tpu.memory_space<hbm>>, %arg3: memref<32x8x128xi32, #tpu.memory_space<hbm>>, %arg4: memref<32768x256xf32, #tpu.memory_space<hbm>>, %arg5: memref<128xi32, #tpu.memory_space<vmem>>, %arg6: memref<128x256xf32, #tpu.memory_space<vmem>>, %arg7: memref<!tpu.dma_semaphore, #tpu.memory_space<semaphore_mem>>) attributes {dimension_semantics = [#tpu.dimension_semantics<core_parallel>, #tpu.dimension_semantics<subcore_parallel>], iteration_bounds = array<i64: 2, 16>, scalar_prefetch = 0 : i64, scratch_operands = 3 : i64, tpu.core_type = #tpu.core_type<sc_vector_subcore>, window_params = [{transform_indices = #map}, {transform_indices = #map1}, {transform_indices = #map}]} {
    %mul3A = arith.constant 2 : i32
    %mul3A_0 = arith.muli %arg1, %mul3A : i32
    %add3A = arith.addi %mul3A_0, %arg0 : i32
    %mul3A_1 = arith.constant 1024 : i32
    %mul3A_2 = arith.muli %add3A, %mul3A_1 : i32
    %run_scoped3A = arith.constant 0 : i32
    "tpu.region"() ({
      %run_scoped3A_72 = tpu.sem_alloc : memref<!tpu.dma_semaphore, #tpu.memory_space<semaphore_mem>>
      %dma_start3A_73 = arith.constant 0 : i32
      %dma_start3A_74 = tpu.memref_slice %arg3[%add3A, %run_scoped3A, %dma_start3A_73] : memref<32x8x128xi32, #tpu.memory_space<hbm>> -> memref<1x1x128xi32, #tpu.memory_space<hbm>>
      %dma_start3A_75 = tpu.memref_squeeze %dma_start3A_74 : memref<1x1x128xi32, #tpu.memory_space<hbm>> -> memref<128xi32, #tpu.memory_space<hbm>>
      %dma_start3A_76 = arith.constant 0 : i32
      %dma_start3A_77 = tpu.memref_slice %arg3[%add3A, %run_scoped3A, %dma_start3A_76] : memref<32x8x128xi32, #tpu.memory_space<hbm>> -> memref<1x1x128xi32, #tpu.memory_space<hbm>>
      %dma_start3A_78 = tpu.memref_squeeze %dma_start3A_77 : memref<1x1x128xi32, #tpu.memory_space<hbm>> -> memref<128xi32, #tpu.memory_space<hbm>>
      tpu.enqueue_dma source(%dma_start3A_78 : memref<128xi32, #tpu.memory_space<hbm>>) target(%arg5 : memref<128xi32, #tpu.memory_space<vmem>>) target_semaphore(%run_scoped3A_72 : memref<!tpu.dma_semaphore, #tpu.memory_space<semaphore_mem>>)
      %dma_wait3A_79 = arith.constant 0 : i32
      %dma_wait3A_80 = tpu.memref_slice %arg3[%add3A, %run_scoped3A, %dma_wait3A_79] : memref<32x8x128xi32, #tpu.memory_space<hbm>> -> memref<1x1x128xi32, #tpu.memory_space<hbm>>
      %dma_wait3A_81 = tpu.memref_squeeze %dma_wait3A_80 : memref<1x1x128xi32, #tpu.memory_space<hbm>> -> memref<128xi32, #tpu.memory_space<hbm>>
      %dma_wait3A_82 = arith.constant 0 : i32
      %dma_wait3A_83 = tpu.memref_slice %arg3[%add3A, %run_scoped3A, %dma_wait3A_82] : memref<32x8x128xi32, #tpu.memory_space<hbm>> -> memref<1x1x128xi32, #tpu.memory_space<hbm>>
      %dma_wait3A_84 = tpu.memref_squeeze %dma_wait3A_83 : memref<1x1x128xi32, #tpu.memory_space<hbm>> -> memref<128xi32, #tpu.memory_space<hbm>>
      tpu.wait_dma2 semaphore(%run_scoped3A_72 : memref<!tpu.dma_semaphore, #tpu.memory_space<semaphore_mem>>) src(%dma_wait3A_84 : memref<128xi32, #tpu.memory_space<hbm>>) dst(%arg5 : memref<128xi32, #tpu.memory_space<vmem>>)
      tpu.yield
    }) : () -> ()
    %dma_start3A = arith.constant 0 : i32
    %dma_start3A_3 = arith.constant 0 : i32
    %dma_start3A_4 = tpu.memref_slice %arg2[%dma_start3A, %dma_start3A_3] : memref<8192x256xf32, #tpu.memory_space<hbm>> -> memref<8192x256xf32, #tpu.memory_space<hbm>>
    tpu.enqueue_indirect_dma source(%dma_start3A_4 : memref<8192x256xf32, #tpu.memory_space<hbm>>) target(%arg6 : memref<128x256xf32, #tpu.memory_space<vmem>>) offsets(%arg5 : memref<128xi32, #tpu.memory_space<vmem>>) semaphore(%arg7 : memref<!tpu.dma_semaphore, #tpu.memory_space<semaphore_mem>>)
    %dma_wait3A = arith.constant 0 : i32
    %dma_wait3A_5 = arith.constant 0 : i32
    %dma_wait3A_6 = tpu.memref_slice %arg2[%dma_wait3A, %dma_wait3A_5] : memref<8192x256xf32, #tpu.memory_space<hbm>> -> memref<8192x256xf32, #tpu.memory_space<hbm>>
    tpu.wait_indirect_dma semaphore(%arg7 : memref<!tpu.dma_semaphore, #tpu.memory_space<semaphore_mem>>) src(%dma_wait3A_6 : memref<8192x256xf32, #tpu.memory_space<hbm>>) dst(%arg6 : memref<128x256xf32, #tpu.memory_space<vmem>>)
    %add3A_7 = arith.constant 0 : i32
    %add3A_8 = arith.addi %mul3A_2, %add3A_7 : i32
    "tpu.region"() ({
      %run_scoped3A_72 = tpu.sem_alloc : memref<!tpu.dma_semaphore, #tpu.memory_space<semaphore_mem>>
      %dma_start3A_73 = arith.constant 0 : i32
      %dma_start3A_74 = tpu.memref_slice %arg4[%add3A_8, %dma_start3A_73] : memref<32768x256xf32, #tpu.memory_space<hbm>> -> memref<128x256xf32, #tpu.memory_space<hbm>>
      %dma_start3A_75 = arith.constant 0 : i32
      %dma_start3A_76 = tpu.memref_slice %arg4[%add3A_8, %dma_start3A_75] : memref<32768x256xf32, #tpu.memory_space<hbm>> -> memref<128x256xf32, #tpu.memory_space<hbm>>
      tpu.enqueue_dma source(%arg6 : memref<128x256xf32, #tpu.memory_space<vmem>>) target(%dma_start3A_76 : memref<128x256xf32, #tpu.memory_space<hbm>>) target_semaphore(%run_scoped3A_72 : memref<!tpu.dma_semaphore, #tpu.memory_space<semaphore_mem>>)
      %dma_wait3A_77 = arith.constant 0 : i32
      %dma_wait3A_78 = tpu.memref_slice %arg4[%add3A_8, %dma_wait3A_77] : memref<32768x256xf32, #tpu.memory_space<hbm>> -> memref<128x256xf32, #tpu.memory_space<hbm>>
      %dma_wait3A_79 = arith.constant 0 : i32
      %dma_wait3A_80 = tpu.memref_slice %arg4[%add3A_8, %dma_wait3A_79] : memref<32768x256xf32, #tpu.memory_space<hbm>> -> memref<128x256xf32, #tpu.memory_space<hbm>>
      tpu.wait_dma2 semaphore(%run_scoped3A_72 : memref<!tpu.dma_semaphore, #tpu.memory_space<semaphore_mem>>) src(%arg6 : memref<128x256xf32, #tpu.memory_space<vmem>>) dst(%dma_wait3A_80 : memref<128x256xf32, #tpu.memory_space<hbm>>)
      tpu.yield
    }) : () -> ()
    %run_scoped3A_9 = arith.constant 1 : i32
    "tpu.region"() ({
      %run_scoped3A_72 = tpu.sem_alloc : memref<!tpu.dma_semaphore, #tpu.memory_space<semaphore_mem>>
      %dma_start3A_73 = arith.constant 0 : i32
      %dma_start3A_74 = tpu.memref_slice %arg3[%add3A, %run_scoped3A_9, %dma_start3A_73] : memref<32x8x128xi32, #tpu.memory_space<hbm>> -> memref<1x1x128xi32, #tpu.memory_space<hbm>>
      %dma_start3A_75 = tpu.memref_squeeze %dma_start3A_74 : memref<1x1x128xi32, #tpu.memory_space<hbm>> -> memref<128xi32, #tpu.memory_space<hbm>>
      %dma_start3A_76 = arith.constant 0 : i32
      %dma_start3A_77 = tpu.memref_slice %arg3[%add3A, %run_scoped3A_9, %dma_start3A_76] : memref<32x8x128xi32, #tpu.memory_space<hbm>> -> memref<1x1x128xi32, #tpu.memory_space<hbm>>
      %dma_start3A_78 = tpu.memref_squeeze %dma_start3A_77 : memref<1x1x128xi32, #tpu.memory_space<hbm>> -> memref<128xi32, #tpu.memory_space<hbm>>
      tpu.enqueue_dma source(%dma_start3A_78 : memref<128xi32, #tpu.memory_space<hbm>>) target(%arg5 : memref<128xi32, #tpu.memory_space<vmem>>) target_semaphore(%run_scoped3A_72 : memref<!tpu.dma_semaphore, #tpu.memory_space<semaphore_mem>>)
      %dma_wait3A_79 = arith.constant 0 : i32
      %dma_wait3A_80 = tpu.memref_slice %arg3[%add3A, %run_scoped3A_9, %dma_wait3A_79] : memref<32x8x128xi32, #tpu.memory_space<hbm>> -> memref<1x1x128xi32, #tpu.memory_space<hbm>>
      %dma_wait3A_81 = tpu.memref_squeeze %dma_wait3A_80 : memref<1x1x128xi32, #tpu.memory_space<hbm>> -> memref<128xi32, #tpu.memory_space<hbm>>
      %dma_wait3A_82 = arith.constant 0 : i32
      %dma_wait3A_83 = tpu.memref_slice %arg3[%add3A, %run_scoped3A_9, %dma_wait3A_82] : memref<32x8x128xi32, #tpu.memory_space<hbm>> -> memref<1x1x128xi32, #tpu.memory_space<hbm>>
      %dma_wait3A_84 = tpu.memref_squeeze %dma_wait3A_83 : memref<1x1x128xi32, #tpu.memory_space<hbm>> -> memref<128xi32, #tpu.memory_space<hbm>>
      tpu.wait_dma2 semaphore(%run_scoped3A_72 : memref<!tpu.dma_semaphore, #tpu.memory_space<semaphore_mem>>) src(%dma_wait3A_84 : memref<128xi32, #tpu.memory_space<hbm>>) dst(%arg5 : memref<128xi32, #tpu.memory_space<vmem>>)
      tpu.yield
    }) : () -> ()
    %dma_start3A_10 = arith.constant 0 : i32
    %dma_start3A_11 = arith.constant 0 : i32
    %dma_start3A_12 = tpu.memref_slice %arg2[%dma_start3A_10, %dma_start3A_11] : memref<8192x256xf32, #tpu.memory_space<hbm>> -> memref<8192x256xf32, #tpu.memory_space<hbm>>
    tpu.enqueue_indirect_dma source(%dma_start3A_12 : memref<8192x256xf32, #tpu.memory_space<hbm>>) target(%arg6 : memref<128x256xf32, #tpu.memory_space<vmem>>) offsets(%arg5 : memref<128xi32, #tpu.memory_space<vmem>>) semaphore(%arg7 : memref<!tpu.dma_semaphore, #tpu.memory_space<semaphore_mem>>)
    %dma_wait3A_13 = arith.constant 0 : i32
    %dma_wait3A_14 = arith.constant 0 : i32
    %dma_wait3A_15 = tpu.memref_slice %arg2[%dma_wait3A_13, %dma_wait3A_14] : memref<8192x256xf32, #tpu.memory_space<hbm>> -> memref<8192x256xf32, #tpu.memory_space<hbm>>
    tpu.wait_indirect_dma semaphore(%arg7 : memref<!tpu.dma_semaphore, #tpu.memory_space<semaphore_mem>>) src(%dma_wait3A_15 : memref<8192x256xf32, #tpu.memory_space<hbm>>) dst(%arg6 : memref<128x256xf32, #tpu.memory_space<vmem>>)
    %add3A_16 = arith.constant 128 : i32
    %add3A_17 = arith.addi %mul3A_2, %add3A_16 : i32
    "tpu.region"() ({
      %run_scoped3A_72 = tpu.sem_alloc : memref<!tpu.dma_semaphore, #tpu.memory_space<semaphore_mem>>
      %dma_start3A_73 = arith.constant 0 : i32
      %dma_start3A_74 = tpu.memref_slice %arg4[%add3A_17, %dma_start3A_73] : memref<32768x256xf32, #tpu.memory_space<hbm>> -> memref<128x256xf32, #tpu.memory_space<hbm>>
      %dma_start3A_75 = arith.constant 0 : i32
      %dma_start3A_76 = tpu.memref_slice %arg4[%add3A_17, %dma_start3A_75] : memref<32768x256xf32, #tpu.memory_space<hbm>> -> memref<128x256xf32, #tpu.memory_space<hbm>>
      tpu.enqueue_dma source(%arg6 : memref<128x256xf32, #tpu.memory_space<vmem>>) target(%dma_start3A_76 : memref<128x256xf32, #tpu.memory_space<hbm>>) target_semaphore(%run_scoped3A_72 : memref<!tpu.dma_semaphore, #tpu.memory_space<semaphore_mem>>)
      %dma_wait3A_77 = arith.constant 0 : i32
      %dma_wait3A_78 = tpu.memref_slice %arg4[%add3A_17, %dma_wait3A_77] : memref<32768x256xf32, #tpu.memory_space<hbm>> -> memref<128x256xf32, #tpu.memory_space<hbm>>
      %dma_wait3A_79 = arith.constant 0 : i32
      %dma_wait3A_80 = tpu.memref_slice %arg4[%add3A_17, %dma_wait3A_79] : memref<32768x256xf32, #tpu.memory_space<hbm>> -> memref<128x256xf32, #tpu.memory_space<hbm>>
      tpu.wait_dma2 semaphore(%run_scoped3A_72 : memref<!tpu.dma_semaphore, #tpu.memory_space<semaphore_mem>>) src(%arg6 : memref<128x256xf32, #tpu.memory_space<vmem>>) dst(%dma_wait3A_80 : memref<128x256xf32, #tpu.memory_space<hbm>>)
      tpu.yield
    }) : () -> ()
    %run_scoped3A_18 = arith.constant 2 : i32
    "tpu.region"() ({
      %run_scoped3A_72 = tpu.sem_alloc : memref<!tpu.dma_semaphore, #tpu.memory_space<semaphore_mem>>
      %dma_start3A_73 = arith.constant 0 : i32
      %dma_start3A_74 = tpu.memref_slice %arg3[%add3A, %run_scoped3A_18, %dma_start3A_73] : memref<32x8x128xi32, #tpu.memory_space<hbm>> -> memref<1x1x128xi32, #tpu.memory_space<hbm>>
      %dma_start3A_75 = tpu.memref_squeeze %dma_start3A_74 : memref<1x1x128xi32, #tpu.memory_space<hbm>> -> memref<128xi32, #tpu.memory_space<hbm>>
      %dma_start3A_76 = arith.constant 0 : i32
      %dma_start3A_77 = tpu.memref_slice %arg3[%add3A, %run_scoped3A_18, %dma_start3A_76] : memref<32x8x128xi32, #tpu.memory_space<hbm>> -> memref<1x1x128xi32, #tpu.memory_space<hbm>>
      %dma_start3A_78 = tpu.memref_squeeze %dma_start3A_77 : memref<1x1x128xi32, #tpu.memory_space<hbm>> -> memref<128xi32, #tpu.memory_space<hbm>>
      tpu.enqueue_dma source(%dma_start3A_78 : memref<128xi32, #tpu.memory_space<hbm>>) target(%arg5 : memref<128xi32, #tpu.memory_space<vmem>>) target_semaphore(%run_scoped3A_72 : memref<!tpu.dma_semaphore, #tpu.memory_space<semaphore_mem>>)
      %dma_wait3A_79 = arith.constant 0 : i32
      %dma_wait3A_80 = tpu.memref_slice %arg3[%add3A, %run_scoped3A_18, %dma_wait3A_79] : memref<32x8x128xi32, #tpu.memory_space<hbm>> -> memref<1x1x128xi32, #tpu.memory_space<hbm>>
      %dma_wait3A_81 = tpu.memref_squeeze %dma_wait3A_80 : memref<1x1x128xi32, #tpu.memory_space<hbm>> -> memref<128xi32, #tpu.memory_space<hbm>>
      %dma_wait3A_82 = arith.constant 0 : i32
      %dma_wait3A_83 = tpu.memref_slice %arg3[%add3A, %run_scoped3A_18, %dma_wait3A_82] : memref<32x8x128xi32, #tpu.memory_space<hbm>> -> memref<1x1x128xi32, #tpu.memory_space<hbm>>
      %dma_wait3A_84 = tpu.memref_squeeze %dma_wait3A_83 : memref<1x1x128xi32, #tpu.memory_space<hbm>> -> memref<128xi32, #tpu.memory_space<hbm>>
      tpu.wait_dma2 semaphore(%run_scoped3A_72 : memref<!tpu.dma_semaphore, #tpu.memory_space<semaphore_mem>>) src(%dma_wait3A_84 : memref<128xi32, #tpu.memory_space<hbm>>) dst(%arg5 : memref<128xi32, #tpu.memory_space<vmem>>)
      tpu.yield
    }) : () -> ()
    %dma_start3A_19 = arith.constant 0 : i32
    %dma_start3A_20 = arith.constant 0 : i32
    %dma_start3A_21 = tpu.memref_slice %arg2[%dma_start3A_19, %dma_start3A_20] : memref<8192x256xf32, #tpu.memory_space<hbm>> -> memref<8192x256xf32, #tpu.memory_space<hbm>>
    tpu.enqueue_indirect_dma source(%dma_start3A_21 : memref<8192x256xf32, #tpu.memory_space<hbm>>) target(%arg6 : memref<128x256xf32, #tpu.memory_space<vmem>>) offsets(%arg5 : memref<128xi32, #tpu.memory_space<vmem>>) semaphore(%arg7 : memref<!tpu.dma_semaphore, #tpu.memory_space<semaphore_mem>>)
    %dma_wait3A_22 = arith.constant 0 : i32
    %dma_wait3A_23 = arith.constant 0 : i32
    %dma_wait3A_24 = tpu.memref_slice %arg2[%dma_wait3A_22, %dma_wait3A_23] : memref<8192x256xf32, #tpu.memory_space<hbm>> -> memref<8192x256xf32, #tpu.memory_space<hbm>>
    tpu.wait_indirect_dma semaphore(%arg7 : memref<!tpu.dma_semaphore, #tpu.memory_space<semaphore_mem>>) src(%dma_wait3A_24 : memref<8192x256xf32, #tpu.memory_space<hbm>>) dst(%arg6 : memref<128x256xf32, #tpu.memory_space<vmem>>)
    %add3A_25 = arith.constant 256 : i32
    %add3A_26 = arith.addi %mul3A_2, %add3A_25 : i32
    "tpu.region"() ({
      %run_scoped3A_72 = tpu.sem_alloc : memref<!tpu.dma_semaphore, #tpu.memory_space<semaphore_mem>>
      %dma_start3A_73 = arith.constant 0 : i32
      %dma_start3A_74 = tpu.memref_slice %arg4[%add3A_26, %dma_start3A_73] : memref<32768x256xf32, #tpu.memory_space<hbm>> -> memref<128x256xf32, #tpu.memory_space<hbm>>
      %dma_start3A_75 = arith.constant 0 : i32
      %dma_start3A_76 = tpu.memref_slice %arg4[%add3A_26, %dma_start3A_75] : memref<32768x256xf32, #tpu.memory_space<hbm>> -> memref<128x256xf32, #tpu.memory_space<hbm>>
      tpu.enqueue_dma source(%arg6 : memref<128x256xf32, #tpu.memory_space<vmem>>) target(%dma_start3A_76 : memref<128x256xf32, #tpu.memory_space<hbm>>) target_semaphore(%run_scoped3A_72 : memref<!tpu.dma_semaphore, #tpu.memory_space<semaphore_mem>>)
      %dma_wait3A_77 = arith.constant 0 : i32
      %dma_wait3A_78 = tpu.memref_slice %arg4[%add3A_26, %dma_wait3A_77] : memref<32768x256xf32, #tpu.memory_space<hbm>> -> memref<128x256xf32, #tpu.memory_space<hbm>>
      %dma_wait3A_79 = arith.constant 0 : i32
      %dma_wait3A_80 = tpu.memref_slice %arg4[%add3A_26, %dma_wait3A_79] : memref<32768x256xf32, #tpu.memory_space<hbm>> -> memref<128x256xf32, #tpu.memory_space<hbm>>
      tpu.wait_dma2 semaphore(%run_scoped3A_72 : memref<!tpu.dma_semaphore, #tpu.memory_space<semaphore_mem>>) src(%arg6 : memref<128x256xf32, #tpu.memory_space<vmem>>) dst(%dma_wait3A_80 : memref<128x256xf32, #tpu.memory_space<hbm>>)
      tpu.yield
    }) : () -> ()
    %run_scoped3A_27 = arith.constant 3 : i32
    "tpu.region"() ({
      %run_scoped3A_72 = tpu.sem_alloc : memref<!tpu.dma_semaphore, #tpu.memory_space<semaphore_mem>>
      %dma_start3A_73 = arith.constant 0 : i32
      %dma_start3A_74 = tpu.memref_slice %arg3[%add3A, %run_scoped3A_27, %dma_start3A_73] : memref<32x8x128xi32, #tpu.memory_space<hbm>> -> memref<1x1x128xi32, #tpu.memory_space<hbm>>
      %dma_start3A_75 = tpu.memref_squeeze %dma_start3A_74 : memref<1x1x128xi32, #tpu.memory_space<hbm>> -> memref<128xi32, #tpu.memory_space<hbm>>
      %dma_start3A_76 = arith.constant 0 : i32
      %dma_start3A_77 = tpu.memref_slice %arg3[%add3A, %run_scoped3A_27, %dma_start3A_76] : memref<32x8x128xi32, #tpu.memory_space<hbm>> -> memref<1x1x128xi32, #tpu.memory_space<hbm>>
      %dma_start3A_78 = tpu.memref_squeeze %dma_start3A_77 : memref<1x1x128xi32, #tpu.memory_space<hbm>> -> memref<128xi32, #tpu.memory_space<hbm>>
      tpu.enqueue_dma source(%dma_start3A_78 : memref<128xi32, #tpu.memory_space<hbm>>) target(%arg5 : memref<128xi32, #tpu.memory_space<vmem>>) target_semaphore(%run_scoped3A_72 : memref<!tpu.dma_semaphore, #tpu.memory_space<semaphore_mem>>)
      %dma_wait3A_79 = arith.constant 0 : i32
      %dma_wait3A_80 = tpu.memref_slice %arg3[%add3A, %run_scoped3A_27, %dma_wait3A_79] : memref<32x8x128xi32, #tpu.memory_space<hbm>> -> memref<1x1x128xi32, #tpu.memory_space<hbm>>
      %dma_wait3A_81 = tpu.memref_squeeze %dma_wait3A_80 : memref<1x1x128xi32, #tpu.memory_space<hbm>> -> memref<128xi32, #tpu.memory_space<hbm>>
      %dma_wait3A_82 = arith.constant 0 : i32
      %dma_wait3A_83 = tpu.memref_slice %arg3[%add3A, %run_scoped3A_27, %dma_wait3A_82] : memref<32x8x128xi32, #tpu.memory_space<hbm>> -> memref<1x1x128xi32, #tpu.memory_space<hbm>>
      %dma_wait3A_84 = tpu.memref_squeeze %dma_wait3A_83 : memref<1x1x128xi32, #tpu.memory_space<hbm>> -> memref<128xi32, #tpu.memory_space<hbm>>
      tpu.wait_dma2 semaphore(%run_scoped3A_72 : memref<!tpu.dma_semaphore, #tpu.memory_space<semaphore_mem>>) src(%dma_wait3A_84 : memref<128xi32, #tpu.memory_space<hbm>>) dst(%arg5 : memref<128xi32, #tpu.memory_space<vmem>>)
      tpu.yield
    }) : () -> ()
    %dma_start3A_28 = arith.constant 0 : i32
    %dma_start3A_29 = arith.constant 0 : i32
    %dma_start3A_30 = tpu.memref_slice %arg2[%dma_start3A_28, %dma_start3A_29] : memref<8192x256xf32, #tpu.memory_space<hbm>> -> memref<8192x256xf32, #tpu.memory_space<hbm>>
    tpu.enqueue_indirect_dma source(%dma_start3A_30 : memref<8192x256xf32, #tpu.memory_space<hbm>>) target(%arg6 : memref<128x256xf32, #tpu.memory_space<vmem>>) offsets(%arg5 : memref<128xi32, #tpu.memory_space<vmem>>) semaphore(%arg7 : memref<!tpu.dma_semaphore, #tpu.memory_space<semaphore_mem>>)
    %dma_wait3A_31 = arith.constant 0 : i32
    %dma_wait3A_32 = arith.constant 0 : i32
    %dma_wait3A_33 = tpu.memref_slice %arg2[%dma_wait3A_31, %dma_wait3A_32] : memref<8192x256xf32, #tpu.memory_space<hbm>> -> memref<8192x256xf32, #tpu.memory_space<hbm>>
    tpu.wait_indirect_dma semaphore(%arg7 : memref<!tpu.dma_semaphore, #tpu.memory_space<semaphore_mem>>) src(%dma_wait3A_33 : memref<8192x256xf32, #tpu.memory_space<hbm>>) dst(%arg6 : memref<128x256xf32, #tpu.memory_space<vmem>>)
    %add3A_34 = arith.constant 384 : i32
    %add3A_35 = arith.addi %mul3A_2, %add3A_34 : i32
    "tpu.region"() ({
      %run_scoped3A_72 = tpu.sem_alloc : memref<!tpu.dma_semaphore, #tpu.memory_space<semaphore_mem>>
      %dma_start3A_73 = arith.constant 0 : i32
      %dma_start3A_74 = tpu.memref_slice %arg4[%add3A_35, %dma_start3A_73] : memref<32768x256xf32, #tpu.memory_space<hbm>> -> memref<128x256xf32, #tpu.memory_space<hbm>>
      %dma_start3A_75 = arith.constant 0 : i32
      %dma_start3A_76 = tpu.memref_slice %arg4[%add3A_35, %dma_start3A_75] : memref<32768x256xf32, #tpu.memory_space<hbm>> -> memref<128x256xf32, #tpu.memory_space<hbm>>
      tpu.enqueue_dma source(%arg6 : memref<128x256xf32, #tpu.memory_space<vmem>>) target(%dma_start3A_76 : memref<128x256xf32, #tpu.memory_space<hbm>>) target_semaphore(%run_scoped3A_72 : memref<!tpu.dma_semaphore, #tpu.memory_space<semaphore_mem>>)
      %dma_wait3A_77 = arith.constant 0 : i32
      %dma_wait3A_78 = tpu.memref_slice %arg4[%add3A_35, %dma_wait3A_77] : memref<32768x256xf32, #tpu.memory_space<hbm>> -> memref<128x256xf32, #tpu.memory_space<hbm>>
      %dma_wait3A_79 = arith.constant 0 : i32
      %dma_wait3A_80 = tpu.memref_slice %arg4[%add3A_35, %dma_wait3A_79] : memref<32768x256xf32, #tpu.memory_space<hbm>> -> memref<128x256xf32, #tpu.memory_space<hbm>>
      tpu.wait_dma2 semaphore(%run_scoped3A_72 : memref<!tpu.dma_semaphore, #tpu.memory_space<semaphore_mem>>) src(%arg6 : memref<128x256xf32, #tpu.memory_space<vmem>>) dst(%dma_wait3A_80 : memref<128x256xf32, #tpu.memory_space<hbm>>)
      tpu.yield
    }) : () -> ()
    %run_scoped3A_36 = arith.constant 4 : i32
    "tpu.region"() ({
      %run_scoped3A_72 = tpu.sem_alloc : memref<!tpu.dma_semaphore, #tpu.memory_space<semaphore_mem>>
      %dma_start3A_73 = arith.constant 0 : i32
      %dma_start3A_74 = tpu.memref_slice %arg3[%add3A, %run_scoped3A_36, %dma_start3A_73] : memref<32x8x128xi32, #tpu.memory_space<hbm>> -> memref<1x1x128xi32, #tpu.memory_space<hbm>>
      %dma_start3A_75 = tpu.memref_squeeze %dma_start3A_74 : memref<1x1x128xi32, #tpu.memory_space<hbm>> -> memref<128xi32, #tpu.memory_space<hbm>>
      %dma_start3A_76 = arith.constant 0 : i32
      %dma_start3A_77 = tpu.memref_slice %arg3[%add3A, %run_scoped3A_36, %dma_start3A_76] : memref<32x8x128xi32, #tpu.memory_space<hbm>> -> memref<1x1x128xi32, #tpu.memory_space<hbm>>
      %dma_start3A_78 = tpu.memref_squeeze %dma_start3A_77 : memref<1x1x128xi32, #tpu.memory_space<hbm>> -> memref<128xi32, #tpu.memory_space<hbm>>
      tpu.enqueue_dma source(%dma_start3A_78 : memref<128xi32, #tpu.memory_space<hbm>>) target(%arg5 : memref<128xi32, #tpu.memory_space<vmem>>) target_semaphore(%run_scoped3A_72 : memref<!tpu.dma_semaphore, #tpu.memory_space<semaphore_mem>>)
      %dma_wait3A_79 = arith.constant 0 : i32
      %dma_wait3A_80 = tpu.memref_slice %arg3[%add3A, %run_scoped3A_36, %dma_wait3A_79] : memref<32x8x128xi32, #tpu.memory_space<hbm>> -> memref<1x1x128xi32, #tpu.memory_space<hbm>>
      %dma_wait3A_81 = tpu.memref_squeeze %dma_wait3A_80 : memref<1x1x128xi32, #tpu.memory_space<hbm>> -> memref<128xi32, #tpu.memory_space<hbm>>
      %dma_wait3A_82 = arith.constant 0 : i32
      %dma_wait3A_83 = tpu.memref_slice %arg3[%add3A, %run_scoped3A_36, %dma_wait3A_82] : memref<32x8x128xi32, #tpu.memory_space<hbm>> -> memref<1x1x128xi32, #tpu.memory_space<hbm>>
      %dma_wait3A_84 = tpu.memref_squeeze %dma_wait3A_83 : memref<1x1x128xi32, #tpu.memory_space<hbm>> -> memref<128xi32, #tpu.memory_space<hbm>>
      tpu.wait_dma2 semaphore(%run_scoped3A_72 : memref<!tpu.dma_semaphore, #tpu.memory_space<semaphore_mem>>) src(%dma_wait3A_84 : memref<128xi32, #tpu.memory_space<hbm>>) dst(%arg5 : memref<128xi32, #tpu.memory_space<vmem>>)
      tpu.yield
    }) : () -> ()
    %dma_start3A_37 = arith.constant 0 : i32
    %dma_start3A_38 = arith.constant 0 : i32
    %dma_start3A_39 = tpu.memref_slice %arg2[%dma_start3A_37, %dma_start3A_38] : memref<8192x256xf32, #tpu.memory_space<hbm>> -> memref<8192x256xf32, #tpu.memory_space<hbm>>
    tpu.enqueue_indirect_dma source(%dma_start3A_39 : memref<8192x256xf32, #tpu.memory_space<hbm>>) target(%arg6 : memref<128x256xf32, #tpu.memory_space<vmem>>) offsets(%arg5 : memref<128xi32, #tpu.memory_space<vmem>>) semaphore(%arg7 : memref<!tpu.dma_semaphore, #tpu.memory_space<semaphore_mem>>)
    %dma_wait3A_40 = arith.constant 0 : i32
    %dma_wait3A_41 = arith.constant 0 : i32
    %dma_wait3A_42 = tpu.memref_slice %arg2[%dma_wait3A_40, %dma_wait3A_41] : memref<8192x256xf32, #tpu.memory_space<hbm>> -> memref<8192x256xf32, #tpu.memory_space<hbm>>
    tpu.wait_indirect_dma semaphore(%arg7 : memref<!tpu.dma_semaphore, #tpu.memory_space<semaphore_mem>>) src(%dma_wait3A_42 : memref<8192x256xf32, #tpu.memory_space<hbm>>) dst(%arg6 : memref<128x256xf32, #tpu.memory_space<vmem>>)
    %add3A_43 = arith.constant 512 : i32
    %add3A_44 = arith.addi %mul3A_2, %add3A_43 : i32
    "tpu.region"() ({
      %run_scoped3A_72 = tpu.sem_alloc : memref<!tpu.dma_semaphore, #tpu.memory_space<semaphore_mem>>
      %dma_start3A_73 = arith.constant 0 : i32
      %dma_start3A_74 = tpu.memref_slice %arg4[%add3A_44, %dma_start3A_73] : memref<32768x256xf32, #tpu.memory_space<hbm>> -> memref<128x256xf32, #tpu.memory_space<hbm>>
      %dma_start3A_75 = arith.constant 0 : i32
      %dma_start3A_76 = tpu.memref_slice %arg4[%add3A_44, %dma_start3A_75] : memref<32768x256xf32, #tpu.memory_space<hbm>> -> memref<128x256xf32, #tpu.memory_space<hbm>>
      tpu.enqueue_dma source(%arg6 : memref<128x256xf32, #tpu.memory_space<vmem>>) target(%dma_start3A_76 : memref<128x256xf32, #tpu.memory_space<hbm>>) target_semaphore(%run_scoped3A_72 : memref<!tpu.dma_semaphore, #tpu.memory_space<semaphore_mem>>)
      %dma_wait3A_77 = arith.constant 0 : i32
      %dma_wait3A_78 = tpu.memref_slice %arg4[%add3A_44, %dma_wait3A_77] : memref<32768x256xf32, #tpu.memory_space<hbm>> -> memref<128x256xf32, #tpu.memory_space<hbm>>
      %dma_wait3A_79 = arith.constant 0 : i32
      %dma_wait3A_80 = tpu.memref_slice %arg4[%add3A_44, %dma_wait3A_79] : memref<32768x256xf32, #tpu.memory_space<hbm>> -> memref<128x256xf32, #tpu.memory_space<hbm>>
      tpu.wait_dma2 semaphore(%run_scoped3A_72 : memref<!tpu.dma_semaphore, #tpu.memory_space<semaphore_mem>>) src(%arg6 : memref<128x256xf32, #tpu.memory_space<vmem>>) dst(%dma_wait3A_80 : memref<128x256xf32, #tpu.memory_space<hbm>>)
      tpu.yield
    }) : () -> ()
    %run_scoped3A_45 = arith.constant 5 : i32
    "tpu.region"() ({
      %run_scoped3A_72 = tpu.sem_alloc : memref<!tpu.dma_semaphore, #tpu.memory_space<semaphore_mem>>
      %dma_start3A_73 = arith.constant 0 : i32
      %dma_start3A_74 = tpu.memref_slice %arg3[%add3A, %run_scoped3A_45, %dma_start3A_73] : memref<32x8x128xi32, #tpu.memory_space<hbm>> -> memref<1x1x128xi32, #tpu.memory_space<hbm>>
      %dma_start3A_75 = tpu.memref_squeeze %dma_start3A_74 : memref<1x1x128xi32, #tpu.memory_space<hbm>> -> memref<128xi32, #tpu.memory_space<hbm>>
      %dma_start3A_76 = arith.constant 0 : i32
      %dma_start3A_77 = tpu.memref_slice %arg3[%add3A, %run_scoped3A_45, %dma_start3A_76] : memref<32x8x128xi32, #tpu.memory_space<hbm>> -> memref<1x1x128xi32, #tpu.memory_space<hbm>>
      %dma_start3A_78 = tpu.memref_squeeze %dma_start3A_77 : memref<1x1x128xi32, #tpu.memory_space<hbm>> -> memref<128xi32, #tpu.memory_space<hbm>>
      tpu.enqueue_dma source(%dma_start3A_78 : memref<128xi32, #tpu.memory_space<hbm>>) target(%arg5 : memref<128xi32, #tpu.memory_space<vmem>>) target_semaphore(%run_scoped3A_72 : memref<!tpu.dma_semaphore, #tpu.memory_space<semaphore_mem>>)
      %dma_wait3A_79 = arith.constant 0 : i32
      %dma_wait3A_80 = tpu.memref_slice %arg3[%add3A, %run_scoped3A_45, %dma_wait3A_79] : memref<32x8x128xi32, #tpu.memory_space<hbm>> -> memref<1x1x128xi32, #tpu.memory_space<hbm>>
      %dma_wait3A_81 = tpu.memref_squeeze %dma_wait3A_80 : memref<1x1x128xi32, #tpu.memory_space<hbm>> -> memref<128xi32, #tpu.memory_space<hbm>>
      %dma_wait3A_82 = arith.constant 0 : i32
      %dma_wait3A_83 = tpu.memref_slice %arg3[%add3A, %run_scoped3A_45, %dma_wait3A_82] : memref<32x8x128xi32, #tpu.memory_space<hbm>> -> memref<1x1x128xi32, #tpu.memory_space<hbm>>
      %dma_wait3A_84 = tpu.memref_squeeze %dma_wait3A_83 : memref<1x1x128xi32, #tpu.memory_space<hbm>> -> memref<128xi32, #tpu.memory_space<hbm>>
      tpu.wait_dma2 semaphore(%run_scoped3A_72 : memref<!tpu.dma_semaphore, #tpu.memory_space<semaphore_mem>>) src(%dma_wait3A_84 : memref<128xi32, #tpu.memory_space<hbm>>) dst(%arg5 : memref<128xi32, #tpu.memory_space<vmem>>)
      tpu.yield
    }) : () -> ()
    %dma_start3A_46 = arith.constant 0 : i32
    %dma_start3A_47 = arith.constant 0 : i32
    %dma_start3A_48 = tpu.memref_slice %arg2[%dma_start3A_46, %dma_start3A_47] : memref<8192x256xf32, #tpu.memory_space<hbm>> -> memref<8192x256xf32, #tpu.memory_space<hbm>>
    tpu.enqueue_indirect_dma source(%dma_start3A_48 : memref<8192x256xf32, #tpu.memory_space<hbm>>) target(%arg6 : memref<128x256xf32, #tpu.memory_space<vmem>>) offsets(%arg5 : memref<128xi32, #tpu.memory_space<vmem>>) semaphore(%arg7 : memref<!tpu.dma_semaphore, #tpu.memory_space<semaphore_mem>>)
    %dma_wait3A_49 = arith.constant 0 : i32
    %dma_wait3A_50 = arith.constant 0 : i32
    %dma_wait3A_51 = tpu.memref_slice %arg2[%dma_wait3A_49, %dma_wait3A_50] : memref<8192x256xf32, #tpu.memory_space<hbm>> -> memref<8192x256xf32, #tpu.memory_space<hbm>>
    tpu.wait_indirect_dma semaphore(%arg7 : memref<!tpu.dma_semaphore, #tpu.memory_space<semaphore_mem>>) src(%dma_wait3A_51 : memref<8192x256xf32, #tpu.memory_space<hbm>>) dst(%arg6 : memref<128x256xf32, #tpu.memory_space<vmem>>)
    %add3A_52 = arith.constant 640 : i32
    %add3A_53 = arith.addi %mul3A_2, %add3A_52 : i32
    "tpu.region"() ({
      %run_scoped3A_72 = tpu.sem_alloc : memref<!tpu.dma_semaphore, #tpu.memory_space<semaphore_mem>>
      %dma_start3A_73 = arith.constant 0 : i32
      %dma_start3A_74 = tpu.memref_slice %arg4[%add3A_53, %dma_start3A_73] : memref<32768x256xf32, #tpu.memory_space<hbm>> -> memref<128x256xf32, #tpu.memory_space<hbm>>
      %dma_start3A_75 = arith.constant 0 : i32
      %dma_start3A_76 = tpu.memref_slice %arg4[%add3A_53, %dma_start3A_75] : memref<32768x256xf32, #tpu.memory_space<hbm>> -> memref<128x256xf32, #tpu.memory_space<hbm>>
      tpu.enqueue_dma source(%arg6 : memref<128x256xf32, #tpu.memory_space<vmem>>) target(%dma_start3A_76 : memref<128x256xf32, #tpu.memory_space<hbm>>) target_semaphore(%run_scoped3A_72 : memref<!tpu.dma_semaphore, #tpu.memory_space<semaphore_mem>>)
      %dma_wait3A_77 = arith.constant 0 : i32
      %dma_wait3A_78 = tpu.memref_slice %arg4[%add3A_53, %dma_wait3A_77] : memref<32768x256xf32, #tpu.memory_space<hbm>> -> memref<128x256xf32, #tpu.memory_space<hbm>>
      %dma_wait3A_79 = arith.constant 0 : i32
      %dma_wait3A_80 = tpu.memref_slice %arg4[%add3A_53, %dma_wait3A_79] : memref<32768x256xf32, #tpu.memory_space<hbm>> -> memref<128x256xf32, #tpu.memory_space<hbm>>
      tpu.wait_dma2 semaphore(%run_scoped3A_72 : memref<!tpu.dma_semaphore, #tpu.memory_space<semaphore_mem>>) src(%arg6 : memref<128x256xf32, #tpu.memory_space<vmem>>) dst(%dma_wait3A_80 : memref<128x256xf32, #tpu.memory_space<hbm>>)
      tpu.yield
    }) : () -> ()
    %run_scoped3A_54 = arith.constant 6 : i32
    "tpu.region"() ({
      %run_scoped3A_72 = tpu.sem_alloc : memref<!tpu.dma_semaphore, #tpu.memory_space<semaphore_mem>>
      %dma_start3A_73 = arith.constant 0 : i32
      %dma_start3A_74 = tpu.memref_slice %arg3[%add3A, %run_scoped3A_54, %dma_start3A_73] : memref<32x8x128xi32, #tpu.memory_space<hbm>> -> memref<1x1x128xi32, #tpu.memory_space<hbm>>
      %dma_start3A_75 = tpu.memref_squeeze %dma_start3A_74 : memref<1x1x128xi32, #tpu.memory_space<hbm>> -> memref<128xi32, #tpu.memory_space<hbm>>
      %dma_start3A_76 = arith.constant 0 : i32
      %dma_start3A_77 = tpu.memref_slice %arg3[%add3A, %run_scoped3A_54, %dma_start3A_76] : memref<32x8x128xi32, #tpu.memory_space<hbm>> -> memref<1x1x128xi32, #tpu.memory_space<hbm>>
      %dma_start3A_78 = tpu.memref_squeeze %dma_start3A_77 : memref<1x1x128xi32, #tpu.memory_space<hbm>> -> memref<128xi32, #tpu.memory_space<hbm>>
      tpu.enqueue_dma source(%dma_start3A_78 : memref<128xi32, #tpu.memory_space<hbm>>) target(%arg5 : memref<128xi32, #tpu.memory_space<vmem>>) target_semaphore(%run_scoped3A_72 : memref<!tpu.dma_semaphore, #tpu.memory_space<semaphore_mem>>)
      %dma_wait3A_79 = arith.constant 0 : i32
      %dma_wait3A_80 = tpu.memref_slice %arg3[%add3A, %run_scoped3A_54, %dma_wait3A_79] : memref<32x8x128xi32, #tpu.memory_space<hbm>> -> memref<1x1x128xi32, #tpu.memory_space<hbm>>
      %dma_wait3A_81 = tpu.memref_squeeze %dma_wait3A_80 : memref<1x1x128xi32, #tpu.memory_space<hbm>> -> memref<128xi32, #tpu.memory_space<hbm>>
      %dma_wait3A_82 = arith.constant 0 : i32
      %dma_wait3A_83 = tpu.memref_slice %arg3[%add3A, %run_scoped3A_54, %dma_wait3A_82] : memref<32x8x128xi32, #tpu.memory_space<hbm>> -> memref<1x1x128xi32, #tpu.memory_space<hbm>>
      %dma_wait3A_84 = tpu.memref_squeeze %dma_wait3A_83 : memref<1x1x128xi32, #tpu.memory_space<hbm>> -> memref<128xi32, #tpu.memory_space<hbm>>
      tpu.wait_dma2 semaphore(%run_scoped3A_72 : memref<!tpu.dma_semaphore, #tpu.memory_space<semaphore_mem>>) src(%dma_wait3A_84 : memref<128xi32, #tpu.memory_space<hbm>>) dst(%arg5 : memref<128xi32, #tpu.memory_space<vmem>>)
      tpu.yield
    }) : () -> ()
    %dma_start3A_55 = arith.constant 0 : i32
    %dma_start3A_56 = arith.constant 0 : i32
    %dma_start3A_57 = tpu.memref_slice %arg2[%dma_start3A_55, %dma_start3A_56] : memref<8192x256xf32, #tpu.memory_space<hbm>> -> memref<8192x256xf32, #tpu.memory_space<hbm>>
    tpu.enqueue_indirect_dma source(%dma_start3A_57 : memref<8192x256xf32, #tpu.memory_space<hbm>>) target(%arg6 : memref<128x256xf32, #tpu.memory_space<vmem>>) offsets(%arg5 : memref<128xi32, #tpu.memory_space<vmem>>) semaphore(%arg7 : memref<!tpu.dma_semaphore, #tpu.memory_space<semaphore_mem>>)
    %dma_wait3A_58 = arith.constant 0 : i32
    %dma_wait3A_59 = arith.constant 0 : i32
    %dma_wait3A_60 = tpu.memref_slice %arg2[%dma_wait3A_58, %dma_wait3A_59] : memref<8192x256xf32, #tpu.memory_space<hbm>> -> memref<8192x256xf32, #tpu.memory_space<hbm>>
    tpu.wait_indirect_dma semaphore(%arg7 : memref<!tpu.dma_semaphore, #tpu.memory_space<semaphore_mem>>) src(%dma_wait3A_60 : memref<8192x256xf32, #tpu.memory_space<hbm>>) dst(%arg6 : memref<128x256xf32, #tpu.memory_space<vmem>>)
    %add3A_61 = arith.constant 768 : i32
    %add3A_62 = arith.addi %mul3A_2, %add3A_61 : i32
    "tpu.region"() ({
      %run_scoped3A_72 = tpu.sem_alloc : memref<!tpu.dma_semaphore, #tpu.memory_space<semaphore_mem>>
      %dma_start3A_73 = arith.constant 0 : i32
      %dma_start3A_74 = tpu.memref_slice %arg4[%add3A_62, %dma_start3A_73] : memref<32768x256xf32, #tpu.memory_space<hbm>> -> memref<128x256xf32, #tpu.memory_space<hbm>>
      %dma_start3A_75 = arith.constant 0 : i32
      %dma_start3A_76 = tpu.memref_slice %arg4[%add3A_62, %dma_start3A_75] : memref<32768x256xf32, #tpu.memory_space<hbm>> -> memref<128x256xf32, #tpu.memory_space<hbm>>
      tpu.enqueue_dma source(%arg6 : memref<128x256xf32, #tpu.memory_space<vmem>>) target(%dma_start3A_76 : memref<128x256xf32, #tpu.memory_space<hbm>>) target_semaphore(%run_scoped3A_72 : memref<!tpu.dma_semaphore, #tpu.memory_space<semaphore_mem>>)
      %dma_wait3A_77 = arith.constant 0 : i32
      %dma_wait3A_78 = tpu.memref_slice %arg4[%add3A_62, %dma_wait3A_77] : memref<32768x256xf32, #tpu.memory_space<hbm>> -> memref<128x256xf32, #tpu.memory_space<hbm>>
      %dma_wait3A_79 = arith.constant 0 : i32
      %dma_wait3A_80 = tpu.memref_slice %arg4[%add3A_62, %dma_wait3A_79] : memref<32768x256xf32, #tpu.memory_space<hbm>> -> memref<128x256xf32, #tpu.memory_space<hbm>>
      tpu.wait_dma2 semaphore(%run_scoped3A_72 : memref<!tpu.dma_semaphore, #tpu.memory_space<semaphore_mem>>) src(%arg6 : memref<128x256xf32, #tpu.memory_space<vmem>>) dst(%dma_wait3A_80 : memref<128x256xf32, #tpu.memory_space<hbm>>)
      tpu.yield
    }) : () -> ()
    %run_scoped3A_63 = arith.constant 7 : i32
    "tpu.region"() ({
      %run_scoped3A_72 = tpu.sem_alloc : memref<!tpu.dma_semaphore, #tpu.memory_space<semaphore_mem>>
      %dma_start3A_73 = arith.constant 0 : i32
      %dma_start3A_74 = tpu.memref_slice %arg3[%add3A, %run_scoped3A_63, %dma_start3A_73] : memref<32x8x128xi32, #tpu.memory_space<hbm>> -> memref<1x1x128xi32, #tpu.memory_space<hbm>>
      %dma_start3A_75 = tpu.memref_squeeze %dma_start3A_74 : memref<1x1x128xi32, #tpu.memory_space<hbm>> -> memref<128xi32, #tpu.memory_space<hbm>>
      %dma_start3A_76 = arith.constant 0 : i32
      %dma_start3A_77 = tpu.memref_slice %arg3[%add3A, %run_scoped3A_63, %dma_start3A_76] : memref<32x8x128xi32, #tpu.memory_space<hbm>> -> memref<1x1x128xi32, #tpu.memory_space<hbm>>
      %dma_start3A_78 = tpu.memref_squeeze %dma_start3A_77 : memref<1x1x128xi32, #tpu.memory_space<hbm>> -> memref<128xi32, #tpu.memory_space<hbm>>
      tpu.enqueue_dma source(%dma_start3A_78 : memref<128xi32, #tpu.memory_space<hbm>>) target(%arg5 : memref<128xi32, #tpu.memory_space<vmem>>) target_semaphore(%run_scoped3A_72 : memref<!tpu.dma_semaphore, #tpu.memory_space<semaphore_mem>>)
      %dma_wait3A_79 = arith.constant 0 : i32
      %dma_wait3A_80 = tpu.memref_slice %arg3[%add3A, %run_scoped3A_63, %dma_wait3A_79] : memref<32x8x128xi32, #tpu.memory_space<hbm>> -> memref<1x1x128xi32, #tpu.memory_space<hbm>>
      %dma_wait3A_81 = tpu.memref_squeeze %dma_wait3A_80 : memref<1x1x128xi32, #tpu.memory_space<hbm>> -> memref<128xi32, #tpu.memory_space<hbm>>
      %dma_wait3A_82 = arith.constant 0 : i32
      %dma_wait3A_83 = tpu.memref_slice %arg3[%add3A, %run_scoped3A_63, %dma_wait3A_82] : memref<32x8x128xi32, #tpu.memory_space<hbm>> -> memref<1x1x128xi32, #tpu.memory_space<hbm>>
      %dma_wait3A_84 = tpu.memref_squeeze %dma_wait3A_83 : memref<1x1x128xi32, #tpu.memory_space<hbm>> -> memref<128xi32, #tpu.memory_space<hbm>>
      tpu.wait_dma2 semaphore(%run_scoped3A_72 : memref<!tpu.dma_semaphore, #tpu.memory_space<semaphore_mem>>) src(%dma_wait3A_84 : memref<128xi32, #tpu.memory_space<hbm>>) dst(%arg5 : memref<128xi32, #tpu.memory_space<vmem>>)
      tpu.yield
    }) : () -> ()
    %dma_start3A_64 = arith.constant 0 : i32
    %dma_start3A_65 = arith.constant 0 : i32
    %dma_start3A_66 = tpu.memref_slice %arg2[%dma_start3A_64, %dma_start3A_65] : memref<8192x256xf32, #tpu.memory_space<hbm>> -> memref<8192x256xf32, #tpu.memory_space<hbm>>
    tpu.enqueue_indirect_dma source(%dma_start3A_66 : memref<8192x256xf32, #tpu.memory_space<hbm>>) target(%arg6 : memref<128x256xf32, #tpu.memory_space<vmem>>) offsets(%arg5 : memref<128xi32, #tpu.memory_space<vmem>>) semaphore(%arg7 : memref<!tpu.dma_semaphore, #tpu.memory_space<semaphore_mem>>)
    %dma_wait3A_67 = arith.constant 0 : i32
    %dma_wait3A_68 = arith.constant 0 : i32
    %dma_wait3A_69 = tpu.memref_slice %arg2[%dma_wait3A_67, %dma_wait3A_68] : memref<8192x256xf32, #tpu.memory_space<hbm>> -> memref<8192x256xf32, #tpu.memory_space<hbm>>
    tpu.wait_indirect_dma semaphore(%arg7 : memref<!tpu.dma_semaphore, #tpu.memory_space<semaphore_mem>>) src(%dma_wait3A_69 : memref<8192x256xf32, #tpu.memory_space<hbm>>) dst(%arg6 : memref<128x256xf32, #tpu.memory_space<vmem>>)
    %add3A_70 = arith.constant 896 : i32
    %add3A_71 = arith.addi %mul3A_2, %add3A_70 : i32
    "tpu.region"() ({
      %run_scoped3A_72 = tpu.sem_alloc : memref<!tpu.dma_semaphore, #tpu.memory_space<semaphore_mem>>
      %dma_start3A_73 = arith.constant 0 : i32
      %dma_start3A_74 = tpu.memref_slice %arg4[%add3A_71, %dma_start3A_73] : memref<32768x256xf32, #tpu.memory_space<hbm>> -> memref<128x256xf32, #tpu.memory_space<hbm>>
      %dma_start3A_75 = arith.constant 0 : i32
      %dma_start3A_76 = tpu.memref_slice %arg4[%add3A_71, %dma_start3A_75] : memref<32768x256xf32, #tpu.memory_space<hbm>> -> memref<128x256xf32, #tpu.memory_space<hbm>>
      tpu.enqueue_dma source(%arg6 : memref<128x256xf32, #tpu.memory_space<vmem>>) target(%dma_start3A_76 : memref<128x256xf32, #tpu.memory_space<hbm>>) target_semaphore(%run_scoped3A_72 : memref<!tpu.dma_semaphore, #tpu.memory_space<semaphore_mem>>)
      %dma_wait3A_77 = arith.constant 0 : i32
      %dma_wait3A_78 = tpu.memref_slice %arg4[%add3A_71, %dma_wait3A_77] : memref<32768x256xf32, #tpu.memory_space<hbm>> -> memref<128x256xf32, #tpu.memory_space<hbm>>
      %dma_wait3A_79 = arith.constant 0 : i32
      %dma_wait3A_80 = tpu.memref_slice %arg4[%add3A_71, %dma_wait3A_79] : memref<32768x256xf32, #tpu.memory_space<hbm>> -> memref<128x256xf32, #tpu.memory_space<hbm>>
      tpu.wait_dma2 semaphore(%run_scoped3A_72 : memref<!tpu.dma_semaphore, #tpu.memory_space<semaphore_mem>>) src(%arg6 : memref<128x256xf32, #tpu.memory_space<vmem>>) dst(%dma_wait3A_80 : memref<128x256xf32, #tpu.memory_space<hbm>>)
      tpu.yield
    }) : () -> ()
    return
  }
}

#map = affine_map<(d0, d1) -> (0, 0)>
#map1 = affine_map<(d0, d1) -> (0, 0, 0)>
module attributes {stable_mosaic.version = 14 : i64} {
  func.func @gather(%arg0: i32, %arg1: i32, %arg2: memref<8192x256xf32, #tpu.memory_space<hbm>>, %arg3: memref<32x8x128xi32, #tpu.memory_space<hbm>>, %arg4: memref<32768x256xf32, #tpu.memory_space<hbm>>, %arg5: memref<128xi32, #tpu.memory_space<vmem>>, %arg6: memref<128x256xf32, #tpu.memory_space<vmem>>, %arg7: memref<!tpu.dma_semaphore, #tpu.memory_space<semaphore_mem>>) attributes {dimension_semantics = [#tpu.dimension_semantics<core_parallel>, #tpu.dimension_semantics<subcore_parallel>], iteration_bounds = array<i64: 2, 16>, scalar_prefetch = 0 : i64, scratch_operands = 3 : i64, tpu.core_type = #tpu.core_type<sc_vector_subcore>, window_params = [{transform_indices = #map}, {transform_indices = #map1}, {transform_indices = #map}]} {
    %mul3A = arith.constant 2 : i32
    %mul3A_0 = arith.muli %arg1, %mul3A : i32
    %add3A = arith.addi %mul3A_0, %arg0 : i32
    %mul3A_1 = arith.constant 1024 : i32
    %mul3A_2 = arith.muli %add3A, %mul3A_1 : i32
    %run_scoped3A = arith.constant 0 : i32
    "tpu.region"() ({
      %run_scoped3A_72 = tpu.sem_alloc : memref<!tpu.dma_semaphore, #tpu.memory_space<semaphore_mem>>
      %dma_start3A_73 = arith.constant 0 : i32
      %dma_start3A_74 = tpu.memref_slice %arg3[%add3A, %run_scoped3A, %dma_start3A_73] : memref<32x8x128xi32, #tpu.memory_space<hbm>> -> memref<1x1x128xi32, #tpu.memory_space<hbm>>
      %dma_start3A_75 = tpu.memref_squeeze %dma_start3A_74 : memref<1x1x128xi32, #tpu.memory_space<hbm>> -> memref<128xi32, #tpu.memory_space<hbm>>
      %dma_start3A_76 = arith.constant 0 : i32
      %dma_start3A_77 = tpu.memref_slice %arg3[%add3A, %run_scoped3A, %dma_start3A_76] : memref<32x8x128xi32, #tpu.memory_space<hbm>> -> memref<1x1x128xi32, #tpu.memory_space<hbm>>
      %dma_start3A_78 = tpu.memref_squeeze %dma_start3A_77 : memref<1x1x128xi32, #tpu.memory_space<hbm>> -> memref<128xi32, #tpu.memory_space<hbm>>
      tpu.enqueue_dma source(%dma_start3A_78 : memref<128xi32, #tpu.memory_space<hbm>>) target(%arg5 : memref<128xi32, #tpu.memory_space<vmem>>) target_semaphore(%run_scoped3A_72 : memref<!tpu.dma_semaphore, #tpu.memory_space<semaphore_mem>>)
      %dma_wait3A_79 = arith.constant 0 : i32
      %dma_wait3A_80 = tpu.memref_slice %arg3[%add3A, %run_scoped3A, %dma_wait3A_79] : memref<32x8x128xi32, #tpu.memory_space<hbm>> -> memref<1x1x128xi32, #tpu.memory_space<hbm>>
      %dma_wait3A_81 = tpu.memref_squeeze %dma_wait3A_80 : memref<1x1x128xi32, #tpu.memory_space<hbm>> -> memref<128xi32, #tpu.memory_space<hbm>>
      %dma_wait3A_82 = arith.constant 0 : i32
      %dma_wait3A_83 = tpu.memref_slice %arg3[%add3A, %run_scoped3A, %dma_wait3A_82] : memref<32x8x128xi32, #tpu.memory_space<hbm>> -> memref<1x1x128xi32, #tpu.memory_space<hbm>>
      %dma_wait3A_84 = tpu.memref_squeeze %dma_wait3A_83 : memref<1x1x128xi32, #tpu.memory_space<hbm>> -> memref<128xi32, #tpu.memory_space<hbm>>
      tpu.wait_dma2 semaphore(%run_scoped3A_72 : memref<!tpu.dma_semaphore, #tpu.memory_space<semaphore_mem>>) src(%dma_wait3A_84 : memref<128xi32, #tpu.memory_space<hbm>>) dst(%arg5 : memref<128xi32, #tpu.memory_space<vmem>>)
      tpu.yield
    }) : () -> ()
    %dma_start3A = arith.constant 0 : i32
    %dma_start3A_3 = arith.constant 0 : i32
    %dma_start3A_4 = tpu.memref_slice %arg2[%dma_start3A, %dma_start3A_3] : memref<8192x256xf32, #tpu.memory_space<hbm>> -> memref<8192x256xf32, #tpu.memory_space<hbm>>
    tpu.enqueue_indirect_dma source(%dma_start3A_4 : memref<8192x256xf32, #tpu.memory_space<hbm>>) target(%arg6 : memref<128x256xf32, #tpu.memory_space<vmem>>) offsets(%arg5 : memref<128xi32, #tpu.memory_space<vmem>>) semaphore(%arg7 : memref<!tpu.dma_semaphore, #tpu.memory_space<semaphore_mem>>)
    %dma_wait3A = arith.constant 0 : i32
    %dma_wait3A_5 = arith.constant 0 : i32
    %dma_wait3A_6 = tpu.memref_slice %arg2[%dma_wait3A, %dma_wait3A_5] : memref<8192x256xf32, #tpu.memory_space<hbm>> -> memref<8192x256xf32, #tpu.memory_space<hbm>>
    tpu.wait_indirect_dma semaphore(%arg7 : memref<!tpu.dma_semaphore, #tpu.memory_space<semaphore_mem>>) src(%dma_wait3A_6 : memref<8192x256xf32, #tpu.memory_space<hbm>>) dst(%arg6 : memref<128x256xf32, #tpu.memory_space<vmem>>)
    %add3A_7 = arith.constant 0 : i32
    %add3A_8 = arith.addi %mul3A_2, %add3A_7 : i32
    "tpu.region"() ({
      %run_scoped3A_72 = tpu.sem_alloc : memref<!tpu.dma_semaphore, #tpu.memory_space<semaphore_mem>>
      %dma_start3A_73 = arith.constant 0 : i32
      %dma_start3A_74 = tpu.memref_slice %arg4[%add3A_8, %dma_start3A_73] : memref<32768x256xf32, #tpu.memory_space<hbm>> -> memref<128x256xf32, #tpu.memory_space<hbm>>
      %dma_start3A_75 = arith.constant 0 : i32
      %dma_start3A_76 = tpu.memref_slice %arg4[%add3A_8, %dma_start3A_75] : memref<32768x256xf32, #tpu.memory_space<hbm>> -> memref<128x256xf32, #tpu.memory_space<hbm>>
      tpu.enqueue_dma source(%arg6 : memref<128x256xf32, #tpu.memory_space<vmem>>) target(%dma_start3A_76 : memref<128x256xf32, #tpu.memory_space<hbm>>) target_semaphore(%run_scoped3A_72 : memref<!tpu.dma_semaphore, #tpu.memory_space<semaphore_mem>>)
      %dma_wait3A_77 = arith.constant 0 : i32
      %dma_wait3A_78 = tpu.memref_slice %arg4[%add3A_8, %dma_wait3A_77] : memref<32768x256xf32, #tpu.memory_space<hbm>> -> memref<128x256xf32, #tpu.memory_space<hbm>>
      %dma_wait3A_79 = arith.constant 0 : i32
      %dma_wait3A_80 = tpu.memref_slice %arg4[%add3A_8, %dma_wait3A_79] : memref<32768x256xf32, #tpu.memory_space<hbm>> -> memref<128x256xf32, #tpu.memory_space<hbm>>
      tpu.wait_dma2 semaphore(%run_scoped3A_72 : memref<!tpu.dma_semaphore, #tpu.memory_space<semaphore_mem>>) src(%arg6 : memref<128x256xf32, #tpu.memory_space<vmem>>) dst(%dma_wait3A_80 : memref<128x256xf32, #tpu.memory_space<hbm>>)
      tpu.yield
    }) : () -> ()
    %run_scoped3A_9 = arith.constant 1 : i32
    "tpu.region"() ({
      %run_scoped3A_72 = tpu.sem_alloc : memref<!tpu.dma_semaphore, #tpu.memory_space<semaphore_mem>>
      %dma_start3A_73 = arith.constant 0 : i32
      %dma_start3A_74 = tpu.memref_slice %arg3[%add3A, %run_scoped3A_9, %dma_start3A_73] : memref<32x8x128xi32, #tpu.memory_space<hbm>> -> memref<1x1x128xi32, #tpu.memory_space<hbm>>
      %dma_start3A_75 = tpu.memref_squeeze %dma_start3A_74 : memref<1x1x128xi32, #tpu.memory_space<hbm>> -> memref<128xi32, #tpu.memory_space<hbm>>
      %dma_start3A_76 = arith.constant 0 : i32
      %dma_start3A_77 = tpu.memref_slice %arg3[%add3A, %run_scoped3A_9, %dma_start3A_76] : memref<32x8x128xi32, #tpu.memory_space<hbm>> -> memref<1x1x128xi32, #tpu.memory_space<hbm>>
      %dma_start3A_78 = tpu.memref_squeeze %dma_start3A_77 : memref<1x1x128xi32, #tpu.memory_space<hbm>> -> memref<128xi32, #tpu.memory_space<hbm>>
      tpu.enqueue_dma source(%dma_start3A_78 : memref<128xi32, #tpu.memory_space<hbm>>) target(%arg5 : memref<128xi32, #tpu.memory_space<vmem>>) target_semaphore(%run_scoped3A_72 : memref<!tpu.dma_semaphore, #tpu.memory_space<semaphore_mem>>)
      %dma_wait3A_79 = arith.constant 0 : i32
      %dma_wait3A_80 = tpu.memref_slice %arg3[%add3A, %run_scoped3A_9, %dma_wait3A_79] : memref<32x8x128xi32, #tpu.memory_space<hbm>> -> memref<1x1x128xi32, #tpu.memory_space<hbm>>
      %dma_wait3A_81 = tpu.memref_squeeze %dma_wait3A_80 : memref<1x1x128xi32, #tpu.memory_space<hbm>> -> memref<128xi32, #tpu.memory_space<hbm>>
      %dma_wait3A_82 = arith.constant 0 : i32
      %dma_wait3A_83 = tpu.memref_slice %arg3[%add3A, %run_scoped3A_9, %dma_wait3A_82] : memref<32x8x128xi32, #tpu.memory_space<hbm>> -> memref<1x1x128xi32, #tpu.memory_space<hbm>>
      %dma_wait3A_84 = tpu.memref_squeeze %dma_wait3A_83 : memref<1x1x128xi32, #tpu.memory_space<hbm>> -> memref<128xi32, #tpu.memory_space<hbm>>
      tpu.wait_dma2 semaphore(%run_scoped3A_72 : memref<!tpu.dma_semaphore, #tpu.memory_space<semaphore_mem>>) src(%dma_wait3A_84 : memref<128xi32, #tpu.memory_space<hbm>>) dst(%arg5 : memref<128xi32, #tpu.memory_space<vmem>>)
      tpu.yield
    }) : () -> ()
    %dma_start3A_10 = arith.constant 0 : i32
    %dma_start3A_11 = arith.constant 0 : i32
    %dma_start3A_12 = tpu.memref_slice %arg2[%dma_start3A_10, %dma_start3A_11] : memref<8192x256xf32, #tpu.memory_space<hbm>> -> memref<8192x256xf32, #tpu.memory_space<hbm>>
    tpu.enqueue_indirect_dma source(%dma_start3A_12 : memref<8192x256xf32, #tpu.memory_space<hbm>>) target(%arg6 : memref<128x256xf32, #tpu.memory_space<vmem>>) offsets(%arg5 : memref<128xi32, #tpu.memory_space<vmem>>) semaphore(%arg7 : memref<!tpu.dma_semaphore, #tpu.memory_space<semaphore_mem>>)
    %dma_wait3A_13 = arith.constant 0 : i32
    %dma_wait3A_14 = arith.constant 0 : i32
    %dma_wait3A_15 = tpu.memref_slice %arg2[%dma_wait3A_13, %dma_wait3A_14] : memref<8192x256xf32, #tpu.memory_space<hbm>> -> memref<8192x256xf32, #tpu.memory_space<hbm>>
    tpu.wait_indirect_dma semaphore(%arg7 : memref<!tpu.dma_semaphore, #tpu.memory_space<semaphore_mem>>) src(%dma_wait3A_15 : memref<8192x256xf32, #tpu.memory_space<hbm>>) dst(%arg6 : memref<128x256xf32, #tpu.memory_space<vmem>>)
    %add3A_16 = arith.constant 128 : i32
    %add3A_17 = arith.addi %mul3A_2, %add3A_16 : i32
    "tpu.region"() ({
      %run_scoped3A_72 = tpu.sem_alloc : memref<!tpu.dma_semaphore, #tpu.memory_space<semaphore_mem>>
      %dma_start3A_73 = arith.constant 0 : i32
      %dma_start3A_74 = tpu.memref_slice %arg4[%add3A_17, %dma_start3A_73] : memref<32768x256xf32, #tpu.memory_space<hbm>> -> memref<128x256xf32, #tpu.memory_space<hbm>>
      %dma_start3A_75 = arith.constant 0 : i32
      %dma_start3A_76 = tpu.memref_slice %arg4[%add3A_17, %dma_start3A_75] : memref<32768x256xf32, #tpu.memory_space<hbm>> -> memref<128x256xf32, #tpu.memory_space<hbm>>
      tpu.enqueue_dma source(%arg6 : memref<128x256xf32, #tpu.memory_space<vmem>>) target(%dma_start3A_76 : memref<128x256xf32, #tpu.memory_space<hbm>>) target_semaphore(%run_scoped3A_72 : memref<!tpu.dma_semaphore, #tpu.memory_space<semaphore_mem>>)
      %dma_wait3A_77 = arith.constant 0 : i32
      %dma_wait3A_78 = tpu.memref_slice %arg4[%add3A_17, %dma_wait3A_77] : memref<32768x256xf32, #tpu.memory_space<hbm>> -> memref<128x256xf32, #tpu.memory_space<hbm>>
      %dma_wait3A_79 = arith.constant 0 : i32
      %dma_wait3A_80 = tpu.memref_slice %arg4[%add3A_17, %dma_wait3A_79] : memref<32768x256xf32, #tpu.memory_space<hbm>> -> memref<128x256xf32, #tpu.memory_space<hbm>>
      tpu.wait_dma2 semaphore(%run_scoped3A_72 : memref<!tpu.dma_semaphore, #tpu.memory_space<semaphore_mem>>) src(%arg6 : memref<128x256xf32, #tpu.memory_space<vmem>>) dst(%dma_wait3A_80 : memref<128x256xf32, #tpu.memory_space<hbm>>)
      tpu.yield
    }) : () -> ()
    %run_scoped3A_18 = arith.constant 2 : i32
    "tpu.region"() ({
      %run_scoped3A_72 = tpu.sem_alloc : memref<!tpu.dma_semaphore, #tpu.memory_space<semaphore_mem>>
      %dma_start3A_73 = arith.constant 0 : i32
      %dma_start3A_74 = tpu.memref_slice %arg3[%add3A, %run_scoped3A_18, %dma_start3A_73] : memref<32x8x128xi32, #tpu.memory_space<hbm>> -> memref<1x1x128xi32, #tpu.memory_space<hbm>>
      %dma_start3A_75 = tpu.memref_squeeze %dma_start3A_74 : memref<1x1x128xi32, #tpu.memory_space<hbm>> -> memref<128xi32, #tpu.memory_space<hbm>>
      %dma_start3A_76 = arith.constant 0 : i32
      %dma_start3A_77 = tpu.memref_slice %arg3[%add3A, %run_scoped3A_18, %dma_start3A_76] : memref<32x8x128xi32, #tpu.memory_space<hbm>> -> memref<1x1x128xi32, #tpu.memory_space<hbm>>
      %dma_start3A_78 = tpu.memref_squeeze %dma_start3A_77 : memref<1x1x128xi32, #tpu.memory_space<hbm>> -> memref<128xi32, #tpu.memory_space<hbm>>
      tpu.enqueue_dma source(%dma_start3A_78 : memref<128xi32, #tpu.memory_space<hbm>>) target(%arg5 : memref<128xi32, #tpu.memory_space<vmem>>) target_semaphore(%run_scoped3A_72 : memref<!tpu.dma_semaphore, #tpu.memory_space<semaphore_mem>>)
      %dma_wait3A_79 = arith.constant 0 : i32
      %dma_wait3A_80 = tpu.memref_slice %arg3[%add3A, %run_scoped3A_18, %dma_wait3A_79] : memref<32x8x128xi32, #tpu.memory_space<hbm>> -> memref<1x1x128xi32, #tpu.memory_space<hbm>>
      %dma_wait3A_81 = tpu.memref_squeeze %dma_wait3A_80 : memref<1x1x128xi32, #tpu.memory_space<hbm>> -> memref<128xi32, #tpu.memory_space<hbm>>
      %dma_wait3A_82 = arith.constant 0 : i32
      %dma_wait3A_83 = tpu.memref_slice %arg3[%add3A, %run_scoped3A_18, %dma_wait3A_82] : memref<32x8x128xi32, #tpu.memory_space<hbm>> -> memref<1x1x128xi32, #tpu.memory_space<hbm>>
      %dma_wait3A_84 = tpu.memref_squeeze %dma_wait3A_83 : memref<1x1x128xi32, #tpu.memory_space<hbm>> -> memref<128xi32, #tpu.memory_space<hbm>>
      tpu.wait_dma2 semaphore(%run_scoped3A_72 : memref<!tpu.dma_semaphore, #tpu.memory_space<semaphore_mem>>) src(%dma_wait3A_84 : memref<128xi32, #tpu.memory_space<hbm>>) dst(%arg5 : memref<128xi32, #tpu.memory_space<vmem>>)
      tpu.yield
    }) : () -> ()
    %dma_start3A_19 = arith.constant 0 : i32
    %dma_start3A_20 = arith.constant 0 : i32
    %dma_start3A_21 = tpu.memref_slice %arg2[%dma_start3A_19, %dma_start3A_20] : memref<8192x256xf32, #tpu.memory_space<hbm>> -> memref<8192x256xf32, #tpu.memory_space<hbm>>
    tpu.enqueue_indirect_dma source(%dma_start3A_21 : memref<8192x256xf32, #tpu.memory_space<hbm>>) target(%arg6 : memref<128x256xf32, #tpu.memory_space<vmem>>) offsets(%arg5 : memref<128xi32, #tpu.memory_space<vmem>>) semaphore(%arg7 : memref<!tpu.dma_semaphore, #tpu.memory_space<semaphore_mem>>)
    %dma_wait3A_22 = arith.constant 0 : i32
    %dma_wait3A_23 = arith.constant 0 : i32
    %dma_wait3A_24 = tpu.memref_slice %arg2[%dma_wait3A_22, %dma_wait3A_23] : memref<8192x256xf32, #tpu.memory_space<hbm>> -> memref<8192x256xf32, #tpu.memory_space<hbm>>
    tpu.wait_indirect_dma semaphore(%arg7 : memref<!tpu.dma_semaphore, #tpu.memory_space<semaphore_mem>>) src(%dma_wait3A_24 : memref<8192x256xf32, #tpu.memory_space<hbm>>) dst(%arg6 : memref<128x256xf32, #tpu.memory_space<vmem>>)
    %add3A_25 = arith.constant 256 : i32
    %add3A_26 = arith.addi %mul3A_2, %add3A_25 : i32
    "tpu.region"() ({
      %run_scoped3A_72 = tpu.sem_alloc : memref<!tpu.dma_semaphore, #tpu.memory_space<semaphore_mem>>
      %dma_start3A_73 = arith.constant 0 : i32
      %dma_start3A_74 = tpu.memref_slice %arg4[%add3A_26, %dma_start3A_73] : memref<32768x256xf32, #tpu.memory_space<hbm>> -> memref<128x256xf32, #tpu.memory_space<hbm>>
      %dma_start3A_75 = arith.constant 0 : i32
      %dma_start3A_76 = tpu.memref_slice %arg4[%add3A_26, %dma_start3A_75] : memref<32768x256xf32, #tpu.memory_space<hbm>> -> memref<128x256xf32, #tpu.memory_space<hbm>>
      tpu.enqueue_dma source(%arg6 : memref<128x256xf32, #tpu.memory_space<vmem>>) target(%dma_start3A_76 : memref<128x256xf32, #tpu.memory_space<hbm>>) target_semaphore(%run_scoped3A_72 : memref<!tpu.dma_semaphore, #tpu.memory_space<semaphore_mem>>)
      %dma_wait3A_77 = arith.constant 0 : i32
      %dma_wait3A_78 = tpu.memref_slice %arg4[%add3A_26, %dma_wait3A_77] : memref<32768x256xf32, #tpu.memory_space<hbm>> -> memref<128x256xf32, #tpu.memory_space<hbm>>
      %dma_wait3A_79 = arith.constant 0 : i32
      %dma_wait3A_80 = tpu.memref_slice %arg4[%add3A_26, %dma_wait3A_79] : memref<32768x256xf32, #tpu.memory_space<hbm>> -> memref<128x256xf32, #tpu.memory_space<hbm>>
      tpu.wait_dma2 semaphore(%run_scoped3A_72 : memref<!tpu.dma_semaphore, #tpu.memory_space<semaphore_mem>>) src(%arg6 : memref<128x256xf32, #tpu.memory_space<vmem>>) dst(%dma_wait3A_80 : memref<128x256xf32, #tpu.memory_space<hbm>>)
      tpu.yield
    }) : () -> ()
    %run_scoped3A_27 = arith.constant 3 : i32
    "tpu.region"() ({
      %run_scoped3A_72 = tpu.sem_alloc : memref<!tpu.dma_semaphore, #tpu.memory_space<semaphore_mem>>
      %dma_start3A_73 = arith.constant 0 : i32
      %dma_start3A_74 = tpu.memref_slice %arg3[%add3A, %run_scoped3A_27, %dma_start3A_73] : memref<32x8x128xi32, #tpu.memory_space<hbm>> -> memref<1x1x128xi32, #tpu.memory_space<hbm>>
      %dma_start3A_75 = tpu.memref_squeeze %dma_start3A_74 : memref<1x1x128xi32, #tpu.memory_space<hbm>> -> memref<128xi32, #tpu.memory_space<hbm>>
      %dma_start3A_76 = arith.constant 0 : i32
      %dma_start3A_77 = tpu.memref_slice %arg3[%add3A, %run_scoped3A_27, %dma_start3A_76] : memref<32x8x128xi32, #tpu.memory_space<hbm>> -> memref<1x1x128xi32, #tpu.memory_space<hbm>>
      %dma_start3A_78 = tpu.memref_squeeze %dma_start3A_77 : memref<1x1x128xi32, #tpu.memory_space<hbm>> -> memref<128xi32, #tpu.memory_space<hbm>>
      tpu.enqueue_dma source(%dma_start3A_78 : memref<128xi32, #tpu.memory_space<hbm>>) target(%arg5 : memref<128xi32, #tpu.memory_space<vmem>>) target_semaphore(%run_scoped3A_72 : memref<!tpu.dma_semaphore, #tpu.memory_space<semaphore_mem>>)
      %dma_wait3A_79 = arith.constant 0 : i32
      %dma_wait3A_80 = tpu.memref_slice %arg3[%add3A, %run_scoped3A_27, %dma_wait3A_79] : memref<32x8x128xi32, #tpu.memory_space<hbm>> -> memref<1x1x128xi32, #tpu.memory_space<hbm>>
      %dma_wait3A_81 = tpu.memref_squeeze %dma_wait3A_80 : memref<1x1x128xi32, #tpu.memory_space<hbm>> -> memref<128xi32, #tpu.memory_space<hbm>>
      %dma_wait3A_82 = arith.constant 0 : i32
      %dma_wait3A_83 = tpu.memref_slice %arg3[%add3A, %run_scoped3A_27, %dma_wait3A_82] : memref<32x8x128xi32, #tpu.memory_space<hbm>> -> memref<1x1x128xi32, #tpu.memory_space<hbm>>
      %dma_wait3A_84 = tpu.memref_squeeze %dma_wait3A_83 : memref<1x1x128xi32, #tpu.memory_space<hbm>> -> memref<128xi32, #tpu.memory_space<hbm>>
      tpu.wait_dma2 semaphore(%run_scoped3A_72 : memref<!tpu.dma_semaphore, #tpu.memory_space<semaphore_mem>>) src(%dma_wait3A_84 : memref<128xi32, #tpu.memory_space<hbm>>) dst(%arg5 : memref<128xi32, #tpu.memory_space<vmem>>)
      tpu.yield
    }) : () -> ()
    %dma_start3A_28 = arith.constant 0 : i32
    %dma_start3A_29 = arith.constant 0 : i32
    %dma_start3A_30 = tpu.memref_slice %arg2[%dma_start3A_28, %dma_start3A_29] : memref<8192x256xf32, #tpu.memory_space<hbm>> -> memref<8192x256xf32, #tpu.memory_space<hbm>>
    tpu.enqueue_indirect_dma source(%dma_start3A_30 : memref<8192x256xf32, #tpu.memory_space<hbm>>) target(%arg6 : memref<128x256xf32, #tpu.memory_space<vmem>>) offsets(%arg5 : memref<128xi32, #tpu.memory_space<vmem>>) semaphore(%arg7 : memref<!tpu.dma_semaphore, #tpu.memory_space<semaphore_mem>>)
    %dma_wait3A_31 = arith.constant 0 : i32
    %dma_wait3A_32 = arith.constant 0 : i32
    %dma_wait3A_33 = tpu.memref_slice %arg2[%dma_wait3A_31, %dma_wait3A_32] : memref<8192x256xf32, #tpu.memory_space<hbm>> -> memref<8192x256xf32, #tpu.memory_space<hbm>>
    tpu.wait_indirect_dma semaphore(%arg7 : memref<!tpu.dma_semaphore, #tpu.memory_space<semaphore_mem>>) src(%dma_wait3A_33 : memref<8192x256xf32, #tpu.memory_space<hbm>>) dst(%arg6 : memref<128x256xf32, #tpu.memory_space<vmem>>)
    %add3A_34 = arith.constant 384 : i32
    %add3A_35 = arith.addi %mul3A_2, %add3A_34 : i32
    "tpu.region"() ({
      %run_scoped3A_72 = tpu.sem_alloc : memref<!tpu.dma_semaphore, #tpu.memory_space<semaphore_mem>>
      %dma_start3A_73 = arith.constant 0 : i32
      %dma_start3A_74 = tpu.memref_slice %arg4[%add3A_35, %dma_start3A_73] : memref<32768x256xf32, #tpu.memory_space<hbm>> -> memref<128x256xf32, #tpu.memory_space<hbm>>
      %dma_start3A_75 = arith.constant 0 : i32
      %dma_start3A_76 = tpu.memref_slice %arg4[%add3A_35, %dma_start3A_75] : memref<32768x256xf32, #tpu.memory_space<hbm>> -> memref<128x256xf32, #tpu.memory_space<hbm>>
      tpu.enqueue_dma source(%arg6 : memref<128x256xf32, #tpu.memory_space<vmem>>) target(%dma_start3A_76 : memref<128x256xf32, #tpu.memory_space<hbm>>) target_semaphore(%run_scoped3A_72 : memref<!tpu.dma_semaphore, #tpu.memory_space<semaphore_mem>>)
      %dma_wait3A_77 = arith.constant 0 : i32
      %dma_wait3A_78 = tpu.memref_slice %arg4[%add3A_35, %dma_wait3A_77] : memref<32768x256xf32, #tpu.memory_space<hbm>> -> memref<128x256xf32, #tpu.memory_space<hbm>>
      %dma_wait3A_79 = arith.constant 0 : i32
      %dma_wait3A_80 = tpu.memref_slice %arg4[%add3A_35, %dma_wait3A_79] : memref<32768x256xf32, #tpu.memory_space<hbm>> -> memref<128x256xf32, #tpu.memory_space<hbm>>
      tpu.wait_dma2 semaphore(%run_scoped3A_72 : memref<!tpu.dma_semaphore, #tpu.memory_space<semaphore_mem>>) src(%arg6 : memref<128x256xf32, #tpu.memory_space<vmem>>) dst(%dma_wait3A_80 : memref<128x256xf32, #tpu.memory_space<hbm>>)
      tpu.yield
    }) : () -> ()
    %run_scoped3A_36 = arith.constant 4 : i32
    "tpu.region"() ({
      %run_scoped3A_72 = tpu.sem_alloc : memref<!tpu.dma_semaphore, #tpu.memory_space<semaphore_mem>>
      %dma_start3A_73 = arith.constant 0 : i32
      %dma_start3A_74 = tpu.memref_slice %arg3[%add3A, %run_scoped3A_36, %dma_start3A_73] : memref<32x8x128xi32, #tpu.memory_space<hbm>> -> memref<1x1x128xi32, #tpu.memory_space<hbm>>
      %dma_start3A_75 = tpu.memref_squeeze %dma_start3A_74 : memref<1x1x128xi32, #tpu.memory_space<hbm>> -> memref<128xi32, #tpu.memory_space<hbm>>
      %dma_start3A_76 = arith.constant 0 : i32
      %dma_start3A_77 = tpu.memref_slice %arg3[%add3A, %run_scoped3A_36, %dma_start3A_76] : memref<32x8x128xi32, #tpu.memory_space<hbm>> -> memref<1x1x128xi32, #tpu.memory_space<hbm>>
      %dma_start3A_78 = tpu.memref_squeeze %dma_start3A_77 : memref<1x1x128xi32, #tpu.memory_space<hbm>> -> memref<128xi32, #tpu.memory_space<hbm>>
      tpu.enqueue_dma source(%dma_start3A_78 : memref<128xi32, #tpu.memory_space<hbm>>) target(%arg5 : memref<128xi32, #tpu.memory_space<vmem>>) target_semaphore(%run_scoped3A_72 : memref<!tpu.dma_semaphore, #tpu.memory_space<semaphore_mem>>)
      %dma_wait3A_79 = arith.constant 0 : i32
      %dma_wait3A_80 = tpu.memref_slice %arg3[%add3A, %run_scoped3A_36, %dma_wait3A_79] : memref<32x8x128xi32, #tpu.memory_space<hbm>> -> memref<1x1x128xi32, #tpu.memory_space<hbm>>
      %dma_wait3A_81 = tpu.memref_squeeze %dma_wait3A_80 : memref<1x1x128xi32, #tpu.memory_space<hbm>> -> memref<128xi32, #tpu.memory_space<hbm>>
      %dma_wait3A_82 = arith.constant 0 : i32
      %dma_wait3A_83 = tpu.memref_slice %arg3[%add3A, %run_scoped3A_36, %dma_wait3A_82] : memref<32x8x128xi32, #tpu.memory_space<hbm>> -> memref<1x1x128xi32, #tpu.memory_space<hbm>>
      %dma_wait3A_84 = tpu.memref_squeeze %dma_wait3A_83 : memref<1x1x128xi32, #tpu.memory_space<hbm>> -> memref<128xi32, #tpu.memory_space<hbm>>
      tpu.wait_dma2 semaphore(%run_scoped3A_72 : memref<!tpu.dma_semaphore, #tpu.memory_space<semaphore_mem>>) src(%dma_wait3A_84 : memref<128xi32, #tpu.memory_space<hbm>>) dst(%arg5 : memref<128xi32, #tpu.memory_space<vmem>>)
      tpu.yield
    }) : () -> ()
    %dma_start3A_37 = arith.constant 0 : i32
    %dma_start3A_38 = arith.constant 0 : i32
    %dma_start3A_39 = tpu.memref_slice %arg2[%dma_start3A_37, %dma_start3A_38] : memref<8192x256xf32, #tpu.memory_space<hbm>> -> memref<8192x256xf32, #tpu.memory_space<hbm>>
    tpu.enqueue_indirect_dma source(%dma_start3A_39 : memref<8192x256xf32, #tpu.memory_space<hbm>>) target(%arg6 : memref<128x256xf32, #tpu.memory_space<vmem>>) offsets(%arg5 : memref<128xi32, #tpu.memory_space<vmem>>) semaphore(%arg7 : memref<!tpu.dma_semaphore, #tpu.memory_space<semaphore_mem>>)
    %dma_wait3A_40 = arith.constant 0 : i32
    %dma_wait3A_41 = arith.constant 0 : i32
    %dma_wait3A_42 = tpu.memref_slice %arg2[%dma_wait3A_40, %dma_wait3A_41] : memref<8192x256xf32, #tpu.memory_space<hbm>> -> memref<8192x256xf32, #tpu.memory_space<hbm>>
    tpu.wait_indirect_dma semaphore(%arg7 : memref<!tpu.dma_semaphore, #tpu.memory_space<semaphore_mem>>) src(%dma_wait3A_42 : memref<8192x256xf32, #tpu.memory_space<hbm>>) dst(%arg6 : memref<128x256xf32, #tpu.memory_space<vmem>>)
    %add3A_43 = arith.constant 512 : i32
    %add3A_44 = arith.addi %mul3A_2, %add3A_43 : i32
    "tpu.region"() ({
      %run_scoped3A_72 = tpu.sem_alloc : memref<!tpu.dma_semaphore, #tpu.memory_space<semaphore_mem>>
      %dma_start3A_73 = arith.constant 0 : i32
      %dma_start3A_74 = tpu.memref_slice %arg4[%add3A_44, %dma_start3A_73] : memref<32768x256xf32, #tpu.memory_space<hbm>> -> memref<128x256xf32, #tpu.memory_space<hbm>>
      %dma_start3A_75 = arith.constant 0 : i32
      %dma_start3A_76 = tpu.memref_slice %arg4[%add3A_44, %dma_start3A_75] : memref<32768x256xf32, #tpu.memory_space<hbm>> -> memref<128x256xf32, #tpu.memory_space<hbm>>
      tpu.enqueue_dma source(%arg6 : memref<128x256xf32, #tpu.memory_space<vmem>>) target(%dma_start3A_76 : memref<128x256xf32, #tpu.memory_space<hbm>>) target_semaphore(%run_scoped3A_72 : memref<!tpu.dma_semaphore, #tpu.memory_space<semaphore_mem>>)
      %dma_wait3A_77 = arith.constant 0 : i32
      %dma_wait3A_78 = tpu.memref_slice %arg4[%add3A_44, %dma_wait3A_77] : memref<32768x256xf32, #tpu.memory_space<hbm>> -> memref<128x256xf32, #tpu.memory_space<hbm>>
      %dma_wait3A_79 = arith.constant 0 : i32
      %dma_wait3A_80 = tpu.memref_slice %arg4[%add3A_44, %dma_wait3A_79] : memref<32768x256xf32, #tpu.memory_space<hbm>> -> memref<128x256xf32, #tpu.memory_space<hbm>>
      tpu.wait_dma2 semaphore(%run_scoped3A_72 : memref<!tpu.dma_semaphore, #tpu.memory_space<semaphore_mem>>) src(%arg6 : memref<128x256xf32, #tpu.memory_space<vmem>>) dst(%dma_wait3A_80 : memref<128x256xf32, #tpu.memory_space<hbm>>)
      tpu.yield
    }) : () -> ()
    %run_scoped3A_45 = arith.constant 5 : i32
    "tpu.region"() ({
      %run_scoped3A_72 = tpu.sem_alloc : memref<!tpu.dma_semaphore, #tpu.memory_space<semaphore_mem>>
      %dma_start3A_73 = arith.constant 0 : i32
      %dma_start3A_74 = tpu.memref_slice %arg3[%add3A, %run_scoped3A_45, %dma_start3A_73] : memref<32x8x128xi32, #tpu.memory_space<hbm>> -> memref<1x1x128xi32, #tpu.memory_space<hbm>>
      %dma_start3A_75 = tpu.memref_squeeze %dma_start3A_74 : memref<1x1x128xi32, #tpu.memory_space<hbm>> -> memref<128xi32, #tpu.memory_space<hbm>>
      %dma_start3A_76 = arith.constant 0 : i32
      %dma_start3A_77 = tpu.memref_slice %arg3[%add3A, %run_scoped3A_45, %dma_start3A_76] : memref<32x8x128xi32, #tpu.memory_space<hbm>> -> memref<1x1x128xi32, #tpu.memory_space<hbm>>
      %dma_start3A_78 = tpu.memref_squeeze %dma_start3A_77 : memref<1x1x128xi32, #tpu.memory_space<hbm>> -> memref<128xi32, #tpu.memory_space<hbm>>
      tpu.enqueue_dma source(%dma_start3A_78 : memref<128xi32, #tpu.memory_space<hbm>>) target(%arg5 : memref<128xi32, #tpu.memory_space<vmem>>) target_semaphore(%run_scoped3A_72 : memref<!tpu.dma_semaphore, #tpu.memory_space<semaphore_mem>>)
      %dma_wait3A_79 = arith.constant 0 : i32
      %dma_wait3A_80 = tpu.memref_slice %arg3[%add3A, %run_scoped3A_45, %dma_wait3A_79] : memref<32x8x128xi32, #tpu.memory_space<hbm>> -> memref<1x1x128xi32, #tpu.memory_space<hbm>>
      %dma_wait3A_81 = tpu.memref_squeeze %dma_wait3A_80 : memref<1x1x128xi32, #tpu.memory_space<hbm>> -> memref<128xi32, #tpu.memory_space<hbm>>
      %dma_wait3A_82 = arith.constant 0 : i32
      %dma_wait3A_83 = tpu.memref_slice %arg3[%add3A, %run_scoped3A_45, %dma_wait3A_82] : memref<32x8x128xi32, #tpu.memory_space<hbm>> -> memref<1x1x128xi32, #tpu.memory_space<hbm>>
      %dma_wait3A_84 = tpu.memref_squeeze %dma_wait3A_83 : memref<1x1x128xi32, #tpu.memory_space<hbm>> -> memref<128xi32, #tpu.memory_space<hbm>>
      tpu.wait_dma2 semaphore(%run_scoped3A_72 : memref<!tpu.dma_semaphore, #tpu.memory_space<semaphore_mem>>) src(%dma_wait3A_84 : memref<128xi32, #tpu.memory_space<hbm>>) dst(%arg5 : memref<128xi32, #tpu.memory_space<vmem>>)
      tpu.yield
    }) : () -> ()
    %dma_start3A_46 = arith.constant 0 : i32
    %dma_start3A_47 = arith.constant 0 : i32
    %dma_start3A_48 = tpu.memref_slice %arg2[%dma_start3A_46, %dma_start3A_47] : memref<8192x256xf32, #tpu.memory_space<hbm>> -> memref<8192x256xf32, #tpu.memory_space<hbm>>
    tpu.enqueue_indirect_dma source(%dma_start3A_48 : memref<8192x256xf32, #tpu.memory_space<hbm>>) target(%arg6 : memref<128x256xf32, #tpu.memory_space<vmem>>) offsets(%arg5 : memref<128xi32, #tpu.memory_space<vmem>>) semaphore(%arg7 : memref<!tpu.dma_semaphore, #tpu.memory_space<semaphore_mem>>)
    %dma_wait3A_49 = arith.constant 0 : i32
    %dma_wait3A_50 = arith.constant 0 : i32
    %dma_wait3A_51 = tpu.memref_slice %arg2[%dma_wait3A_49, %dma_wait3A_50] : memref<8192x256xf32, #tpu.memory_space<hbm>> -> memref<8192x256xf32, #tpu.memory_space<hbm>>
    tpu.wait_indirect_dma semaphore(%arg7 : memref<!tpu.dma_semaphore, #tpu.memory_space<semaphore_mem>>) src(%dma_wait3A_51 : memref<8192x256xf32, #tpu.memory_space<hbm>>) dst(%arg6 : memref<128x256xf32, #tpu.memory_space<vmem>>)
    %add3A_52 = arith.constant 640 : i32
    %add3A_53 = arith.addi %mul3A_2, %add3A_52 : i32
    "tpu.region"() ({
      %run_scoped3A_72 = tpu.sem_alloc : memref<!tpu.dma_semaphore, #tpu.memory_space<semaphore_mem>>
      %dma_start3A_73 = arith.constant 0 : i32
      %dma_start3A_74 = tpu.memref_slice %arg4[%add3A_53, %dma_start3A_73] : memref<32768x256xf32, #tpu.memory_space<hbm>> -> memref<128x256xf32, #tpu.memory_space<hbm>>
      %dma_start3A_75 = arith.constant 0 : i32
      %dma_start3A_76 = tpu.memref_slice %arg4[%add3A_53, %dma_start3A_75] : memref<32768x256xf32, #tpu.memory_space<hbm>> -> memref<128x256xf32, #tpu.memory_space<hbm>>
      tpu.enqueue_dma source(%arg6 : memref<128x256xf32, #tpu.memory_space<vmem>>) target(%dma_start3A_76 : memref<128x256xf32, #tpu.memory_space<hbm>>) target_semaphore(%run_scoped3A_72 : memref<!tpu.dma_semaphore, #tpu.memory_space<semaphore_mem>>)
      %dma_wait3A_77 = arith.constant 0 : i32
      %dma_wait3A_78 = tpu.memref_slice %arg4[%add3A_53, %dma_wait3A_77] : memref<32768x256xf32, #tpu.memory_space<hbm>> -> memref<128x256xf32, #tpu.memory_space<hbm>>
      %dma_wait3A_79 = arith.constant 0 : i32
      %dma_wait3A_80 = tpu.memref_slice %arg4[%add3A_53, %dma_wait3A_79] : memref<32768x256xf32, #tpu.memory_space<hbm>> -> memref<128x256xf32, #tpu.memory_space<hbm>>
      tpu.wait_dma2 semaphore(%run_scoped3A_72 : memref<!tpu.dma_semaphore, #tpu.memory_space<semaphore_mem>>) src(%arg6 : memref<128x256xf32, #tpu.memory_space<vmem>>) dst(%dma_wait3A_80 : memref<128x256xf32, #tpu.memory_space<hbm>>)
      tpu.yield
    }) : () -> ()
    %run_scoped3A_54 = arith.constant 6 : i32
    "tpu.region"() ({
      %run_scoped3A_72 = tpu.sem_alloc : memref<!tpu.dma_semaphore, #tpu.memory_space<semaphore_mem>>
      %dma_start3A_73 = arith.constant 0 : i32
      %dma_start3A_74 = tpu.memref_slice %arg3[%add3A, %run_scoped3A_54, %dma_start3A_73] : memref<32x8x128xi32, #tpu.memory_space<hbm>> -> memref<1x1x128xi32, #tpu.memory_space<hbm>>
      %dma_start3A_75 = tpu.memref_squeeze %dma_start3A_74 : memref<1x1x128xi32, #tpu.memory_space<hbm>> -> memref<128xi32, #tpu.memory_space<hbm>>
      %dma_start3A_76 = arith.constant 0 : i32
      %dma_start3A_77 = tpu.memref_slice %arg3[%add3A, %run_scoped3A_54, %dma_start3A_76] : memref<32x8x128xi32, #tpu.memory_space<hbm>> -> memref<1x1x128xi32, #tpu.memory_space<hbm>>
      %dma_start3A_78 = tpu.memref_squeeze %dma_start3A_77 : memref<1x1x128xi32, #tpu.memory_space<hbm>> -> memref<128xi32, #tpu.memory_space<hbm>>
      tpu.enqueue_dma source(%dma_start3A_78 : memref<128xi32, #tpu.memory_space<hbm>>) target(%arg5 : memref<128xi32, #tpu.memory_space<vmem>>) target_semaphore(%run_scoped3A_72 : memref<!tpu.dma_semaphore, #tpu.memory_space<semaphore_mem>>)
      %dma_wait3A_79 = arith.constant 0 : i32
      %dma_wait3A_80 = tpu.memref_slice %arg3[%add3A, %run_scoped3A_54, %dma_wait3A_79] : memref<32x8x128xi32, #tpu.memory_space<hbm>> -> memref<1x1x128xi32, #tpu.memory_space<hbm>>
      %dma_wait3A_81 = tpu.memref_squeeze %dma_wait3A_80 : memref<1x1x128xi32, #tpu.memory_space<hbm>> -> memref<128xi32, #tpu.memory_space<hbm>>
      %dma_wait3A_82 = arith.constant 0 : i32
      %dma_wait3A_83 = tpu.memref_slice %arg3[%add3A, %run_scoped3A_54, %dma_wait3A_82] : memref<32x8x128xi32, #tpu.memory_space<hbm>> -> memref<1x1x128xi32, #tpu.memory_space<hbm>>
      %dma_wait3A_84 = tpu.memref_squeeze %dma_wait3A_83 : memref<1x1x128xi32, #tpu.memory_space<hbm>> -> memref<128xi32, #tpu.memory_space<hbm>>
      tpu.wait_dma2 semaphore(%run_scoped3A_72 : memref<!tpu.dma_semaphore, #tpu.memory_space<semaphore_mem>>) src(%dma_wait3A_84 : memref<128xi32, #tpu.memory_space<hbm>>) dst(%arg5 : memref<128xi32, #tpu.memory_space<vmem>>)
      tpu.yield
    }) : () -> ()
    %dma_start3A_55 = arith.constant 0 : i32
    %dma_start3A_56 = arith.constant 0 : i32
    %dma_start3A_57 = tpu.memref_slice %arg2[%dma_start3A_55, %dma_start3A_56] : memref<8192x256xf32, #tpu.memory_space<hbm>> -> memref<8192x256xf32, #tpu.memory_space<hbm>>
    tpu.enqueue_indirect_dma source(%dma_start3A_57 : memref<8192x256xf32, #tpu.memory_space<hbm>>) target(%arg6 : memref<128x256xf32, #tpu.memory_space<vmem>>) offsets(%arg5 : memref<128xi32, #tpu.memory_space<vmem>>) semaphore(%arg7 : memref<!tpu.dma_semaphore, #tpu.memory_space<semaphore_mem>>)
    %dma_wait3A_58 = arith.constant 0 : i32
    %dma_wait3A_59 = arith.constant 0 : i32
    %dma_wait3A_60 = tpu.memref_slice %arg2[%dma_wait3A_58, %dma_wait3A_59] : memref<8192x256xf32, #tpu.memory_space<hbm>> -> memref<8192x256xf32, #tpu.memory_space<hbm>>
    tpu.wait_indirect_dma semaphore(%arg7 : memref<!tpu.dma_semaphore, #tpu.memory_space<semaphore_mem>>) src(%dma_wait3A_60 : memref<8192x256xf32, #tpu.memory_space<hbm>>) dst(%arg6 : memref<128x256xf32, #tpu.memory_space<vmem>>)
    %add3A_61 = arith.constant 768 : i32
    %add3A_62 = arith.addi %mul3A_2, %add3A_61 : i32
    "tpu.region"() ({
      %run_scoped3A_72 = tpu.sem_alloc : memref<!tpu.dma_semaphore, #tpu.memory_space<semaphore_mem>>
      %dma_start3A_73 = arith.constant 0 : i32
      %dma_start3A_74 = tpu.memref_slice %arg4[%add3A_62, %dma_start3A_73] : memref<32768x256xf32, #tpu.memory_space<hbm>> -> memref<128x256xf32, #tpu.memory_space<hbm>>
      %dma_start3A_75 = arith.constant 0 : i32
      %dma_start3A_76 = tpu.memref_slice %arg4[%add3A_62, %dma_start3A_75] : memref<32768x256xf32, #tpu.memory_space<hbm>> -> memref<128x256xf32, #tpu.memory_space<hbm>>
      tpu.enqueue_dma source(%arg6 : memref<128x256xf32, #tpu.memory_space<vmem>>) target(%dma_start3A_76 : memref<128x256xf32, #tpu.memory_space<hbm>>) target_semaphore(%run_scoped3A_72 : memref<!tpu.dma_semaphore, #tpu.memory_space<semaphore_mem>>)
      %dma_wait3A_77 = arith.constant 0 : i32
      %dma_wait3A_78 = tpu.memref_slice %arg4[%add3A_62, %dma_wait3A_77] : memref<32768x256xf32, #tpu.memory_space<hbm>> -> memref<128x256xf32, #tpu.memory_space<hbm>>
      %dma_wait3A_79 = arith.constant 0 : i32
      %dma_wait3A_80 = tpu.memref_slice %arg4[%add3A_62, %dma_wait3A_79] : memref<32768x256xf32, #tpu.memory_space<hbm>> -> memref<128x256xf32, #tpu.memory_space<hbm>>
      tpu.wait_dma2 semaphore(%run_scoped3A_72 : memref<!tpu.dma_semaphore, #tpu.memory_space<semaphore_mem>>) src(%arg6 : memref<128x256xf32, #tpu.memory_space<vmem>>) dst(%dma_wait3A_80 : memref<128x256xf32, #tpu.memory_space<hbm>>)
      tpu.yield
    }) : () -> ()
    %run_scoped3A_63 = arith.constant 7 : i32
    "tpu.region"() ({
      %run_scoped3A_72 = tpu.sem_alloc : memref<!tpu.dma_semaphore, #tpu.memory_space<semaphore_mem>>
      %dma_start3A_73 = arith.constant 0 : i32
      %dma_start3A_74 = tpu.memref_slice %arg3[%add3A, %run_scoped3A_63, %dma_start3A_73] : memref<32x8x128xi32, #tpu.memory_space<hbm>> -> memref<1x1x128xi32, #tpu.memory_space<hbm>>
      %dma_start3A_75 = tpu.memref_squeeze %dma_start3A_74 : memref<1x1x128xi32, #tpu.memory_space<hbm>> -> memref<128xi32, #tpu.memory_space<hbm>>
      %dma_start3A_76 = arith.constant 0 : i32
      %dma_start3A_77 = tpu.memref_slice %arg3[%add3A, %run_scoped3A_63, %dma_start3A_76] : memref<32x8x128xi32, #tpu.memory_space<hbm>> -> memref<1x1x128xi32, #tpu.memory_space<hbm>>
      %dma_start3A_78 = tpu.memref_squeeze %dma_start3A_77 : memref<1x1x128xi32, #tpu.memory_space<hbm>> -> memref<128xi32, #tpu.memory_space<hbm>>
      tpu.enqueue_dma source(%dma_start3A_78 : memref<128xi32, #tpu.memory_space<hbm>>) target(%arg5 : memref<128xi32, #tpu.memory_space<vmem>>) target_semaphore(%run_scoped3A_72 : memref<!tpu.dma_semaphore, #tpu.memory_space<semaphore_mem>>)
      %dma_wait3A_79 = arith.constant 0 : i32
      %dma_wait3A_80 = tpu.memref_slice %arg3[%add3A, %run_scoped3A_63, %dma_wait3A_79] : memref<32x8x128xi32, #tpu.memory_space<hbm>> -> memref<1x1x128xi32, #tpu.memory_space<hbm>>
      %dma_wait3A_81 = tpu.memref_squeeze %dma_wait3A_80 : memref<1x1x128xi32, #tpu.memory_space<hbm>> -> memref<128xi32, #tpu.memory_space<hbm>>
      %dma_wait3A_82 = arith.constant 0 : i32
      %dma_wait3A_83 = tpu.memref_slice %arg3[%add3A, %run_scoped3A_63, %dma_wait3A_82] : memref<32x8x128xi32, #tpu.memory_space<hbm>> -> memref<1x1x128xi32, #tpu.memory_space<hbm>>
      %dma_wait3A_84 = tpu.memref_squeeze %dma_wait3A_83 : memref<1x1x128xi32, #tpu.memory_space<hbm>> -> memref<128xi32, #tpu.memory_space<hbm>>
      tpu.wait_dma2 semaphore(%run_scoped3A_72 : memref<!tpu.dma_semaphore, #tpu.memory_space<semaphore_mem>>) src(%dma_wait3A_84 : memref<128xi32, #tpu.memory_space<hbm>>) dst(%arg5 : memref<128xi32, #tpu.memory_space<vmem>>)
      tpu.yield
    }) : () -> ()
    %dma_start3A_64 = arith.constant 0 : i32
    %dma_start3A_65 = arith.constant 0 : i32
    %dma_start3A_66 = tpu.memref_slice %arg2[%dma_start3A_64, %dma_start3A_65] : memref<8192x256xf32, #tpu.memory_space<hbm>> -> memref<8192x256xf32, #tpu.memory_space<hbm>>
    tpu.enqueue_indirect_dma source(%dma_start3A_66 : memref<8192x256xf32, #tpu.memory_space<hbm>>) target(%arg6 : memref<128x256xf32, #tpu.memory_space<vmem>>) offsets(%arg5 : memref<128xi32, #tpu.memory_space<vmem>>) semaphore(%arg7 : memref<!tpu.dma_semaphore, #tpu.memory_space<semaphore_mem>>)
    %dma_wait3A_67 = arith.constant 0 : i32
    %dma_wait3A_68 = arith.constant 0 : i32
    %dma_wait3A_69 = tpu.memref_slice %arg2[%dma_wait3A_67, %dma_wait3A_68] : memref<8192x256xf32, #tpu.memory_space<hbm>> -> memref<8192x256xf32, #tpu.memory_space<hbm>>
    tpu.wait_indirect_dma semaphore(%arg7 : memref<!tpu.dma_semaphore, #tpu.memory_space<semaphore_mem>>) src(%dma_wait3A_69 : memref<8192x256xf32, #tpu.memory_space<hbm>>) dst(%arg6 : memref<128x256xf32, #tpu.memory_space<vmem>>)
    %add3A_70 = arith.constant 896 : i32
    %add3A_71 = arith.addi %mul3A_2, %add3A_70 : i32
    "tpu.region"() ({
      %run_scoped3A_72 = tpu.sem_alloc : memref<!tpu.dma_semaphore, #tpu.memory_space<semaphore_mem>>
      %dma_start3A_73 = arith.constant 0 : i32
      %dma_start3A_74 = tpu.memref_slice %arg4[%add3A_71, %dma_start3A_73] : memref<32768x256xf32, #tpu.memory_space<hbm>> -> memref<128x256xf32, #tpu.memory_space<hbm>>
      %dma_start3A_75 = arith.constant 0 : i32
      %dma_start3A_76 = tpu.memref_slice %arg4[%add3A_71, %dma_start3A_75] : memref<32768x256xf32, #tpu.memory_space<hbm>> -> memref<128x256xf32, #tpu.memory_space<hbm>>
      tpu.enqueue_dma source(%arg6 : memref<128x256xf32, #tpu.memory_space<vmem>>) target(%dma_start3A_76 : memref<128x256xf32, #tpu.memory_space<hbm>>) target_semaphore(%run_scoped3A_72 : memref<!tpu.dma_semaphore, #tpu.memory_space<semaphore_mem>>)
      %dma_wait3A_77 = arith.constant 0 : i32
      %dma_wait3A_78 = tpu.memref_slice %arg4[%add3A_71, %dma_wait3A_77] : memref<32768x256xf32, #tpu.memory_space<hbm>> -> memref<128x256xf32, #tpu.memory_space<hbm>>
      %dma_wait3A_79 = arith.constant 0 : i32
      %dma_wait3A_80 = tpu.memref_slice %arg4[%add3A_71, %dma_wait3A_79] : memref<32768x256xf32, #tpu.memory_space<hbm>> -> memref<128x256xf32, #tpu.memory_space<hbm>>
      tpu.wait_dma2 semaphore(%run_scoped3A_72 : memref<!tpu.dma_semaphore, #tpu.memory_space<semaphore_mem>>) src(%arg6 : memref<128x256xf32, #tpu.memory_space<vmem>>) dst(%dma_wait3A_80 : memref<128x256xf32, #tpu.memory_space<hbm>>)
      tpu.yield
    }) : () -> ()
    return
  }
}

#map = affine_map<(d0, d1) -> (0, 0)>
#map1 = affine_map<(d0, d1) -> (0, 0, 0)>
module attributes {stable_mosaic.version = 14 : i64} {
  func.func @gather(%arg0: i32, %arg1: i32, %arg2: memref<8192x256xf32, #tpu.memory_space<hbm>>, %arg3: memref<32x8x128xi32, #tpu.memory_space<hbm>>, %arg4: memref<32768x256xf32, #tpu.memory_space<hbm>>, %arg5: memref<128xi32, #tpu.memory_space<vmem>>, %arg6: memref<128x256xf32, #tpu.memory_space<vmem>>, %arg7: memref<!tpu.dma_semaphore, #tpu.memory_space<semaphore_mem>>) attributes {dimension_semantics = [#tpu.dimension_semantics<core_parallel>, #tpu.dimension_semantics<subcore_parallel>], iteration_bounds = array<i64: 2, 16>, scalar_prefetch = 0 : i64, scratch_operands = 3 : i64, tpu.core_type = #tpu.core_type<sc_vector_subcore>, window_params = [{transform_indices = #map}, {transform_indices = #map1}, {transform_indices = #map}]} {
    %mul3A = arith.constant 2 : i32
    %mul3A_0 = arith.muli %arg1, %mul3A : i32
    %add3A = arith.addi %mul3A_0, %arg0 : i32
    %mul3A_1 = arith.constant 1024 : i32
    %mul3A_2 = arith.muli %add3A, %mul3A_1 : i32
    %run_scoped3A = arith.constant 0 : i32
    "tpu.region"() ({
      %run_scoped3A_72 = tpu.sem_alloc : memref<!tpu.dma_semaphore, #tpu.memory_space<semaphore_mem>>
      %dma_start3A_73 = arith.constant 0 : i32
      %dma_start3A_74 = tpu.memref_slice %arg3[%add3A, %run_scoped3A, %dma_start3A_73] : memref<32x8x128xi32, #tpu.memory_space<hbm>> -> memref<1x1x128xi32, #tpu.memory_space<hbm>>
      %dma_start3A_75 = tpu.memref_squeeze %dma_start3A_74 : memref<1x1x128xi32, #tpu.memory_space<hbm>> -> memref<128xi32, #tpu.memory_space<hbm>>
      %dma_start3A_76 = arith.constant 0 : i32
      %dma_start3A_77 = tpu.memref_slice %arg3[%add3A, %run_scoped3A, %dma_start3A_76] : memref<32x8x128xi32, #tpu.memory_space<hbm>> -> memref<1x1x128xi32, #tpu.memory_space<hbm>>
      %dma_start3A_78 = tpu.memref_squeeze %dma_start3A_77 : memref<1x1x128xi32, #tpu.memory_space<hbm>> -> memref<128xi32, #tpu.memory_space<hbm>>
      tpu.enqueue_dma source(%dma_start3A_78 : memref<128xi32, #tpu.memory_space<hbm>>) target(%arg5 : memref<128xi32, #tpu.memory_space<vmem>>) target_semaphore(%run_scoped3A_72 : memref<!tpu.dma_semaphore, #tpu.memory_space<semaphore_mem>>)
      %dma_wait3A_79 = arith.constant 0 : i32
      %dma_wait3A_80 = tpu.memref_slice %arg3[%add3A, %run_scoped3A, %dma_wait3A_79] : memref<32x8x128xi32, #tpu.memory_space<hbm>> -> memref<1x1x128xi32, #tpu.memory_space<hbm>>
      %dma_wait3A_81 = tpu.memref_squeeze %dma_wait3A_80 : memref<1x1x128xi32, #tpu.memory_space<hbm>> -> memref<128xi32, #tpu.memory_space<hbm>>
      %dma_wait3A_82 = arith.constant 0 : i32
      %dma_wait3A_83 = tpu.memref_slice %arg3[%add3A, %run_scoped3A, %dma_wait3A_82] : memref<32x8x128xi32, #tpu.memory_space<hbm>> -> memref<1x1x128xi32, #tpu.memory_space<hbm>>
      %dma_wait3A_84 = tpu.memref_squeeze %dma_wait3A_83 : memref<1x1x128xi32, #tpu.memory_space<hbm>> -> memref<128xi32, #tpu.memory_space<hbm>>
      tpu.wait_dma2 semaphore(%run_scoped3A_72 : memref<!tpu.dma_semaphore, #tpu.memory_space<semaphore_mem>>) src(%dma_wait3A_84 : memref<128xi32, #tpu.memory_space<hbm>>) dst(%arg5 : memref<128xi32, #tpu.memory_space<vmem>>)
      tpu.yield
    }) : () -> ()
    %dma_start3A = arith.constant 0 : i32
    %dma_start3A_3 = arith.constant 0 : i32
    %dma_start3A_4 = tpu.memref_slice %arg2[%dma_start3A, %dma_start3A_3] : memref<8192x256xf32, #tpu.memory_space<hbm>> -> memref<8192x256xf32, #tpu.memory_space<hbm>>
    tpu.enqueue_indirect_dma source(%dma_start3A_4 : memref<8192x256xf32, #tpu.memory_space<hbm>>) target(%arg6 : memref<128x256xf32, #tpu.memory_space<vmem>>) offsets(%arg5 : memref<128xi32, #tpu.memory_space<vmem>>) semaphore(%arg7 : memref<!tpu.dma_semaphore, #tpu.memory_space<semaphore_mem>>)
    %dma_wait3A = arith.constant 0 : i32
    %dma_wait3A_5 = arith.constant 0 : i32
    %dma_wait3A_6 = tpu.memref_slice %arg2[%dma_wait3A, %dma_wait3A_5] : memref<8192x256xf32, #tpu.memory_space<hbm>> -> memref<8192x256xf32, #tpu.memory_space<hbm>>
    tpu.wait_indirect_dma semaphore(%arg7 : memref<!tpu.dma_semaphore, #tpu.memory_space<semaphore_mem>>) src(%dma_wait3A_6 : memref<8192x256xf32, #tpu.memory_space<hbm>>) dst(%arg6 : memref<128x256xf32, #tpu.memory_space<vmem>>)
    %add3A_7 = arith.constant 0 : i32
    %add3A_8 = arith.addi %mul3A_2, %add3A_7 : i32
    "tpu.region"() ({
      %run_scoped3A_72 = tpu.sem_alloc : memref<!tpu.dma_semaphore, #tpu.memory_space<semaphore_mem>>
      %dma_start3A_73 = arith.constant 0 : i32
      %dma_start3A_74 = tpu.memref_slice %arg4[%add3A_8, %dma_start3A_73] : memref<32768x256xf32, #tpu.memory_space<hbm>> -> memref<128x256xf32, #tpu.memory_space<hbm>>
      %dma_start3A_75 = arith.constant 0 : i32
      %dma_start3A_76 = tpu.memref_slice %arg4[%add3A_8, %dma_start3A_75] : memref<32768x256xf32, #tpu.memory_space<hbm>> -> memref<128x256xf32, #tpu.memory_space<hbm>>
      tpu.enqueue_dma source(%arg6 : memref<128x256xf32, #tpu.memory_space<vmem>>) target(%dma_start3A_76 : memref<128x256xf32, #tpu.memory_space<hbm>>) target_semaphore(%run_scoped3A_72 : memref<!tpu.dma_semaphore, #tpu.memory_space<semaphore_mem>>)
      %dma_wait3A_77 = arith.constant 0 : i32
      %dma_wait3A_78 = tpu.memref_slice %arg4[%add3A_8, %dma_wait3A_77] : memref<32768x256xf32, #tpu.memory_space<hbm>> -> memref<128x256xf32, #tpu.memory_space<hbm>>
      %dma_wait3A_79 = arith.constant 0 : i32
      %dma_wait3A_80 = tpu.memref_slice %arg4[%add3A_8, %dma_wait3A_79] : memref<32768x256xf32, #tpu.memory_space<hbm>> -> memref<128x256xf32, #tpu.memory_space<hbm>>
      tpu.wait_dma2 semaphore(%run_scoped3A_72 : memref<!tpu.dma_semaphore, #tpu.memory_space<semaphore_mem>>) src(%arg6 : memref<128x256xf32, #tpu.memory_space<vmem>>) dst(%dma_wait3A_80 : memref<128x256xf32, #tpu.memory_space<hbm>>)
      tpu.yield
    }) : () -> ()
    %run_scoped3A_9 = arith.constant 1 : i32
    "tpu.region"() ({
      %run_scoped3A_72 = tpu.sem_alloc : memref<!tpu.dma_semaphore, #tpu.memory_space<semaphore_mem>>
      %dma_start3A_73 = arith.constant 0 : i32
      %dma_start3A_74 = tpu.memref_slice %arg3[%add3A, %run_scoped3A_9, %dma_start3A_73] : memref<32x8x128xi32, #tpu.memory_space<hbm>> -> memref<1x1x128xi32, #tpu.memory_space<hbm>>
      %dma_start3A_75 = tpu.memref_squeeze %dma_start3A_74 : memref<1x1x128xi32, #tpu.memory_space<hbm>> -> memref<128xi32, #tpu.memory_space<hbm>>
      %dma_start3A_76 = arith.constant 0 : i32
      %dma_start3A_77 = tpu.memref_slice %arg3[%add3A, %run_scoped3A_9, %dma_start3A_76] : memref<32x8x128xi32, #tpu.memory_space<hbm>> -> memref<1x1x128xi32, #tpu.memory_space<hbm>>
      %dma_start3A_78 = tpu.memref_squeeze %dma_start3A_77 : memref<1x1x128xi32, #tpu.memory_space<hbm>> -> memref<128xi32, #tpu.memory_space<hbm>>
      tpu.enqueue_dma source(%dma_start3A_78 : memref<128xi32, #tpu.memory_space<hbm>>) target(%arg5 : memref<128xi32, #tpu.memory_space<vmem>>) target_semaphore(%run_scoped3A_72 : memref<!tpu.dma_semaphore, #tpu.memory_space<semaphore_mem>>)
      %dma_wait3A_79 = arith.constant 0 : i32
      %dma_wait3A_80 = tpu.memref_slice %arg3[%add3A, %run_scoped3A_9, %dma_wait3A_79] : memref<32x8x128xi32, #tpu.memory_space<hbm>> -> memref<1x1x128xi32, #tpu.memory_space<hbm>>
      %dma_wait3A_81 = tpu.memref_squeeze %dma_wait3A_80 : memref<1x1x128xi32, #tpu.memory_space<hbm>> -> memref<128xi32, #tpu.memory_space<hbm>>
      %dma_wait3A_82 = arith.constant 0 : i32
      %dma_wait3A_83 = tpu.memref_slice %arg3[%add3A, %run_scoped3A_9, %dma_wait3A_82] : memref<32x8x128xi32, #tpu.memory_space<hbm>> -> memref<1x1x128xi32, #tpu.memory_space<hbm>>
      %dma_wait3A_84 = tpu.memref_squeeze %dma_wait3A_83 : memref<1x1x128xi32, #tpu.memory_space<hbm>> -> memref<128xi32, #tpu.memory_space<hbm>>
      tpu.wait_dma2 semaphore(%run_scoped3A_72 : memref<!tpu.dma_semaphore, #tpu.memory_space<semaphore_mem>>) src(%dma_wait3A_84 : memref<128xi32, #tpu.memory_space<hbm>>) dst(%arg5 : memref<128xi32, #tpu.memory_space<vmem>>)
      tpu.yield
    }) : () -> ()
    %dma_start3A_10 = arith.constant 0 : i32
    %dma_start3A_11 = arith.constant 0 : i32
    %dma_start3A_12 = tpu.memref_slice %arg2[%dma_start3A_10, %dma_start3A_11] : memref<8192x256xf32, #tpu.memory_space<hbm>> -> memref<8192x256xf32, #tpu.memory_space<hbm>>
    tpu.enqueue_indirect_dma source(%dma_start3A_12 : memref<8192x256xf32, #tpu.memory_space<hbm>>) target(%arg6 : memref<128x256xf32, #tpu.memory_space<vmem>>) offsets(%arg5 : memref<128xi32, #tpu.memory_space<vmem>>) semaphore(%arg7 : memref<!tpu.dma_semaphore, #tpu.memory_space<semaphore_mem>>)
    %dma_wait3A_13 = arith.constant 0 : i32
    %dma_wait3A_14 = arith.constant 0 : i32
    %dma_wait3A_15 = tpu.memref_slice %arg2[%dma_wait3A_13, %dma_wait3A_14] : memref<8192x256xf32, #tpu.memory_space<hbm>> -> memref<8192x256xf32, #tpu.memory_space<hbm>>
    tpu.wait_indirect_dma semaphore(%arg7 : memref<!tpu.dma_semaphore, #tpu.memory_space<semaphore_mem>>) src(%dma_wait3A_15 : memref<8192x256xf32, #tpu.memory_space<hbm>>) dst(%arg6 : memref<128x256xf32, #tpu.memory_space<vmem>>)
    %add3A_16 = arith.constant 128 : i32
    %add3A_17 = arith.addi %mul3A_2, %add3A_16 : i32
    "tpu.region"() ({
      %run_scoped3A_72 = tpu.sem_alloc : memref<!tpu.dma_semaphore, #tpu.memory_space<semaphore_mem>>
      %dma_start3A_73 = arith.constant 0 : i32
      %dma_start3A_74 = tpu.memref_slice %arg4[%add3A_17, %dma_start3A_73] : memref<32768x256xf32, #tpu.memory_space<hbm>> -> memref<128x256xf32, #tpu.memory_space<hbm>>
      %dma_start3A_75 = arith.constant 0 : i32
      %dma_start3A_76 = tpu.memref_slice %arg4[%add3A_17, %dma_start3A_75] : memref<32768x256xf32, #tpu.memory_space<hbm>> -> memref<128x256xf32, #tpu.memory_space<hbm>>
      tpu.enqueue_dma source(%arg6 : memref<128x256xf32, #tpu.memory_space<vmem>>) target(%dma_start3A_76 : memref<128x256xf32, #tpu.memory_space<hbm>>) target_semaphore(%run_scoped3A_72 : memref<!tpu.dma_semaphore, #tpu.memory_space<semaphore_mem>>)
      %dma_wait3A_77 = arith.constant 0 : i32
      %dma_wait3A_78 = tpu.memref_slice %arg4[%add3A_17, %dma_wait3A_77] : memref<32768x256xf32, #tpu.memory_space<hbm>> -> memref<128x256xf32, #tpu.memory_space<hbm>>
      %dma_wait3A_79 = arith.constant 0 : i32
      %dma_wait3A_80 = tpu.memref_slice %arg4[%add3A_17, %dma_wait3A_79] : memref<32768x256xf32, #tpu.memory_space<hbm>> -> memref<128x256xf32, #tpu.memory_space<hbm>>
      tpu.wait_dma2 semaphore(%run_scoped3A_72 : memref<!tpu.dma_semaphore, #tpu.memory_space<semaphore_mem>>) src(%arg6 : memref<128x256xf32, #tpu.memory_space<vmem>>) dst(%dma_wait3A_80 : memref<128x256xf32, #tpu.memory_space<hbm>>)
      tpu.yield
    }) : () -> ()
    %run_scoped3A_18 = arith.constant 2 : i32
    "tpu.region"() ({
      %run_scoped3A_72 = tpu.sem_alloc : memref<!tpu.dma_semaphore, #tpu.memory_space<semaphore_mem>>
      %dma_start3A_73 = arith.constant 0 : i32
      %dma_start3A_74 = tpu.memref_slice %arg3[%add3A, %run_scoped3A_18, %dma_start3A_73] : memref<32x8x128xi32, #tpu.memory_space<hbm>> -> memref<1x1x128xi32, #tpu.memory_space<hbm>>
      %dma_start3A_75 = tpu.memref_squeeze %dma_start3A_74 : memref<1x1x128xi32, #tpu.memory_space<hbm>> -> memref<128xi32, #tpu.memory_space<hbm>>
      %dma_start3A_76 = arith.constant 0 : i32
      %dma_start3A_77 = tpu.memref_slice %arg3[%add3A, %run_scoped3A_18, %dma_start3A_76] : memref<32x8x128xi32, #tpu.memory_space<hbm>> -> memref<1x1x128xi32, #tpu.memory_space<hbm>>
      %dma_start3A_78 = tpu.memref_squeeze %dma_start3A_77 : memref<1x1x128xi32, #tpu.memory_space<hbm>> -> memref<128xi32, #tpu.memory_space<hbm>>
      tpu.enqueue_dma source(%dma_start3A_78 : memref<128xi32, #tpu.memory_space<hbm>>) target(%arg5 : memref<128xi32, #tpu.memory_space<vmem>>) target_semaphore(%run_scoped3A_72 : memref<!tpu.dma_semaphore, #tpu.memory_space<semaphore_mem>>)
      %dma_wait3A_79 = arith.constant 0 : i32
      %dma_wait3A_80 = tpu.memref_slice %arg3[%add3A, %run_scoped3A_18, %dma_wait3A_79] : memref<32x8x128xi32, #tpu.memory_space<hbm>> -> memref<1x1x128xi32, #tpu.memory_space<hbm>>
      %dma_wait3A_81 = tpu.memref_squeeze %dma_wait3A_80 : memref<1x1x128xi32, #tpu.memory_space<hbm>> -> memref<128xi32, #tpu.memory_space<hbm>>
      %dma_wait3A_82 = arith.constant 0 : i32
      %dma_wait3A_83 = tpu.memref_slice %arg3[%add3A, %run_scoped3A_18, %dma_wait3A_82] : memref<32x8x128xi32, #tpu.memory_space<hbm>> -> memref<1x1x128xi32, #tpu.memory_space<hbm>>
      %dma_wait3A_84 = tpu.memref_squeeze %dma_wait3A_83 : memref<1x1x128xi32, #tpu.memory_space<hbm>> -> memref<128xi32, #tpu.memory_space<hbm>>
      tpu.wait_dma2 semaphore(%run_scoped3A_72 : memref<!tpu.dma_semaphore, #tpu.memory_space<semaphore_mem>>) src(%dma_wait3A_84 : memref<128xi32, #tpu.memory_space<hbm>>) dst(%arg5 : memref<128xi32, #tpu.memory_space<vmem>>)
      tpu.yield
    }) : () -> ()
    %dma_start3A_19 = arith.constant 0 : i32
    %dma_start3A_20 = arith.constant 0 : i32
    %dma_start3A_21 = tpu.memref_slice %arg2[%dma_start3A_19, %dma_start3A_20] : memref<8192x256xf32, #tpu.memory_space<hbm>> -> memref<8192x256xf32, #tpu.memory_space<hbm>>
    tpu.enqueue_indirect_dma source(%dma_start3A_21 : memref<8192x256xf32, #tpu.memory_space<hbm>>) target(%arg6 : memref<128x256xf32, #tpu.memory_space<vmem>>) offsets(%arg5 : memref<128xi32, #tpu.memory_space<vmem>>) semaphore(%arg7 : memref<!tpu.dma_semaphore, #tpu.memory_space<semaphore_mem>>)
    %dma_wait3A_22 = arith.constant 0 : i32
    %dma_wait3A_23 = arith.constant 0 : i32
    %dma_wait3A_24 = tpu.memref_slice %arg2[%dma_wait3A_22, %dma_wait3A_23] : memref<8192x256xf32, #tpu.memory_space<hbm>> -> memref<8192x256xf32, #tpu.memory_space<hbm>>
    tpu.wait_indirect_dma semaphore(%arg7 : memref<!tpu.dma_semaphore, #tpu.memory_space<semaphore_mem>>) src(%dma_wait3A_24 : memref<8192x256xf32, #tpu.memory_space<hbm>>) dst(%arg6 : memref<128x256xf32, #tpu.memory_space<vmem>>)
    %add3A_25 = arith.constant 256 : i32
    %add3A_26 = arith.addi %mul3A_2, %add3A_25 : i32
    "tpu.region"() ({
      %run_scoped3A_72 = tpu.sem_alloc : memref<!tpu.dma_semaphore, #tpu.memory_space<semaphore_mem>>
      %dma_start3A_73 = arith.constant 0 : i32
      %dma_start3A_74 = tpu.memref_slice %arg4[%add3A_26, %dma_start3A_73] : memref<32768x256xf32, #tpu.memory_space<hbm>> -> memref<128x256xf32, #tpu.memory_space<hbm>>
      %dma_start3A_75 = arith.constant 0 : i32
      %dma_start3A_76 = tpu.memref_slice %arg4[%add3A_26, %dma_start3A_75] : memref<32768x256xf32, #tpu.memory_space<hbm>> -> memref<128x256xf32, #tpu.memory_space<hbm>>
      tpu.enqueue_dma source(%arg6 : memref<128x256xf32, #tpu.memory_space<vmem>>) target(%dma_start3A_76 : memref<128x256xf32, #tpu.memory_space<hbm>>) target_semaphore(%run_scoped3A_72 : memref<!tpu.dma_semaphore, #tpu.memory_space<semaphore_mem>>)
      %dma_wait3A_77 = arith.constant 0 : i32
      %dma_wait3A_78 = tpu.memref_slice %arg4[%add3A_26, %dma_wait3A_77] : memref<32768x256xf32, #tpu.memory_space<hbm>> -> memref<128x256xf32, #tpu.memory_space<hbm>>
      %dma_wait3A_79 = arith.constant 0 : i32
      %dma_wait3A_80 = tpu.memref_slice %arg4[%add3A_26, %dma_wait3A_79] : memref<32768x256xf32, #tpu.memory_space<hbm>> -> memref<128x256xf32, #tpu.memory_space<hbm>>
      tpu.wait_dma2 semaphore(%run_scoped3A_72 : memref<!tpu.dma_semaphore, #tpu.memory_space<semaphore_mem>>) src(%arg6 : memref<128x256xf32, #tpu.memory_space<vmem>>) dst(%dma_wait3A_80 : memref<128x256xf32, #tpu.memory_space<hbm>>)
      tpu.yield
    }) : () -> ()
    %run_scoped3A_27 = arith.constant 3 : i32
    "tpu.region"() ({
      %run_scoped3A_72 = tpu.sem_alloc : memref<!tpu.dma_semaphore, #tpu.memory_space<semaphore_mem>>
      %dma_start3A_73 = arith.constant 0 : i32
      %dma_start3A_74 = tpu.memref_slice %arg3[%add3A, %run_scoped3A_27, %dma_start3A_73] : memref<32x8x128xi32, #tpu.memory_space<hbm>> -> memref<1x1x128xi32, #tpu.memory_space<hbm>>
      %dma_start3A_75 = tpu.memref_squeeze %dma_start3A_74 : memref<1x1x128xi32, #tpu.memory_space<hbm>> -> memref<128xi32, #tpu.memory_space<hbm>>
      %dma_start3A_76 = arith.constant 0 : i32
      %dma_start3A_77 = tpu.memref_slice %arg3[%add3A, %run_scoped3A_27, %dma_start3A_76] : memref<32x8x128xi32, #tpu.memory_space<hbm>> -> memref<1x1x128xi32, #tpu.memory_space<hbm>>
      %dma_start3A_78 = tpu.memref_squeeze %dma_start3A_77 : memref<1x1x128xi32, #tpu.memory_space<hbm>> -> memref<128xi32, #tpu.memory_space<hbm>>
      tpu.enqueue_dma source(%dma_start3A_78 : memref<128xi32, #tpu.memory_space<hbm>>) target(%arg5 : memref<128xi32, #tpu.memory_space<vmem>>) target_semaphore(%run_scoped3A_72 : memref<!tpu.dma_semaphore, #tpu.memory_space<semaphore_mem>>)
      %dma_wait3A_79 = arith.constant 0 : i32
      %dma_wait3A_80 = tpu.memref_slice %arg3[%add3A, %run_scoped3A_27, %dma_wait3A_79] : memref<32x8x128xi32, #tpu.memory_space<hbm>> -> memref<1x1x128xi32, #tpu.memory_space<hbm>>
      %dma_wait3A_81 = tpu.memref_squeeze %dma_wait3A_80 : memref<1x1x128xi32, #tpu.memory_space<hbm>> -> memref<128xi32, #tpu.memory_space<hbm>>
      %dma_wait3A_82 = arith.constant 0 : i32
      %dma_wait3A_83 = tpu.memref_slice %arg3[%add3A, %run_scoped3A_27, %dma_wait3A_82] : memref<32x8x128xi32, #tpu.memory_space<hbm>> -> memref<1x1x128xi32, #tpu.memory_space<hbm>>
      %dma_wait3A_84 = tpu.memref_squeeze %dma_wait3A_83 : memref<1x1x128xi32, #tpu.memory_space<hbm>> -> memref<128xi32, #tpu.memory_space<hbm>>
      tpu.wait_dma2 semaphore(%run_scoped3A_72 : memref<!tpu.dma_semaphore, #tpu.memory_space<semaphore_mem>>) src(%dma_wait3A_84 : memref<128xi32, #tpu.memory_space<hbm>>) dst(%arg5 : memref<128xi32, #tpu.memory_space<vmem>>)
      tpu.yield
    }) : () -> ()
    %dma_start3A_28 = arith.constant 0 : i32
    %dma_start3A_29 = arith.constant 0 : i32
    %dma_start3A_30 = tpu.memref_slice %arg2[%dma_start3A_28, %dma_start3A_29] : memref<8192x256xf32, #tpu.memory_space<hbm>> -> memref<8192x256xf32, #tpu.memory_space<hbm>>
    tpu.enqueue_indirect_dma source(%dma_start3A_30 : memref<8192x256xf32, #tpu.memory_space<hbm>>) target(%arg6 : memref<128x256xf32, #tpu.memory_space<vmem>>) offsets(%arg5 : memref<128xi32, #tpu.memory_space<vmem>>) semaphore(%arg7 : memref<!tpu.dma_semaphore, #tpu.memory_space<semaphore_mem>>)
    %dma_wait3A_31 = arith.constant 0 : i32
    %dma_wait3A_32 = arith.constant 0 : i32
    %dma_wait3A_33 = tpu.memref_slice %arg2[%dma_wait3A_31, %dma_wait3A_32] : memref<8192x256xf32, #tpu.memory_space<hbm>> -> memref<8192x256xf32, #tpu.memory_space<hbm>>
    tpu.wait_indirect_dma semaphore(%arg7 : memref<!tpu.dma_semaphore, #tpu.memory_space<semaphore_mem>>) src(%dma_wait3A_33 : memref<8192x256xf32, #tpu.memory_space<hbm>>) dst(%arg6 : memref<128x256xf32, #tpu.memory_space<vmem>>)
    %add3A_34 = arith.constant 384 : i32
    %add3A_35 = arith.addi %mul3A_2, %add3A_34 : i32
    "tpu.region"() ({
      %run_scoped3A_72 = tpu.sem_alloc : memref<!tpu.dma_semaphore, #tpu.memory_space<semaphore_mem>>
      %dma_start3A_73 = arith.constant 0 : i32
      %dma_start3A_74 = tpu.memref_slice %arg4[%add3A_35, %dma_start3A_73] : memref<32768x256xf32, #tpu.memory_space<hbm>> -> memref<128x256xf32, #tpu.memory_space<hbm>>
      %dma_start3A_75 = arith.constant 0 : i32
      %dma_start3A_76 = tpu.memref_slice %arg4[%add3A_35, %dma_start3A_75] : memref<32768x256xf32, #tpu.memory_space<hbm>> -> memref<128x256xf32, #tpu.memory_space<hbm>>
      tpu.enqueue_dma source(%arg6 : memref<128x256xf32, #tpu.memory_space<vmem>>) target(%dma_start3A_76 : memref<128x256xf32, #tpu.memory_space<hbm>>) target_semaphore(%run_scoped3A_72 : memref<!tpu.dma_semaphore, #tpu.memory_space<semaphore_mem>>)
      %dma_wait3A_77 = arith.constant 0 : i32
      %dma_wait3A_78 = tpu.memref_slice %arg4[%add3A_35, %dma_wait3A_77] : memref<32768x256xf32, #tpu.memory_space<hbm>> -> memref<128x256xf32, #tpu.memory_space<hbm>>
      %dma_wait3A_79 = arith.constant 0 : i32
      %dma_wait3A_80 = tpu.memref_slice %arg4[%add3A_35, %dma_wait3A_79] : memref<32768x256xf32, #tpu.memory_space<hbm>> -> memref<128x256xf32, #tpu.memory_space<hbm>>
      tpu.wait_dma2 semaphore(%run_scoped3A_72 : memref<!tpu.dma_semaphore, #tpu.memory_space<semaphore_mem>>) src(%arg6 : memref<128x256xf32, #tpu.memory_space<vmem>>) dst(%dma_wait3A_80 : memref<128x256xf32, #tpu.memory_space<hbm>>)
      tpu.yield
    }) : () -> ()
    %run_scoped3A_36 = arith.constant 4 : i32
    "tpu.region"() ({
      %run_scoped3A_72 = tpu.sem_alloc : memref<!tpu.dma_semaphore, #tpu.memory_space<semaphore_mem>>
      %dma_start3A_73 = arith.constant 0 : i32
      %dma_start3A_74 = tpu.memref_slice %arg3[%add3A, %run_scoped3A_36, %dma_start3A_73] : memref<32x8x128xi32, #tpu.memory_space<hbm>> -> memref<1x1x128xi32, #tpu.memory_space<hbm>>
      %dma_start3A_75 = tpu.memref_squeeze %dma_start3A_74 : memref<1x1x128xi32, #tpu.memory_space<hbm>> -> memref<128xi32, #tpu.memory_space<hbm>>
      %dma_start3A_76 = arith.constant 0 : i32
      %dma_start3A_77 = tpu.memref_slice %arg3[%add3A, %run_scoped3A_36, %dma_start3A_76] : memref<32x8x128xi32, #tpu.memory_space<hbm>> -> memref<1x1x128xi32, #tpu.memory_space<hbm>>
      %dma_start3A_78 = tpu.memref_squeeze %dma_start3A_77 : memref<1x1x128xi32, #tpu.memory_space<hbm>> -> memref<128xi32, #tpu.memory_space<hbm>>
      tpu.enqueue_dma source(%dma_start3A_78 : memref<128xi32, #tpu.memory_space<hbm>>) target(%arg5 : memref<128xi32, #tpu.memory_space<vmem>>) target_semaphore(%run_scoped3A_72 : memref<!tpu.dma_semaphore, #tpu.memory_space<semaphore_mem>>)
      %dma_wait3A_79 = arith.constant 0 : i32
      %dma_wait3A_80 = tpu.memref_slice %arg3[%add3A, %run_scoped3A_36, %dma_wait3A_79] : memref<32x8x128xi32, #tpu.memory_space<hbm>> -> memref<1x1x128xi32, #tpu.memory_space<hbm>>
      %dma_wait3A_81 = tpu.memref_squeeze %dma_wait3A_80 : memref<1x1x128xi32, #tpu.memory_space<hbm>> -> memref<128xi32, #tpu.memory_space<hbm>>
      %dma_wait3A_82 = arith.constant 0 : i32
      %dma_wait3A_83 = tpu.memref_slice %arg3[%add3A, %run_scoped3A_36, %dma_wait3A_82] : memref<32x8x128xi32, #tpu.memory_space<hbm>> -> memref<1x1x128xi32, #tpu.memory_space<hbm>>
      %dma_wait3A_84 = tpu.memref_squeeze %dma_wait3A_83 : memref<1x1x128xi32, #tpu.memory_space<hbm>> -> memref<128xi32, #tpu.memory_space<hbm>>
      tpu.wait_dma2 semaphore(%run_scoped3A_72 : memref<!tpu.dma_semaphore, #tpu.memory_space<semaphore_mem>>) src(%dma_wait3A_84 : memref<128xi32, #tpu.memory_space<hbm>>) dst(%arg5 : memref<128xi32, #tpu.memory_space<vmem>>)
      tpu.yield
    }) : () -> ()
    %dma_start3A_37 = arith.constant 0 : i32
    %dma_start3A_38 = arith.constant 0 : i32
    %dma_start3A_39 = tpu.memref_slice %arg2[%dma_start3A_37, %dma_start3A_38] : memref<8192x256xf32, #tpu.memory_space<hbm>> -> memref<8192x256xf32, #tpu.memory_space<hbm>>
    tpu.enqueue_indirect_dma source(%dma_start3A_39 : memref<8192x256xf32, #tpu.memory_space<hbm>>) target(%arg6 : memref<128x256xf32, #tpu.memory_space<vmem>>) offsets(%arg5 : memref<128xi32, #tpu.memory_space<vmem>>) semaphore(%arg7 : memref<!tpu.dma_semaphore, #tpu.memory_space<semaphore_mem>>)
    %dma_wait3A_40 = arith.constant 0 : i32
    %dma_wait3A_41 = arith.constant 0 : i32
    %dma_wait3A_42 = tpu.memref_slice %arg2[%dma_wait3A_40, %dma_wait3A_41] : memref<8192x256xf32, #tpu.memory_space<hbm>> -> memref<8192x256xf32, #tpu.memory_space<hbm>>
    tpu.wait_indirect_dma semaphore(%arg7 : memref<!tpu.dma_semaphore, #tpu.memory_space<semaphore_mem>>) src(%dma_wait3A_42 : memref<8192x256xf32, #tpu.memory_space<hbm>>) dst(%arg6 : memref<128x256xf32, #tpu.memory_space<vmem>>)
    %add3A_43 = arith.constant 512 : i32
    %add3A_44 = arith.addi %mul3A_2, %add3A_43 : i32
    "tpu.region"() ({
      %run_scoped3A_72 = tpu.sem_alloc : memref<!tpu.dma_semaphore, #tpu.memory_space<semaphore_mem>>
      %dma_start3A_73 = arith.constant 0 : i32
      %dma_start3A_74 = tpu.memref_slice %arg4[%add3A_44, %dma_start3A_73] : memref<32768x256xf32, #tpu.memory_space<hbm>> -> memref<128x256xf32, #tpu.memory_space<hbm>>
      %dma_start3A_75 = arith.constant 0 : i32
      %dma_start3A_76 = tpu.memref_slice %arg4[%add3A_44, %dma_start3A_75] : memref<32768x256xf32, #tpu.memory_space<hbm>> -> memref<128x256xf32, #tpu.memory_space<hbm>>
      tpu.enqueue_dma source(%arg6 : memref<128x256xf32, #tpu.memory_space<vmem>>) target(%dma_start3A_76 : memref<128x256xf32, #tpu.memory_space<hbm>>) target_semaphore(%run_scoped3A_72 : memref<!tpu.dma_semaphore, #tpu.memory_space<semaphore_mem>>)
      %dma_wait3A_77 = arith.constant 0 : i32
      %dma_wait3A_78 = tpu.memref_slice %arg4[%add3A_44, %dma_wait3A_77] : memref<32768x256xf32, #tpu.memory_space<hbm>> -> memref<128x256xf32, #tpu.memory_space<hbm>>
      %dma_wait3A_79 = arith.constant 0 : i32
      %dma_wait3A_80 = tpu.memref_slice %arg4[%add3A_44, %dma_wait3A_79] : memref<32768x256xf32, #tpu.memory_space<hbm>> -> memref<128x256xf32, #tpu.memory_space<hbm>>
      tpu.wait_dma2 semaphore(%run_scoped3A_72 : memref<!tpu.dma_semaphore, #tpu.memory_space<semaphore_mem>>) src(%arg6 : memref<128x256xf32, #tpu.memory_space<vmem>>) dst(%dma_wait3A_80 : memref<128x256xf32, #tpu.memory_space<hbm>>)
      tpu.yield
    }) : () -> ()
    %run_scoped3A_45 = arith.constant 5 : i32
    "tpu.region"() ({
      %run_scoped3A_72 = tpu.sem_alloc : memref<!tpu.dma_semaphore, #tpu.memory_space<semaphore_mem>>
      %dma_start3A_73 = arith.constant 0 : i32
      %dma_start3A_74 = tpu.memref_slice %arg3[%add3A, %run_scoped3A_45, %dma_start3A_73] : memref<32x8x128xi32, #tpu.memory_space<hbm>> -> memref<1x1x128xi32, #tpu.memory_space<hbm>>
      %dma_start3A_75 = tpu.memref_squeeze %dma_start3A_74 : memref<1x1x128xi32, #tpu.memory_space<hbm>> -> memref<128xi32, #tpu.memory_space<hbm>>
      %dma_start3A_76 = arith.constant 0 : i32
      %dma_start3A_77 = tpu.memref_slice %arg3[%add3A, %run_scoped3A_45, %dma_start3A_76] : memref<32x8x128xi32, #tpu.memory_space<hbm>> -> memref<1x1x128xi32, #tpu.memory_space<hbm>>
      %dma_start3A_78 = tpu.memref_squeeze %dma_start3A_77 : memref<1x1x128xi32, #tpu.memory_space<hbm>> -> memref<128xi32, #tpu.memory_space<hbm>>
      tpu.enqueue_dma source(%dma_start3A_78 : memref<128xi32, #tpu.memory_space<hbm>>) target(%arg5 : memref<128xi32, #tpu.memory_space<vmem>>) target_semaphore(%run_scoped3A_72 : memref<!tpu.dma_semaphore, #tpu.memory_space<semaphore_mem>>)
      %dma_wait3A_79 = arith.constant 0 : i32
      %dma_wait3A_80 = tpu.memref_slice %arg3[%add3A, %run_scoped3A_45, %dma_wait3A_79] : memref<32x8x128xi32, #tpu.memory_space<hbm>> -> memref<1x1x128xi32, #tpu.memory_space<hbm>>
      %dma_wait3A_81 = tpu.memref_squeeze %dma_wait3A_80 : memref<1x1x128xi32, #tpu.memory_space<hbm>> -> memref<128xi32, #tpu.memory_space<hbm>>
      %dma_wait3A_82 = arith.constant 0 : i32
      %dma_wait3A_83 = tpu.memref_slice %arg3[%add3A, %run_scoped3A_45, %dma_wait3A_82] : memref<32x8x128xi32, #tpu.memory_space<hbm>> -> memref<1x1x128xi32, #tpu.memory_space<hbm>>
      %dma_wait3A_84 = tpu.memref_squeeze %dma_wait3A_83 : memref<1x1x128xi32, #tpu.memory_space<hbm>> -> memref<128xi32, #tpu.memory_space<hbm>>
      tpu.wait_dma2 semaphore(%run_scoped3A_72 : memref<!tpu.dma_semaphore, #tpu.memory_space<semaphore_mem>>) src(%dma_wait3A_84 : memref<128xi32, #tpu.memory_space<hbm>>) dst(%arg5 : memref<128xi32, #tpu.memory_space<vmem>>)
      tpu.yield
    }) : () -> ()
    %dma_start3A_46 = arith.constant 0 : i32
    %dma_start3A_47 = arith.constant 0 : i32
    %dma_start3A_48 = tpu.memref_slice %arg2[%dma_start3A_46, %dma_start3A_47] : memref<8192x256xf32, #tpu.memory_space<hbm>> -> memref<8192x256xf32, #tpu.memory_space<hbm>>
    tpu.enqueue_indirect_dma source(%dma_start3A_48 : memref<8192x256xf32, #tpu.memory_space<hbm>>) target(%arg6 : memref<128x256xf32, #tpu.memory_space<vmem>>) offsets(%arg5 : memref<128xi32, #tpu.memory_space<vmem>>) semaphore(%arg7 : memref<!tpu.dma_semaphore, #tpu.memory_space<semaphore_mem>>)
    %dma_wait3A_49 = arith.constant 0 : i32
    %dma_wait3A_50 = arith.constant 0 : i32
    %dma_wait3A_51 = tpu.memref_slice %arg2[%dma_wait3A_49, %dma_wait3A_50] : memref<8192x256xf32, #tpu.memory_space<hbm>> -> memref<8192x256xf32, #tpu.memory_space<hbm>>
    tpu.wait_indirect_dma semaphore(%arg7 : memref<!tpu.dma_semaphore, #tpu.memory_space<semaphore_mem>>) src(%dma_wait3A_51 : memref<8192x256xf32, #tpu.memory_space<hbm>>) dst(%arg6 : memref<128x256xf32, #tpu.memory_space<vmem>>)
    %add3A_52 = arith.constant 640 : i32
    %add3A_53 = arith.addi %mul3A_2, %add3A_52 : i32
    "tpu.region"() ({
      %run_scoped3A_72 = tpu.sem_alloc : memref<!tpu.dma_semaphore, #tpu.memory_space<semaphore_mem>>
      %dma_start3A_73 = arith.constant 0 : i32
      %dma_start3A_74 = tpu.memref_slice %arg4[%add3A_53, %dma_start3A_73] : memref<32768x256xf32, #tpu.memory_space<hbm>> -> memref<128x256xf32, #tpu.memory_space<hbm>>
      %dma_start3A_75 = arith.constant 0 : i32
      %dma_start3A_76 = tpu.memref_slice %arg4[%add3A_53, %dma_start3A_75] : memref<32768x256xf32, #tpu.memory_space<hbm>> -> memref<128x256xf32, #tpu.memory_space<hbm>>
      tpu.enqueue_dma source(%arg6 : memref<128x256xf32, #tpu.memory_space<vmem>>) target(%dma_start3A_76 : memref<128x256xf32, #tpu.memory_space<hbm>>) target_semaphore(%run_scoped3A_72 : memref<!tpu.dma_semaphore, #tpu.memory_space<semaphore_mem>>)
      %dma_wait3A_77 = arith.constant 0 : i32
      %dma_wait3A_78 = tpu.memref_slice %arg4[%add3A_53, %dma_wait3A_77] : memref<32768x256xf32, #tpu.memory_space<hbm>> -> memref<128x256xf32, #tpu.memory_space<hbm>>
      %dma_wait3A_79 = arith.constant 0 : i32
      %dma_wait3A_80 = tpu.memref_slice %arg4[%add3A_53, %dma_wait3A_79] : memref<32768x256xf32, #tpu.memory_space<hbm>> -> memref<128x256xf32, #tpu.memory_space<hbm>>
      tpu.wait_dma2 semaphore(%run_scoped3A_72 : memref<!tpu.dma_semaphore, #tpu.memory_space<semaphore_mem>>) src(%arg6 : memref<128x256xf32, #tpu.memory_space<vmem>>) dst(%dma_wait3A_80 : memref<128x256xf32, #tpu.memory_space<hbm>>)
      tpu.yield
    }) : () -> ()
    %run_scoped3A_54 = arith.constant 6 : i32
    "tpu.region"() ({
      %run_scoped3A_72 = tpu.sem_alloc : memref<!tpu.dma_semaphore, #tpu.memory_space<semaphore_mem>>
      %dma_start3A_73 = arith.constant 0 : i32
      %dma_start3A_74 = tpu.memref_slice %arg3[%add3A, %run_scoped3A_54, %dma_start3A_73] : memref<32x8x128xi32, #tpu.memory_space<hbm>> -> memref<1x1x128xi32, #tpu.memory_space<hbm>>
      %dma_start3A_75 = tpu.memref_squeeze %dma_start3A_74 : memref<1x1x128xi32, #tpu.memory_space<hbm>> -> memref<128xi32, #tpu.memory_space<hbm>>
      %dma_start3A_76 = arith.constant 0 : i32
      %dma_start3A_77 = tpu.memref_slice %arg3[%add3A, %run_scoped3A_54, %dma_start3A_76] : memref<32x8x128xi32, #tpu.memory_space<hbm>> -> memref<1x1x128xi32, #tpu.memory_space<hbm>>
      %dma_start3A_78 = tpu.memref_squeeze %dma_start3A_77 : memref<1x1x128xi32, #tpu.memory_space<hbm>> -> memref<128xi32, #tpu.memory_space<hbm>>
      tpu.enqueue_dma source(%dma_start3A_78 : memref<128xi32, #tpu.memory_space<hbm>>) target(%arg5 : memref<128xi32, #tpu.memory_space<vmem>>) target_semaphore(%run_scoped3A_72 : memref<!tpu.dma_semaphore, #tpu.memory_space<semaphore_mem>>)
      %dma_wait3A_79 = arith.constant 0 : i32
      %dma_wait3A_80 = tpu.memref_slice %arg3[%add3A, %run_scoped3A_54, %dma_wait3A_79] : memref<32x8x128xi32, #tpu.memory_space<hbm>> -> memref<1x1x128xi32, #tpu.memory_space<hbm>>
      %dma_wait3A_81 = tpu.memref_squeeze %dma_wait3A_80 : memref<1x1x128xi32, #tpu.memory_space<hbm>> -> memref<128xi32, #tpu.memory_space<hbm>>
      %dma_wait3A_82 = arith.constant 0 : i32
      %dma_wait3A_83 = tpu.memref_slice %arg3[%add3A, %run_scoped3A_54, %dma_wait3A_82] : memref<32x8x128xi32, #tpu.memory_space<hbm>> -> memref<1x1x128xi32, #tpu.memory_space<hbm>>
      %dma_wait3A_84 = tpu.memref_squeeze %dma_wait3A_83 : memref<1x1x128xi32, #tpu.memory_space<hbm>> -> memref<128xi32, #tpu.memory_space<hbm>>
      tpu.wait_dma2 semaphore(%run_scoped3A_72 : memref<!tpu.dma_semaphore, #tpu.memory_space<semaphore_mem>>) src(%dma_wait3A_84 : memref<128xi32, #tpu.memory_space<hbm>>) dst(%arg5 : memref<128xi32, #tpu.memory_space<vmem>>)
      tpu.yield
    }) : () -> ()
    %dma_start3A_55 = arith.constant 0 : i32
    %dma_start3A_56 = arith.constant 0 : i32
    %dma_start3A_57 = tpu.memref_slice %arg2[%dma_start3A_55, %dma_start3A_56] : memref<8192x256xf32, #tpu.memory_space<hbm>> -> memref<8192x256xf32, #tpu.memory_space<hbm>>
    tpu.enqueue_indirect_dma source(%dma_start3A_57 : memref<8192x256xf32, #tpu.memory_space<hbm>>) target(%arg6 : memref<128x256xf32, #tpu.memory_space<vmem>>) offsets(%arg5 : memref<128xi32, #tpu.memory_space<vmem>>) semaphore(%arg7 : memref<!tpu.dma_semaphore, #tpu.memory_space<semaphore_mem>>)
    %dma_wait3A_58 = arith.constant 0 : i32
    %dma_wait3A_59 = arith.constant 0 : i32
    %dma_wait3A_60 = tpu.memref_slice %arg2[%dma_wait3A_58, %dma_wait3A_59] : memref<8192x256xf32, #tpu.memory_space<hbm>> -> memref<8192x256xf32, #tpu.memory_space<hbm>>
    tpu.wait_indirect_dma semaphore(%arg7 : memref<!tpu.dma_semaphore, #tpu.memory_space<semaphore_mem>>) src(%dma_wait3A_60 : memref<8192x256xf32, #tpu.memory_space<hbm>>) dst(%arg6 : memref<128x256xf32, #tpu.memory_space<vmem>>)
    %add3A_61 = arith.constant 768 : i32
    %add3A_62 = arith.addi %mul3A_2, %add3A_61 : i32
    "tpu.region"() ({
      %run_scoped3A_72 = tpu.sem_alloc : memref<!tpu.dma_semaphore, #tpu.memory_space<semaphore_mem>>
      %dma_start3A_73 = arith.constant 0 : i32
      %dma_start3A_74 = tpu.memref_slice %arg4[%add3A_62, %dma_start3A_73] : memref<32768x256xf32, #tpu.memory_space<hbm>> -> memref<128x256xf32, #tpu.memory_space<hbm>>
      %dma_start3A_75 = arith.constant 0 : i32
      %dma_start3A_76 = tpu.memref_slice %arg4[%add3A_62, %dma_start3A_75] : memref<32768x256xf32, #tpu.memory_space<hbm>> -> memref<128x256xf32, #tpu.memory_space<hbm>>
      tpu.enqueue_dma source(%arg6 : memref<128x256xf32, #tpu.memory_space<vmem>>) target(%dma_start3A_76 : memref<128x256xf32, #tpu.memory_space<hbm>>) target_semaphore(%run_scoped3A_72 : memref<!tpu.dma_semaphore, #tpu.memory_space<semaphore_mem>>)
      %dma_wait3A_77 = arith.constant 0 : i32
      %dma_wait3A_78 = tpu.memref_slice %arg4[%add3A_62, %dma_wait3A_77] : memref<32768x256xf32, #tpu.memory_space<hbm>> -> memref<128x256xf32, #tpu.memory_space<hbm>>
      %dma_wait3A_79 = arith.constant 0 : i32
      %dma_wait3A_80 = tpu.memref_slice %arg4[%add3A_62, %dma_wait3A_79] : memref<32768x256xf32, #tpu.memory_space<hbm>> -> memref<128x256xf32, #tpu.memory_space<hbm>>
      tpu.wait_dma2 semaphore(%run_scoped3A_72 : memref<!tpu.dma_semaphore, #tpu.memory_space<semaphore_mem>>) src(%arg6 : memref<128x256xf32, #tpu.memory_space<vmem>>) dst(%dma_wait3A_80 : memref<128x256xf32, #tpu.memory_space<hbm>>)
      tpu.yield
    }) : () -> ()
    %run_scoped3A_63 = arith.constant 7 : i32
    "tpu.region"() ({
      %run_scoped3A_72 = tpu.sem_alloc : memref<!tpu.dma_semaphore, #tpu.memory_space<semaphore_mem>>
      %dma_start3A_73 = arith.constant 0 : i32
      %dma_start3A_74 = tpu.memref_slice %arg3[%add3A, %run_scoped3A_63, %dma_start3A_73] : memref<32x8x128xi32, #tpu.memory_space<hbm>> -> memref<1x1x128xi32, #tpu.memory_space<hbm>>
      %dma_start3A_75 = tpu.memref_squeeze %dma_start3A_74 : memref<1x1x128xi32, #tpu.memory_space<hbm>> -> memref<128xi32, #tpu.memory_space<hbm>>
      %dma_start3A_76 = arith.constant 0 : i32
      %dma_start3A_77 = tpu.memref_slice %arg3[%add3A, %run_scoped3A_63, %dma_start3A_76] : memref<32x8x128xi32, #tpu.memory_space<hbm>> -> memref<1x1x128xi32, #tpu.memory_space<hbm>>
      %dma_start3A_78 = tpu.memref_squeeze %dma_start3A_77 : memref<1x1x128xi32, #tpu.memory_space<hbm>> -> memref<128xi32, #tpu.memory_space<hbm>>
      tpu.enqueue_dma source(%dma_start3A_78 : memref<128xi32, #tpu.memory_space<hbm>>) target(%arg5 : memref<128xi32, #tpu.memory_space<vmem>>) target_semaphore(%run_scoped3A_72 : memref<!tpu.dma_semaphore, #tpu.memory_space<semaphore_mem>>)
      %dma_wait3A_79 = arith.constant 0 : i32
      %dma_wait3A_80 = tpu.memref_slice %arg3[%add3A, %run_scoped3A_63, %dma_wait3A_79] : memref<32x8x128xi32, #tpu.memory_space<hbm>> -> memref<1x1x128xi32, #tpu.memory_space<hbm>>
      %dma_wait3A_81 = tpu.memref_squeeze %dma_wait3A_80 : memref<1x1x128xi32, #tpu.memory_space<hbm>> -> memref<128xi32, #tpu.memory_space<hbm>>
      %dma_wait3A_82 = arith.constant 0 : i32
      %dma_wait3A_83 = tpu.memref_slice %arg3[%add3A, %run_scoped3A_63, %dma_wait3A_82] : memref<32x8x128xi32, #tpu.memory_space<hbm>> -> memref<1x1x128xi32, #tpu.memory_space<hbm>>
      %dma_wait3A_84 = tpu.memref_squeeze %dma_wait3A_83 : memref<1x1x128xi32, #tpu.memory_space<hbm>> -> memref<128xi32, #tpu.memory_space<hbm>>
      tpu.wait_dma2 semaphore(%run_scoped3A_72 : memref<!tpu.dma_semaphore, #tpu.memory_space<semaphore_mem>>) src(%dma_wait3A_84 : memref<128xi32, #tpu.memory_space<hbm>>) dst(%arg5 : memref<128xi32, #tpu.memory_space<vmem>>)
      tpu.yield
    }) : () -> ()
    %dma_start3A_64 = arith.constant 0 : i32
    %dma_start3A_65 = arith.constant 0 : i32
    %dma_start3A_66 = tpu.memref_slice %arg2[%dma_start3A_64, %dma_start3A_65] : memref<8192x256xf32, #tpu.memory_space<hbm>> -> memref<8192x256xf32, #tpu.memory_space<hbm>>
    tpu.enqueue_indirect_dma source(%dma_start3A_66 : memref<8192x256xf32, #tpu.memory_space<hbm>>) target(%arg6 : memref<128x256xf32, #tpu.memory_space<vmem>>) offsets(%arg5 : memref<128xi32, #tpu.memory_space<vmem>>) semaphore(%arg7 : memref<!tpu.dma_semaphore, #tpu.memory_space<semaphore_mem>>)
    %dma_wait3A_67 = arith.constant 0 : i32
    %dma_wait3A_68 = arith.constant 0 : i32
    %dma_wait3A_69 = tpu.memref_slice %arg2[%dma_wait3A_67, %dma_wait3A_68] : memref<8192x256xf32, #tpu.memory_space<hbm>> -> memref<8192x256xf32, #tpu.memory_space<hbm>>
    tpu.wait_indirect_dma semaphore(%arg7 : memref<!tpu.dma_semaphore, #tpu.memory_space<semaphore_mem>>) src(%dma_wait3A_69 : memref<8192x256xf32, #tpu.memory_space<hbm>>) dst(%arg6 : memref<128x256xf32, #tpu.memory_space<vmem>>)
    %add3A_70 = arith.constant 896 : i32
    %add3A_71 = arith.addi %mul3A_2, %add3A_70 : i32
    "tpu.region"() ({
      %run_scoped3A_72 = tpu.sem_alloc : memref<!tpu.dma_semaphore, #tpu.memory_space<semaphore_mem>>
      %dma_start3A_73 = arith.constant 0 : i32
      %dma_start3A_74 = tpu.memref_slice %arg4[%add3A_71, %dma_start3A_73] : memref<32768x256xf32, #tpu.memory_space<hbm>> -> memref<128x256xf32, #tpu.memory_space<hbm>>
      %dma_start3A_75 = arith.constant 0 : i32
      %dma_start3A_76 = tpu.memref_slice %arg4[%add3A_71, %dma_start3A_75] : memref<32768x256xf32, #tpu.memory_space<hbm>> -> memref<128x256xf32, #tpu.memory_space<hbm>>
      tpu.enqueue_dma source(%arg6 : memref<128x256xf32, #tpu.memory_space<vmem>>) target(%dma_start3A_76 : memref<128x256xf32, #tpu.memory_space<hbm>>) target_semaphore(%run_scoped3A_72 : memref<!tpu.dma_semaphore, #tpu.memory_space<semaphore_mem>>)
      %dma_wait3A_77 = arith.constant 0 : i32
      %dma_wait3A_78 = tpu.memref_slice %arg4[%add3A_71, %dma_wait3A_77] : memref<32768x256xf32, #tpu.memory_space<hbm>> -> memref<128x256xf32, #tpu.memory_space<hbm>>
      %dma_wait3A_79 = arith.constant 0 : i32
      %dma_wait3A_80 = tpu.memref_slice %arg4[%add3A_71, %dma_wait3A_79] : memref<32768x256xf32, #tpu.memory_space<hbm>> -> memref<128x256xf32, #tpu.memory_space<hbm>>
      tpu.wait_dma2 semaphore(%run_scoped3A_72 : memref<!tpu.dma_semaphore, #tpu.memory_space<semaphore_mem>>) src(%arg6 : memref<128x256xf32, #tpu.memory_space<vmem>>) dst(%dma_wait3A_80 : memref<128x256xf32, #tpu.memory_space<hbm>>)
      tpu.yield
    }) : () -> ()
    return
  }
}

module attributes {stable_mosaic.version = 14 : i64} {
  func.func @_first_body(%arg0: i32, %arg1: memref<256x256xf32, #tpu.memory_space<vmem>>, %arg2: memref<8192x256xf32, #tpu.memory_space<vmem>>, %arg3: memref<1x1x256xi32, #tpu.memory_space<vmem>>, %arg4: memref<1x1x256xf32, #tpu.memory_space<vmem>>, %arg5: memref<8192x256xf32, #tpu.memory_space<vmem>>) attributes {dimension_semantics = [#tpu.dimension_semantics<arbitrary>], iteration_bounds = array<i64: 128>, scalar_prefetch = 0 : i64, scratch_operands = 1 : i64, tpu.core_type = #tpu.core_type<tc>, window_params = [{transform_indices = @transform_0, window_bounds = array<i64: 256, 256>}, {pipeline_mode = #tpu.pipeline_mode<synchronous>, transform_indices = @transform_1, window_bounds = array<i64: 8192, 256>}, {transform_indices = @transform_2, window_bounds = array<i64: 1, 1, 256>}, {transform_indices = @transform_3, window_bounds = array<i64: 1, 1, 256>}]} {
    %eq3A = arith.constant 0 : i32
    %eq3A_0 = arith.cmpi eq, %arg0, %eq3A : i32
    %convert_element_type3A = arith.extui %eq3A_0 : i1 to i32
    %cond3A = arith.constant 0 : i32
    %cond3A_1 = arith.cmpi ne, %convert_element_type3A, %cond3A : i32
    scf.if %cond3A_1 {
      %get3A_29 = arith.constant 0 : index
      %get3A_30 = arith.constant 0 : index
      %get3A_31 = vector.load %arg2[%get3A_29, %get3A_30] : memref<8192x256xf32, #tpu.memory_space<vmem>>, vector<8192x256xf32>
      %mul3A_32 = arith.mulf %get3A_31, %get3A_31 : vector<8192x256xf32>
      %reduce_sum3A_33 = arith.constant dense<0.000000e+00> : vector<8192xf32>
      %reduce_sum3A_34 = vector.multi_reduction <add>, %mul3A_32, %reduce_sum3A_33 [1] : vector<8192x256xf32> to vector<8192xf32>
      %broadcast_in_dim3A_35 = vector.shape_cast %reduce_sum3A_34 : vector<8192xf32> to vector<8192x1xf32>
      %sqrt3A_36 = math.sqrt %broadcast_in_dim3A_35 : vector<8192x1xf32>
      %add3A_37 = arith.constant 9.99999996E-13 : f32
      %add3A_38 = vector.broadcast %add3A_37 : f32 to vector<8192x1xf32>
      %add3A_39 = arith.addf %sqrt3A_36, %add3A_38 : vector<8192x1xf32>
      %div3A_40 = vector.broadcast %add3A_39 : vector<8192x1xf32> to vector<8192x256xf32>
      %div3A_41 = arith.divf %get3A_31, %div3A_40 : vector<8192x256xf32>
      %swap3A_42 = arith.constant 0 : index
      %swap3A_43 = arith.constant 0 : index
      %swap3A_44 = vector.load %arg5[%swap3A_42, %swap3A_43] : memref<8192x256xf32, #tpu.memory_space<vmem>>, vector<8192x256xf32>
      tpu.vector_store %arg5[%swap3A_42, %swap3A_43], %div3A_41 {strides = array<i32>} : memref<8192x256xf32, #tpu.memory_space<vmem>>, vector<8192x256xf32>,
    } else {
    }
    %get3A = arith.constant 0 : index
    %get3A_2 = arith.constant 0 : index
    %get3A_3 = vector.load %arg1[%get3A, %get3A_2] : memref<256x256xf32, #tpu.memory_space<vmem>>, vector<256x256xf32>
    %mul3A = arith.mulf %get3A_3, %get3A_3 : vector<256x256xf32>
    %reduce_sum3A = arith.constant dense<0.000000e+00> : vector<256xf32>
    %reduce_sum3A_4 = vector.multi_reduction <add>, %mul3A, %reduce_sum3A [1] : vector<256x256xf32> to vector<256xf32>
    %broadcast_in_dim3A = vector.shape_cast %reduce_sum3A_4 : vector<256xf32> to vector<256x1xf32>
    %sqrt3A = math.sqrt %broadcast_in_dim3A : vector<256x1xf32>
    %add3A = arith.constant 9.99999996E-13 : f32
    %add3A_5 = vector.broadcast %add3A : f32 to vector<256x1xf32>
    %add3A_6 = arith.addf %sqrt3A, %add3A_5 : vector<256x1xf32>
    %div3A = vector.broadcast %add3A_6 : vector<256x1xf32> to vector<256x256xf32>
    %div3A_7 = arith.divf %get3A_3, %div3A : vector<256x256xf32>
    %get3A_8 = arith.constant 0 : index
    %get3A_9 = arith.constant 0 : index
    %get3A_10 = vector.load %arg5[%get3A_8, %get3A_9] : memref<8192x256xf32, #tpu.memory_space<vmem>>, vector<8192x256xf32>
    %dot_general3A = arith.constant dense<0.000000e+00> : vector<256x8192xf32>
    %dot_general3A_11 = tpu.matmul %div3A_7, %get3A_10, %dot_general3A {dimension_numbers = #tpu.dot_dimension_numbers<[1], [1], [0], [0], [0, 0, 1, 0], [], []>, transpose_lhs_hint = false} : vector<256x256xf32>, vector<8192x256xf32>, vector<256x8192xf32> -> vector<256x8192xf32>
    %reduce_max3A = arith.constant dense<0xFF800000> : vector<256xf32>
    %reduce_max3A_12 = vector.multi_reduction <maximumf>, %dot_general3A_11, %reduce_max3A [1] : vector<256x8192xf32> to vector<256xf32>
    %iota3A = tpu.iota {dimensions = array<i32: 1>} : vector<256x8192xi32>
    %broadcast_in_dim3A_13 = vector.shape_cast %reduce_max3A_12 : vector<256xf32> to vector<256x1xf32>
    %eq3A_14 = vector.broadcast %broadcast_in_dim3A_13 : vector<256x1xf32> to vector<256x8192xf32>
    %eq3A_15 = arith.cmpf oeq, %dot_general3A_11, %eq3A_14 : vector<256x8192xf32>
    %jit3A = arith.constant 8192 : i32
    %broadcast_in_dim3A_16 = vector.broadcast %jit3A : i32 to vector<256x8192xi32>
    %select_n3A = arith.select %eq3A_15, %iota3A, %broadcast_in_dim3A_16 : vector<256x8192xi1>, vector<256x8192xi32>
    %reduce_min3A = arith.constant dense<2147483647> : vector<256xi32>
    %reduce_min3A_17 = vector.multi_reduction <minsi>, %select_n3A, %reduce_min3A [1] : vector<256x8192xi32> to vector<256xi32>
    %swap3A = arith.constant 0 : index
    %swap3A_18 = arith.constant 0 : index
    %swap3A_19 = arith.constant 0 : index
    %swap3A_20 = vector.load %arg3[%swap3A, %swap3A_18, %swap3A_19] : memref<1x1x256xi32, #tpu.memory_space<vmem>>, vector<1x1x256xi32>
    %swap3A_21 = vector.shape_cast %swap3A_20 : vector<1x1x256xi32> to vector<256xi32>
    %swap3A_22 = vector.shape_cast %reduce_min3A_17 : vector<256xi32> to vector<1x1x256xi32>
    tpu.vector_store %arg3[%swap3A, %swap3A_18, %swap3A_19], %swap3A_22 {strides = array<i32>} : memref<1x1x256xi32, #tpu.memory_space<vmem>>, vector<1x1x256xi32>,
    %swap3A_23 = arith.constant 0 : index
    %swap3A_24 = arith.constant 0 : index
    %swap3A_25 = arith.constant 0 : index
    %swap3A_26 = vector.load %arg4[%swap3A_23, %swap3A_24, %swap3A_25] : memref<1x1x256xf32, #tpu.memory_space<vmem>>, vector<1x1x256xf32>
    %swap3A_27 = vector.shape_cast %swap3A_26 : vector<1x1x256xf32> to vector<256xf32>
    %swap3A_28 = vector.shape_cast %reduce_max3A_12 : vector<256xf32> to vector<1x1x256xf32>
    tpu.vector_store %arg4[%swap3A_23, %swap3A_24, %swap3A_25], %swap3A_28 {strides = array<i32>} : memref<1x1x256xf32, #tpu.memory_space<vmem>>, vector<1x1x256xf32>,
    return
  }
  func.func @transform_0(%arg0: i32) -> (i32, i32) {
    %c0_i32 = arith.constant 0 : i32
    %c0_i32_0 = arith.constant 0 : i32
    return %arg0, %c0_i32 : i32, i32
  }
  func.func @transform_1(%arg0: i32) -> (i32, i32) {
    %c0_i32 = arith.constant 0 : i32
    %c0_i32_0 = arith.constant 0 : i32
    %c0_i32_1 = arith.constant 0 : i32
    return %c0_i32, %c0_i32_0 : i32, i32
  }
  func.func @transform_2(%arg0: i32) -> (i32, i32, i32) {
    %c0_i32 = arith.constant 0 : i32
    %c0_i32_0 = arith.constant 0 : i32
    %c0_i32_1 = arith.constant 0 : i32
    return %arg0, %c0_i32, %c0_i32_0 : i32, i32, i32
  }
  func.func @transform_3(%arg0: i32) -> (i32, i32, i32) {
    %c0_i32 = arith.constant 0 : i32
    %c0_i32_0 = arith.constant 0 : i32
    %c0_i32_1 = arith.constant 0 : i32
    return %arg0, %c0_i32, %c0_i32_0 : i32, i32, i32
  }
}

module attributes {stable_mosaic.version = 14 : i64} {
  func.func @_level_body(%arg0: i32, %arg1: memref<256x256xf32, #tpu.memory_space<vmem>>, %arg2: memref<256x256xf32, #tpu.memory_space<vmem>>, %arg3: memref<8192x256xf32, #tpu.memory_space<vmem>>, %arg4: memref<256x256xf32, #tpu.memory_space<vmem>>, %arg5: memref<1x1x256xi32, #tpu.memory_space<vmem>>, %arg6: memref<1x1x256xf32, #tpu.memory_space<vmem>>, %arg7: memref<1x1xf32, #tpu.memory_space<smem>>, %arg8: memref<8192x256xf32, #tpu.memory_space<vmem>>) attributes {dimension_semantics = [#tpu.dimension_semantics<arbitrary>], iteration_bounds = array<i64: 128>, scalar_prefetch = 0 : i64, scratch_operands = 1 : i64, tpu.core_type = #tpu.core_type<tc>, window_params = [{transform_indices = @transform_0, window_bounds = array<i64: 256, 256>}, {transform_indices = @transform_1, window_bounds = array<i64: 256, 256>}, {pipeline_mode = #tpu.pipeline_mode<synchronous>, transform_indices = @transform_2, window_bounds = array<i64: 8192, 256>}, {transform_indices = @transform_3, window_bounds = array<i64: 256, 256>}, {transform_indices = @transform_4, window_bounds = array<i64: 1, 1, 256>}, {transform_indices = @transform_5, window_bounds = array<i64: 1, 1, 256>}, {transform_indices = @transform_6, window_bounds = array<i64: 1, 1>}]} {
    %eq3A = arith.constant 0 : i32
    %eq3A_0 = arith.cmpi eq, %arg0, %eq3A : i32
    %convert_element_type3A = arith.extui %eq3A_0 : i1 to i32
    %cond3A = arith.constant 0 : i32
    %cond3A_1 = arith.cmpi ne, %convert_element_type3A, %cond3A : i32
    scf.if %cond3A_1 {
      %get3A_47 = arith.constant 0 : index
      %get3A_48 = arith.constant 0 : index
      %get3A_49 = vector.load %arg3[%get3A_47, %get3A_48] : memref<8192x256xf32, #tpu.memory_space<vmem>>, vector<8192x256xf32>
      %mul3A_50 = arith.mulf %get3A_49, %get3A_49 : vector<8192x256xf32>
      %reduce_sum3A_51 = arith.constant dense<0.000000e+00> : vector<8192xf32>
      %reduce_sum3A_52 = vector.multi_reduction <add>, %mul3A_50, %reduce_sum3A_51 [1] : vector<8192x256xf32> to vector<8192xf32>
      %broadcast_in_dim3A_53 = vector.shape_cast %reduce_sum3A_52 : vector<8192xf32> to vector<8192x1xf32>
      %sqrt3A_54 = math.sqrt %broadcast_in_dim3A_53 : vector<8192x1xf32>
      %add3A_55 = arith.constant 9.99999996E-13 : f32
      %add3A_56 = vector.broadcast %add3A_55 : f32 to vector<8192x1xf32>
      %add3A_57 = arith.addf %sqrt3A_54, %add3A_56 : vector<8192x1xf32>
      %div3A_58 = vector.broadcast %add3A_57 : vector<8192x1xf32> to vector<8192x256xf32>
      %div3A_59 = arith.divf %get3A_49, %div3A_58 : vector<8192x256xf32>
      %swap3A_60 = arith.constant 0 : index
      %swap3A_61 = arith.constant 0 : index
      %swap3A_62 = vector.load %arg8[%swap3A_60, %swap3A_61] : memref<8192x256xf32, #tpu.memory_space<vmem>>, vector<8192x256xf32>
      tpu.vector_store %arg8[%swap3A_60, %swap3A_61], %div3A_59 {strides = array<i32>} : memref<8192x256xf32, #tpu.memory_space<vmem>>, vector<8192x256xf32>,
      %swap3A_63 = arith.constant 0.000000e+00 : f32
      %swap3A_64 = arith.constant 0 : index
      %swap3A_65 = arith.constant 0 : index
      %swap3A_66 = memref.load %arg7[%swap3A_64, %swap3A_65] : memref<1x1xf32, #tpu.memory_space<smem>>
      memref.store %swap3A_63, %arg7[%swap3A_64, %swap3A_65] : memref<1x1xf32, #tpu.memory_space<smem>>
    } else {
    }
    %get3A = arith.constant 0 : index
    %get3A_2 = arith.constant 0 : index
    %get3A_3 = vector.load %arg1[%get3A, %get3A_2] : memref<256x256xf32, #tpu.memory_space<vmem>>, vector<256x256xf32>
    %get3A_4 = arith.constant 0 : index
    %get3A_5 = arith.constant 0 : index
    %get3A_6 = vector.load %arg2[%get3A_4, %get3A_5] : memref<256x256xf32, #tpu.memory_space<vmem>>, vector<256x256xf32>
    %sub3A = arith.subf %get3A_3, %get3A_6 : vector<256x256xf32>
    %swap3A = arith.constant 0 : index
    %swap3A_7 = arith.constant 0 : index
    %swap3A_8 = vector.load %arg4[%swap3A, %swap3A_7] : memref<256x256xf32, #tpu.memory_space<vmem>>, vector<256x256xf32>
    tpu.vector_store %arg4[%swap3A, %swap3A_7], %sub3A {strides = array<i32>} : memref<256x256xf32, #tpu.memory_space<vmem>>, vector<256x256xf32>,
    %mul3A = arith.mulf %sub3A, %sub3A : vector<256x256xf32>
    %reduce_sum3A = arith.constant dense<0.000000e+00> : vector<256xf32>
    %reduce_sum3A_9 = vector.multi_reduction <add>, %mul3A, %reduce_sum3A [1] : vector<256x256xf32> to vector<256xf32>
    %broadcast_in_dim3A = vector.shape_cast %reduce_sum3A_9 : vector<256xf32> to vector<256x1xf32>
    %sqrt3A = math.sqrt %broadcast_in_dim3A : vector<256x1xf32>
    %add3A = arith.constant 9.99999996E-13 : f32
    %add3A_10 = vector.broadcast %add3A : f32 to vector<256x1xf32>
    %add3A_11 = arith.addf %sqrt3A, %add3A_10 : vector<256x1xf32>
    %div3A = vector.broadcast %add3A_11 : vector<256x1xf32> to vector<256x256xf32>
    %div3A_12 = arith.divf %sub3A, %div3A : vector<256x256xf32>
    %get3A_13 = arith.constant 0 : index
    %get3A_14 = arith.constant 0 : index
    %get3A_15 = vector.load %arg8[%get3A_13, %get3A_14] : memref<8192x256xf32, #tpu.memory_space<vmem>>, vector<8192x256xf32>
    %dot_general3A = arith.constant dense<0.000000e+00> : vector<256x8192xf32>
    %dot_general3A_16 = tpu.matmul %div3A_12, %get3A_15, %dot_general3A {dimension_numbers = #tpu.dot_dimension_numbers<[1], [1], [0], [0], [0, 0, 1, 0], [], []>, transpose_lhs_hint = false} : vector<256x256xf32>, vector<8192x256xf32>, vector<256x8192xf32> -> vector<256x8192xf32>
    %reduce_max3A = arith.constant dense<0xFF800000> : vector<256xf32>
    %reduce_max3A_17 = vector.multi_reduction <maximumf>, %dot_general3A_16, %reduce_max3A [1] : vector<256x8192xf32> to vector<256xf32>
    %iota3A = tpu.iota {dimensions = array<i32: 1>} : vector<256x8192xi32>
    %broadcast_in_dim3A_18 = vector.shape_cast %reduce_max3A_17 : vector<256xf32> to vector<256x1xf32>
    %eq3A_19 = vector.broadcast %broadcast_in_dim3A_18 : vector<256x1xf32> to vector<256x8192xf32>
    %eq3A_20 = arith.cmpf oeq, %dot_general3A_16, %eq3A_19 : vector<256x8192xf32>
    %jit3A = arith.constant 8192 : i32
    %broadcast_in_dim3A_21 = vector.broadcast %jit3A : i32 to vector<256x8192xi32>
    %select_n3A = arith.select %eq3A_20, %iota3A, %broadcast_in_dim3A_21 : vector<256x8192xi1>, vector<256x8192xi32>
    %reduce_min3A = arith.constant dense<2147483647> : vector<256xi32>
    %reduce_min3A_22 = vector.multi_reduction <minsi>, %select_n3A, %reduce_min3A [1] : vector<256x8192xi32> to vector<256xi32>
    %swap3A_23 = arith.constant 0 : index
    %swap3A_24 = arith.constant 0 : index
    %swap3A_25 = arith.constant 0 : index
    %swap3A_26 = vector.load %arg5[%swap3A_23, %swap3A_24, %swap3A_25] : memref<1x1x256xi32, #tpu.memory_space<vmem>>, vector<1x1x256xi32>
    %swap3A_27 = vector.shape_cast %swap3A_26 : vector<1x1x256xi32> to vector<256xi32>
    %swap3A_28 = vector.shape_cast %reduce_min3A_22 : vector<256xi32> to vector<1x1x256xi32>
    tpu.vector_store %arg5[%swap3A_23, %swap3A_24, %swap3A_25], %swap3A_28 {strides = array<i32>} : memref<1x1x256xi32, #tpu.memory_space<vmem>>, vector<1x1x256xi32>,
    %swap3A_29 = arith.constant 0 : index
    %swap3A_30 = arith.constant 0 : index
    %swap3A_31 = arith.constant 0 : index
    %swap3A_32 = vector.load %arg6[%swap3A_29, %swap3A_30, %swap3A_31] : memref<1x1x256xf32, #tpu.memory_space<vmem>>, vector<1x1x256xf32>
    %swap3A_33 = vector.shape_cast %swap3A_32 : vector<1x1x256xf32> to vector<256xf32>
    %swap3A_34 = vector.shape_cast %reduce_max3A_17 : vector<256xf32> to vector<1x1x256xf32>
    tpu.vector_store %arg6[%swap3A_29, %swap3A_30, %swap3A_31], %swap3A_34 {strides = array<i32>} : memref<1x1x256xf32, #tpu.memory_space<vmem>>, vector<1x1x256xf32>,
    %get3A_35 = arith.constant 0 : index
    %get3A_36 = arith.constant 0 : index
    %get3A_37 = memref.load %arg7[%get3A_35, %get3A_36] : memref<1x1xf32, #tpu.memory_space<smem>>
    %reduce_sum3A_38 = vector.shape_cast %broadcast_in_dim3A : vector<256x1xf32> to vector<1x256x1xf32>
    %reduce_sum3A_39 = arith.constant dense<0.000000e+00> : vector<1xf32>
    %reduce_sum3A_40 = vector.multi_reduction <add>, %reduce_sum3A_38, %reduce_sum3A_39 [1, 2] : vector<1x256x1xf32> to vector<1xf32>
    %reduce_sum3A_41 = vector.shape_cast %reduce_sum3A_40 : vector<1xf32> to vector<1x1x1xf32>
    %reduce_sum3A_42 = vector.extract %reduce_sum3A_41[0, 0, 0] : f32 from vector<1x1x1xf32>
    %add3A_43 = arith.addf %get3A_37, %reduce_sum3A_42 : f32
    %swap3A_44 = arith.constant 0 : index
    %swap3A_45 = arith.constant 0 : index
    %swap3A_46 = memref.load %arg7[%swap3A_44, %swap3A_45] : memref<1x1xf32, #tpu.memory_space<smem>>
    memref.store %add3A_43, %arg7[%swap3A_44, %swap3A_45] : memref<1x1xf32, #tpu.memory_space<smem>>
    return
  }
  func.func @transform_0(%arg0: i32) -> (i32, i32) {
    %c0_i32 = arith.constant 0 : i32
    %c0_i32_0 = arith.constant 0 : i32
    return %arg0, %c0_i32 : i32, i32
  }
  func.func @transform_1(%arg0: i32) -> (i32, i32) {
    %c0_i32 = arith.constant 0 : i32
    %c0_i32_0 = arith.constant 0 : i32
    return %arg0, %c0_i32 : i32, i32
  }
  func.func @transform_2(%arg0: i32) -> (i32, i32) {
    %c0_i32 = arith.constant 0 : i32
    %c0_i32_0 = arith.constant 0 : i32
    %c0_i32_1 = arith.constant 0 : i32
    return %c0_i32, %c0_i32_0 : i32, i32
  }
  func.func @transform_3(%arg0: i32) -> (i32, i32) {
    %c0_i32 = arith.constant 0 : i32
    %c0_i32_0 = arith.constant 0 : i32
    return %arg0, %c0_i32 : i32, i32
  }
  func.func @transform_4(%arg0: i32) -> (i32, i32, i32) {
    %c0_i32 = arith.constant 0 : i32
    %c0_i32_0 = arith.constant 0 : i32
    %c0_i32_1 = arith.constant 0 : i32
    return %arg0, %c0_i32, %c0_i32_0 : i32, i32, i32
  }
  func.func @transform_5(%arg0: i32) -> (i32, i32, i32) {
    %c0_i32 = arith.constant 0 : i32
    %c0_i32_0 = arith.constant 0 : i32
    %c0_i32_1 = arith.constant 0 : i32
    return %arg0, %c0_i32, %c0_i32_0 : i32, i32, i32
  }
  func.func @transform_6(%arg0: i32) -> (i32, i32) {
    %c0_i32 = arith.constant 0 : i32
    %c0_i32_0 = arith.constant 0 : i32
    %c0_i32_1 = arith.constant 0 : i32
    return %c0_i32, %c0_i32_0 : i32, i32
  }
}

module attributes {stable_mosaic.version = 14 : i64} {
  func.func @_fin_body(%arg0: i32, %arg1: memref<256x256xf32, #tpu.memory_space<vmem>>, %arg2: memref<256x256xf32, #tpu.memory_space<vmem>>, %arg3: memref<256x256xf32, #tpu.memory_space<vmem>>, %arg4: memref<1x1xf32, #tpu.memory_space<smem>>, %arg5: memref<1x1xf32, #tpu.memory_space<smem>>, %arg6: memref<1x1xf32, #tpu.memory_space<smem>>, %arg7: memref<256x256xf32, #tpu.memory_space<vmem>>, %arg8: memref<1x1xf32, #tpu.memory_space<smem>>) attributes {dimension_semantics = [#tpu.dimension_semantics<arbitrary>], iteration_bounds = array<i64: 128>, scalar_prefetch = 0 : i64, scratch_operands = 0 : i64, tpu.core_type = #tpu.core_type<tc>, window_params = [{transform_indices = @transform_0, window_bounds = array<i64: 256, 256>}, {transform_indices = @transform_1, window_bounds = array<i64: 256, 256>}, {transform_indices = @transform_2, window_bounds = array<i64: 256, 256>}, {transform_indices = @transform_3, window_bounds = array<i64: 1, 1>}, {transform_indices = @transform_4, window_bounds = array<i64: 1, 1>}, {transform_indices = @transform_5, window_bounds = array<i64: 1, 1>}, {transform_indices = @transform_6, window_bounds = array<i64: 256, 256>}, {transform_indices = @transform_7, window_bounds = array<i64: 1, 1>}]} {
    %eq3A = arith.constant 0 : i32
    %eq3A_0 = arith.cmpi eq, %arg0, %eq3A : i32
    %convert_element_type3A = arith.extui %eq3A_0 : i1 to i32
    %cond3A = arith.constant 0 : i32
    %cond3A_1 = arith.cmpi ne, %convert_element_type3A, %cond3A : i32
    scf.if %cond3A_1 {
      %swap3A_28 = arith.constant 0.000000e+00 : f32
      %swap3A_29 = arith.constant 0 : index
      %swap3A_30 = arith.constant 0 : index
      %swap3A_31 = memref.load %arg8[%swap3A_29, %swap3A_30] : memref<1x1xf32, #tpu.memory_space<smem>>
      memref.store %swap3A_28, %arg8[%swap3A_29, %swap3A_30] : memref<1x1xf32, #tpu.memory_space<smem>>
    } else {
    }
    %get3A = arith.constant 0 : index
    %get3A_2 = arith.constant 0 : index
    %get3A_3 = vector.load %arg2[%get3A, %get3A_2] : memref<256x256xf32, #tpu.memory_space<vmem>>, vector<256x256xf32>
    %get3A_4 = arith.constant 0 : index
    %get3A_5 = arith.constant 0 : index
    %get3A_6 = vector.load %arg3[%get3A_4, %get3A_5] : memref<256x256xf32, #tpu.memory_space<vmem>>, vector<256x256xf32>
    %sub3A = arith.subf %get3A_3, %get3A_6 : vector<256x256xf32>
    %get3A_7 = arith.constant 0 : index
    %get3A_8 = arith.constant 0 : index
    %get3A_9 = vector.load %arg1[%get3A_7, %get3A_8] : memref<256x256xf32, #tpu.memory_space<vmem>>, vector<256x256xf32>
    %sub3A_10 = arith.subf %get3A_9, %sub3A : vector<256x256xf32>
    %swap3A = arith.constant 0 : index
    %swap3A_11 = arith.constant 0 : index
    %swap3A_12 = vector.load %arg7[%swap3A, %swap3A_11] : memref<256x256xf32, #tpu.memory_space<vmem>>, vector<256x256xf32>
    tpu.vector_store %arg7[%swap3A, %swap3A_11], %sub3A_10 {strides = array<i32>} : memref<256x256xf32, #tpu.memory_space<vmem>>, vector<256x256xf32>,
    %get3A_13 = arith.constant 0 : index
    %get3A_14 = arith.constant 0 : index
    %get3A_15 = memref.load %arg8[%get3A_13, %get3A_14] : memref<1x1xf32, #tpu.memory_space<smem>>
    %mul3A = arith.mulf %sub3A, %sub3A : vector<256x256xf32>
    %reduce_sum3A = vector.shape_cast %mul3A : vector<256x256xf32> to vector<1x256x256xf32>
    %reduce_sum3A_16 = arith.constant dense<0.000000e+00> : vector<1xf32>
    %reduce_sum3A_17 = vector.multi_reduction <add>, %reduce_sum3A, %reduce_sum3A_16 [1, 2] : vector<1x256x256xf32> to vector<1xf32>
    %reduce_sum3A_18 = vector.shape_cast %reduce_sum3A_17 : vector<1xf32> to vector<1x1x1xf32>
    %reduce_sum3A_19 = vector.extract %reduce_sum3A_18[0, 0, 0] : f32 from vector<1x1x1xf32>
    %add3A = arith.addf %get3A_15, %reduce_sum3A_19 : f32
    %swap3A_20 = arith.constant 0 : index
    %swap3A_21 = arith.constant 0 : index
    %swap3A_22 = memref.load %arg8[%swap3A_20, %swap3A_21] : memref<1x1xf32, #tpu.memory_space<smem>>
    memref.store %add3A, %arg8[%swap3A_20, %swap3A_21] : memref<1x1xf32, #tpu.memory_space<smem>>
    %eq3A_23 = arith.constant 127 : i32
    %eq3A_24 = arith.cmpi eq, %arg0, %eq3A_23 : i32
    %convert_element_type3A_25 = arith.extui %eq3A_24 : i1 to i32
    %cond3A_26 = arith.constant 0 : i32
    %cond3A_27 = arith.cmpi ne, %convert_element_type3A_25, %cond3A_26 : i32
    scf.if %cond3A_27 {
      %get3A_28 = arith.constant 0 : index
      %get3A_29 = arith.constant 0 : index
      %get3A_30 = memref.load %arg4[%get3A_28, %get3A_29] : memref<1x1xf32, #tpu.memory_space<smem>>
      %get3A_31 = arith.constant 0 : index
      %get3A_32 = arith.constant 0 : index
      %get3A_33 = memref.load %arg5[%get3A_31, %get3A_32] : memref<1x1xf32, #tpu.memory_space<smem>>
      %add3A_34 = arith.addf %get3A_30, %get3A_33 : f32
      %get3A_35 = arith.constant 0 : index
      %get3A_36 = arith.constant 0 : index
      %get3A_37 = memref.load %arg6[%get3A_35, %get3A_36] : memref<1x1xf32, #tpu.memory_space<smem>>
      %add3A_38 = arith.addf %add3A_34, %get3A_37 : f32
      %get3A_39 = arith.constant 0 : index
      %get3A_40 = arith.constant 0 : index
      %get3A_41 = memref.load %arg8[%get3A_39, %get3A_40] : memref<1x1xf32, #tpu.memory_space<smem>>
      %add3A_42 = arith.addf %add3A_38, %get3A_41 : f32
      %mul3A_43 = arith.constant 3.7252903E-8 : f32
      %mul3A_44 = arith.mulf %add3A_42, %mul3A_43 : f32
      %swap3A_45 = arith.constant 0 : index
      %swap3A_46 = arith.constant 0 : index
      %swap3A_47 = memref.load %arg8[%swap3A_45, %swap3A_46] : memref<1x1xf32, #tpu.memory_space<smem>>
      memref.store %mul3A_44, %arg8[%swap3A_45, %swap3A_46] : memref<1x1xf32, #tpu.memory_space<smem>>
    } else {
    }
    return
  }
  func.func @transform_0(%arg0: i32) -> (i32, i32) {
    %c0_i32 = arith.constant 0 : i32
    %c0_i32_0 = arith.constant 0 : i32
    return %arg0, %c0_i32 : i32, i32
  }
  func.func @transform_1(%arg0: i32) -> (i32, i32) {
    %c0_i32 = arith.constant 0 : i32
    %c0_i32_0 = arith.constant 0 : i32
    return %arg0, %c0_i32 : i32, i32
  }
  func.func @transform_2(%arg0: i32) -> (i32, i32) {
    %c0_i32 = arith.constant 0 : i32
    %c0_i32_0 = arith.constant 0 : i32
    return %arg0, %c0_i32 : i32, i32
  }
  func.func @transform_3(%arg0: i32) -> (i32, i32) {
    %c0_i32 = arith.constant 0 : i32
    %c0_i32_0 = arith.constant 0 : i32
    %c0_i32_1 = arith.constant 0 : i32
    return %c0_i32, %c0_i32_0 : i32, i32
  }
  func.func @transform_4(%arg0: i32) -> (i32, i32) {
    %c0_i32 = arith.constant 0 : i32
    %c0_i32_0 = arith.constant 0 : i32
    %c0_i32_1 = arith.constant 0 : i32
    return %c0_i32, %c0_i32_0 : i32, i32
  }
  func.func @transform_5(%arg0: i32) -> (i32, i32) {
    %c0_i32 = arith.constant 0 : i32
    %c0_i32_0 = arith.constant 0 : i32
    %c0_i32_1 = arith.constant 0 : i32
    return %c0_i32, %c0_i32_0 : i32, i32
  }
  func.func @transform_6(%arg0: i32) -> (i32, i32) {
    %c0_i32 = arith.constant 0 : i32
    %c0_i32_0 = arith.constant 0 : i32
    return %arg0, %c0_i32 : i32, i32
  }
  func.func @transform_7(%arg0: i32) -> (i32, i32) {
    %c0_i32 = arith.constant 0 : i32
    %c0_i32_0 = arith.constant 0 : i32
    %c0_i32_1 = arith.constant 0 : i32
    return %c0_i32, %c0_i32_0 : i32, i32
  }
}

</mosaic_0001>

<sc_bundles>
// kernel: kernel.11.cloned.1.call-start
scs
__scs_entry_jumppad:
0x0: {  	(pc) =	sbr.rel $0x88, $3  }
0x1: {  	(tag) =	ssettag $0x0;
	lr =	simm.s32 $0x1  }
0x2: {  	[smem:$0x3F9F] =	sst lr;
	_ =	strace $0xD0000000  }
0x3: {  	_ = 	snop  }
0x4: {  	_ = 	snop  }
0x5: {  	_ = 	snop  }
0x6: {  	_ = 	snop  }
0x7: {  	_ = 	snop  }
__scs_overlays_trampoline_lowered:
0x8: {  	[smem:$0x3FAE] =	sst s0  }
0x9: {  	[smem:$0x3FAF] =	sst s1  }
0xa: {  	[smem:$0x3FB0] =	sst s2  }
0xb: {  	[smem:$0x3FB1] =	sst s3  }
0xc: {  	[smem:$0x3FB2] =	sst s4  }
0xd: {  	[smem:$0x3FB3] =	sst s5  }
0xe: {  	[smem:$0x3FB4] =	sst s6  }
0xf: {  	[smem:$0x3FB5] =	sst s7  }
0x10: {  	[smem:$0x3FB6] =	sst s8  }
0x11: {  	[smem:$0x3FB7] =	sst s9;
	s0 =	simm.s32 @!p0 $0x0  }
0x12: {  	s1 =	sld [smem:$0x3F9D];
	s0 =	simm.s32 @p0 $0x1  }
0x13: {  	[smem:$0x3FB8] =	sst s0;
	s0 =	simm.s32 @!p1 $0x0  }
0x14: {  	s2 =	sld [smem:$0x3F9C];
	s0 =	simm.s32 @p1 $0x1  }
0x15: {  	[smem:$0x3FB9] =	sst s0;
	s0 =	simm.s32 @!p2 $0x0  }
0x16: {  	s3 =	sld [smem:$0x3FDB];
	s0 =	simm.s32 @p2 $0x1  }
0x17: {  	s4 =	simm.s32 $0x1BF5;
	[smem:$0x3FBB] =	sst s0  }
0x18: {  	s0 =	sld [smem:$0x3F9E];
	_ =	swait.ge [sflag:s4], $0x0  }
0x19: {  	s7 =	sld [smem:$0x3F9F]  }
0x1a: {  	s8 =	sadd.s32 $0xFFFFE003, lr  }
0x1b: {  	s9 =	sadd.s32 $0xFFFFFEF7, lr;
	s5 =	simm.s32 $0xFFFFFFFF;
	p2 =	slt.u32 s8, $0xFFFFF086  }
0x1c: {  	p1 =	slt.u32 s9, $0xF7A;
	s5 =	simm.s32 @!p2 $0x0  }
0x1d: {  	s5 =	simm.s32 @p1 $0x1;
	p0 =	seq.s32 s7, s2  }
0x1e: {  	s7 =	smul.u32 @!p0 $0xF7A, s2;
	p2 =	seq.s32 @!p0 s5, $0x0  }
0x1f: {  	s9 =	smul.u32 $0xF7A, s1;
	s8 =	simm.s32 @!p0 $0x1BF5;
	p2 =	por !p2, p0  }
0x20: {  	[sflag:s8] =	ssyncset.s32 @!p0 $0xFFFFF086;
	s6 =	sadd.s32 @!p0 s3, s7;
	s7 =	simm.s32 @!p0 $0x108  }
0x21: {  	s3 =	sadd.s32 s3, s9;
	s6 =	sadd.s32 @!p0 $0x88, s6;
	s7 =	simm.s32 @p2 $0x1082  }
0x22: {  	[simem:s7], [sflag:s8] =	dma.local @!p0 [hbm:s6], $0xF7A  }
0x23: {  	s9 =	sor.u32 $0xD0000000, s2;
	s6 =	simm.s32 $0x108;
	_ =	swait.ge @!p0 [sflag:s8], $0x0  }
0x24: {  	s3 =	sadd.s32 $0x88, s3;
	s6 =	simm.s32 @!p1 $0x1082;
	[sflag:s4] =	ssyncset.s32 $0xFFFFF086  }
0x25: {  	[simem:s6], [sflag:s4] =	dma.local [hbm:s3], $0xF7A  }
0x26: {  	[smem:$0x3F9F] =	sst s1;
	(tag) =	ssettag s2;
	_ =	strace s9  }
0x27: {  	s1 =	sld [smem:$0x3FAF]  }
0x28: {  	s2 =	sld [smem:$0x3FB0]  }
0x29: {  	s4 =	sld [smem:$0x3FB2]  }
0x2a: {  	p0 =	seq.s32 s5, $0x0;
	s5 =	sld [smem:$0x3FB3]  }
0x2b: {  	s6 =	sld [smem:$0x3FB4]  }
0x2c: {  	s7 =	sld [smem:$0x3FB5]  }
0x2d: {  	s3 =	simm.s32 $0x108;
	s8 =	sld [smem:$0x3FB6]  }
0x2e: {  	s3 =	simm.s32 @!p0 $0x1082;
	s9 =	sld [smem:$0x3FB7]  }
0x2f: {  	lr =	sadd.s32 s0, s3;
	s0 =	sld [smem:$0x3FAE]  }
0x30: {  	s3 =	sld [smem:$0x3FB1]  }
0x31: {  	[smem:$0x3FBA] =	sst s10  }
0x32: {  	s10 =	sld [smem:$0x3FB8];
	_ =	sdelay $0x3  }
0x33: {  	p0 =	seq.s32 s10, $0x1;
	s10 =	sld [smem:$0x3FBA];
	_ =	sdelay $0x3  }
0x34: {  	[smem:$0x3FBA] =	sst s10  }
0x35: {  	s10 =	sld [smem:$0x3FB9];
	_ =	sdelay $0x3  }
0x36: {  	p1 =	seq.s32 s10, $0x1;
	s10 =	sld [smem:$0x3FBA];
	_ =	sdelay $0x3  }
0x37: {  	[smem:$0x3FBA] =	sst s10  }
0x38: {  	s10 =	sld [smem:$0x3FBB]  }
0x39: {  	_ = 	snop;
	(pc) =	sbr.ind lr, $3  }
0x3a: {  	_ = 	snop  }
0x3b: {  	_ = 	snop  }
0x3c: {  	p2 =	seq.s32 s10, $0x1;
	s10 =	sld [smem:$0x3FBA]  }
0x3d: {  	_ =	shalt  }
0x3e: {  	_ =	shalt  }
0x3f: {  	_ =	shalt  }
0x40: {  	_ =	shalt  }
0x41: {  	_ =	shalt  }
0x42: {  	_ =	shalt  }
0x43: {  	_ =	shalt  }
0x44: {  	_ =	shalt  }
0x45: {  	_ =	shalt  }
0x46: {  	_ =	shalt  }
0x47: {  	_ =	shalt  }
0x48: {  	_ =	shalt  }
0x49: {  	_ =	shalt  }
0x4a: {  	_ =	shalt  }
0x4b: {  	_ =	shalt  }
0x4c: {  	_ =	shalt  }
0x4d: {  	_ =	shalt  }
0x4e: {  	_ =	shalt  }
0x4f: {  	_ =	shalt  }
0x50: {  	_ =	shalt  }
0x51: {  	_ =	shalt  }
0x52: {  	_ =	shalt  }
0x53: {  	_ =	shalt  }
0x54: {  	_ =	shalt  }
0x55: {  	_ =	shalt  }
0x56: {  	_ =	shalt  }
0x57: {  	_ =	shalt  }
0x58: {  	_ =	shalt  }
0x59: {  	_ =	shalt  }
0x5a: {  	_ =	shalt  }
0x5b: {  	_ =	shalt  }
0x5c: {  	_ =	shalt  }
0x5d: {  	_ =	shalt  }
0x5e: {  	_ =	shalt  }
0x5f: {  	_ =	shalt  }
0x60: {  	_ =	shalt  }
0x61: {  	_ =	shalt  }
0x62: {  	_ =	shalt  }
0x63: {  	_ =	shalt  }
0x64: {  	_ =	shalt  }
0x65: {  	_ =	shalt  }
0x66: {  	_ =	shalt  }
0x67: {  	_ =	shalt  }
0x68: {  	_ =	shalt  }
0x69: {  	_ =	shalt  }
0x6a: {  	_ =	shalt  }
0x6b: {  	_ =	shalt  }
0x6c: {  	_ =	shalt  }
0x6d: {  	_ =	shalt  }
0x6e: {  	_ =	shalt  }
0x6f: {  	_ =	shalt  }
0x70: {  	_ =	shalt  }
0x71: {  	_ =	shalt  }
0x72: {  	_ =	shalt  }
0x73: {  	_ =	shalt  }
0x74: {  	_ =	shalt  }
0x75: {  	_ =	shalt  }
0x76: {  	_ =	shalt  }
0x77: {  	_ =	shalt  }
0x78: {  	_ =	shalt  }
0x79: {  	_ =	shalt  }
0x7a: {  	_ =	shalt  }
0x7b: {  	_ =	shalt  }
0x7c: {  	_ =	shalt  }
0x7d: {  	_ =	shalt  }
0x7e: {  	_ =	shalt  }
0x7f: {  	_ =	shalt  }
0x80: {  	_ =	shalt  }
0x81: {  	_ =	shalt  }
0x82: {  	_ =	shalt  }
0x83: {  	_ =	shalt  }
0x84: {  	_ =	shalt  }
0x85: {  	_ =	shalt  }
0x86: {  	_ =	shalt  }
0x87: {  	_ =	shalt  }
.Lfunc_end0:
.L_simem_size_0:
called_computation_lowered:
.L_overlay_start_0:
0x88: {  	s2 =	sld [smem:$0x3FD9]  }
0x89: {  	s3 =	sld [smem:$0x3FFE];
	_ =	sdelay $0x1  }
0x8a: {  	s1 =	srdreg.scid  }
0x8b: {  	s0 =	sand.u32 $0x1, s1  }
0x8c: {  	s14 =	sshll.u32 s0, $0xA;
	s2 =	sadd.s32 s3, s2  }
0x8d: {  	s2 =	sadd.s32 s2, s14  }
0x8e: {  	[smem:$0x3FC6] =	sst s2  }
0x8f: {  	_ = 	snop  }
0x90: {  	s2 =	sld [smem:$0x3FD0];
	_ =	sdelay $0x2  }
0x91: {  	s15 =	simm.s32 $0xA;
	s4 =	simm.s32 $0x10  }
0x92: {  	[smem:s4], [sflag:s15] =	dma.local [hbm:s2], $0x1  }
0x93: {  	_ =	swait.eq [sflag:s15], $0x1  }
0x94: {  	[sflag:s15] =	ssyncset.done $0x0  }
0x95: {  	s16 =	sld [smem:$0x10];
	[sflag:s15] =	ssyncadd.s32 $0xFFFFFFFF  }
0x96: {  	s17 =	sld [smem:$0x12];
	(tm) =	ssettm $0x1  }
0x97: {  	s18 =	sld [smem:$0x3FFB];
	_ =	sdelay $0x3  }
0x98: {  	_ =	strace s18  }
0x99: {  	s4 =	sld [smem:$0x3FFC];
	_ =	sdelay $0x3  }
0x9a: {  	_ =	strace s4  }
0x9b: {  	s4 =	sld [smem:$0x3FFD];
	_ =	sdelay $0x3  }
0x9c: {  	_ =	strace s4  }
0x9d: {  	_ =	strace $0x8FFFFFFF  }
0x9e: {  	s19 =	sld [smem:$0x3FDB];
	_ =	sdelay $0x1  }
0x9f: {  	s5 =	simm.s32 $_scs_section_size  }
0xa0: {  	s6 =	simm.s32 $_size__tile_overlayer_lowered;
	s7 =	simm.s32 $_tile_overlayer_lowered  }
0xa1: {  	s22 =	simm.s32 $0x1BFF;
	s21 =	sshll.u32 s7, $0x1;
	s4 =	sadd.s32 s5, s19  }
0xa2: {  	s8 =	simm.s32 $0x0;
	s20 =	sshll.u32 s6, $0x1;
	s6 =	sadd.s32 s21, s4  }
0xa3: {  	[timem:s8], [sflag:s22] =	dma.local [hbm:s6], s20  }
0xa4: {  	_ =	swait.ge [sflag:s22], s20  }
0xa5: {  	s5 =	ssub.s32 $0x0, s20;
	[sflag:s22] =	ssyncset.done $0x0  }
0xa6: {  	[sflag:s22] =	ssyncadd.s32 s5;
	_ =	sdelay $0x1  }
0xa7: {  	s23 =	simm.s32 $0x1B8B  }
0xa8: {  	_ =	swait.ge [sflag:s23], $0x1  }
0xa9: {  	[sflag:s23] =	ssyncset.done $0x0  }
0xaa: {  	s25 =	simm.s32 $0x1B8E;
	s24 =	sld [smem:$0x3FFE];
	[sflag:s23] =	ssyncadd.s32 $0xFFFFFFFF  }
0xab: {  	s26 =	simm.s32 $execute0_lowered;
	[smem:$0x3FD2] =	sst s25  }
0xac: {  	s6 =	sshll.u32 s26, $0x1;
	_ =	strace $0x80000046;
	[dreg:$0x1] =	wrdreg $0xFFFFFFFF  }
0xad: {  	s28 =	simm.s32 $_size_execute0_lowered;
	s4 =	sadd.s32 s4, s6;
	[dreg:$0x0] =	wrdreg $0x0  }
0xae: {  	s6 =	sshll.u32 s28, $0x1;
	[dreg:$0x2] =	wrdreg s4  }
0xaf: {  	[dreg:$0x3] =	wrdreg s6  }
0xb0: {  	[dreg:$0x4] =	wrdreg $0xC0  }
0xb1: {  	_ =	task [dreg:s8], $0x5FFFF  }
0xb2: {  	[dreg:$0x1] =	wrdreg $0xFFFFFFFF  }
0xb3: {  	[dreg:$0x0] =	wrdreg $0x60  }
0xb4: {  	[dreg:$0x2] =	wrdreg s16  }
0xb5: {  	[dreg:$0x3] =	wrdreg s17  }
0xb6: {  	[dreg:$0x4] =	wrdreg s24  }
0xb7: {  	[dreg:$0x5] =	wrdreg $0x9  }
0xb8: {  	_ =	task.clear_ibuf [dreg:s8], $0x6FFFF;
	_ =	strace $0x90000046  }
0xb9: {  	s29 =	simm.s32 $0x9;
	_ =	strace $0x80000048  }
0xba: {  	_ =	swait.ge [sflag:s29], $0x1  }
0xbb: {  	[sflag:s29] =	ssyncadd.s32 $0xFFFFFFFF  }
0xbc: {  	_ =	strace $0x90000048  }
0xbd: {  	_ =	sfence  }
0xbe: {  	s30 =	sld [smem:$0x0];
	_ =	sdelay $0x2  }
0xbf: {  	s31 =	sshll.u32 s1, $0xD;
	s1 =	sshrl.u32 s1, $0x2  }
0xc0: {  	s3 =	sand.u32 $0x4000, s31;
	s1 =	sadd.s32 s1, s30  }
0xc1: {  	s0 =	sor.u32 s3, s0;
	s1 =	sshll.u32 s1, $0x11  }
0xc2: {  	s0 =	sor.u32 s1, s0  }
0xc3: {  	s0 =	sadd.s32 $0x8F2B, s0  }
0xc4: {  	[sflag:s0] =	ssyncadd.remote.s32 $0x1  }
0xc5: {  	_ =	sfence.sel $0xFFFF  }
0xc6: {  	[dreg:$0x0] =	wrdreg $0xFFFFFFFF;
	(pc) =	sbr.abs _section_cstart, $3  }
0xc7: {  	[dreg:$0x1] =	wrdreg $0xFFFFFFFF  }
0xc8: {  	_ =	task.clear_ibuf [dreg:s8], $0x2FFFF;
	_ =	strace $0x9FFFFFFF  }
0xc9: {  	(tm) =	ssettm $0x7FFFFFFF  }
tec
execute0_lowered:
.L_overlay_start_1:
0x0: {  	(tag) =	ssettag $0x1  }
0x1: {  	s1 =	rddreg [dreg:$0x0]  }
0x2: {  	s0 =	rddreg [dreg:$0x1]  }
0x3: {  	s4 =	rddreg [dreg:$0x2]  }
0x4: {  	s5 =	srdreg.scid;
	s3 =	simm.s32 $0x0;
	s2 =	stileid.u32  }
0x5: {  	s28 =	simm.s32 $0x6080;
	s29 =	simm.s32 $0x6880;
	s30 =	simm.s32 $0x7080  }
0x6: {  	s31 =	simm.s32 $0x7880;
	s5 =	sand.u32 $0x1, s5;
	[smem:$0x7FF] =	sst s3  }
0x7: {  	s6 =	sshll.u32 s2, $0xB;
	s12 =	sadd.s32 $0xC5200, s4;
	s7 =	sshll.u32 s5, $0xA  }
0x8: {  	_ =	strace $0x80000047;
	s24 =	ssub.s32 $0x2, s5;
	s10 =	sor.u32 s7, s6  }
0x9: {  	s14 =	sshrl.u32 s24, $0x1;
	s25 =	sshrl.u32 s10, $0x3;
	s6 =	sshll.u32 s10, $0x5  }
0xa: {  	s7 =	sor.u32 $0x80, s10;
	s13 =	sor.u32 $0x100, s10;
	s20 =	sor.u32 $0x200, s10  }
0xb: {  	s23 =	sor.u32 $0x280, s10;
	s5 =	sadd.s32 s0, s25;
	s26 =	sadd.s32 s12, s6  }
0xc: {  	s2 =	sshrl.u32 s7, $0x3;
	s9 =	sshll.u32 s7, $0x5;
	s15 =	sshrl.u32 s13, $0x3  }
0xd: {  	s6 =	sshll.u32 s13, $0x5;
	s13 =	ssub.s32 s24, s14;
	s21 =	sshrl.u32 s20, $0x3  }
0xe: {  	s22 =	sshll.u32 s20, $0x5;
	s24 =	sshrl.u32 s23, $0x3;
	[dreg:$0x4] =	wrdreg s5  }
0xf: {  	s14 =	sor.u32 $0x380, s10;
	s20 =	simm.s32 $0x2880;
	[dreg:$0x5] =	wrdreg s26  }
0x10: {  	s8 =	sadd.s32 s0, s2;
	s11 =	sadd.s32 s12, s9;
	s5 =	sadd.s32 s0, s15  }
0x11: {  	s16 =	sadd.s32 s12, s6;
	s6 =	sadd.s32 s12, s22;
	s9 =	sshll.u32 s23, $0x5  }
0x12: {  	s7 =	sadd.s32 s0, s24;
	s26 =	sshrl.u32 s14, $0x3;
	s14 =	sshll.u32 s14, $0x5  }
0x13: {  	s13 =	smax.u32 s13, $0x1;
	s15 =	simm.s32 $0x80;
	[dreg:$0x6] =	wrdreg s8  }
0x14: {  	s22 =	simm.s32 $0x3880;
	s23 =	simm.s32 $0x4080;
	[dreg:$0x7] =	wrdreg s11  }
0x15: {  	s24 =	simm.s32 $0x4880;
	s8 =	sor.u32 $0x180, s10;
	[dreg:$0x8] =	wrdreg s5  }
0x16: {  	[dreg:$0x9] =	wrdreg s16;
	s5 =	sadd.s32 s0, s21;
	s11 =	sor.u32 $0x300, s10  }
0x17: {  	s16 =	simm.s32 $0x880;
	s21 =	simm.s32 $0x3080;
	s17 =	sshrl.u32 s8, $0x3  }
0x18: {  	s19 =	sshll.u32 s8, $0x5;
	s8 =	sadd.s32 s12, s9;
	s25 =	sshrl.u32 s11, $0x3  }
0x19: {  	s11 =	sshll.u32 s11, $0x5;
	s18 =	sadd.s32 s0, s17;
	s4 =	sadd.s32 s12, s19  }
0x1a: {  	s9 =	sadd.s32 s0, s25;
	s10 =	sadd.s32 s12, s11;
	s11 =	sadd.s32 s0, s26  }
0x1b: {  	v2 =	vlaneseq.u32;
	s12 =	sadd.s32 s12, s14;
	s14 =	simm.s32 $0x2;
	s17 =	simm.s32 $0x1080  }
0x1c: {  	vm0 =	vmmov $0xffff;
	v1 =	vshrl.u32 v2, $0x3;
	s19 =	simm.s32 $0x2080;
	s25 =	simm.s32 $0x5080;
	s26 =	simm.s32 $0x5880  }
0x1d: {  	v0 =	vand.u32 $0x7, v2;
	v2 =	vor.u32 $0x8, v2;
	v1 =	vmul.u32 $0x8, v1;
	s0 =	simm.s32 $0x1;
	[dreg:$0xa] =	wrdreg s18;
	s18 =	simm.s32 $0x1880  }
.LBB2_1:
0x1e: {  	s2 =	rddreg [dreg:$0x4]  }
0x1f: {  	[tilespmem:s3], [sflag:$0x2] =	stream.linear.gather [hbm4b:s2+s3], $0x80, $0x38;
	[tilespmem:$0x8080] =	vst v63  }
0x20: {  	_ =	swait.ge [sflag:s14], $0x80  }
0x21: {  	[sflag:s14] =	ssyncset.done $0x0  }
0x22: {  	[sflag:s14] =	ssyncadd.s32 $0xFFFFFF80  }
0x23: {  	v3 =	vld [tilespmem:$0x0];
	_ =	sdelay $0x4  }
0x24: {  	v4 =	vshll.u32 v3, $0x1  }
0x25: {  	v3 =	vand.u32 $0x7, v3;
	v4 =	vand.u32 $0xFFFFFFF0, v4  }
0x26: {  	v3 =	vor.u32 v3, v4  }
0x27: {  	v4 =	vperm.xlane v3, v0;
	_ =	sdelay $0x1  }
0x28: {  	v3 =	vperm.xlane v3, v2;
	v4 =	vadd.s32 v1, v4;
	_ =	sdelay $0x1  }
0x29: {  	v3 =	vadd.s32 v1, v3;
	_ =	sdelay $0x2  }
0x2a: {  	[tilespmem:s15], [sflag:$0x1] =	stream.indirect_vreg.gather [hbm4b:s1+s3], $0x80, v4, vm0, $0xb8;
	[tilespmem:$0x8080] =	vst v63  }
0x2b: {  	_ = 	snop  }
0x2c: {  	[tilespmem:s16], [sflag:$0x1] =	stream.indirect_vreg.gather [hbm4b:s1+s3], $0x80, v3, vm0, $0xb8;
	[tilespmem:$0x8080] =	vst v63  }
0x2d: {  	v3 =	vld [tilespmem:$0x10];
	_ =	sdelay $0x4  }
0x2e: {  	v57 =	vshll.u32 v3, $0x1  }
0x2f: {  	v3 =	vand.u32 $0x7, v3;
	v4 =	vand.u32 $0xFFFFFFF0, v57  }
0x30: {  	v3 =	vor.u32 v3, v4  }
0x31: {  	v4 =	vperm.xlane v3, v0;
	_ =	sdelay $0x1  }
0x32: {  	v3 =	vperm.xlane v3, v2;
	v4 =	vadd.s32 v1, v4;
	_ =	sdelay $0x1  }
0x33: {  	v3 =	vadd.s32 v1, v3;
	_ =	sdelay $0x2  }
0x34: {  	[tilespmem:s17], [sflag:$0x1] =	stream.indirect_vreg.gather [hbm4b:s1+s3], $0x80, v4, vm0, $0xb8;
	[tilespmem:$0x8080] =	vst v63  }
0x35: {  	_ = 	snop  }
0x36: {  	[tilespmem:s18], [sflag:$0x1] =	stream.indirect_vreg.gather [hbm4b:s1+s3], $0x80, v3, vm0, $0xb8;
	[tilespmem:$0x8080] =	vst v63  }
0x37: {  	v3 =	vld [tilespmem:$0x20];
	_ =	sdelay $0x4  }
0x38: {  	v58 =	vshll.u32 v3, $0x1  }
0x39: {  	v3 =	vand.u32 $0x7, v3;
	v4 =	vand.u32 $0xFFFFFFF0, v58  }
0x3a: {  	v3 =	vor.u32 v3, v4  }
0x3b: {  	v4 =	vperm.xlane v3, v0;
	_ =	sdelay $0x1  }
0x3c: {  	v3 =	vperm.xlane v3, v2;
	v4 =	vadd.s32 v1, v4;
	_ =	sdelay $0x1  }
0x3d: {  	v3 =	vadd.s32 v1, v3;
	_ =	sdelay $0x2  }
0x3e: {  	[tilespmem:s19], [sflag:$0x1] =	stream.indirect_vreg.gather [hbm4b:s1+s3], $0x80, v4, vm0, $0xb8;
	[tilespmem:$0x8080] =	vst v63  }
0x3f: {  	_ = 	snop  }
0x40: {  	[tilespmem:s20], [sflag:$0x1] =	stream.indirect_vreg.gather [hbm4b:s1+s3], $0x80, v3, vm0, $0xb8;
	[tilespmem:$0x8080] =	vst v63  }
0x41: {  	v3 =	vld [tilespmem:$0x30];
	_ =	sdelay $0x4  }
0x42: {  	v59 =	vshll.u32 v3, $0x1  }
0x43: {  	v3 =	vand.u32 $0x7, v3;
	v4 =	vand.u32 $0xFFFFFFF0, v59  }
0x44: {  	v3 =	vor.u32 v3, v4  }
0x45: {  	v4 =	vperm.xlane v3, v0;
	_ =	sdelay $0x1  }
0x46: {  	v3 =	vperm.xlane v3, v2;
	v4 =	vadd.s32 v1, v4;
	_ =	sdelay $0x1  }
0x47: {  	v3 =	vadd.s32 v1, v3;
	_ =	sdelay $0x2  }
0x48: {  	[tilespmem:s21], [sflag:$0x1] =	stream.indirect_vreg.gather [hbm4b:s1+s3], $0x80, v4, vm0, $0xb8;
	[tilespmem:$0x8080] =	vst v63  }
0x49: {  	_ = 	snop  }
0x4a: {  	[tilespmem:s22], [sflag:$0x1] =	stream.indirect_vreg.gather [hbm4b:s1+s3], $0x80, v3, vm0, $0xb8;
	[tilespmem:$0x8080] =	vst v63  }
0x4b: {  	v3 =	vld [tilespmem:$0x40];
	_ =	sdelay $0x4  }
0x4c: {  	v60 =	vshll.u32 v3, $0x1  }
0x4d: {  	v3 =	vand.u32 $0x7, v3;
	v4 =	vand.u32 $0xFFFFFFF0, v60  }
0x4e: {  	v3 =	vor.u32 v3, v4  }
0x4f: {  	v4 =	vperm.xlane v3, v0;
	_ =	sdelay $0x1  }
0x50: {  	v3 =	vperm.xlane v3, v2;
	v4 =	vadd.s32 v1, v4;
	_ =	sdelay $0x1  }
0x51: {  	v3 =	vadd.s32 v1, v3;
	_ =	sdelay $0x2  }
0x52: {  	[tilespmem:s23], [sflag:$0x1] =	stream.indirect_vreg.gather [hbm4b:s1+s3], $0x80, v4, vm0, $0xb8;
	[tilespmem:$0x8080] =	vst v63  }
0x53: {  	_ = 	snop  }
0x54: {  	[tilespmem:s24], [sflag:$0x1] =	stream.indirect_vreg.gather [hbm4b:s1+s3], $0x80, v3, vm0, $0xb8;
	[tilespmem:$0x8080] =	vst v63  }
0x55: {  	v3 =	vld [tilespmem:$0x50];
	_ =	sdelay $0x4  }
0x56: {  	v61 =	vshll.u32 v3, $0x1  }
0x57: {  	v3 =	vand.u32 $0x7, v3;
	v4 =	vand.u32 $0xFFFFFFF0, v61  }
0x58: {  	v3 =	vor.u32 v3, v4  }
0x59: {  	v4 =	vperm.xlane v3, v0;
	_ =	sdelay $0x1  }
0x5a: {  	v3 =	vperm.xlane v3, v2;
	v4 =	vadd.s32 v1, v4;
	_ =	sdelay $0x1  }
0x5b: {  	v3 =	vadd.s32 v1, v3;
	_ =	sdelay $0x2  }
0x5c: {  	[tilespmem:s25], [sflag:$0x1] =	stream.indirect_vreg.gather [hbm4b:s1+s3], $0x80, v4, vm0, $0xb8;
	[tilespmem:$0x8080] =	vst v63  }
0x5d: {  	_ = 	snop  }
0x5e: {  	[tilespmem:s26], [sflag:$0x1] =	stream.indirect_vreg.gather [hbm4b:s1+s3], $0x80, v3, vm0, $0xb8;
	[tilespmem:$0x8080] =	vst v63  }
0x5f: {  	v3 =	vld [tilespmem:$0x60];
	_ =	sdelay $0x4  }
0x60: {  	v62 =	vshll.u32 v3, $0x1  }
0x61: {  	v3 =	vand.u32 $0x7, v3;
	v4 =	vand.u32 $0xFFFFFFF0, v62  }
0x62: {  	v3 =	vor.u32 v3, v4  }
0x63: {  	v4 =	vperm.xlane v3, v0;
	_ =	sdelay $0x1  }
0x64: {  	v3 =	vperm.xlane v3, v2;
	v4 =	vadd.s32 v1, v4;
	_ =	sdelay $0x1  }
0x65: {  	v3 =	vadd.s32 v1, v3;
	_ =	sdelay $0x2  }
0x66: {  	[tilespmem:s28], [sflag:$0x1] =	stream.indirect_vreg.gather [hbm4b:s1+s3], $0x80, v4, vm0, $0xb8;
	[tilespmem:$0x8080] =	vst v63  }
0x67: {  	_ = 	snop  }
0x68: {  	[tilespmem:s29], [sflag:$0x1] =	stream.indirect_vreg.gather [hbm4b:s1+s3], $0x80, v3, vm0, $0xb8;
	[tilespmem:$0x8080] =	vst v63  }
0x69: {  	v3 =	vld [tilespmem:$0x70];
	_ =	sdelay $0x4  }
0x6a: {  	v63 =	vshll.u32 v3, $0x1  }
0x6b: {  	v3 =	vand.u32 $0x7, v3;
	v4 =	vand.u32 $0xFFFFFFF0, v63  }
0x6c: {  	v3 =	vor.u32 v3, v4  }
0x6d: {  	v4 =	vperm.xlane v3, v0;
	_ =	sdelay $0x1  }
0x6e: {  	v3 =	vperm.xlane v3, v2;
	v4 =	vadd.s32 v1, v4;
	_ =	sdelay $0x1  }
0x6f: {  	v3 =	vadd.s32 v1, v3;
	_ =	sdelay $0x2  }
0x70: {  	[tilespmem:s30], [sflag:$0x1] =	stream.indirect_vreg.gather [hbm4b:s1+s3], $0x80, v4, vm0, $0xb8;
	[tilespmem:$0x8080] =	vst v63  }
0x71: {  	_ = 	snop  }
0x72: {  	[tilespmem:s31], [sflag:$0x1] =	stream.indirect_vreg.gather [hbm4b:s1+s3], $0x80, v3, vm0, $0xb8;
	[tilespmem:$0x8080] =	vst v63  }
0x73: {  	_ =	swait.ge [sflag:s0], $0x8000  }
0x74: {  	[sflag:s0] =	ssyncset.done $0x0  }
0x75: {  	s2 =	rddreg [dreg:$0x5];
	[sflag:s0] =	ssyncadd.s32 $0xFFFF8000  }
0x76: {  	[hbm4b:s2+s3] =	stream.linear.scatter [tilespmem:s15], [sflag:$0x2], $0x8000, $0x38;
	[tilespmem:$0x8080] =	vst v63  }
0x77: {  	_ =	swait.ge [sflag:s14], $0x8000  }
0x78: {  	[sflag:s14] =	ssyncset.done $0x0  }
0x79: {  	s2 =	rddreg [dreg:$0x6];
	[sflag:s14] =	ssyncadd.s32 $0xFFFF8000  }
0x7a: {  	[tilespmem:s3], [sflag:$0x2] =	stream.linear.gather [hbm4b:s2+s3], $0x80, $0x38;
	[tilespmem:$0x8080] =	vst v63  }
0x7b: {  	_ =	swait.ge [sflag:s14], $0x80  }
0x7c: {  	[sflag:s14] =	ssyncset.done $0x0  }
0x7d: {  	[sflag:s14] =	ssyncadd.s32 $0xFFFFFF80  }
0x7e: {  	v3 =	vld [tilespmem:$0x0];
	_ =	sdelay $0x4  }
0x7f: {  	v8 =	vshll.u32 v3, $0x1  }
0x80: {  	v3 =	vand.u32 $0x7, v3;
	v4 =	vand.u32 $0xFFFFFFF0, v8  }
0x81: {  	v3 =	vor.u32 v3, v4  }
0x82: {  	v4 =	vperm.xlane v3, v0;
	_ =	sdelay $0x1  }
0x83: {  	v3 =	vperm.xlane v3, v2;
	v4 =	vadd.s32 v1, v4;
	_ =	sdelay $0x1  }
0x84: {  	v3 =	vadd.s32 v1, v3;
	_ =	sdelay $0x2  }
0x85: {  	[tilespmem:s15], [sflag:$0x1] =	stream.indirect_vreg.gather [hbm4b:s1+s3], $0x80, v4, vm0, $0xb8;
	[tilespmem:$0x8080] =	vst v63  }
0x86: {  	_ = 	snop  }
0x87: {  	[tilespmem:s16], [sflag:$0x1] =	stream.indirect_vreg.gather [hbm4b:s1+s3], $0x80, v3, vm0, $0xb8;
	[tilespmem:$0x8080] =	vst v63  }
0x88: {  	v3 =	vld [tilespmem:$0x10];
	_ =	sdelay $0x4  }
0x89: {  	v9 =	vshll.u32 v3, $0x1  }
0x8a: {  	v3 =	vand.u32 $0x7, v3;
	v4 =	vand.u32 $0xFFFFFFF0, v9  }
0x8b: {  	v3 =	vor.u32 v3, v4  }
0x8c: {  	v4 =	vperm.xlane v3, v0;
	_ =	sdelay $0x1  }
0x8d: {  	v3 =	vperm.xlane v3, v2;
	v4 =	vadd.s32 v1, v4;
	_ =	sdelay $0x1  }
0x8e: {  	v3 =	vadd.s32 v1, v3;
	_ =	sdelay $0x2  }
0x8f: {  	[tilespmem:s17], [sflag:$0x1] =	stream.indirect_vreg.gather [hbm4b:s1+s3], $0x80, v4, vm0, $0xb8;
	[tilespmem:$0x8080] =	vst v63  }
0x90: {  	_ = 	snop  }
0x91: {  	[tilespmem:s18], [sflag:$0x1] =	stream.indirect_vreg.gather [hbm4b:s1+s3], $0x80, v3, vm0, $0xb8;
	[tilespmem:$0x8080] =	vst v63  }
0x92: {  	v3 =	vld [tilespmem:$0x20];
	_ =	sdelay $0x4  }
0x93: {  	v10 =	vshll.u32 v3, $0x1  }
0x94: {  	v3 =	vand.u32 $0x7, v3;
	v4 =	vand.u32 $0xFFFFFFF0, v10  }
0x95: {  	v3 =	vor.u32 v3, v4  }
0x96: {  	v4 =	vperm.xlane v3, v0;
	_ =	sdelay $0x1  }
0x97: {  	v3 =	vperm.xlane v3, v2;
	v4 =	vadd.s32 v1, v4;
	_ =	sdelay $0x1  }
0x98: {  	v3 =	vadd.s32 v1, v3;
	_ =	sdelay $0x2  }
0x99: {  	[tilespmem:s19], [sflag:$0x1] =	stream.indirect_vreg.gather [hbm4b:s1+s3], $0x80, v4, vm0, $0xb8;
	[tilespmem:$0x8080] =	vst v63  }
0x9a: {  	_ = 	snop  }
0x9b: {  	[tilespmem:s20], [sflag:$0x1] =	stream.indirect_vreg.gather [hbm4b:s1+s3], $0x80, v3, vm0, $0xb8;
	[tilespmem:$0x8080] =	vst v63  }
0x9c: {  	v3 =	vld [tilespmem:$0x30];
	_ =	sdelay $0x4  }
0x9d: {  	v11 =	vshll.u32 v3, $0x1  }
0x9e: {  	v3 =	vand.u32 $0x7, v3;
	v4 =	vand.u32 $0xFFFFFFF0, v11  }
0x9f: {  	v3 =	vor.u32 v3, v4  }
0xa0: {  	v4 =	vperm.xlane v3, v0;
	_ =	sdelay $0x1  }
0xa1: {  	v3 =	vperm.xlane v3, v2;
	v4 =	vadd.s32 v1, v4;
	_ =	sdelay $0x1  }
0xa2: {  	v3 =	vadd.s32 v1, v3;
	_ =	sdelay $0x2  }
0xa3: {  	[tilespmem:s21], [sflag:$0x1] =	stream.indirect_vreg.gather [hbm4b:s1+s3], $0x80, v4, vm0, $0xb8;
	[tilespmem:$0x8080] =	vst v63  }
0xa4: {  	_ = 	snop  }
0xa5: {  	[tilespmem:s22], [sflag:$0x1] =	stream.indirect_vreg.gather [hbm4b:s1+s3], $0x80, v3, vm0, $0xb8;
	[tilespmem:$0x8080] =	vst v63  }
0xa6: {  	v3 =	vld [tilespmem:$0x40];
	_ =	sdelay $0x4  }
0xa7: {  	v12 =	vshll.u32 v3, $0x1  }
0xa8: {  	v3 =	vand.u32 $0x7, v3;
	v4 =	vand.u32 $0xFFFFFFF0, v12  }
0xa9: {  	v3 =	vor.u32 v3, v4  }
0xaa: {  	v4 =	vperm.xlane v3, v0;
	_ =	sdelay $0x1  }
0xab: {  	v3 =	vperm.xlane v3, v2;
	v4 =	vadd.s32 v1, v4;
	_ =	sdelay $0x1  }
0xac: {  	v3 =	vadd.s32 v1, v3;
	_ =	sdelay $0x2  }
0xad: {  	[tilespmem:s23], [sflag:$0x1] =	stream.indirect_vreg.gather [hbm4b:s1+s3], $0x80, v4, vm0, $0xb8;
	[tilespmem:$0x8080] =	vst v63  }
0xae: {  	_ = 	snop  }
0xaf: {  	[tilespmem:s24], [sflag:$0x1] =	stream.indirect_vreg.gather [hbm4b:s1+s3], $0x80, v3, vm0, $0xb8;
	[tilespmem:$0x8080] =	vst v63  }
0xb0: {  	v3 =	vld [tilespmem:$0x50];
	_ =	sdelay $0x4  }
0xb1: {  	v13 =	vshll.u32 v3, $0x1  }
0xb2: {  	v3 =	vand.u32 $0x7, v3;
	v4 =	vand.u32 $0xFFFFFFF0, v13  }
0xb3: {  	v3 =	vor.u32 v3, v4  }
0xb4: {  	v4 =	vperm.xlane v3, v0;
	_ =	sdelay $0x1  }
0xb5: {  	v3 =	vperm.xlane v3, v2;
	v4 =	vadd.s32 v1, v4;
	_ =	sdelay $0x1  }
0xb6: {  	v3 =	vadd.s32 v1, v3;
	_ =	sdelay $0x2  }
0xb7: {  	[tilespmem:s25], [sflag:$0x1] =	stream.indirect_vreg.gather [hbm4b:s1+s3], $0x80, v4, vm0, $0xb8;
	[tilespmem:$0x8080] =	vst v63  }
0xb8: {  	_ = 	snop  }
0xb9: {  	[tilespmem:s26], [sflag:$0x1] =	stream.indirect_vreg.gather [hbm4b:s1+s3], $0x80, v3, vm0, $0xb8;
	[tilespmem:$0x8080] =	vst v63  }
0xba: {  	v3 =	vld [tilespmem:$0x60];
	_ =	sdelay $0x4  }
0xbb: {  	v14 =	vshll.u32 v3, $0x1  }
0xbc: {  	v3 =	vand.u32 $0x7, v3;
	v4 =	vand.u32 $0xFFFFFFF0, v14  }
0xbd: {  	v3 =	vor.u32 v3, v4  }
0xbe: {  	v4 =	vperm.xlane v3, v0;
	_ =	sdelay $0x1  }
0xbf: {  	v3 =	vperm.xlane v3, v2;
	v4 =	vadd.s32 v1, v4;
	_ =	sdelay $0x1  }
0xc0: {  	v3 =	vadd.s32 v1, v3;
	_ =	sdelay $0x2  }
0xc1: {  	[tilespmem:s28], [sflag:$0x1] =	stream.indirect_vreg.gather [hbm4b:s1+s3], $0x80, v4, vm0, $0xb8;
	[tilespmem:$0x8080] =	vst v63  }
0xc2: {  	_ = 	snop  }
0xc3: {  	[tilespmem:s29], [sflag:$0x1] =	stream.indirect_vreg.gather [hbm4b:s1+s3], $0x80, v3, vm0, $0xb8;
	[tilespmem:$0x8080] =	vst v63  }
0xc4: {  	v3 =	vld [tilespmem:$0x70];
	_ =	sdelay $0x4  }
0xc5: {  	v15 =	vshll.u32 v3, $0x1  }
0xc6: {  	v3 =	vand.u32 $0x7, v3;
	v4 =	vand.u32 $0xFFFFFFF0, v15  }
0xc7: {  	v3 =	vor.u32 v3, v4  }
0xc8: {  	v4 =	vperm.xlane v3, v0;
	_ =	sdelay $0x1  }
0xc9: {  	v3 =	vperm.xlane v3, v2;
	v4 =	vadd.s32 v1, v4;
	_ =	sdelay $0x1  }
0xca: {  	v3 =	vadd.s32 v1, v3;
	_ =	sdelay $0x2  }
0xcb: {  	[tilespmem:s30], [sflag:$0x1] =	stream.indirect_vreg.gather [hbm4b:s1+s3], $0x80, v4, vm0, $0xb8;
	[tilespmem:$0x8080] =	vst v63  }
0xcc: {  	_ = 	snop  }
0xcd: {  	[tilespmem:s31], [sflag:$0x1] =	stream.indirect_vreg.gather [hbm4b:s1+s3], $0x80, v3, vm0, $0xb8;
	[tilespmem:$0x8080] =	vst v63  }
0xce: {  	_ =	swait.ge [sflag:s0], $0x8000  }
0xcf: {  	[sflag:s0] =	ssyncset.done $0x0  }
0xd0: {  	s2 =	rddreg [dreg:$0x7];
	[sflag:s0] =	ssyncadd.s32 $0xFFFF8000  }
0xd1: {  	[hbm4b:s2+s3] =	stream.linear.scatter [tilespmem:s15], [sflag:$0x2], $0x8000, $0x38;
	[tilespmem:$0x8080] =	vst v63  }
0xd2: {  	_ =	swait.ge [sflag:s14], $0x8000  }
0xd3: {  	[sflag:s14] =	ssyncset.done $0x0  }
0xd4: {  	s2 =	rddreg [dreg:$0x8];
	[sflag:s14] =	ssyncadd.s32 $0xFFFF8000  }
0xd5: {  	[tilespmem:s3], [sflag:$0x2] =	stream.linear.gather [hbm4b:s2+s3], $0x80, $0x38;
	[tilespmem:$0x8080] =	vst v63  }
0xd6: {  	_ =	swait.ge [sflag:s14], $0x80  }
0xd7: {  	[sflag:s14] =	ssyncset.done $0x0  }
0xd8: {  	[sflag:s14] =	ssyncadd.s32 $0xFFFFFF80  }
0xd9: {  	v3 =	vld [tilespmem:$0x0];
	_ =	sdelay $0x4  }
0xda: {  	v16 =	vshll.u32 v3, $0x1  }
0xdb: {  	v3 =	vand.u32 $0x7, v3;
	v4 =	vand.u32 $0xFFFFFFF0, v16  }
0xdc: {  	v3 =	vor.u32 v3, v4  }
0xdd: {  	v4 =	vperm.xlane v3, v0;
	_ =	sdelay $0x1  }
0xde: {  	v3 =	vperm.xlane v3, v2;
	v4 =	vadd.s32 v1, v4;
	_ =	sdelay $0x1  }
0xdf: {  	v3 =	vadd.s32 v1, v3;
	_ =	sdelay $0x2  }
0xe0: {  	[tilespmem:s15], [sflag:$0x1] =	stream.indirect_vreg.gather [hbm4b:s1+s3], $0x80, v4, vm0, $0xb8;
	[tilespmem:$0x8080] =	vst v63  }
0xe1: {  	_ = 	snop  }
0xe2: {  	[tilespmem:s16], [sflag:$0x1] =	stream.indirect_vreg.gather [hbm4b:s1+s3], $0x80, v3, vm0, $0xb8;
	[tilespmem:$0x8080] =	vst v63  }
0xe3: {  	v3 =	vld [tilespmem:$0x10];
	_ =	sdelay $0x4  }
0xe4: {  	v17 =	vshll.u32 v3, $0x1  }
0xe5: {  	v3 =	vand.u32 $0x7, v3;
	v4 =	vand.u32 $0xFFFFFFF0, v17  }
0xe6: {  	v3 =	vor.u32 v3, v4  }
0xe7: {  	v4 =	vperm.xlane v3, v0;
	_ =	sdelay $0x1  }
0xe8: {  	v3 =	vperm.xlane v3, v2;
	v4 =	vadd.s32 v1, v4;
	_ =	sdelay $0x1  }
0xe9: {  	v3 =	vadd.s32 v1, v3;
	_ =	sdelay $0x2  }
0xea: {  	[tilespmem:s17], [sflag:$0x1] =	stream.indirect_vreg.gather [hbm4b:s1+s3], $0x80, v4, vm0, $0xb8;
	[tilespmem:$0x8080] =	vst v63  }
0xeb: {  	_ = 	snop  }
0xec: {  	[tilespmem:s18], [sflag:$0x1] =	stream.indirect_vreg.gather [hbm4b:s1+s3], $0x80, v3, vm0, $0xb8;
	[tilespmem:$0x8080] =	vst v63  }
0xed: {  	v3 =	vld [tilespmem:$0x20];
	_ =	sdelay $0x4  }
0xee: {  	v18 =	vshll.u32 v3, $0x1  }
0xef: {  	v3 =	vand.u32 $0x7, v3;
	v4 =	vand.u32 $0xFFFFFFF0, v18  }
0xf0: {  	v3 =	vor.u32 v3, v4  }
0xf1: {  	v4 =	vperm.xlane v3, v0;
	_ =	sdelay $0x1  }
0xf2: {  	v3 =	vperm.xlane v3, v2;
	v4 =	vadd.s32 v1, v4;
	_ =	sdelay $0x1  }
0xf3: {  	v3 =	vadd.s32 v1, v3;
	_ =	sdelay $0x2  }
0xf4: {  	[tilespmem:s19], [sflag:$0x1] =	stream.indirect_vreg.gather [hbm4b:s1+s3], $0x80, v4, vm0, $0xb8;
	[tilespmem:$0x8080] =	vst v63  }
0xf5: {  	_ = 	snop  }
0xf6: {  	[tilespmem:s20], [sflag:$0x1] =	stream.indirect_vreg.gather [hbm4b:s1+s3], $0x80, v3, vm0, $0xb8;
	[tilespmem:$0x8080] =	vst v63  }
0xf7: {  	v3 =	vld [tilespmem:$0x30];
	_ =	sdelay $0x4  }
0xf8: {  	v19 =	vshll.u32 v3, $0x1  }
0xf9: {  	v3 =	vand.u32 $0x7, v3;
	v4 =	vand.u32 $0xFFFFFFF0, v19  }
0xfa: {  	v3 =	vor.u32 v3, v4  }
0xfb: {  	v4 =	vperm.xlane v3, v0;
	_ =	sdelay $0x1  }
0xfc: {  	v3 =	vperm.xlane v3, v2;
	v4 =	vadd.s32 v1, v4;
	_ =	sdelay $0x1  }
0xfd: {  	v3 =	vadd.s32 v1, v3;
	_ =	sdelay $0x2  }
0xfe: {  	[tilespmem:s21], [sflag:$0x1] =	stream.indirect_vreg.gather [hbm4b:s1+s3], $0x80, v4, vm0, $0xb8;
	[tilespmem:$0x8080] =	vst v63  }
0xff: {  	_ = 	snop  }
0x100: {  	[tilespmem:s22], [sflag:$0x1] =	stream.indirect_vreg.gather [hbm4b:s1+s3], $0x80, v3, vm0, $0xb8;
	[tilespmem:$0x8080] =	vst v63  }
0x101: {  	v3 =	vld [tilespmem:$0x40];
	_ =	sdelay $0x4  }
0x102: {  	v20 =	vshll.u32 v3, $0x1  }
0x103: {  	v3 =	vand.u32 $0x7, v3;
	v4 =	vand.u32 $0xFFFFFFF0, v20  }
0x104: {  	v3 =	vor.u32 v3, v4  }
0x105: {  	v4 =	vperm.xlane v3, v0;
	_ =	sdelay $0x1  }
0x106: {  	v3 =	vperm.xlane v3, v2;
	v4 =	vadd.s32 v1, v4;
	_ =	sdelay $0x1  }
0x107: {  	v3 =	vadd.s32 v1, v3;
	_ =	sdelay $0x2  }
0x108: {  	[tilespmem:s23], [sflag:$0x1] =	stream.indirect_vreg.gather [hbm4b:s1+s3], $0x80, v4, vm0, $0xb8;
	[tilespmem:$0x8080] =	vst v63  }
0x109: {  	_ = 	snop  }
0x10a: {  	[tilespmem:s24], [sflag:$0x1] =	stream.indirect_vreg.gather [hbm4b:s1+s3], $0x80, v3, vm0, $0xb8;
	[tilespmem:$0x8080] =	vst v63  }
0x10b: {  	v3 =	vld [tilespmem:$0x50];
	_ =	sdelay $0x4  }
0x10c: {  	v21 =	vshll.u32 v3, $0x1  }
0x10d: {  	v3 =	vand.u32 $0x7, v3;
	v4 =	vand.u32 $0xFFFFFFF0, v21  }
0x10e: {  	v3 =	vor.u32 v3, v4  }
0x10f: {  	v4 =	vperm.xlane v3, v0;
	_ =	sdelay $0x1  }
0x110: {  	v3 =	vperm.xlane v3, v2;
	v4 =	vadd.s32 v1, v4;
	_ =	sdelay $0x1  }
0x111: {  	v3 =	vadd.s32 v1, v3;
	_ =	sdelay $0x2  }
0x112: {  	[tilespmem:s25], [sflag:$0x1] =	stream.indirect_vreg.gather [hbm4b:s1+s3], $0x80, v4, vm0, $0xb8;
	[tilespmem:$0x8080] =	vst v63  }
0x113: {  	_ = 	snop  }
0x114: {  	[tilespmem:s26], [sflag:$0x1] =	stream.indirect_vreg.gather [hbm4b:s1+s3], $0x80, v3, vm0, $0xb8;
	[tilespmem:$0x8080] =	vst v63  }
0x115: {  	v3 =	vld [tilespmem:$0x60];
	_ =	sdelay $0x4  }
0x116: {  	v22 =	vshll.u32 v3, $0x1  }
0x117: {  	v3 =	vand.u32 $0x7, v3;
	v4 =	vand.u32 $0xFFFFFFF0, v22  }
0x118: {  	v3 =	vor.u32 v3, v4  }
0x119: {  	v4 =	vperm.xlane v3, v0;
	_ =	sdelay $0x1  }
0x11a: {  	v3 =	vperm.xlane v3, v2;
	v4 =	vadd.s32 v1, v4;
	_ =	sdelay $0x1  }
0x11b: {  	v3 =	vadd.s32 v1, v3;
	_ =	sdelay $0x2  }
0x11c: {  	[tilespmem:s28], [sflag:$0x1] =	stream.indirect_vreg.gather [hbm4b:s1+s3], $0x80, v4, vm0, $0xb8;
	[tilespmem:$0x8080] =	vst v63  }
0x11d: {  	_ = 	snop  }
0x11e: {  	[tilespmem:s29], [sflag:$0x1] =	stream.indirect_vreg.gather [hbm4b:s1+s3], $0x80, v3, vm0, $0xb8;
	[tilespmem:$0x8080] =	vst v63  }
0x11f: {  	v3 =	vld [tilespmem:$0x70];
	_ =	sdelay $0x4  }
0x120: {  	v23 =	vshll.u32 v3, $0x1  }
0x121: {  	v3 =	vand.u32 $0x7, v3;
	v4 =	vand.u32 $0xFFFFFFF0, v23  }
0x122: {  	v3 =	vor.u32 v3, v4  }
0x123: {  	v4 =	vperm.xlane v3, v0;
	_ =	sdelay $0x1  }
0x124: {  	v3 =	vperm.xlane v3, v2;
	v4 =	vadd.s32 v1, v4;
	_ =	sdelay $0x1  }
0x125: {  	v3 =	vadd.s32 v1, v3;
	_ =	sdelay $0x2  }
0x126: {  	[tilespmem:s30], [sflag:$0x1] =	stream.indirect_vreg.gather [hbm4b:s1+s3], $0x80, v4, vm0, $0xb8;
	[tilespmem:$0x8080] =	vst v63  }
0x127: {  	_ = 	snop  }
0x128: {  	[tilespmem:s31], [sflag:$0x1] =	stream.indirect_vreg.gather [hbm4b:s1+s3], $0x80, v3, vm0, $0xb8;
	[tilespmem:$0x8080] =	vst v63  }
0x129: {  	_ =	swait.ge [sflag:s0], $0x8000  }
0x12a: {  	[sflag:s0] =	ssyncset.done $0x0  }
0x12b: {  	s2 =	rddreg [dreg:$0x9];
	[sflag:s0] =	ssyncadd.s32 $0xFFFF8000  }
0x12c: {  	[hbm4b:s2+s3] =	stream.linear.scatter [tilespmem:s15], [sflag:$0x2], $0x8000, $0x38;
	[tilespmem:$0x8080] =	vst v63  }
0x12d: {  	_ =	swait.ge [sflag:s14], $0x8000  }
0x12e: {  	[sflag:s14] =	ssyncset.done $0x0  }
0x12f: {  	s2 =	rddreg [dreg:$0xa];
	[sflag:s14] =	ssyncadd.s32 $0xFFFF8000  }
0x130: {  	[tilespmem:s3], [sflag:$0x2] =	stream.linear.gather [hbm4b:s2+s3], $0x80, $0x38;
	[tilespmem:$0x8080] =	vst v63  }
0x131: {  	_ =	swait.ge [sflag:s14], $0x80  }
0x132: {  	[sflag:s14] =	ssyncset.done $0x0  }
0x133: {  	[sflag:s14] =	ssyncadd.s32 $0xFFFFFF80  }
0x134: {  	v3 =	vld [tilespmem:$0x0];
	_ =	sdelay $0x4  }
0x135: {  	v24 =	vshll.u32 v3, $0x1  }
0x136: {  	v3 =	vand.u32 $0x7, v3;
	v4 =	vand.u32 $0xFFFFFFF0, v24  }
0x137: {  	v3 =	vor.u32 v3, v4  }
0x138: {  	v4 =	vperm.xlane v3, v0;
	_ =	sdelay $0x1  }
0x139: {  	v3 =	vperm.xlane v3, v2;
	v4 =	vadd.s32 v1, v4;
	_ =	sdelay $0x1  }
0x13a: {  	v3 =	vadd.s32 v1, v3;
	_ =	sdelay $0x2  }
0x13b: {  	[tilespmem:s15], [sflag:$0x1] =	stream.indirect_vreg.gather [hbm4b:s1+s3], $0x80, v4, vm0, $0xb8;
	[tilespmem:$0x8080] =	vst v63  }
0x13c: {  	_ = 	snop  }
0x13d: {  	[tilespmem:s16], [sflag:$0x1] =	stream.indirect_vreg.gather [hbm4b:s1+s3], $0x80, v3, vm0, $0xb8;
	[tilespmem:$0x8080] =	vst v63  }
0x13e: {  	v3 =	vld [tilespmem:$0x10];
	_ =	sdelay $0x4  }
0x13f: {  	v25 =	vshll.u32 v3, $0x1  }
0x140: {  	v3 =	vand.u32 $0x7, v3;
	v4 =	vand.u32 $0xFFFFFFF0, v25  }
0x141: {  	v3 =	vor.u32 v3, v4  }
0x142: {  	v4 =	vperm.xlane v3, v0;
	_ =	sdelay $0x1  }
0x143: {  	v3 =	vperm.xlane v3, v2;
	v4 =	vadd.s32 v1, v4;
	_ =	sdelay $0x1  }
0x144: {  	v3 =	vadd.s32 v1, v3;
	_ =	sdelay $0x2  }
0x145: {  	[tilespmem:s17], [sflag:$0x1] =	stream.indirect_vreg.gather [hbm4b:s1+s3], $0x80, v4, vm0, $0xb8;
	[tilespmem:$0x8080] =	vst v63  }
0x146: {  	_ = 	snop  }
0x147: {  	[tilespmem:s18], [sflag:$0x1] =	stream.indirect_vreg.gather [hbm4b:s1+s3], $0x80, v3, vm0, $0xb8;
	[tilespmem:$0x8080] =	vst v63  }
0x148: {  	v3 =	vld [tilespmem:$0x20];
	_ =	sdelay $0x4  }
0x149: {  	v26 =	vshll.u32 v3, $0x1  }
0x14a: {  	v3 =	vand.u32 $0x7, v3;
	v4 =	vand.u32 $0xFFFFFFF0, v26  }
0x14b: {  	v3 =	vor.u32 v3, v4  }
0x14c: {  	v4 =	vperm.xlane v3, v0;
	_ =	sdelay $0x1  }
0x14d: {  	v3 =	vperm.xlane v3, v2;
	v4 =	vadd.s32 v1, v4;
	_ =	sdelay $0x1  }
0x14e: {  	v3 =	vadd.s32 v1, v3;
	_ =	sdelay $0x2  }
0x14f: {  	[tilespmem:s19], [sflag:$0x1] =	stream.indirect_vreg.gather [hbm4b:s1+s3], $0x80, v4, vm0, $0xb8;
	[tilespmem:$0x8080] =	vst v63  }
0x150: {  	_ = 	snop  }
0x151: {  	[tilespmem:s20], [sflag:$0x1] =	stream.indirect_vreg.gather [hbm4b:s1+s3], $0x80, v3, vm0, $0xb8;
	[tilespmem:$0x8080] =	vst v63  }
0x152: {  	v3 =	vld [tilespmem:$0x30];
	_ =	sdelay $0x4  }
0x153: {  	v27 =	vshll.u32 v3, $0x1  }
0x154: {  	v3 =	vand.u32 $0x7, v3;
	v4 =	vand.u32 $0xFFFFFFF0, v27  }
0x155: {  	v3 =	vor.u32 v3, v4  }
0x156: {  	v4 =	vperm.xlane v3, v0;
	_ =	sdelay $0x1  }
0x157: {  	v3 =	vperm.xlane v3, v2;
	v4 =	vadd.s32 v1, v4;
	_ =	sdelay $0x1  }
0x158: {  	v3 =	vadd.s32 v1, v3;
	_ =	sdelay $0x2  }
0x159: {  	[tilespmem:s21], [sflag:$0x1] =	stream.indirect_vreg.gather [hbm4b:s1+s3], $0x80, v4, vm0, $0xb8;
	[tilespmem:$0x8080] =	vst v63  }
0x15a: {  	_ = 	snop  }
0x15b: {  	[tilespmem:s22], [sflag:$0x1] =	stream.indirect_vreg.gather [hbm4b:s1+s3], $0x80, v3, vm0, $0xb8;
	[tilespmem:$0x8080] =	vst v63  }
0x15c: {  	v3 =	vld [tilespmem:$0x40];
	_ =	sdelay $0x4  }
0x15d: {  	v28 =	vshll.u32 v3, $0x1  }
0x15e: {  	v3 =	vand.u32 $0x7, v3;
	v4 =	vand.u32 $0xFFFFFFF0, v28  }
0x15f: {  	v3 =	vor.u32 v3, v4  }
0x160: {  	v4 =	vperm.xlane v3, v0;
	_ =	sdelay $0x1  }
0x161: {  	v3 =	vperm.xlane v3, v2;
	v4 =	vadd.s32 v1, v4;
	_ =	sdelay $0x1  }
0x162: {  	v3 =	vadd.s32 v1, v3;
	_ =	sdelay $0x2  }
0x163: {  	[tilespmem:s23], [sflag:$0x1] =	stream.indirect_vreg.gather [hbm4b:s1+s3], $0x80, v4, vm0, $0xb8;
	[tilespmem:$0x8080] =	vst v63  }
0x164: {  	_ = 	snop  }
0x165: {  	[tilespmem:s24], [sflag:$0x1] =	stream.indirect_vreg.gather [hbm4b:s1+s3], $0x80, v3, vm0, $0xb8;
	[tilespmem:$0x8080] =	vst v63  }
0x166: {  	v3 =	vld [tilespmem:$0x50];
	_ =	sdelay $0x4  }
0x167: {  	v29 =	vshll.u32 v3, $0x1  }
0x168: {  	v3 =	vand.u32 $0x7, v3;
	v4 =	vand.u32 $0xFFFFFFF0, v29  }
0x169: {  	v3 =	vor.u32 v3, v4  }
0x16a: {  	v4 =	vperm.xlane v3, v0;
	_ =	sdelay $0x1  }
0x16b: {  	v3 =	vperm.xlane v3, v2;
	v4 =	vadd.s32 v1, v4;
	_ =	sdelay $0x1  }
0x16c: {  	v3 =	vadd.s32 v1, v3;
	_ =	sdelay $0x2  }
0x16d: {  	[tilespmem:s25], [sflag:$0x1] =	stream.indirect_vreg.gather [hbm4b:s1+s3], $0x80, v4, vm0, $0xb8;
	[tilespmem:$0x8080] =	vst v63  }
0x16e: {  	_ = 	snop  }
0x16f: {  	[tilespmem:s26], [sflag:$0x1] =	stream.indirect_vreg.gather [hbm4b:s1+s3], $0x80, v3, vm0, $0xb8;
	[tilespmem:$0x8080] =	vst v63  }
0x170: {  	v3 =	vld [tilespmem:$0x60];
	_ =	sdelay $0x4  }
0x171: {  	v30 =	vshll.u32 v3, $0x1  }
0x172: {  	v3 =	vand.u32 $0x7, v3;
	v4 =	vand.u32 $0xFFFFFFF0, v30  }
0x173: {  	v3 =	vor.u32 v3, v4  }
0x174: {  	v4 =	vperm.xlane v3, v0;
	_ =	sdelay $0x1  }
0x175: {  	v3 =	vperm.xlane v3, v2;
	v4 =	vadd.s32 v1, v4;
	_ =	sdelay $0x1  }
0x176: {  	v3 =	vadd.s32 v1, v3;
	_ =	sdelay $0x2  }
0x177: {  	[tilespmem:s28], [sflag:$0x1] =	stream.indirect_vreg.gather [hbm4b:s1+s3], $0x80, v4, vm0, $0xb8;
	[tilespmem:$0x8080] =	vst v63  }
0x178: {  	_ = 	snop  }
0x179: {  	[tilespmem:s29], [sflag:$0x1] =	stream.indirect_vreg.gather [hbm4b:s1+s3], $0x80, v3, vm0, $0xb8;
	[tilespmem:$0x8080] =	vst v63  }
0x17a: {  	v3 =	vld [tilespmem:$0x70];
	_ =	sdelay $0x4  }
0x17b: {  	v31 =	vshll.u32 v3, $0x1  }
0x17c: {  	v3 =	vand.u32 $0x7, v3;
	v4 =	vand.u32 $0xFFFFFFF0, v31  }
0x17d: {  	v3 =	vor.u32 v3, v4  }
0x17e: {  	v4 =	vperm.xlane v3, v0;
	_ =	sdelay $0x1  }
0x17f: {  	v3 =	vperm.xlane v3, v2;
	v4 =	vadd.s32 v1, v4;
	_ =	sdelay $0x1  }
0x180: {  	v3 =	vadd.s32 v1, v3;
	_ =	sdelay $0x2  }
0x181: {  	[tilespmem:s30], [sflag:$0x1] =	stream.indirect_vreg.gather [hbm4b:s1+s3], $0x80, v4, vm0, $0xb8;
	[tilespmem:$0x8080] =	vst v63  }
0x182: {  	_ = 	snop  }
0x183: {  	[tilespmem:s31], [sflag:$0x1] =	stream.indirect_vreg.gather [hbm4b:s1+s3], $0x80, v3, vm0, $0xb8;
	[tilespmem:$0x8080] =	vst v63  }
0x184: {  	_ =	swait.ge [sflag:s0], $0x8000  }
0x185: {  	[sflag:s0] =	ssyncset.done $0x0  }
0x186: {  	[sflag:s0] =	ssyncadd.s32 $0xFFFF8000  }
0x187: {  	[hbm4b:s4+s3] =	stream.linear.scatter [tilespmem:s15], [sflag:$0x2], $0x8000, $0x38;
	[tilespmem:$0x8080] =	vst v63  }
0x188: {  	_ =	swait.ge [sflag:s14], $0x8000  }
0x189: {  	[sflag:s14] =	ssyncset.done $0x0  }
0x18a: {  	[sflag:s14] =	ssyncadd.s32 $0xFFFF8000  }
0x18b: {  	[tilespmem:s3], [sflag:$0x2] =	stream.linear.gather [hbm4b:s5+s3], $0x80, $0x38;
	[tilespmem:$0x8080] =	vst v63  }
0x18c: {  	_ =	swait.ge [sflag:s14], $0x80  }
0x18d: {  	[sflag:s14] =	ssyncset.done $0x0  }
0x18e: {  	[sflag:s14] =	ssyncadd.s32 $0xFFFFFF80  }
0x18f: {  	v3 =	vld [tilespmem:$0x0];
	_ =	sdelay $0x4  }
0x190: {  	v32 =	vshll.u32 v3, $0x1  }
0x191: {  	v3 =	vand.u32 $0x7, v3;
	v4 =	vand.u32 $0xFFFFFFF0, v32  }
0x192: {  	v3 =	vor.u32 v3, v4  }
0x193: {  	v4 =	vperm.xlane v3, v0;
	_ =	sdelay $0x1  }
0x194: {  	v3 =	vperm.xlane v3, v2;
	v4 =	vadd.s32 v1, v4;
	_ =	sdelay $0x1  }
0x195: {  	v3 =	vadd.s32 v1, v3;
	_ =	sdelay $0x2  }
0x196: {  	[tilespmem:s15], [sflag:$0x1] =	stream.indirect_vreg.gather [hbm4b:s1+s3], $0x80, v4, vm0, $0xb8;
	[tilespmem:$0x8080] =	vst v63  }
0x197: {  	_ = 	snop  }
0x198: {  	[tilespmem:s16], [sflag:$0x1] =	stream.indirect_vreg.gather [hbm4b:s1+s3], $0x80, v3, vm0, $0xb8;
	[tilespmem:$0x8080] =	vst v63  }
0x199: {  	v3 =	vld [tilespmem:$0x10];
	_ =	sdelay $0x4  }
0x19a: {  	v33 =	vshll.u32 v3, $0x1  }
0x19b: {  	v3 =	vand.u32 $0x7, v3;
	v4 =	vand.u32 $0xFFFFFFF0, v33  }
0x19c: {  	v3 =	vor.u32 v3, v4  }
0x19d: {  	v4 =	vperm.xlane v3, v0;
	_ =	sdelay $0x1  }
0x19e: {  	v3 =	vperm.xlane v3, v2;
	v4 =	vadd.s32 v1, v4;
	_ =	sdelay $0x1  }
0x19f: {  	v3 =	vadd.s32 v1, v3;
	_ =	sdelay $0x2  }
0x1a0: {  	[tilespmem:s17], [sflag:$0x1] =	stream.indirect_vreg.gather [hbm4b:s1+s3], $0x80, v4, vm0, $0xb8;
	[tilespmem:$0x8080] =	vst v63  }
0x1a1: {  	_ = 	snop  }
0x1a2: {  	[tilespmem:s18], [sflag:$0x1] =	stream.indirect_vreg.gather [hbm4b:s1+s3], $0x80, v3, vm0, $0xb8;
	[tilespmem:$0x8080] =	vst v63  }
0x1a3: {  	v3 =	vld [tilespmem:$0x20];
	_ =	sdelay $0x4  }
0x1a4: {  	v34 =	vshll.u32 v3, $0x1  }
0x1a5: {  	v3 =	vand.u32 $0x7, v3;
	v4 =	vand.u32 $0xFFFFFFF0, v34  }
0x1a6: {  	v3 =	vor.u32 v3, v4  }
0x1a7: {  	v4 =	vperm.xlane v3, v0;
	_ =	sdelay $0x1  }
0x1a8: {  	v3 =	vperm.xlane v3, v2;
	v4 =	vadd.s32 v1, v4;
	_ =	sdelay $0x1  }
0x1a9: {  	v3 =	vadd.s32 v1, v3;
	_ =	sdelay $0x2  }
0x1aa: {  	[tilespmem:s19], [sflag:$0x1] =	stream.indirect_vreg.gather [hbm4b:s1+s3], $0x80, v4, vm0, $0xb8;
	[tilespmem:$0x8080] =	vst v63  }
0x1ab: {  	_ = 	snop  }
0x1ac: {  	[tilespmem:s20], [sflag:$0x1] =	stream.indirect_vreg.gather [hbm4b:s1+s3], $0x80, v3, vm0, $0xb8;
	[tilespmem:$0x8080] =	vst v63  }
0x1ad: {  	v3 =	vld [tilespmem:$0x30];
	_ =	sdelay $0x4  }
0x1ae: {  	v35 =	vshll.u32 v3, $0x1  }
0x1af: {  	v3 =	vand.u32 $0x7, v3;
	v4 =	vand.u32 $0xFFFFFFF0, v35  }
0x1b0: {  	v3 =	vor.u32 v3, v4  }
0x1b1: {  	v4 =	vperm.xlane v3, v0;
	_ =	sdelay $0x1  }
0x1b2: {  	v3 =	vperm.xlane v3, v2;
	v4 =	vadd.s32 v1, v4;
	_ =	sdelay $0x1  }
0x1b3: {  	v3 =	vadd.s32 v1, v3;
	_ =	sdelay $0x2  }
0x1b4: {  	[tilespmem:s21], [sflag:$0x1] =	stream.indirect_vreg.gather [hbm4b:s1+s3], $0x80, v4, vm0, $0xb8;
	[tilespmem:$0x8080] =	vst v63  }
0x1b5: {  	_ = 	snop  }
0x1b6: {  	[tilespmem:s22], [sflag:$0x1] =	stream.indirect_vreg.gather [hbm4b:s1+s3], $0x80, v3, vm0, $0xb8;
	[tilespmem:$0x8080] =	vst v63  }
0x1b7: {  	v3 =	vld [tilespmem:$0x40];
	_ =	sdelay $0x4  }
0x1b8: {  	v36 =	vshll.u32 v3, $0x1  }
0x1b9: {  	v3 =	vand.u32 $0x7, v3;
	v4 =	vand.u32 $0xFFFFFFF0, v36  }
0x1ba: {  	v3 =	vor.u32 v3, v4  }
0x1bb: {  	v4 =	vperm.xlane v3, v0;
	_ =	sdelay $0x1  }
0x1bc: {  	v3 =	vperm.xlane v3, v2;
	v4 =	vadd.s32 v1, v4;
	_ =	sdelay $0x1  }
0x1bd: {  	v3 =	vadd.s32 v1, v3;
	_ =	sdelay $0x2  }
0x1be: {  	[tilespmem:s23], [sflag:$0x1] =	stream.indirect_vreg.gather [hbm4b:s1+s3], $0x80, v4, vm0, $0xb8;
	[tilespmem:$0x8080] =	vst v63  }
0x1bf: {  	_ = 	snop  }
0x1c0: {  	[tilespmem:s24], [sflag:$0x1] =	stream.indirect_vreg.gather [hbm4b:s1+s3], $0x80, v3, vm0, $0xb8;
	[tilespmem:$0x8080] =	vst v63  }
0x1c1: {  	v3 =	vld [tilespmem:$0x50];
	_ =	sdelay $0x4  }
0x1c2: {  	v37 =	vshll.u32 v3, $0x1  }
0x1c3: {  	v3 =	vand.u32 $0x7, v3;
	v4 =	vand.u32 $0xFFFFFFF0, v37  }
0x1c4: {  	v3 =	vor.u32 v3, v4  }
0x1c5: {  	v4 =	vperm.xlane v3, v0;
	_ =	sdelay $0x1  }
0x1c6: {  	v3 =	vperm.xlane v3, v2;
	v4 =	vadd.s32 v1, v4;
	_ =	sdelay $0x1  }
0x1c7: {  	v3 =	vadd.s32 v1, v3;
	_ =	sdelay $0x2  }
0x1c8: {  	[tilespmem:s25], [sflag:$0x1] =	stream.indirect_vreg.gather [hbm4b:s1+s3], $0x80, v4, vm0, $0xb8;
	[tilespmem:$0x8080] =	vst v63  }
0x1c9: {  	_ = 	snop  }
0x1ca: {  	[tilespmem:s26], [sflag:$0x1] =	stream.indirect_vreg.gather [hbm4b:s1+s3], $0x80, v3, vm0, $0xb8;
	[tilespmem:$0x8080] =	vst v63  }
0x1cb: {  	v3 =	vld [tilespmem:$0x60];
	_ =	sdelay $0x4  }
0x1cc: {  	v38 =	vshll.u32 v3, $0x1  }
0x1cd: {  	v3 =	vand.u32 $0x7, v3;
	v4 =	vand.u32 $0xFFFFFFF0, v38  }
0x1ce: {  	v3 =	vor.u32 v3, v4  }
0x1cf: {  	v4 =	vperm.xlane v3, v0;
	_ =	sdelay $0x1  }
0x1d0: {  	v3 =	vperm.xlane v3, v2;
	v4 =	vadd.s32 v1, v4;
	_ =	sdelay $0x1  }
0x1d1: {  	v3 =	vadd.s32 v1, v3;
	_ =	sdelay $0x2  }
0x1d2: {  	[tilespmem:s28], [sflag:$0x1] =	stream.indirect_vreg.gather [hbm4b:s1+s3], $0x80, v4, vm0, $0xb8;
	[tilespmem:$0x8080] =	vst v63  }
0x1d3: {  	_ = 	snop  }
0x1d4: {  	[tilespmem:s29], [sflag:$0x1] =	stream.indirect_vreg.gather [hbm4b:s1+s3], $0x80, v3, vm0, $0xb8;
	[tilespmem:$0x8080] =	vst v63  }
0x1d5: {  	v3 =	vld [tilespmem:$0x70];
	_ =	sdelay $0x4  }
0x1d6: {  	v39 =	vshll.u32 v3, $0x1  }
0x1d7: {  	v3 =	vand.u32 $0x7, v3;
	v4 =	vand.u32 $0xFFFFFFF0, v39  }
0x1d8: {  	v3 =	vor.u32 v3, v4  }
0x1d9: {  	v4 =	vperm.xlane v3, v0;
	_ =	sdelay $0x1  }
0x1da: {  	v3 =	vperm.xlane v3, v2;
	v4 =	vadd.s32 v1, v4;
	_ =	sdelay $0x1  }
0x1db: {  	v3 =	vadd.s32 v1, v3;
	_ =	sdelay $0x2  }
0x1dc: {  	[tilespmem:s30], [sflag:$0x1] =	stream.indirect_vreg.gather [hbm4b:s1+s3], $0x80, v4, vm0, $0xb8;
	[tilespmem:$0x8080] =	vst v63  }
0x1dd: {  	_ = 	snop  }
0x1de: {  	[tilespmem:s31], [sflag:$0x1] =	stream.indirect_vreg.gather [hbm4b:s1+s3], $0x80, v3, vm0, $0xb8;
	[tilespmem:$0x8080] =	vst v63  }
0x1df: {  	_ =	swait.ge [sflag:s0], $0x8000  }
0x1e0: {  	[sflag:s0] =	ssyncset.done $0x0  }
0x1e1: {  	[sflag:s0] =	ssyncadd.s32 $0xFFFF8000  }
0x1e2: {  	[hbm4b:s6+s3] =	stream.linear.scatter [tilespmem:s15], [sflag:$0x2], $0x8000, $0x38;
	[tilespmem:$0x8080] =	vst v63  }
0x1e3: {  	_ =	swait.ge [sflag:s14], $0x8000  }
0x1e4: {  	[sflag:s14] =	ssyncset.done $0x0  }
0x1e5: {  	[sflag:s14] =	ssyncadd.s32 $0xFFFF8000  }
0x1e6: {  	[tilespmem:s3], [sflag:$0x2] =	stream.linear.gather [hbm4b:s7+s3], $0x80, $0x38;
	[tilespmem:$0x8080] =	vst v63  }
0x1e7: {  	_ =	swait.ge [sflag:s14], $0x80  }
0x1e8: {  	[sflag:s14] =	ssyncset.done $0x0  }
0x1e9: {  	[sflag:s14] =	ssyncadd.s32 $0xFFFFFF80  }
0x1ea: {  	v3 =	vld [tilespmem:$0x0];
	_ =	sdelay $0x4  }
0x1eb: {  	v40 =	vshll.u32 v3, $0x1  }
0x1ec: {  	v3 =	vand.u32 $0x7, v3;
	v4 =	vand.u32 $0xFFFFFFF0, v40  }
0x1ed: {  	v3 =	vor.u32 v3, v4  }
0x1ee: {  	v4 =	vperm.xlane v3, v0;
	_ =	sdelay $0x1  }
0x1ef: {  	v3 =	vperm.xlane v3, v2;
	v4 =	vadd.s32 v1, v4;
	_ =	sdelay $0x1  }
0x1f0: {  	v3 =	vadd.s32 v1, v3;
	_ =	sdelay $0x2  }
0x1f1: {  	[tilespmem:s15], [sflag:$0x1] =	stream.indirect_vreg.gather [hbm4b:s1+s3], $0x80, v4, vm0, $0xb8;
	[tilespmem:$0x8080] =	vst v63  }
0x1f2: {  	_ = 	snop  }
0x1f3: {  	[tilespmem:s16], [sflag:$0x1] =	stream.indirect_vreg.gather [hbm4b:s1+s3], $0x80, v3, vm0, $0xb8;
	[tilespmem:$0x8080] =	vst v63  }
0x1f4: {  	v3 =	vld [tilespmem:$0x10];
	_ =	sdelay $0x4  }
0x1f5: {  	v41 =	vshll.u32 v3, $0x1  }
0x1f6: {  	v3 =	vand.u32 $0x7, v3;
	v4 =	vand.u32 $0xFFFFFFF0, v41  }
0x1f7: {  	v3 =	vor.u32 v3, v4  }
0x1f8: {  	v4 =	vperm.xlane v3, v0;
	_ =	sdelay $0x1  }
0x1f9: {  	v3 =	vperm.xlane v3, v2;
	v4 =	vadd.s32 v1, v4;
	_ =	sdelay $0x1  }
0x1fa: {  	v3 =	vadd.s32 v1, v3;
	_ =	sdelay $0x2  }
0x1fb: {  	[tilespmem:s17], [sflag:$0x1] =	stream.indirect_vreg.gather [hbm4b:s1+s3], $0x80, v4, vm0, $0xb8;
	[tilespmem:$0x8080] =	vst v63  }
0x1fc: {  	_ = 	snop  }
0x1fd: {  	[tilespmem:s18], [sflag:$0x1] =	stream.indirect_vreg.gather [hbm4b:s1+s3], $0x80, v3, vm0, $0xb8;
	[tilespmem:$0x8080] =	vst v63  }
0x1fe: {  	v3 =	vld [tilespmem:$0x20];
	_ =	sdelay $0x4  }
0x1ff: {  	v42 =	vshll.u32 v3, $0x1  }
0x200: {  	v3 =	vand.u32 $0x7, v3;
	v4 =	vand.u32 $0xFFFFFFF0, v42  }
0x201: {  	v3 =	vor.u32 v3, v4  }
0x202: {  	v4 =	vperm.xlane v3, v0;
	_ =	sdelay $0x1  }
0x203: {  	v3 =	vperm.xlane v3, v2;
	v4 =	vadd.s32 v1, v4;
	_ =	sdelay $0x1  }
0x204: {  	v3 =	vadd.s32 v1, v3;
	_ =	sdelay $0x2  }
0x205: {  	[tilespmem:s19], [sflag:$0x1] =	stream.indirect_vreg.gather [hbm4b:s1+s3], $0x80, v4, vm0, $0xb8;
	[tilespmem:$0x8080] =	vst v63  }
0x206: {  	_ = 	snop  }
0x207: {  	[tilespmem:s20], [sflag:$0x1] =	stream.indirect_vreg.gather [hbm4b:s1+s3], $0x80, v3, vm0, $0xb8;
	[tilespmem:$0x8080] =	vst v63  }
0x208: {  	v3 =	vld [tilespmem:$0x30];
	_ =	sdelay $0x4  }
0x209: {  	v43 =	vshll.u32 v3, $0x1  }
0x20a: {  	v3 =	vand.u32 $0x7, v3;
	v4 =	vand.u32 $0xFFFFFFF0, v43  }
0x20b: {  	v3 =	vor.u32 v3, v4  }
0x20c: {  	v4 =	vperm.xlane v3, v0;
	_ =	sdelay $0x1  }
0x20d: {  	v3 =	vperm.xlane v3, v2;
	v4 =	vadd.s32 v1, v4;
	_ =	sdelay $0x1  }
0x20e: {  	v3 =	vadd.s32 v1, v3;
	_ =	sdelay $0x2  }
0x20f: {  	[tilespmem:s21], [sflag:$0x1] =	stream.indirect_vreg.gather [hbm4b:s1+s3], $0x80, v4, vm0, $0xb8;
	[tilespmem:$0x8080] =	vst v63  }
0x210: {  	_ = 	snop  }
0x211: {  	[tilespmem:s22], [sflag:$0x1] =	stream.indirect_vreg.gather [hbm4b:s1+s3], $0x80, v3, vm0, $0xb8;
	[tilespmem:$0x8080] =	vst v63  }
0x212: {  	v3 =	vld [tilespmem:$0x40];
	_ =	sdelay $0x4  }
0x213: {  	v44 =	vshll.u32 v3, $0x1  }
0x214: {  	v3 =	vand.u32 $0x7, v3;
	v4 =	vand.u32 $0xFFFFFFF0, v44  }
0x215: {  	v3 =	vor.u32 v3, v4  }
0x216: {  	v4 =	vperm.xlane v3, v0;
	_ =	sdelay $0x1  }
0x217: {  	v3 =	vperm.xlane v3, v2;
	v4 =	vadd.s32 v1, v4;
	_ =	sdelay $0x1  }
0x218: {  	v3 =	vadd.s32 v1, v3;
	_ =	sdelay $0x2  }
0x219: {  	[tilespmem:s23], [sflag:$0x1] =	stream.indirect_vreg.gather [hbm4b:s1+s3], $0x80, v4, vm0, $0xb8;
	[tilespmem:$0x8080] =	vst v63  }
0x21a: {  	_ = 	snop  }
0x21b: {  	[tilespmem:s24], [sflag:$0x1] =	stream.indirect_vreg.gather [hbm4b:s1+s3], $0x80, v3, vm0, $0xb8;
	[tilespmem:$0x8080] =	vst v63  }
0x21c: {  	v3 =	vld [tilespmem:$0x50];
	_ =	sdelay $0x4  }
0x21d: {  	v45 =	vshll.u32 v3, $0x1  }
0x21e: {  	v3 =	vand.u32 $0x7, v3;
	v4 =	vand.u32 $0xFFFFFFF0, v45  }
0x21f: {  	v3 =	vor.u32 v3, v4  }
0x220: {  	v4 =	vperm.xlane v3, v0;
	_ =	sdelay $0x1  }
0x221: {  	v3 =	vperm.xlane v3, v2;
	v4 =	vadd.s32 v1, v4;
	_ =	sdelay $0x1  }
0x222: {  	v3 =	vadd.s32 v1, v3;
	_ =	sdelay $0x2  }
0x223: {  	[tilespmem:s25], [sflag:$0x1] =	stream.indirect_vreg.gather [hbm4b:s1+s3], $0x80, v4, vm0, $0xb8;
	[tilespmem:$0x8080] =	vst v63  }
0x224: {  	_ = 	snop  }
0x225: {  	[tilespmem:s26], [sflag:$0x1] =	stream.indirect_vreg.gather [hbm4b:s1+s3], $0x80, v3, vm0, $0xb8;
	[tilespmem:$0x8080] =	vst v63  }
0x226: {  	v3 =	vld [tilespmem:$0x60];
	_ =	sdelay $0x4  }
0x227: {  	v46 =	vshll.u32 v3, $0x1  }
0x228: {  	v3 =	vand.u32 $0x7, v3;
	v4 =	vand.u32 $0xFFFFFFF0, v46  }
0x229: {  	v3 =	vor.u32 v3, v4  }
0x22a: {  	v4 =	vperm.xlane v3, v0;
	_ =	sdelay $0x1  }
0x22b: {  	v3 =	vperm.xlane v3, v2;
	v4 =	vadd.s32 v1, v4;
	_ =	sdelay $0x1  }
0x22c: {  	v3 =	vadd.s32 v1, v3;
	_ =	sdelay $0x2  }
0x22d: {  	[tilespmem:s28], [sflag:$0x1] =	stream.indirect_vreg.gather [hbm4b:s1+s3], $0x80, v4, vm0, $0xb8;
	[tilespmem:$0x8080] =	vst v63  }
0x22e: {  	_ = 	snop  }
0x22f: {  	[tilespmem:s29], [sflag:$0x1] =	stream.indirect_vreg.gather [hbm4b:s1+s3], $0x80, v3, vm0, $0xb8;
	[tilespmem:$0x8080] =	vst v63  }
0x230: {  	v3 =	vld [tilespmem:$0x70];
	_ =	sdelay $0x4  }
0x231: {  	v47 =	vshll.u32 v3, $0x1  }
0x232: {  	v3 =	vand.u32 $0x7, v3;
	v4 =	vand.u32 $0xFFFFFFF0, v47  }
0x233: {  	v3 =	vor.u32 v3, v4  }
0x234: {  	v4 =	vperm.xlane v3, v0;
	_ =	sdelay $0x1  }
0x235: {  	v3 =	vperm.xlane v3, v2;
	v4 =	vadd.s32 v1, v4;
	_ =	sdelay $0x1  }
0x236: {  	v3 =	vadd.s32 v1, v3;
	_ =	sdelay $0x2  }
0x237: {  	[tilespmem:s30], [sflag:$0x1] =	stream.indirect_vreg.gather [hbm4b:s1+s3], $0x80, v4, vm0, $0xb8;
	[tilespmem:$0x8080] =	vst v63  }
0x238: {  	_ = 	snop  }
0x239: {  	[tilespmem:s31], [sflag:$0x1] =	stream.indirect_vreg.gather [hbm4b:s1+s3], $0x80, v3, vm0, $0xb8;
	[tilespmem:$0x8080] =	vst v63  }
0x23a: {  	_ =	swait.ge [sflag:s0], $0x8000  }
0x23b: {  	[sflag:s0] =	ssyncset.done $0x0  }
0x23c: {  	[sflag:s0] =	ssyncadd.s32 $0xFFFF8000  }
0x23d: {  	[hbm4b:s8+s3] =	stream.linear.scatter [tilespmem:s15], [sflag:$0x2], $0x8000, $0x38;
	[tilespmem:$0x8080] =	vst v63  }
0x23e: {  	_ =	swait.ge [sflag:s14], $0x8000  }
0x23f: {  	[sflag:s14] =	ssyncset.done $0x0  }
0x240: {  	[sflag:s14] =	ssyncadd.s32 $0xFFFF8000  }
0x241: {  	[tilespmem:s3], [sflag:$0x2] =	stream.linear.gather [hbm4b:s9+s3], $0x80, $0x38;
	[tilespmem:$0x8080] =	vst v63  }
0x242: {  	_ =	swait.ge [sflag:s14], $0x80  }
0x243: {  	[sflag:s14] =	ssyncset.done $0x0  }
0x244: {  	[sflag:s14] =	ssyncadd.s32 $0xFFFFFF80  }
0x245: {  	v3 =	vld [tilespmem:$0x0];
	_ =	sdelay $0x4  }
0x246: {  	v48 =	vshll.u32 v3, $0x1  }
0x247: {  	v3 =	vand.u32 $0x7, v3;
	v4 =	vand.u32 $0xFFFFFFF0, v48  }
0x248: {  	v3 =	vor.u32 v3, v4  }
0x249: {  	v4 =	vperm.xlane v3, v0;
	_ =	sdelay $0x1  }
0x24a: {  	v3 =	vperm.xlane v3, v2;
	v4 =	vadd.s32 v1, v4;
	_ =	sdelay $0x1  }
0x24b: {  	v3 =	vadd.s32 v1, v3;
	_ =	sdelay $0x2  }
0x24c: {  	[tilespmem:s15], [sflag:$0x1] =	stream.indirect_vreg.gather [hbm4b:s1+s3], $0x80, v4, vm0, $0xb8;
	[tilespmem:$0x8080] =	vst v63  }
0x24d: {  	_ = 	snop  }
0x24e: {  	[tilespmem:s16], [sflag:$0x1] =	stream.indirect_vreg.gather [hbm4b:s1+s3], $0x80, v3, vm0, $0xb8;
	[tilespmem:$0x8080] =	vst v63  }
0x24f: {  	v3 =	vld [tilespmem:$0x10];
	_ =	sdelay $0x4  }
0x250: {  	v49 =	vshll.u32 v3, $0x1  }
0x251: {  	v3 =	vand.u32 $0x7, v3;
	v4 =	vand.u32 $0xFFFFFFF0, v49  }
0x252: {  	v3 =	vor.u32 v3, v4  }
0x253: {  	v4 =	vperm.xlane v3, v0;
	_ =	sdelay $0x1  }
0x254: {  	v3 =	vperm.xlane v3, v2;
	v4 =	vadd.s32 v1, v4;
	_ =	sdelay $0x1  }
0x255: {  	v3 =	vadd.s32 v1, v3;
	_ =	sdelay $0x2  }
0x256: {  	[tilespmem:s17], [sflag:$0x1] =	stream.indirect_vreg.gather [hbm4b:s1+s3], $0x80, v4, vm0, $0xb8;
	[tilespmem:$0x8080] =	vst v63  }
0x257: {  	_ = 	snop  }
0x258: {  	[tilespmem:s18], [sflag:$0x1] =	stream.indirect_vreg.gather [hbm4b:s1+s3], $0x80, v3, vm0, $0xb8;
	[tilespmem:$0x8080] =	vst v63  }
0x259: {  	v3 =	vld [tilespmem:$0x20];
	_ =	sdelay $0x4  }
0x25a: {  	v50 =	vshll.u32 v3, $0x1  }
0x25b: {  	v3 =	vand.u32 $0x7, v3;
	v4 =	vand.u32 $0xFFFFFFF0, v50  }
0x25c: {  	v3 =	vor.u32 v3, v4  }
0x25d: {  	v4 =	vperm.xlane v3, v0;
	_ =	sdelay $0x1  }
0x25e: {  	v3 =	vperm.xlane v3, v2;
	v4 =	vadd.s32 v1, v4;
	_ =	sdelay $0x1  }
0x25f: {  	v3 =	vadd.s32 v1, v3;
	_ =	sdelay $0x2  }
0x260: {  	[tilespmem:s19], [sflag:$0x1] =	stream.indirect_vreg.gather [hbm4b:s1+s3], $0x80, v4, vm0, $0xb8;
	[tilespmem:$0x8080] =	vst v63  }
0x261: {  	_ = 	snop  }
0x262: {  	[tilespmem:s20], [sflag:$0x1] =	stream.indirect_vreg.gather [hbm4b:s1+s3], $0x80, v3, vm0, $0xb8;
	[tilespmem:$0x8080] =	vst v63  }
0x263: {  	v3 =	vld [tilespmem:$0x30];
	_ =	sdelay $0x4  }
0x264: {  	v51 =	vshll.u32 v3, $0x1  }
0x265: {  	v3 =	vand.u32 $0x7, v3;
	v4 =	vand.u32 $0xFFFFFFF0, v51  }
0x266: {  	v3 =	vor.u32 v3, v4  }
0x267: {  	v4 =	vperm.xlane v3, v0;
	_ =	sdelay $0x1  }
0x268: {  	v3 =	vperm.xlane v3, v2;
	v4 =	vadd.s32 v1, v4;
	_ =	sdelay $0x1  }
0x269: {  	v3 =	vadd.s32 v1, v3;
	_ =	sdelay $0x2  }
0x26a: {  	[tilespmem:s21], [sflag:$0x1] =	stream.indirect_vreg.gather [hbm4b:s1+s3], $0x80, v4, vm0, $0xb8;
	[tilespmem:$0x8080] =	vst v63  }
0x26b: {  	_ = 	snop  }
0x26c: {  	[tilespmem:s22], [sflag:$0x1] =	stream.indirect_vreg.gather [hbm4b:s1+s3], $0x80, v3, vm0, $0xb8;
	[tilespmem:$0x8080] =	vst v63  }
0x26d: {  	v3 =	vld [tilespmem:$0x40];
	_ =	sdelay $0x4  }
0x26e: {  	v52 =	vshll.u32 v3, $0x1  }
0x26f: {  	v3 =	vand.u32 $0x7, v3;
	v4 =	vand.u32 $0xFFFFFFF0, v52  }
0x270: {  	v3 =	vor.u32 v3, v4  }
0x271: {  	v4 =	vperm.xlane v3, v0;
	_ =	sdelay $0x1  }
0x272: {  	v3 =	vperm.xlane v3, v2;
	v4 =	vadd.s32 v1, v4;
	_ =	sdelay $0x1  }
0x273: {  	v3 =	vadd.s32 v1, v3;
	_ =	sdelay $0x2  }
0x274: {  	[tilespmem:s23], [sflag:$0x1] =	stream.indirect_vreg.gather [hbm4b:s1+s3], $0x80, v4, vm0, $0xb8;
	[tilespmem:$0x8080] =	vst v63  }
0x275: {  	_ = 	snop  }
0x276: {  	[tilespmem:s24], [sflag:$0x1] =	stream.indirect_vreg.gather [hbm4b:s1+s3], $0x80, v3, vm0, $0xb8;
	[tilespmem:$0x8080] =	vst v63  }
0x277: {  	v3 =	vld [tilespmem:$0x50];
	_ =	sdelay $0x4  }
0x278: {  	v53 =	vshll.u32 v3, $0x1  }
0x279: {  	v3 =	vand.u32 $0x7, v3;
	v4 =	vand.u32 $0xFFFFFFF0, v53  }
0x27a: {  	v3 =	vor.u32 v3, v4  }
0x27b: {  	v4 =	vperm.xlane v3, v0;
	_ =	sdelay $0x1  }
0x27c: {  	v3 =	vperm.xlane v3, v2;
	v4 =	vadd.s32 v1, v4;
	_ =	sdelay $0x1  }
0x27d: {  	v3 =	vadd.s32 v1, v3;
	_ =	sdelay $0x2  }
0x27e: {  	[tilespmem:s25], [sflag:$0x1] =	stream.indirect_vreg.gather [hbm4b:s1+s3], $0x80, v4, vm0, $0xb8;
	[tilespmem:$0x8080] =	vst v63  }
0x27f: {  	_ = 	snop  }
0x280: {  	[tilespmem:s26], [sflag:$0x1] =	stream.indirect_vreg.gather [hbm4b:s1+s3], $0x80, v3, vm0, $0xb8;
	[tilespmem:$0x8080] =	vst v63  }
0x281: {  	v3 =	vld [tilespmem:$0x60];
	_ =	sdelay $0x4  }
0x282: {  	v54 =	vshll.u32 v3, $0x1  }
0x283: {  	v3 =	vand.u32 $0x7, v3;
	v4 =	vand.u32 $0xFFFFFFF0, v54  }
0x284: {  	v3 =	vor.u32 v3, v4  }
0x285: {  	v4 =	vperm.xlane v3, v0;
	_ =	sdelay $0x1  }
0x286: {  	v3 =	vperm.xlane v3, v2;
	v4 =	vadd.s32 v1, v4;
	_ =	sdelay $0x1  }
0x287: {  	v3 =	vadd.s32 v1, v3;
	_ =	sdelay $0x2  }
0x288: {  	[tilespmem:s28], [sflag:$0x1] =	stream.indirect_vreg.gather [hbm4b:s1+s3], $0x80, v4, vm0, $0xb8;
	[tilespmem:$0x8080] =	vst v63  }
0x289: {  	_ = 	snop  }
0x28a: {  	[tilespmem:s29], [sflag:$0x1] =	stream.indirect_vreg.gather [hbm4b:s1+s3], $0x80, v3, vm0, $0xb8;
	[tilespmem:$0x8080] =	vst v63  }
0x28b: {  	v3 =	vld [tilespmem:$0x70];
	_ =	sdelay $0x4  }
0x28c: {  	v55 =	vshll.u32 v3, $0x1  }
0x28d: {  	v3 =	vand.u32 $0x7, v3;
	v4 =	vand.u32 $0xFFFFFFF0, v55  }
0x28e: {  	v3 =	vor.u32 v3, v4  }
0x28f: {  	v4 =	vperm.xlane v3, v0;
	_ =	sdelay $0x1  }
0x290: {  	v3 =	vperm.xlane v3, v2;
	v4 =	vadd.s32 v1, v4;
	_ =	sdelay $0x1  }
0x291: {  	v3 =	vadd.s32 v1, v3;
	_ =	sdelay $0x2  }
0x292: {  	[tilespmem:s30], [sflag:$0x1] =	stream.indirect_vreg.gather [hbm4b:s1+s3], $0x80, v4, vm0, $0xb8;
	[tilespmem:$0x8080] =	vst v63  }
0x293: {  	_ = 	snop  }
0x294: {  	[tilespmem:s31], [sflag:$0x1] =	stream.indirect_vreg.gather [hbm4b:s1+s3], $0x80, v3, vm0, $0xb8;
	[tilespmem:$0x8080] =	vst v63  }
0x295: {  	_ =	swait.ge [sflag:s0], $0x8000  }
0x296: {  	[sflag:s0] =	ssyncset.done $0x0  }
0x297: {  	[sflag:s0] =	ssyncadd.s32 $0xFFFF8000  }
0x298: {  	[hbm4b:s10+s3] =	stream.linear.scatter [tilespmem:s15], [sflag:$0x2], $0x8000, $0x38;
	[tilespmem:$0x8080] =	vst v63  }
0x299: {  	_ =	swait.ge [sflag:s14], $0x8000  }
0x29a: {  	[sflag:s14] =	ssyncset.done $0x0  }
0x29b: {  	[sflag:s14] =	ssyncadd.s32 $0xFFFF8000  }
0x29c: {  	[tilespmem:s3], [sflag:$0x2] =	stream.linear.gather [hbm4b:s11+s3], $0x80, $0x38;
	[tilespmem:$0x8080] =	vst v63  }
0x29d: {  	_ =	swait.ge [sflag:s14], $0x80  }
0x29e: {  	[sflag:s14] =	ssyncset.done $0x0  }
0x29f: {  	[sflag:s14] =	ssyncadd.s32 $0xFFFFFF80  }
0x2a0: {  	v3 =	vld [tilespmem:$0x0];
	_ =	sdelay $0x4  }
0x2a1: {  	v56 =	vshll.u32 v3, $0x1  }
0x2a2: {  	v3 =	vand.u32 $0x7, v3;
	v4 =	vand.u32 $0xFFFFFFF0, v56  }
0x2a3: {  	v3 =	vor.u32 v3, v4  }
0x2a4: {  	v4 =	vperm.xlane v3, v0;
	_ =	sdelay $0x1  }
0x2a5: {  	v3 =	vperm.xlane v3, v2;
	v4 =	vadd.s32 v1, v4;
	_ =	sdelay $0x1  }
0x2a6: {  	v3 =	vadd.s32 v1, v3;
	_ =	sdelay $0x2  }
0x2a7: {  	[tilespmem:s15], [sflag:$0x1] =	stream.indirect_vreg.gather [hbm4b:s1+s3], $0x80, v4, vm0, $0xb8;
	[tilespmem:$0x8080] =	vst v63  }
0x2a8: {  	_ = 	snop  }
0x2a9: {  	[tilespmem:s16], [sflag:$0x1] =	stream.indirect_vreg.gather [hbm4b:s1+s3], $0x80, v3, vm0, $0xb8;
	[tilespmem:$0x8080] =	vst v63  }
0x2aa: {  	v3 =	vld [tilespmem:$0x10];
	_ =	sdelay $0x4  }
0x2ab: {  	v57 =	vshll.u32 v3, $0x1  }
0x2ac: {  	v3 =	vand.u32 $0x7, v3;
	v4 =	vand.u32 $0xFFFFFFF0, v57  }
0x2ad: {  	v3 =	vor.u32 v3, v4  }
0x2ae: {  	v4 =	vperm.xlane v3, v0;
	_ =	sdelay $0x1  }
0x2af: {  	v3 =	vperm.xlane v3, v2;
	v4 =	vadd.s32 v1, v4;
	_ =	sdelay $0x1  }
0x2b0: {  	v3 =	vadd.s32 v1, v3;
	_ =	sdelay $0x2  }
0x2b1: {  	[tilespmem:s17], [sflag:$0x1] =	stream.indirect_vreg.gather [hbm4b:s1+s3], $0x80, v4, vm0, $0xb8;
	[tilespmem:$0x8080] =	vst v63  }
0x2b2: {  	_ = 	snop  }
0x2b3: {  	[tilespmem:s18], [sflag:$0x1] =	stream.indirect_vreg.gather [hbm4b:s1+s3], $0x80, v3, vm0, $0xb8;
	[tilespmem:$0x8080] =	vst v63  }
0x2b4: {  	v3 =	vld [tilespmem:$0x20];
	_ =	sdelay $0x4  }
0x2b5: {  	v58 =	vshll.u32 v3, $0x1  }
0x2b6: {  	v3 =	vand.u32 $0x7, v3;
	v4 =	vand.u32 $0xFFFFFFF0, v58  }
0x2b7: {  	v3 =	vor.u32 v3, v4  }
0x2b8: {  	v4 =	vperm.xlane v3, v0;
	_ =	sdelay $0x1  }
0x2b9: {  	v3 =	vperm.xlane v3, v2;
	v4 =	vadd.s32 v1, v4;
	_ =	sdelay $0x1  }
0x2ba: {  	v3 =	vadd.s32 v1, v3;
	_ =	sdelay $0x2  }
0x2bb: {  	[tilespmem:s19], [sflag:$0x1] =	stream.indirect_vreg.gather [hbm4b:s1+s3], $0x80, v4, vm0, $0xb8;
	[tilespmem:$0x8080] =	vst v63  }
0x2bc: {  	_ = 	snop  }
0x2bd: {  	[tilespmem:s20], [sflag:$0x1] =	stream.indirect_vreg.gather [hbm4b:s1+s3], $0x80, v3, vm0, $0xb8;
	[tilespmem:$0x8080] =	vst v63  }
0x2be: {  	v3 =	vld [tilespmem:$0x30];
	_ =	sdelay $0x4  }
0x2bf: {  	v59 =	vshll.u32 v3, $0x1  }
0x2c0: {  	v3 =	vand.u32 $0x7, v3;
	v4 =	vand.u32 $0xFFFFFFF0, v59  }
0x2c1: {  	v3 =	vor.u32 v3, v4  }
0x2c2: {  	v4 =	vperm.xlane v3, v0;
	_ =	sdelay $0x1  }
0x2c3: {  	v3 =	vperm.xlane v3, v2;
	v4 =	vadd.s32 v1, v4;
	_ =	sdelay $0x1  }
0x2c4: {  	v3 =	vadd.s32 v1, v3;
	_ =	sdelay $0x2  }
0x2c5: {  	[tilespmem:s21], [sflag:$0x1] =	stream.indirect_vreg.gather [hbm4b:s1+s3], $0x80, v4, vm0, $0xb8;
	[tilespmem:$0x8080] =	vst v63  }
0x2c6: {  	_ = 	snop  }
0x2c7: {  	[tilespmem:s22], [sflag:$0x1] =	stream.indirect_vreg.gather [hbm4b:s1+s3], $0x80, v3, vm0, $0xb8;
	[tilespmem:$0x8080] =	vst v63  }
0x2c8: {  	v3 =	vld [tilespmem:$0x40];
	_ =	sdelay $0x4  }
0x2c9: {  	v60 =	vshll.u32 v3, $0x1  }
0x2ca: {  	v3 =	vand.u32 $0x7, v3;
	v4 =	vand.u32 $0xFFFFFFF0, v60  }
0x2cb: {  	v3 =	vor.u32 v3, v4  }
0x2cc: {  	v4 =	vperm.xlane v3, v0;
	_ =	sdelay $0x1  }
0x2cd: {  	v3 =	vperm.xlane v3, v2;
	v4 =	vadd.s32 v1, v4;
	_ =	sdelay $0x1  }
0x2ce: {  	v3 =	vadd.s32 v1, v3;
	_ =	sdelay $0x2  }
0x2cf: {  	[tilespmem:s23], [sflag:$0x1] =	stream.indirect_vreg.gather [hbm4b:s1+s3], $0x80, v4, vm0, $0xb8;
	[tilespmem:$0x8080] =	vst v63  }
0x2d0: {  	_ = 	snop  }
0x2d1: {  	[tilespmem:s24], [sflag:$0x1] =	stream.indirect_vreg.gather [hbm4b:s1+s3], $0x80, v3, vm0, $0xb8;
	[tilespmem:$0x8080] =	vst v63  }
0x2d2: {  	v3 =	vld [tilespmem:$0x50];
	_ =	sdelay $0x4  }
0x2d3: {  	v61 =	vshll.u32 v3, $0x1  }
0x2d4: {  	v3 =	vand.u32 $0x7, v3;
	v4 =	vand.u32 $0xFFFFFFF0, v61  }
0x2d5: {  	v3 =	vor.u32 v3, v4  }
0x2d6: {  	v4 =	vperm.xlane v3, v0;
	_ =	sdelay $0x1  }
0x2d7: {  	v3 =	vperm.xlane v3, v2;
	v4 =	vadd.s32 v1, v4;
	_ =	sdelay $0x1  }
0x2d8: {  	v3 =	vadd.s32 v1, v3;
	_ =	sdelay $0x2  }
0x2d9: {  	[tilespmem:s25], [sflag:$0x1] =	stream.indirect_vreg.gather [hbm4b:s1+s3], $0x80, v4, vm0, $0xb8;
	[tilespmem:$0x8080] =	vst v63  }
0x2da: {  	_ = 	snop  }
0x2db: {  	[tilespmem:s26], [sflag:$0x1] =	stream.indirect_vreg.gather [hbm4b:s1+s3], $0x80, v3, vm0, $0xb8;
	[tilespmem:$0x8080] =	vst v63  }
0x2dc: {  	v3 =	vld [tilespmem:$0x60];
	_ =	sdelay $0x4  }
0x2dd: {  	v62 =	vshll.u32 v3, $0x1  }
0x2de: {  	v3 =	vand.u32 $0x7, v3;
	v4 =	vand.u32 $0xFFFFFFF0, v62  }
0x2df: {  	v3 =	vor.u32 v3, v4  }
0x2e0: {  	v4 =	vperm.xlane v3, v0;
	_ =	sdelay $0x1  }
0x2e1: {  	v3 =	vperm.xlane v3, v2;
	v4 =	vadd.s32 v1, v4;
	_ =	sdelay $0x1  }
0x2e2: {  	v3 =	vadd.s32 v1, v3;
	_ =	sdelay $0x2  }
0x2e3: {  	[tilespmem:s28], [sflag:$0x1] =	stream.indirect_vreg.gather [hbm4b:s1+s3], $0x80, v4, vm0, $0xb8;
	[tilespmem:$0x8080] =	vst v63  }
0x2e4: {  	_ = 	snop  }
0x2e5: {  	[tilespmem:s29], [sflag:$0x1] =	stream.indirect_vreg.gather [hbm4b:s1+s3], $0x80, v3, vm0, $0xb8;
	[tilespmem:$0x8080] =	vst v63  }
0x2e6: {  	v3 =	vld [tilespmem:$0x70];
	_ =	sdelay $0x4  }
0x2e7: {  	v63 =	vshll.u32 v3, $0x1  }
0x2e8: {  	v3 =	vand.u32 $0x7, v3;
	v4 =	vand.u32 $0xFFFFFFF0, v63  }
0x2e9: {  	v3 =	vor.u32 v3, v4  }
0x2ea: {  	v4 =	vperm.xlane v3, v0;
	_ =	sdelay $0x1  }
0x2eb: {  	v3 =	vperm.xlane v3, v2;
	v4 =	vadd.s32 v1, v4;
	_ =	sdelay $0x1  }
0x2ec: {  	v3 =	vadd.s32 v1, v3;
	_ =	sdelay $0x2  }
0x2ed: {  	[tilespmem:s30], [sflag:$0x1] =	stream.indirect_vreg.gather [hbm4b:s1+s3], $0x80, v4, vm0, $0xb8;
	[tilespmem:$0x8080] =	vst v63  }
0x2ee: {  	_ = 	snop  }
0x2ef: {  	[tilespmem:s31], [sflag:$0x1] =	stream.indirect_vreg.gather [hbm4b:s1+s3], $0x80, v3, vm0, $0xb8;
	[tilespmem:$0x8080] =	vst v63  }
0x2f0: {  	_ =	swait.ge [sflag:s0], $0x8000  }
0x2f1: {  	p0 =	sne.s32 s13, $0x1;
	[sflag:s0] =	ssyncset.done $0x0  }
.Ltmp0:
0x2f2: {  	[sflag:s0] =	ssyncadd.s32 $0xFFFF8000;
	(pc) =	sbr.rel @p0 .LBB2_1-.Ltmp0, $4  }
0x2f3: {  	[hbm4b:s12+s3] =	stream.linear.scatter [tilespmem:s15], [sflag:$0x2], $0x8000, $0x38;
	[tilespmem:$0x8080] =	vst v63  }
0x2f4: {  	_ =	swait.ge [sflag:s14], $0x8000  }
0x2f5: {  	[sflag:s14] =	ssyncset.done $0x0  }
0x2f6: {  	s13 =	sadd.s32 $0xFFFFFFFF, s13;
	[sflag:s14] =	ssyncadd.s32 $0xFFFF8000  }
0x2f7: {  	_ =	sfence.sel $0x180000  }
0x2f8: {  	[bflag:$0x0] =	sbarrier.arrive $0xFFFF  }
0x2f9: {  	_ =	strace $0x90000047  }
0x2fa: {  	s0 =	stileid.u32;
	[bflag:$0x2] =	sbarrier.arrive $0xFFFF  }
0x2fb: {  	p0 =	sne.s32 s0, $0x0;
	s0 =	rddreg [dreg:$0x3]  }
0x2fc: {  	s0 =	sadd.s32 @!p0 $0x100000, s0  }
0x2fd: {  	[sflag:s0] =	ssyncadd.tile.s32 @!p0 $0x1;
	_ =	shalt  }
.Lfunc_end2:
_tile_overlayer_lowered:
.L_overlay_start_2:
0x2fe: {  	(tag) =	ssettag $0x2  }
0x2ff: {  	s0 =	rddreg [dreg:$0x0];
	s2 =	stileid.u32  }
0x300: {  	s1 =	rddreg [dreg:$0x1];
	p0 =	sne.s32 s2, $0x0  }
0x301: {  	s3 =	rddreg [dreg:$0x2];
	[bflag:$0x3] =	sbarrier.arrive $0xFFFF;
	s2 =	simm.s32 @!p0 $0x1C02  }
0x302: {  	[timem:s3], [sflag:s2] =	dma.local @!p0 [hbm:s0], s1  }
0x303: {  	s0 =	simm.s32 @!p0 $0x2  }
0x304: {  	_ =	swait.ge @!p0 [sflag:s0], s1  }
0x305: {  	s1 =	ssub.s32 @!p0 $0x0, s1;
	[sflag:s0] =	ssyncset.done @!p0 $0x0  }
0x306: {  	[sflag:s0] =	ssyncadd.s32 @!p0 s1  }
0x307: {  	[bflag:$0x3] =	sbarrier.arrive $0xFFFF  }
0x308: {  	_ =	shalt  }

// kernel: kernel.14.cloned.1.call-start
scs
__scs_entry_jumppad:
0x0: {  	(pc) =	sbr.rel $0x88, $3  }
0x1: {  	(tag) =	ssettag $0x0;
	lr =	simm.s32 $0x1  }
0x2: {  	[smem:$0x3F9F] =	sst lr;
	_ =	strace $0xD0000000  }
0x3: {  	_ = 	snop  }
0x4: {  	_ = 	snop  }
0x5: {  	_ = 	snop  }
0x6: {  	_ = 	snop  }
0x7: {  	_ = 	snop  }
__scs_overlays_trampoline_lowered:
0x8: {  	[smem:$0x3FAE] =	sst s0  }
0x9: {  	[smem:$0x3FAF] =	sst s1  }
0xa: {  	[smem:$0x3FB0] =	sst s2  }
0xb: {  	[smem:$0x3FB1] =	sst s3  }
0xc: {  	[smem:$0x3FB2] =	sst s4  }
0xd: {  	[smem:$0x3FB3] =	sst s5  }
0xe: {  	[smem:$0x3FB4] =	sst s6  }
0xf: {  	[smem:$0x3FB5] =	sst s7  }
0x10: {  	[smem:$0x3FB6] =	sst s8  }
0x11: {  	[smem:$0x3FB7] =	sst s9;
	s0 =	simm.s32 @!p0 $0x0  }
0x12: {  	s1 =	sld [smem:$0x3F9D];
	s0 =	simm.s32 @p0 $0x1  }
0x13: {  	[smem:$0x3FB8] =	sst s0;
	s0 =	simm.s32 @!p1 $0x0  }
0x14: {  	s2 =	sld [smem:$0x3F9C];
	s0 =	simm.s32 @p1 $0x1  }
0x15: {  	[smem:$0x3FB9] =	sst s0;
	s0 =	simm.s32 @!p2 $0x0  }
0x16: {  	s3 =	sld [smem:$0x3FDB];
	s0 =	simm.s32 @p2 $0x1  }
0x17: {  	s4 =	simm.s32 $0x1BF5;
	[smem:$0x3FBB] =	sst s0  }
0x18: {  	s0 =	sld [smem:$0x3F9E];
	_ =	swait.ge [sflag:s4], $0x0  }
0x19: {  	s7 =	sld [smem:$0x3F9F]  }
0x1a: {  	s8 =	sadd.s32 $0xFFFFE003, lr  }
0x1b: {  	s9 =	sadd.s32 $0xFFFFFEF7, lr;
	s5 =	simm.s32 $0xFFFFFFFF;
	p2 =	slt.u32 s8, $0xFFFFF086  }
0x1c: {  	p1 =	slt.u32 s9, $0xF7A;
	s5 =	simm.s32 @!p2 $0x0  }
0x1d: {  	s5 =	simm.s32 @p1 $0x1;
	p0 =	seq.s32 s7, s2  }
0x1e: {  	s7 =	smul.u32 @!p0 $0xF7A, s2;
	p2 =	seq.s32 @!p0 s5, $0x0  }
0x1f: {  	s9 =	smul.u32 $0xF7A, s1;
	s8 =	simm.s32 @!p0 $0x1BF5;
	p2 =	por !p2, p0  }
0x20: {  	[sflag:s8] =	ssyncset.s32 @!p0 $0xFFFFF086;
	s6 =	sadd.s32 @!p0 s3, s7;
	s7 =	simm.s32 @!p0 $0x108  }
0x21: {  	s3 =	sadd.s32 s3, s9;
	s6 =	sadd.s32 @!p0 $0x88, s6;
	s7 =	simm.s32 @p2 $0x1082  }
0x22: {  	[simem:s7], [sflag:s8] =	dma.local @!p0 [hbm:s6], $0xF7A  }
0x23: {  	s9 =	sor.u32 $0xD0000000, s2;
	s6 =	simm.s32 $0x108;
	_ =	swait.ge @!p0 [sflag:s8], $0x0  }
0x24: {  	s3 =	sadd.s32 $0x88, s3;
	s6 =	simm.s32 @!p1 $0x1082;
	[sflag:s4] =	ssyncset.s32 $0xFFFFF086  }
0x25: {  	[simem:s6], [sflag:s4] =	dma.local [hbm:s3], $0xF7A  }
0x26: {  	[smem:$0x3F9F] =	sst s1;
	(tag) =	ssettag s2;
	_ =	strace s9  }
0x27: {  	s1 =	sld [smem:$0x3FAF]  }
0x28: {  	s2 =	sld [smem:$0x3FB0]  }
0x29: {  	s4 =	sld [smem:$0x3FB2]  }
0x2a: {  	p0 =	seq.s32 s5, $0x0;
	s5 =	sld [smem:$0x3FB3]  }
0x2b: {  	s6 =	sld [smem:$0x3FB4]  }
0x2c: {  	s7 =	sld [smem:$0x3FB5]  }
0x2d: {  	s3 =	simm.s32 $0x108;
	s8 =	sld [smem:$0x3FB6]  }
0x2e: {  	s3 =	simm.s32 @!p0 $0x1082;
	s9 =	sld [smem:$0x3FB7]  }
0x2f: {  	lr =	sadd.s32 s0, s3;
	s0 =	sld [smem:$0x3FAE]  }
0x30: {  	s3 =	sld [smem:$0x3FB1]  }
0x31: {  	[smem:$0x3FBA] =	sst s10  }
0x32: {  	s10 =	sld [smem:$0x3FB8];
	_ =	sdelay $0x3  }
0x33: {  	p0 =	seq.s32 s10, $0x1;
	s10 =	sld [smem:$0x3FBA];
	_ =	sdelay $0x3  }
0x34: {  	[smem:$0x3FBA] =	sst s10  }
0x35: {  	s10 =	sld [smem:$0x3FB9];
	_ =	sdelay $0x3  }
0x36: {  	p1 =	seq.s32 s10, $0x1;
	s10 =	sld [smem:$0x3FBA];
	_ =	sdelay $0x3  }
0x37: {  	[smem:$0x3FBA] =	sst s10  }
0x38: {  	s10 =	sld [smem:$0x3FBB]  }
0x39: {  	_ = 	snop;
	(pc) =	sbr.ind lr, $3  }
0x3a: {  	_ = 	snop  }
0x3b: {  	_ = 	snop  }
0x3c: {  	p2 =	seq.s32 s10, $0x1;
	s10 =	sld [smem:$0x3FBA]  }
0x3d: {  	_ =	shalt  }
0x3e: {  	_ =	shalt  }
0x3f: {  	_ =	shalt  }
0x40: {  	_ =	shalt  }
0x41: {  	_ =	shalt  }
0x42: {  	_ =	shalt  }
0x43: {  	_ =	shalt  }
0x44: {  	_ =	shalt  }
0x45: {  	_ =	shalt  }
0x46: {  	_ =	shalt  }
0x47: {  	_ =	shalt  }
0x48: {  	_ =	shalt  }
0x49: {  	_ =	shalt  }
0x4a: {  	_ =	shalt  }
0x4b: {  	_ =	shalt  }
0x4c: {  	_ =	shalt  }
0x4d: {  	_ =	shalt  }
0x4e: {  	_ =	shalt  }
0x4f: {  	_ =	shalt  }
0x50: {  	_ =	shalt  }
0x51: {  	_ =	shalt  }
0x52: {  	_ =	shalt  }
0x53: {  	_ =	shalt  }
0x54: {  	_ =	shalt  }
0x55: {  	_ =	shalt  }
0x56: {  	_ =	shalt  }
0x57: {  	_ =	shalt  }
0x58: {  	_ =	shalt  }
0x59: {  	_ =	shalt  }
0x5a: {  	_ =	shalt  }
0x5b: {  	_ =	shalt  }
0x5c: {  	_ =	shalt  }
0x5d: {  	_ =	shalt  }
0x5e: {  	_ =	shalt  }
0x5f: {  	_ =	shalt  }
0x60: {  	_ =	shalt  }
0x61: {  	_ =	shalt  }
0x62: {  	_ =	shalt  }
0x63: {  	_ =	shalt  }
0x64: {  	_ =	shalt  }
0x65: {  	_ =	shalt  }
0x66: {  	_ =	shalt  }
0x67: {  	_ =	shalt  }
0x68: {  	_ =	shalt  }
0x69: {  	_ =	shalt  }
0x6a: {  	_ =	shalt  }
0x6b: {  	_ =	shalt  }
0x6c: {  	_ =	shalt  }
0x6d: {  	_ =	shalt  }
0x6e: {  	_ =	shalt  }
0x6f: {  	_ =	shalt  }
0x70: {  	_ =	shalt  }
0x71: {  	_ =	shalt  }
0x72: {  	_ =	shalt  }
0x73: {  	_ =	shalt  }
0x74: {  	_ =	shalt  }
0x75: {  	_ =	shalt  }
0x76: {  	_ =	shalt  }
0x77: {  	_ =	shalt  }
0x78: {  	_ =	shalt  }
0x79: {  	_ =	shalt  }
0x7a: {  	_ =	shalt  }
0x7b: {  	_ =	shalt  }
0x7c: {  	_ =	shalt  }
0x7d: {  	_ =	shalt  }
0x7e: {  	_ =	shalt  }
0x7f: {  	_ =	shalt  }
0x80: {  	_ =	shalt  }
0x81: {  	_ =	shalt  }
0x82: {  	_ =	shalt  }
0x83: {  	_ =	shalt  }
0x84: {  	_ =	shalt  }
0x85: {  	_ =	shalt  }
0x86: {  	_ =	shalt  }
0x87: {  	_ =	shalt  }
.Lfunc_end0:
.L_simem_size_0:
called_computation.1_lowered:
.L_overlay_start_0:
0x88: {  	s2 =	sld [smem:$0x3FD9]  }
0x89: {  	s3 =	sld [smem:$0x3FFE];
	_ =	sdelay $0x1  }
0x8a: {  	s1 =	srdreg.scid  }
0x8b: {  	s0 =	sand.u32 $0x1, s1  }
0x8c: {  	s16 =	sshll.u32 s0, $0xA;
	s2 =	sadd.s32 s3, s2  }
0x8d: {  	s2 =	sadd.s32 s2, s16  }
0x8e: {  	[smem:$0x3FC6] =	sst s2  }
0x8f: {  	_ = 	snop  }
0x90: {  	(tm) =	ssettm $0x1  }
0x91: {  	s17 =	sld [smem:$0x3FFB];
	_ =	sdelay $0x3  }
0x92: {  	_ =	strace s17  }
0x93: {  	s2 =	sld [smem:$0x3FFC];
	_ =	sdelay $0x3  }
0x94: {  	_ =	strace s2  }
0x95: {  	s2 =	sld [smem:$0x3FFD];
	_ =	sdelay $0x3  }
0x96: {  	_ =	strace s2  }
0x97: {  	_ =	strace $0x8FFFFFFF  }
0x98: {  	s18 =	sld [smem:$0x3FDB];
	_ =	sdelay $0x1  }
0x99: {  	s19 =	simm.s32 $_scs_section_size  }
0x9a: {  	s4 =	simm.s32 $_size__tile_overlayer_lowered;
	s5 =	simm.s32 $_tile_overlayer_lowered  }
0x9b: {  	s22 =	simm.s32 $0x1BFF;
	s21 =	sshll.u32 s5, $0x1;
	s2 =	sadd.s32 s19, s18  }
0x9c: {  	s6 =	simm.s32 $0x0;
	s20 =	sshll.u32 s4, $0x1;
	s4 =	sadd.s32 s21, s2  }
0x9d: {  	[timem:s6], [sflag:s22] =	dma.local [hbm:s4], s20  }
0x9e: {  	_ =	swait.ge [sflag:s22], s20  }
0x9f: {  	s3 =	ssub.s32 $0x0, s20;
	[sflag:s22] =	ssyncset.done $0x0  }
0xa0: {  	[sflag:s22] =	ssyncadd.s32 s3;
	_ =	sdelay $0x1  }
0xa1: {  	s23 =	simm.s32 $0x1B8B  }
0xa2: {  	_ =	swait.ge [sflag:s23], $0x1  }
0xa3: {  	[sflag:s23] =	ssyncset.done $0x0  }
0xa4: {  	s25 =	simm.s32 $0x1B8E;
	s24 =	sld [smem:$0x3FFE];
	[sflag:s23] =	ssyncadd.s32 $0xFFFFFFFF  }
0xa5: {  	s26 =	simm.s32 $execute0_lowered;
	[smem:$0x3FD2] =	sst s25  }
0xa6: {  	s4 =	sshll.u32 s26, $0x1;
	_ =	strace $0x80000049;
	[dreg:$0x1] =	wrdreg $0xFFFFFFFF  }
0xa7: {  	s28 =	simm.s32 $_size_execute0_lowered;
	s2 =	sadd.s32 s2, s4;
	[dreg:$0x0] =	wrdreg $0x0  }
0xa8: {  	s4 =	sshll.u32 s28, $0x1;
	[dreg:$0x2] =	wrdreg s2  }
0xa9: {  	[dreg:$0x3] =	wrdreg s4  }
0xaa: {  	[dreg:$0x4] =	wrdreg $0xC0  }
0xab: {  	_ =	task [dreg:s6], $0x5FFFF  }
0xac: {  	[dreg:$0x1] =	wrdreg $0xFFFFFFFF  }
0xad: {  	[dreg:$0x0] =	wrdreg $0x60  }
0xae: {  	[dreg:$0x2] =	wrdreg s24  }
0xaf: {  	[dreg:$0x3] =	wrdreg $0x9  }
0xb0: {  	_ =	task.clear_ibuf [dreg:s6], $0x4FFFF;
	_ =	strace $0x90000049  }
0xb1: {  	s29 =	simm.s32 $0x9;
	_ =	strace $0x8000004B  }
0xb2: {  	_ =	swait.ge [sflag:s29], $0x1  }
0xb3: {  	[sflag:s29] =	ssyncadd.s32 $0xFFFFFFFF  }
0xb4: {  	_ =	strace $0x9000004B  }
0xb5: {  	_ =	sfence  }
0xb6: {  	s30 =	sld [smem:$0x0];
	_ =	sdelay $0x2  }
0xb7: {  	s31 =	sshll.u32 s1, $0xD;
	s1 =	sshrl.u32 s1, $0x2  }
0xb8: {  	s3 =	sand.u32 $0x4000, s31;
	s1 =	sadd.s32 s1, s30  }
0xb9: {  	s0 =	sor.u32 s3, s0;
	s1 =	sshll.u32 s1, $0x11  }
0xba: {  	s0 =	sor.u32 s1, s0  }
0xbb: {  	s0 =	sadd.s32 $0x8F2B, s0  }
0xbc: {  	[sflag:s0] =	ssyncadd.remote.s32 $0x1  }
0xbd: {  	_ =	sfence.sel $0xFFFF  }
0xbe: {  	[dreg:$0x0] =	wrdreg $0xFFFFFFFF;
	(pc) =	sbr.abs _section_cstart, $3  }
0xbf: {  	[dreg:$0x1] =	wrdreg $0xFFFFFFFF  }
0xc0: {  	_ =	task.clear_ibuf [dreg:s6], $0x2FFFF;
	_ =	strace $0x9FFFFFFF  }
0xc1: {  	(tm) =	ssettm $0x7FFFFFFF  }
tec
execute0_lowered:
.L_overlay_start_1:
0x0: {  	(tag) =	ssettag $0x1  }
0x1: {  	s0 =	rddreg [dreg:$0x0];
	s2 =	simm.s32 $0x0;
	s3 =	srdreg.scid  }
0x2: {  	s1 =	stileid.u32;
	s28 =	simm.s32 $0x6080;
	s29 =	simm.s32 $0x6880  }
0x3: {  	s30 =	simm.s32 $0x7080;
	s31 =	simm.s32 $0x7880;
	[smem:$0x7FF] =	sst s2  }
0x4: {  	s4 =	sand.u32 $0x1, s3;
	s5 =	sshll.u32 s1, $0xB;
	s3 =	sadd.s32 $0x44200, s0  }
0x5: {  	s11 =	sadd.s32 $0xC5200, s0;
	s0 =	sadd.s32 $0x1C5400, s0;
	s6 =	sshll.u32 s4, $0xA  }
0x6: {  	_ =	strace $0x8000004A;
	s4 =	ssub.s32 $0x2, s4;
	s10 =	sor.u32 s6, s5  }
0x7: {  	s14 =	sshrl.u32 s4, $0x1;
	s5 =	sshrl.u32 s10, $0x3;
	s6 =	sshll.u32 s10, $0x5  }
0x8: {  	s7 =	sor.u32 $0x80, s10;
	s13 =	sor.u32 $0x100, s10;
	s20 =	sor.u32 $0x200, s10  }
0x9: {  	s23 =	sor.u32 $0x280, s10;
	s5 =	sadd.s32 s11, s5;
	s26 =	sadd.s32 s0, s6  }
0xa: {  	s1 =	sshrl.u32 s7, $0x3;
	s9 =	sshll.u32 s7, $0x5;
	s15 =	sshrl.u32 s13, $0x3  }
0xb: {  	s6 =	sshll.u32 s13, $0x5;
	s13 =	ssub.s32 s4, s14;
	s21 =	sshrl.u32 s20, $0x3  }
0xc: {  	s22 =	sshll.u32 s20, $0x5;
	s24 =	sshrl.u32 s23, $0x3;
	[dreg:$0x2] =	wrdreg s5  }
0xd: {  	s14 =	sor.u32 $0x380, s10;
	s20 =	simm.s32 $0x2880;
	[dreg:$0x3] =	wrdreg s26  }
0xe: {  	s8 =	sadd.s32 s11, s1;
	s12 =	sadd.s32 s0, s9;
	s5 =	sadd.s32 s11, s15  }
0xf: {  	s16 =	sadd.s32 s0, s6;
	s6 =	sadd.s32 s0, s22;
	s9 =	sshll.u32 s23, $0x5  }
0x10: {  	s7 =	sadd.s32 s11, s24;
	s26 =	sshrl.u32 s14, $0x3;
	s14 =	sshll.u32 s14, $0x5  }
0x11: {  	s13 =	smax.u32 s13, $0x1;
	s15 =	simm.s32 $0x80;
	[dreg:$0x4] =	wrdreg s8  }
0x12: {  	s22 =	simm.s32 $0x3880;
	s23 =	simm.s32 $0x4080;
	[dreg:$0x5] =	wrdreg s12  }
0x13: {  	s24 =	simm.s32 $0x4880;
	s8 =	sor.u32 $0x180, s10;
	[dreg:$0x6] =	wrdreg s5  }
0x14: {  	[dreg:$0x7] =	wrdreg s16;
	s5 =	sadd.s32 s11, s21;
	s12 =	sor.u32 $0x300, s10  }
0x15: {  	s16 =	simm.s32 $0x880;
	s21 =	simm.s32 $0x3080;
	s17 =	sshrl.u32 s8, $0x3  }
0x16: {  	s19 =	sshll.u32 s8, $0x5;
	s8 =	sadd.s32 s0, s9;
	s25 =	sshrl.u32 s12, $0x3  }
0x17: {  	s12 =	sshll.u32 s12, $0x5;
	s18 =	sadd.s32 s11, s17;
	s4 =	sadd.s32 s0, s19  }
0x18: {  	s9 =	sadd.s32 s11, s25;
	s10 =	sadd.s32 s0, s12;
	s11 =	sadd.s32 s11, s26  }
0x19: {  	v2 =	vlaneseq.u32;
	s12 =	sadd.s32 s0, s14;
	s14 =	simm.s32 $0x2;
	s17 =	simm.s32 $0x1080  }
0x1a: {  	vm0 =	vmmov $0xffff;
	v1 =	vshrl.u32 v2, $0x3;
	s19 =	simm.s32 $0x2080;
	s25 =	simm.s32 $0x5080;
	s26 =	simm.s32 $0x5880  }
0x1b: {  	v0 =	vand.u32 $0x7, v2;
	v2 =	vor.u32 $0x8, v2;
	v1 =	vmul.u32 $0x8, v1;
	s0 =	simm.s32 $0x1;
	[dreg:$0x8] =	wrdreg s18;
	s18 =	simm.s32 $0x1880  }
.LBB2_1:
0x1c: {  	s1 =	rddreg [dreg:$0x2]  }
0x1d: {  	[tilespmem:s2], [sflag:$0x2] =	stream.linear.gather [hbm4b:s1+s2], $0x80, $0x38;
	[tilespmem:$0x8080] =	vst v63  }
0x1e: {  	_ =	swait.ge [sflag:s14], $0x80  }
0x1f: {  	[sflag:s14] =	ssyncset.done $0x0  }
0x20: {  	[sflag:s14] =	ssyncadd.s32 $0xFFFFFF80  }
0x21: {  	v3 =	vld [tilespmem:$0x0];
	_ =	sdelay $0x4  }
0x22: {  	v4 =	vshll.u32 v3, $0x1  }
0x23: {  	v3 =	vand.u32 $0x7, v3;
	v4 =	vand.u32 $0xFFFFFFF0, v4  }
0x24: {  	v3 =	vor.u32 v3, v4  }
0x25: {  	v4 =	vperm.xlane v3, v0;
	_ =	sdelay $0x1  }
0x26: {  	v3 =	vperm.xlane v3, v2;
	v4 =	vadd.s32 v1, v4;
	_ =	sdelay $0x1  }
0x27: {  	v3 =	vadd.s32 v1, v3;
	_ =	sdelay $0x2  }
0x28: {  	[tilespmem:s15], [sflag:$0x1] =	stream.indirect_vreg.gather [hbm4b:s3+s2], $0x80, v4, vm0, $0xb8;
	[tilespmem:$0x8080] =	vst v63  }
0x29: {  	_ = 	snop  }
0x2a: {  	[tilespmem:s16], [sflag:$0x1] =	stream.indirect_vreg.gather [hbm4b:s3+s2], $0x80, v3, vm0, $0xb8;
	[tilespmem:$0x8080] =	vst v63  }
0x2b: {  	v3 =	vld [tilespmem:$0x10];
	_ =	sdelay $0x4  }
0x2c: {  	v57 =	vshll.u32 v3, $0x1  }
0x2d: {  	v3 =	vand.u32 $0x7, v3;
	v4 =	vand.u32 $0xFFFFFFF0, v57  }
0x2e: {  	v3 =	vor.u32 v3, v4  }
0x2f: {  	v4 =	vperm.xlane v3, v0;
	_ =	sdelay $0x1  }
0x30: {  	v3 =	vperm.xlane v3, v2;
	v4 =	vadd.s32 v1, v4;
	_ =	sdelay $0x1  }
0x31: {  	v3 =	vadd.s32 v1, v3;
	_ =	sdelay $0x2  }
0x32: {  	[tilespmem:s17], [sflag:$0x1] =	stream.indirect_vreg.gather [hbm4b:s3+s2], $0x80, v4, vm0, $0xb8;
	[tilespmem:$0x8080] =	vst v63  }
0x33: {  	_ = 	snop  }
0x34: {  	[tilespmem:s18], [sflag:$0x1] =	stream.indirect_vreg.gather [hbm4b:s3+s2], $0x80, v3, vm0, $0xb8;
	[tilespmem:$0x8080] =	vst v63  }
0x35: {  	v3 =	vld [tilespmem:$0x20];
	_ =	sdelay $0x4  }
0x36: {  	v58 =	vshll.u32 v3, $0x1  }
0x37: {  	v3 =	vand.u32 $0x7, v3;
	v4 =	vand.u32 $0xFFFFFFF0, v58  }
0x38: {  	v3 =	vor.u32 v3, v4  }
0x39: {  	v4 =	vperm.xlane v3, v0;
	_ =	sdelay $0x1  }
0x3a: {  	v3 =	vperm.xlane v3, v2;
	v4 =	vadd.s32 v1, v4;
	_ =	sdelay $0x1  }
0x3b: {  	v3 =	vadd.s32 v1, v3;
	_ =	sdelay $0x2  }
0x3c: {  	[tilespmem:s19], [sflag:$0x1] =	stream.indirect_vreg.gather [hbm4b:s3+s2], $0x80, v4, vm0, $0xb8;
	[tilespmem:$0x8080] =	vst v63  }
0x3d: {  	_ = 	snop  }
0x3e: {  	[tilespmem:s20], [sflag:$0x1] =	stream.indirect_vreg.gather [hbm4b:s3+s2], $0x80, v3, vm0, $0xb8;
	[tilespmem:$0x8080] =	vst v63  }
0x3f: {  	v3 =	vld [tilespmem:$0x30];
	_ =	sdelay $0x4  }
0x40: {  	v59 =	vshll.u32 v3, $0x1  }
0x41: {  	v3 =	vand.u32 $0x7, v3;
	v4 =	vand.u32 $0xFFFFFFF0, v59  }
0x42: {  	v3 =	vor.u32 v3, v4  }
0x43: {  	v4 =	vperm.xlane v3, v0;
	_ =	sdelay $0x1  }
0x44: {  	v3 =	vperm.xlane v3, v2;
	v4 =	vadd.s32 v1, v4;
	_ =	sdelay $0x1  }
0x45: {  	v3 =	vadd.s32 v1, v3;
	_ =	sdelay $0x2  }
0x46: {  	[tilespmem:s21], [sflag:$0x1] =	stream.indirect_vreg.gather [hbm4b:s3+s2], $0x80, v4, vm0, $0xb8;
	[tilespmem:$0x8080] =	vst v63  }
0x47: {  	_ = 	snop  }
0x48: {  	[tilespmem:s22], [sflag:$0x1] =	stream.indirect_vreg.gather [hbm4b:s3+s2], $0x80, v3, vm0, $0xb8;
	[tilespmem:$0x8080] =	vst v63  }
0x49: {  	v3 =	vld [tilespmem:$0x40];
	_ =	sdelay $0x4  }
0x4a: {  	v60 =	vshll.u32 v3, $0x1  }
0x4b: {  	v3 =	vand.u32 $0x7, v3;
	v4 =	vand.u32 $0xFFFFFFF0, v60  }
0x4c: {  	v3 =	vor.u32 v3, v4  }
0x4d: {  	v4 =	vperm.xlane v3, v0;
	_ =	sdelay $0x1  }
0x4e: {  	v3 =	vperm.xlane v3, v2;
	v4 =	vadd.s32 v1, v4;
	_ =	sdelay $0x1  }
0x4f: {  	v3 =	vadd.s32 v1, v3;
	_ =	sdelay $0x2  }
0x50: {  	[tilespmem:s23], [sflag:$0x1] =	stream.indirect_vreg.gather [hbm4b:s3+s2], $0x80, v4, vm0, $0xb8;
	[tilespmem:$0x8080] =	vst v63  }
0x51: {  	_ = 	snop  }
0x52: {  	[tilespmem:s24], [sflag:$0x1] =	stream.indirect_vreg.gather [hbm4b:s3+s2], $0x80, v3, vm0, $0xb8;
	[tilespmem:$0x8080] =	vst v63  }
0x53: {  	v3 =	vld [tilespmem:$0x50];
	_ =	sdelay $0x4  }
0x54: {  	v61 =	vshll.u32 v3, $0x1  }
0x55: {  	v3 =	vand.u32 $0x7, v3;
	v4 =	vand.u32 $0xFFFFFFF0, v61  }
0x56: {  	v3 =	vor.u32 v3, v4  }
0x57: {  	v4 =	vperm.xlane v3, v0;
	_ =	sdelay $0x1  }
0x58: {  	v3 =	vperm.xlane v3, v2;
	v4 =	vadd.s32 v1, v4;
	_ =	sdelay $0x1  }
0x59: {  	v3 =	vadd.s32 v1, v3;
	_ =	sdelay $0x2  }
0x5a: {  	[tilespmem:s25], [sflag:$0x1] =	stream.indirect_vreg.gather [hbm4b:s3+s2], $0x80, v4, vm0, $0xb8;
	[tilespmem:$0x8080] =	vst v63  }
0x5b: {  	_ = 	snop  }
0x5c: {  	[tilespmem:s26], [sflag:$0x1] =	stream.indirect_vreg.gather [hbm4b:s3+s2], $0x80, v3, vm0, $0xb8;
	[tilespmem:$0x8080] =	vst v63  }
0x5d: {  	v3 =	vld [tilespmem:$0x60];
	_ =	sdelay $0x4  }
0x5e: {  	v62 =	vshll.u32 v3, $0x1  }
0x5f: {  	v3 =	vand.u32 $0x7, v3;
	v4 =	vand.u32 $0xFFFFFFF0, v62  }
0x60: {  	v3 =	vor.u32 v3, v4  }
0x61: {  	v4 =	vperm.xlane v3, v0;
	_ =	sdelay $0x1  }
0x62: {  	v3 =	vperm.xlane v3, v2;
	v4 =	vadd.s32 v1, v4;
	_ =	sdelay $0x1  }
0x63: {  	v3 =	vadd.s32 v1, v3;
	_ =	sdelay $0x2  }
0x64: {  	[tilespmem:s28], [sflag:$0x1] =	stream.indirect_vreg.gather [hbm4b:s3+s2], $0x80, v4, vm0, $0xb8;
	[tilespmem:$0x8080] =	vst v63  }
0x65: {  	_ = 	snop  }
0x66: {  	[tilespmem:s29], [sflag:$0x1] =	stream.indirect_vreg.gather [hbm4b:s3+s2], $0x80, v3, vm0, $0xb8;
	[tilespmem:$0x8080] =	vst v63  }
0x67: {  	v3 =	vld [tilespmem:$0x70];
	_ =	sdelay $0x4  }
0x68: {  	v63 =	vshll.u32 v3, $0x1  }
0x69: {  	v3 =	vand.u32 $0x7, v3;
	v4 =	vand.u32 $0xFFFFFFF0, v63  }
0x6a: {  	v3 =	vor.u32 v3, v4  }
0x6b: {  	v4 =	vperm.xlane v3, v0;
	_ =	sdelay $0x1  }
0x6c: {  	v3 =	vperm.xlane v3, v2;
	v4 =	vadd.s32 v1, v4;
	_ =	sdelay $0x1  }
0x6d: {  	v3 =	vadd.s32 v1, v3;
	_ =	sdelay $0x2  }
0x6e: {  	[tilespmem:s30], [sflag:$0x1] =	stream.indirect_vreg.gather [hbm4b:s3+s2], $0x80, v4, vm0, $0xb8;
	[tilespmem:$0x8080] =	vst v63  }
0x6f: {  	_ = 	snop  }
0x70: {  	[tilespmem:s31], [sflag:$0x1] =	stream.indirect_vreg.gather [hbm4b:s3+s2], $0x80, v3, vm0, $0xb8;
	[tilespmem:$0x8080] =	vst v63  }
0x71: {  	_ =	swait.ge [sflag:s0], $0x8000  }
0x72: {  	[sflag:s0] =	ssyncset.done $0x0  }
0x73: {  	s1 =	rddreg [dreg:$0x3];
	[sflag:s0] =	ssyncadd.s32 $0xFFFF8000  }
0x74: {  	[hbm4b:s1+s2] =	stream.linear.scatter [tilespmem:s15], [sflag:$0x2], $0x8000, $0x38;
	[tilespmem:$0x8080] =	vst v63  }
0x75: {  	_ =	swait.ge [sflag:s14], $0x8000  }
0x76: {  	[sflag:s14] =	ssyncset.done $0x0  }
0x77: {  	s1 =	rddreg [dreg:$0x4];
	[sflag:s14] =	ssyncadd.s32 $0xFFFF8000  }
0x78: {  	[tilespmem:s2], [sflag:$0x2] =	stream.linear.gather [hbm4b:s1+s2], $0x80, $0x38;
	[tilespmem:$0x8080] =	vst v63  }
0x79: {  	_ =	swait.ge [sflag:s14], $0x80  }
0x7a: {  	[sflag:s14] =	ssyncset.done $0x0  }
0x7b: {  	[sflag:s14] =	ssyncadd.s32 $0xFFFFFF80  }
0x7c: {  	v3 =	vld [tilespmem:$0x0];
	_ =	sdelay $0x4  }
0x7d: {  	v8 =	vshll.u32 v3, $0x1  }
0x7e: {  	v3 =	vand.u32 $0x7, v3;
	v4 =	vand.u32 $0xFFFFFFF0, v8  }
0x7f: {  	v3 =	vor.u32 v3, v4  }
0x80: {  	v4 =	vperm.xlane v3, v0;
	_ =	sdelay $0x1  }
0x81: {  	v3 =	vperm.xlane v3, v2;
	v4 =	vadd.s32 v1, v4;
	_ =	sdelay $0x1  }
0x82: {  	v3 =	vadd.s32 v1, v3;
	_ =	sdelay $0x2  }
0x83: {  	[tilespmem:s15], [sflag:$0x1] =	stream.indirect_vreg.gather [hbm4b:s3+s2], $0x80, v4, vm0, $0xb8;
	[tilespmem:$0x8080] =	vst v63  }
0x84: {  	_ = 	snop  }
0x85: {  	[tilespmem:s16], [sflag:$0x1] =	stream.indirect_vreg.gather [hbm4b:s3+s2], $0x80, v3, vm0, $0xb8;
	[tilespmem:$0x8080] =	vst v63  }
0x86: {  	v3 =	vld [tilespmem:$0x10];
	_ =	sdelay $0x4  }
0x87: {  	v9 =	vshll.u32 v3, $0x1  }
0x88: {  	v3 =	vand.u32 $0x7, v3;
	v4 =	vand.u32 $0xFFFFFFF0, v9  }
0x89: {  	v3 =	vor.u32 v3, v4  }
0x8a: {  	v4 =	vperm.xlane v3, v0;
	_ =	sdelay $0x1  }
0x8b: {  	v3 =	vperm.xlane v3, v2;
	v4 =	vadd.s32 v1, v4;
	_ =	sdelay $0x1  }
0x8c: {  	v3 =	vadd.s32 v1, v3;
	_ =	sdelay $0x2  }
0x8d: {  	[tilespmem:s17], [sflag:$0x1] =	stream.indirect_vreg.gather [hbm4b:s3+s2], $0x80, v4, vm0, $0xb8;
	[tilespmem:$0x8080] =	vst v63  }
0x8e: {  	_ = 	snop  }
0x8f: {  	[tilespmem:s18], [sflag:$0x1] =	stream.indirect_vreg.gather [hbm4b:s3+s2], $0x80, v3, vm0, $0xb8;
	[tilespmem:$0x8080] =	vst v63  }
0x90: {  	v3 =	vld [tilespmem:$0x20];
	_ =	sdelay $0x4  }
0x91: {  	v10 =	vshll.u32 v3, $0x1  }
0x92: {  	v3 =	vand.u32 $0x7, v3;
	v4 =	vand.u32 $0xFFFFFFF0, v10  }
0x93: {  	v3 =	vor.u32 v3, v4  }
0x94: {  	v4 =	vperm.xlane v3, v0;
	_ =	sdelay $0x1  }
0x95: {  	v3 =	vperm.xlane v3, v2;
	v4 =	vadd.s32 v1, v4;
	_ =	sdelay $0x1  }
0x96: {  	v3 =	vadd.s32 v1, v3;
	_ =	sdelay $0x2  }
0x97: {  	[tilespmem:s19], [sflag:$0x1] =	stream.indirect_vreg.gather [hbm4b:s3+s2], $0x80, v4, vm0, $0xb8;
	[tilespmem:$0x8080] =	vst v63  }
0x98: {  	_ = 	snop  }
0x99: {  	[tilespmem:s20], [sflag:$0x1] =	stream.indirect_vreg.gather [hbm4b:s3+s2], $0x80, v3, vm0, $0xb8;
	[tilespmem:$0x8080] =	vst v63  }
0x9a: {  	v3 =	vld [tilespmem:$0x30];
	_ =	sdelay $0x4  }
0x9b: {  	v11 =	vshll.u32 v3, $0x1  }
0x9c: {  	v3 =	vand.u32 $0x7, v3;
	v4 =	vand.u32 $0xFFFFFFF0, v11  }
0x9d: {  	v3 =	vor.u32 v3, v4  }
0x9e: {  	v4 =	vperm.xlane v3, v0;
	_ =	sdelay $0x1  }
0x9f: {  	v3 =	vperm.xlane v3, v2;
	v4 =	vadd.s32 v1, v4;
	_ =	sdelay $0x1  }
0xa0: {  	v3 =	vadd.s32 v1, v3;
	_ =	sdelay $0x2  }
0xa1: {  	[tilespmem:s21], [sflag:$0x1] =	stream.indirect_vreg.gather [hbm4b:s3+s2], $0x80, v4, vm0, $0xb8;
	[tilespmem:$0x8080] =	vst v63  }
0xa2: {  	_ = 	snop  }
0xa3: {  	[tilespmem:s22], [sflag:$0x1] =	stream.indirect_vreg.gather [hbm4b:s3+s2], $0x80, v3, vm0, $0xb8;
	[tilespmem:$0x8080] =	vst v63  }
0xa4: {  	v3 =	vld [tilespmem:$0x40];
	_ =	sdelay $0x4  }
0xa5: {  	v12 =	vshll.u32 v3, $0x1  }
0xa6: {  	v3 =	vand.u32 $0x7, v3;
	v4 =	vand.u32 $0xFFFFFFF0, v12  }
0xa7: {  	v3 =	vor.u32 v3, v4  }
0xa8: {  	v4 =	vperm.xlane v3, v0;
	_ =	sdelay $0x1  }
0xa9: {  	v3 =	vperm.xlane v3, v2;
	v4 =	vadd.s32 v1, v4;
	_ =	sdelay $0x1  }
0xaa: {  	v3 =	vadd.s32 v1, v3;
	_ =	sdelay $0x2  }
0xab: {  	[tilespmem:s23], [sflag:$0x1] =	stream.indirect_vreg.gather [hbm4b:s3+s2], $0x80, v4, vm0, $0xb8;
	[tilespmem:$0x8080] =	vst v63  }
0xac: {  	_ = 	snop  }
0xad: {  	[tilespmem:s24], [sflag:$0x1] =	stream.indirect_vreg.gather [hbm4b:s3+s2], $0x80, v3, vm0, $0xb8;
	[tilespmem:$0x8080] =	vst v63  }
0xae: {  	v3 =	vld [tilespmem:$0x50];
	_ =	sdelay $0x4  }
0xaf: {  	v13 =	vshll.u32 v3, $0x1  }
0xb0: {  	v3 =	vand.u32 $0x7, v3;
	v4 =	vand.u32 $0xFFFFFFF0, v13  }
0xb1: {  	v3 =	vor.u32 v3, v4  }
0xb2: {  	v4 =	vperm.xlane v3, v0;
	_ =	sdelay $0x1  }
0xb3: {  	v3 =	vperm.xlane v3, v2;
	v4 =	vadd.s32 v1, v4;
	_ =	sdelay $0x1  }
0xb4: {  	v3 =	vadd.s32 v1, v3;
	_ =	sdelay $0x2  }
0xb5: {  	[tilespmem:s25], [sflag:$0x1] =	stream.indirect_vreg.gather [hbm4b:s3+s2], $0x80, v4, vm0, $0xb8;
	[tilespmem:$0x8080] =	vst v63  }
0xb6: {  	_ = 	snop  }
0xb7: {  	[tilespmem:s26], [sflag:$0x1] =	stream.indirect_vreg.gather [hbm4b:s3+s2], $0x80, v3, vm0, $0xb8;
	[tilespmem:$0x8080] =	vst v63  }
0xb8: {  	v3 =	vld [tilespmem:$0x60];
	_ =	sdelay $0x4  }
0xb9: {  	v14 =	vshll.u32 v3, $0x1  }
0xba: {  	v3 =	vand.u32 $0x7, v3;
	v4 =	vand.u32 $0xFFFFFFF0, v14  }
0xbb: {  	v3 =	vor.u32 v3, v4  }
0xbc: {  	v4 =	vperm.xlane v3, v0;
	_ =	sdelay $0x1  }
0xbd: {  	v3 =	vperm.xlane v3, v2;
	v4 =	vadd.s32 v1, v4;
	_ =	sdelay $0x1  }
0xbe: {  	v3 =	vadd.s32 v1, v3;
	_ =	sdelay $0x2  }
0xbf: {  	[tilespmem:s28], [sflag:$0x1] =	stream.indirect_vreg.gather [hbm4b:s3+s2], $0x80, v4, vm0, $0xb8;
	[tilespmem:$0x8080] =	vst v63  }
0xc0: {  	_ = 	snop  }
0xc1: {  	[tilespmem:s29], [sflag:$0x1] =	stream.indirect_vreg.gather [hbm4b:s3+s2], $0x80, v3, vm0, $0xb8;
	[tilespmem:$0x8080] =	vst v63  }
0xc2: {  	v3 =	vld [tilespmem:$0x70];
	_ =	sdelay $0x4  }
0xc3: {  	v15 =	vshll.u32 v3, $0x1  }
0xc4: {  	v3 =	vand.u32 $0x7, v3;
	v4 =	vand.u32 $0xFFFFFFF0, v15  }
0xc5: {  	v3 =	vor.u32 v3, v4  }
0xc6: {  	v4 =	vperm.xlane v3, v0;
	_ =	sdelay $0x1  }
0xc7: {  	v3 =	vperm.xlane v3, v2;
	v4 =	vadd.s32 v1, v4;
	_ =	sdelay $0x1  }
0xc8: {  	v3 =	vadd.s32 v1, v3;
	_ =	sdelay $0x2  }
0xc9: {  	[tilespmem:s30], [sflag:$0x1] =	stream.indirect_vreg.gather [hbm4b:s3+s2], $0x80, v4, vm0, $0xb8;
	[tilespmem:$0x8080] =	vst v63  }
0xca: {  	_ = 	snop  }
0xcb: {  	[tilespmem:s31], [sflag:$0x1] =	stream.indirect_vreg.gather [hbm4b:s3+s2], $0x80, v3, vm0, $0xb8;
	[tilespmem:$0x8080] =	vst v63  }
0xcc: {  	_ =	swait.ge [sflag:s0], $0x8000  }
0xcd: {  	[sflag:s0] =	ssyncset.done $0x0  }
0xce: {  	s1 =	rddreg [dreg:$0x5];
	[sflag:s0] =	ssyncadd.s32 $0xFFFF8000  }
0xcf: {  	[hbm4b:s1+s2] =	stream.linear.scatter [tilespmem:s15], [sflag:$0x2], $0x8000, $0x38;
	[tilespmem:$0x8080] =	vst v63  }
0xd0: {  	_ =	swait.ge [sflag:s14], $0x8000  }
0xd1: {  	[sflag:s14] =	ssyncset.done $0x0  }
0xd2: {  	s1 =	rddreg [dreg:$0x6];
	[sflag:s14] =	ssyncadd.s32 $0xFFFF8000  }
0xd3: {  	[tilespmem:s2], [sflag:$0x2] =	stream.linear.gather [hbm4b:s1+s2], $0x80, $0x38;
	[tilespmem:$0x8080] =	vst v63  }
0xd4: {  	_ =	swait.ge [sflag:s14], $0x80  }
0xd5: {  	[sflag:s14] =	ssyncset.done $0x0  }
0xd6: {  	[sflag:s14] =	ssyncadd.s32 $0xFFFFFF80  }
0xd7: {  	v3 =	vld [tilespmem:$0x0];
	_ =	sdelay $0x4  }
0xd8: {  	v16 =	vshll.u32 v3, $0x1  }
0xd9: {  	v3 =	vand.u32 $0x7, v3;
	v4 =	vand.u32 $0xFFFFFFF0, v16  }
0xda: {  	v3 =	vor.u32 v3, v4  }
0xdb: {  	v4 =	vperm.xlane v3, v0;
	_ =	sdelay $0x1  }
0xdc: {  	v3 =	vperm.xlane v3, v2;
	v4 =	vadd.s32 v1, v4;
	_ =	sdelay $0x1  }
0xdd: {  	v3 =	vadd.s32 v1, v3;
	_ =	sdelay $0x2  }
0xde: {  	[tilespmem:s15], [sflag:$0x1] =	stream.indirect_vreg.gather [hbm4b:s3+s2], $0x80, v4, vm0, $0xb8;
	[tilespmem:$0x8080] =	vst v63  }
0xdf: {  	_ = 	snop  }
0xe0: {  	[tilespmem:s16], [sflag:$0x1] =	stream.indirect_vreg.gather [hbm4b:s3+s2], $0x80, v3, vm0, $0xb8;
	[tilespmem:$0x8080] =	vst v63  }
0xe1: {  	v3 =	vld [tilespmem:$0x10];
	_ =	sdelay $0x4  }
0xe2: {  	v17 =	vshll.u32 v3, $0x1  }
0xe3: {  	v3 =	vand.u32 $0x7, v3;
	v4 =	vand.u32 $0xFFFFFFF0, v17  }
0xe4: {  	v3 =	vor.u32 v3, v4  }
0xe5: {  	v4 =	vperm.xlane v3, v0;
	_ =	sdelay $0x1  }
0xe6: {  	v3 =	vperm.xlane v3, v2;
	v4 =	vadd.s32 v1, v4;
	_ =	sdelay $0x1  }
0xe7: {  	v3 =	vadd.s32 v1, v3;
	_ =	sdelay $0x2  }
0xe8: {  	[tilespmem:s17], [sflag:$0x1] =	stream.indirect_vreg.gather [hbm4b:s3+s2], $0x80, v4, vm0, $0xb8;
	[tilespmem:$0x8080] =	vst v63  }
0xe9: {  	_ = 	snop  }
0xea: {  	[tilespmem:s18], [sflag:$0x1] =	stream.indirect_vreg.gather [hbm4b:s3+s2], $0x80, v3, vm0, $0xb8;
	[tilespmem:$0x8080] =	vst v63  }
0xeb: {  	v3 =	vld [tilespmem:$0x20];
	_ =	sdelay $0x4  }
0xec: {  	v18 =	vshll.u32 v3, $0x1  }
0xed: {  	v3 =	vand.u32 $0x7, v3;
	v4 =	vand.u32 $0xFFFFFFF0, v18  }
0xee: {  	v3 =	vor.u32 v3, v4  }
0xef: {  	v4 =	vperm.xlane v3, v0;
	_ =	sdelay $0x1  }
0xf0: {  	v3 =	vperm.xlane v3, v2;
	v4 =	vadd.s32 v1, v4;
	_ =	sdelay $0x1  }
0xf1: {  	v3 =	vadd.s32 v1, v3;
	_ =	sdelay $0x2  }
0xf2: {  	[tilespmem:s19], [sflag:$0x1] =	stream.indirect_vreg.gather [hbm4b:s3+s2], $0x80, v4, vm0, $0xb8;
	[tilespmem:$0x8080] =	vst v63  }
0xf3: {  	_ = 	snop  }
0xf4: {  	[tilespmem:s20], [sflag:$0x1] =	stream.indirect_vreg.gather [hbm4b:s3+s2], $0x80, v3, vm0, $0xb8;
	[tilespmem:$0x8080] =	vst v63  }
0xf5: {  	v3 =	vld [tilespmem:$0x30];
	_ =	sdelay $0x4  }
0xf6: {  	v19 =	vshll.u32 v3, $0x1  }
0xf7: {  	v3 =	vand.u32 $0x7, v3;
	v4 =	vand.u32 $0xFFFFFFF0, v19  }
0xf8: {  	v3 =	vor.u32 v3, v4  }
0xf9: {  	v4 =	vperm.xlane v3, v0;
	_ =	sdelay $0x1  }
0xfa: {  	v3 =	vperm.xlane v3, v2;
	v4 =	vadd.s32 v1, v4;
	_ =	sdelay $0x1  }
0xfb: {  	v3 =	vadd.s32 v1, v3;
	_ =	sdelay $0x2  }
0xfc: {  	[tilespmem:s21], [sflag:$0x1] =	stream.indirect_vreg.gather [hbm4b:s3+s2], $0x80, v4, vm0, $0xb8;
	[tilespmem:$0x8080] =	vst v63  }
0xfd: {  	_ = 	snop  }
0xfe: {  	[tilespmem:s22], [sflag:$0x1] =	stream.indirect_vreg.gather [hbm4b:s3+s2], $0x80, v3, vm0, $0xb8;
	[tilespmem:$0x8080] =	vst v63  }
0xff: {  	v3 =	vld [tilespmem:$0x40];
	_ =	sdelay $0x4  }
0x100: {  	v20 =	vshll.u32 v3, $0x1  }
0x101: {  	v3 =	vand.u32 $0x7, v3;
	v4 =	vand.u32 $0xFFFFFFF0, v20  }
0x102: {  	v3 =	vor.u32 v3, v4  }
0x103: {  	v4 =	vperm.xlane v3, v0;
	_ =	sdelay $0x1  }
0x104: {  	v3 =	vperm.xlane v3, v2;
	v4 =	vadd.s32 v1, v4;
	_ =	sdelay $0x1  }
0x105: {  	v3 =	vadd.s32 v1, v3;
	_ =	sdelay $0x2  }
0x106: {  	[tilespmem:s23], [sflag:$0x1] =	stream.indirect_vreg.gather [hbm4b:s3+s2], $0x80, v4, vm0, $0xb8;
	[tilespmem:$0x8080] =	vst v63  }
0x107: {  	_ = 	snop  }
0x108: {  	[tilespmem:s24], [sflag:$0x1] =	stream.indirect_vreg.gather [hbm4b:s3+s2], $0x80, v3, vm0, $0xb8;
	[tilespmem:$0x8080] =	vst v63  }
0x109: {  	v3 =	vld [tilespmem:$0x50];
	_ =	sdelay $0x4  }
0x10a: {  	v21 =	vshll.u32 v3, $0x1  }
0x10b: {  	v3 =	vand.u32 $0x7, v3;
	v4 =	vand.u32 $0xFFFFFFF0, v21  }
0x10c: {  	v3 =	vor.u32 v3, v4  }
0x10d: {  	v4 =	vperm.xlane v3, v0;
	_ =	sdelay $0x1  }
0x10e: {  	v3 =	vperm.xlane v3, v2;
	v4 =	vadd.s32 v1, v4;
	_ =	sdelay $0x1  }
0x10f: {  	v3 =	vadd.s32 v1, v3;
	_ =	sdelay $0x2  }
0x110: {  	[tilespmem:s25], [sflag:$0x1] =	stream.indirect_vreg.gather [hbm4b:s3+s2], $0x80, v4, vm0, $0xb8;
	[tilespmem:$0x8080] =	vst v63  }
0x111: {  	_ = 	snop  }
0x112: {  	[tilespmem:s26], [sflag:$0x1] =	stream.indirect_vreg.gather [hbm4b:s3+s2], $0x80, v3, vm0, $0xb8;
	[tilespmem:$0x8080] =	vst v63  }
0x113: {  	v3 =	vld [tilespmem:$0x60];
	_ =	sdelay $0x4  }
0x114: {  	v22 =	vshll.u32 v3, $0x1  }
0x115: {  	v3 =	vand.u32 $0x7, v3;
	v4 =	vand.u32 $0xFFFFFFF0, v22  }
0x116: {  	v3 =	vor.u32 v3, v4  }
0x117: {  	v4 =	vperm.xlane v3, v0;
	_ =	sdelay $0x1  }
0x118: {  	v3 =	vperm.xlane v3, v2;
	v4 =	vadd.s32 v1, v4;
	_ =	sdelay $0x1  }
0x119: {  	v3 =	vadd.s32 v1, v3;
	_ =	sdelay $0x2  }
0x11a: {  	[tilespmem:s28], [sflag:$0x1] =	stream.indirect_vreg.gather [hbm4b:s3+s2], $0x80, v4, vm0, $0xb8;
	[tilespmem:$0x8080] =	vst v63  }
0x11b: {  	_ = 	snop  }
0x11c: {  	[tilespmem:s29], [sflag:$0x1] =	stream.indirect_vreg.gather [hbm4b:s3+s2], $0x80, v3, vm0, $0xb8;
	[tilespmem:$0x8080] =	vst v63  }
0x11d: {  	v3 =	vld [tilespmem:$0x70];
	_ =	sdelay $0x4  }
0x11e: {  	v23 =	vshll.u32 v3, $0x1  }
0x11f: {  	v3 =	vand.u32 $0x7, v3;
	v4 =	vand.u32 $0xFFFFFFF0, v23  }
0x120: {  	v3 =	vor.u32 v3, v4  }
0x121: {  	v4 =	vperm.xlane v3, v0;
	_ =	sdelay $0x1  }
0x122: {  	v3 =	vperm.xlane v3, v2;
	v4 =	vadd.s32 v1, v4;
	_ =	sdelay $0x1  }
0x123: {  	v3 =	vadd.s32 v1, v3;
	_ =	sdelay $0x2  }
0x124: {  	[tilespmem:s30], [sflag:$0x1] =	stream.indirect_vreg.gather [hbm4b:s3+s2], $0x80, v4, vm0, $0xb8;
	[tilespmem:$0x8080] =	vst v63  }
0x125: {  	_ = 	snop  }
0x126: {  	[tilespmem:s31], [sflag:$0x1] =	stream.indirect_vreg.gather [hbm4b:s3+s2], $0x80, v3, vm0, $0xb8;
	[tilespmem:$0x8080] =	vst v63  }
0x127: {  	_ =	swait.ge [sflag:s0], $0x8000  }
0x128: {  	[sflag:s0] =	ssyncset.done $0x0  }
0x129: {  	s1 =	rddreg [dreg:$0x7];
	[sflag:s0] =	ssyncadd.s32 $0xFFFF8000  }
0x12a: {  	[hbm4b:s1+s2] =	stream.linear.scatter [tilespmem:s15], [sflag:$0x2], $0x8000, $0x38;
	[tilespmem:$0x8080] =	vst v63  }
0x12b: {  	_ =	swait.ge [sflag:s14], $0x8000  }
0x12c: {  	[sflag:s14] =	ssyncset.done $0x0  }
0x12d: {  	s1 =	rddreg [dreg:$0x8];
	[sflag:s14] =	ssyncadd.s32 $0xFFFF8000  }
0x12e: {  	[tilespmem:s2], [sflag:$0x2] =	stream.linear.gather [hbm4b:s1+s2], $0x80, $0x38;
	[tilespmem:$0x8080] =	vst v63  }
0x12f: {  	_ =	swait.ge [sflag:s14], $0x80  }
0x130: {  	[sflag:s14] =	ssyncset.done $0x0  }
0x131: {  	[sflag:s14] =	ssyncadd.s32 $0xFFFFFF80  }
0x132: {  	v3 =	vld [tilespmem:$0x0];
	_ =	sdelay $0x4  }
0x133: {  	v24 =	vshll.u32 v3, $0x1  }
0x134: {  	v3 =	vand.u32 $0x7, v3;
	v4 =	vand.u32 $0xFFFFFFF0, v24  }
0x135: {  	v3 =	vor.u32 v3, v4  }
0x136: {  	v4 =	vperm.xlane v3, v0;
	_ =	sdelay $0x1  }
0x137: {  	v3 =	vperm.xlane v3, v2;
	v4 =	vadd.s32 v1, v4;
	_ =	sdelay $0x1  }
0x138: {  	v3 =	vadd.s32 v1, v3;
	_ =	sdelay $0x2  }
0x139: {  	[tilespmem:s15], [sflag:$0x1] =	stream.indirect_vreg.gather [hbm4b:s3+s2], $0x80, v4, vm0, $0xb8;
	[tilespmem:$0x8080] =	vst v63  }
0x13a: {  	_ = 	snop  }
0x13b: {  	[tilespmem:s16], [sflag:$0x1] =	stream.indirect_vreg.gather [hbm4b:s3+s2], $0x80, v3, vm0, $0xb8;
	[tilespmem:$0x8080] =	vst v63  }
0x13c: {  	v3 =	vld [tilespmem:$0x10];
	_ =	sdelay $0x4  }
0x13d: {  	v25 =	vshll.u32 v3, $0x1  }
0x13e: {  	v3 =	vand.u32 $0x7, v3;
	v4 =	vand.u32 $0xFFFFFFF0, v25  }
0x13f: {  	v3 =	vor.u32 v3, v4  }
0x140: {  	v4 =	vperm.xlane v3, v0;
	_ =	sdelay $0x1  }
0x141: {  	v3 =	vperm.xlane v3, v2;
	v4 =	vadd.s32 v1, v4;
	_ =	sdelay $0x1  }
0x142: {  	v3 =	vadd.s32 v1, v3;
	_ =	sdelay $0x2  }
0x143: {  	[tilespmem:s17], [sflag:$0x1] =	stream.indirect_vreg.gather [hbm4b:s3+s2], $0x80, v4, vm0, $0xb8;
	[tilespmem:$0x8080] =	vst v63  }
0x144: {  	_ = 	snop  }
0x145: {  	[tilespmem:s18], [sflag:$0x1] =	stream.indirect_vreg.gather [hbm4b:s3+s2], $0x80, v3, vm0, $0xb8;
	[tilespmem:$0x8080] =	vst v63  }
0x146: {  	v3 =	vld [tilespmem:$0x20];
	_ =	sdelay $0x4  }
0x147: {  	v26 =	vshll.u32 v3, $0x1  }
0x148: {  	v3 =	vand.u32 $0x7, v3;
	v4 =	vand.u32 $0xFFFFFFF0, v26  }
0x149: {  	v3 =	vor.u32 v3, v4  }
0x14a: {  	v4 =	vperm.xlane v3, v0;
	_ =	sdelay $0x1  }
0x14b: {  	v3 =	vperm.xlane v3, v2;
	v4 =	vadd.s32 v1, v4;
	_ =	sdelay $0x1  }
0x14c: {  	v3 =	vadd.s32 v1, v3;
	_ =	sdelay $0x2  }
0x14d: {  	[tilespmem:s19], [sflag:$0x1] =	stream.indirect_vreg.gather [hbm4b:s3+s2], $0x80, v4, vm0, $0xb8;
	[tilespmem:$0x8080] =	vst v63  }
0x14e: {  	_ = 	snop  }
0x14f: {  	[tilespmem:s20], [sflag:$0x1] =	stream.indirect_vreg.gather [hbm4b:s3+s2], $0x80, v3, vm0, $0xb8;
	[tilespmem:$0x8080] =	vst v63  }
0x150: {  	v3 =	vld [tilespmem:$0x30];
	_ =	sdelay $0x4  }
0x151: {  	v27 =	vshll.u32 v3, $0x1  }
0x152: {  	v3 =	vand.u32 $0x7, v3;
	v4 =	vand.u32 $0xFFFFFFF0, v27  }
0x153: {  	v3 =	vor.u32 v3, v4  }
0x154: {  	v4 =	vperm.xlane v3, v0;
	_ =	sdelay $0x1  }
0x155: {  	v3 =	vperm.xlane v3, v2;
	v4 =	vadd.s32 v1, v4;
	_ =	sdelay $0x1  }
0x156: {  	v3 =	vadd.s32 v1, v3;
	_ =	sdelay $0x2  }
0x157: {  	[tilespmem:s21], [sflag:$0x1] =	stream.indirect_vreg.gather [hbm4b:s3+s2], $0x80, v4, vm0, $0xb8;
	[tilespmem:$0x8080] =	vst v63  }
0x158: {  	_ = 	snop  }
0x159: {  	[tilespmem:s22], [sflag:$0x1] =	stream.indirect_vreg.gather [hbm4b:s3+s2], $0x80, v3, vm0, $0xb8;
	[tilespmem:$0x8080] =	vst v63  }
0x15a: {  	v3 =	vld [tilespmem:$0x40];
	_ =	sdelay $0x4  }
0x15b: {  	v28 =	vshll.u32 v3, $0x1  }
0x15c: {  	v3 =	vand.u32 $0x7, v3;
	v4 =	vand.u32 $0xFFFFFFF0, v28  }
0x15d: {  	v3 =	vor.u32 v3, v4  }
0x15e: {  	v4 =	vperm.xlane v3, v0;
	_ =	sdelay $0x1  }
0x15f: {  	v3 =	vperm.xlane v3, v2;
	v4 =	vadd.s32 v1, v4;
	_ =	sdelay $0x1  }
0x160: {  	v3 =	vadd.s32 v1, v3;
	_ =	sdelay $0x2  }
0x161: {  	[tilespmem:s23], [sflag:$0x1] =	stream.indirect_vreg.gather [hbm4b:s3+s2], $0x80, v4, vm0, $0xb8;
	[tilespmem:$0x8080] =	vst v63  }
0x162: {  	_ = 	snop  }
0x163: {  	[tilespmem:s24], [sflag:$0x1] =	stream.indirect_vreg.gather [hbm4b:s3+s2], $0x80, v3, vm0, $0xb8;
	[tilespmem:$0x8080] =	vst v63  }
0x164: {  	v3 =	vld [tilespmem:$0x50];
	_ =	sdelay $0x4  }
0x165: {  	v29 =	vshll.u32 v3, $0x1  }
0x166: {  	v3 =	vand.u32 $0x7, v3;
	v4 =	vand.u32 $0xFFFFFFF0, v29  }
0x167: {  	v3 =	vor.u32 v3, v4  }
0x168: {  	v4 =	vperm.xlane v3, v0;
	_ =	sdelay $0x1  }
0x169: {  	v3 =	vperm.xlane v3, v2;
	v4 =	vadd.s32 v1, v4;
	_ =	sdelay $0x1  }
0x16a: {  	v3 =	vadd.s32 v1, v3;
	_ =	sdelay $0x2  }
0x16b: {  	[tilespmem:s25], [sflag:$0x1] =	stream.indirect_vreg.gather [hbm4b:s3+s2], $0x80, v4, vm0, $0xb8;
	[tilespmem:$0x8080] =	vst v63  }
0x16c: {  	_ = 	snop  }
0x16d: {  	[tilespmem:s26], [sflag:$0x1] =	stream.indirect_vreg.gather [hbm4b:s3+s2], $0x80, v3, vm0, $0xb8;
	[tilespmem:$0x8080] =	vst v63  }
0x16e: {  	v3 =	vld [tilespmem:$0x60];
	_ =	sdelay $0x4  }
0x16f: {  	v30 =	vshll.u32 v3, $0x1  }
0x170: {  	v3 =	vand.u32 $0x7, v3;
	v4 =	vand.u32 $0xFFFFFFF0, v30  }
0x171: {  	v3 =	vor.u32 v3, v4  }
0x172: {  	v4 =	vperm.xlane v3, v0;
	_ =	sdelay $0x1  }
0x173: {  	v3 =	vperm.xlane v3, v2;
	v4 =	vadd.s32 v1, v4;
	_ =	sdelay $0x1  }
0x174: {  	v3 =	vadd.s32 v1, v3;
	_ =	sdelay $0x2  }
0x175: {  	[tilespmem:s28], [sflag:$0x1] =	stream.indirect_vreg.gather [hbm4b:s3+s2], $0x80, v4, vm0, $0xb8;
	[tilespmem:$0x8080] =	vst v63  }
0x176: {  	_ = 	snop  }
0x177: {  	[tilespmem:s29], [sflag:$0x1] =	stream.indirect_vreg.gather [hbm4b:s3+s2], $0x80, v3, vm0, $0xb8;
	[tilespmem:$0x8080] =	vst v63  }
0x178: {  	v3 =	vld [tilespmem:$0x70];
	_ =	sdelay $0x4  }
0x179: {  	v31 =	vshll.u32 v3, $0x1  }
0x17a: {  	v3 =	vand.u32 $0x7, v3;
	v4 =	vand.u32 $0xFFFFFFF0, v31  }
0x17b: {  	v3 =	vor.u32 v3, v4  }
0x17c: {  	v4 =	vperm.xlane v3, v0;
	_ =	sdelay $0x1  }
0x17d: {  	v3 =	vperm.xlane v3, v2;
	v4 =	vadd.s32 v1, v4;
	_ =	sdelay $0x1  }
0x17e: {  	v3 =	vadd.s32 v1, v3;
	_ =	sdelay $0x2  }
0x17f: {  	[tilespmem:s30], [sflag:$0x1] =	stream.indirect_vreg.gather [hbm4b:s3+s2], $0x80, v4, vm0, $0xb8;
	[tilespmem:$0x8080] =	vst v63  }
0x180: {  	_ = 	snop  }
0x181: {  	[tilespmem:s31], [sflag:$0x1] =	stream.indirect_vreg.gather [hbm4b:s3+s2], $0x80, v3, vm0, $0xb8;
	[tilespmem:$0x8080] =	vst v63  }
0x182: {  	_ =	swait.ge [sflag:s0], $0x8000  }
0x183: {  	[sflag:s0] =	ssyncset.done $0x0  }
0x184: {  	[sflag:s0] =	ssyncadd.s32 $0xFFFF8000  }
0x185: {  	[hbm4b:s4+s2] =	stream.linear.scatter [tilespmem:s15], [sflag:$0x2], $0x8000, $0x38;
	[tilespmem:$0x8080] =	vst v63  }
0x186: {  	_ =	swait.ge [sflag:s14], $0x8000  }
0x187: {  	[sflag:s14] =	ssyncset.done $0x0  }
0x188: {  	[sflag:s14] =	ssyncadd.s32 $0xFFFF8000  }
0x189: {  	[tilespmem:s2], [sflag:$0x2] =	stream.linear.gather [hbm4b:s5+s2], $0x80, $0x38;
	[tilespmem:$0x8080] =	vst v63  }
0x18a: {  	_ =	swait.ge [sflag:s14], $0x80  }
0x18b: {  	[sflag:s14] =	ssyncset.done $0x0  }
0x18c: {  	[sflag:s14] =	ssyncadd.s32 $0xFFFFFF80  }
0x18d: {  	v3 =	vld [tilespmem:$0x0];
	_ =	sdelay $0x4  }
0x18e: {  	v32 =	vshll.u32 v3, $0x1  }
0x18f: {  	v3 =	vand.u32 $0x7, v3;
	v4 =	vand.u32 $0xFFFFFFF0, v32  }
0x190: {  	v3 =	vor.u32 v3, v4  }
0x191: {  	v4 =	vperm.xlane v3, v0;
	_ =	sdelay $0x1  }
0x192: {  	v3 =	vperm.xlane v3, v2;
	v4 =	vadd.s32 v1, v4;
	_ =	sdelay $0x1  }
0x193: {  	v3 =	vadd.s32 v1, v3;
	_ =	sdelay $0x2  }
0x194: {  	[tilespmem:s15], [sflag:$0x1] =	stream.indirect_vreg.gather [hbm4b:s3+s2], $0x80, v4, vm0, $0xb8;
	[tilespmem:$0x8080] =	vst v63  }
0x195: {  	_ = 	snop  }
0x196: {  	[tilespmem:s16], [sflag:$0x1] =	stream.indirect_vreg.gather [hbm4b:s3+s2], $0x80, v3, vm0, $0xb8;
	[tilespmem:$0x8080] =	vst v63  }
0x197: {  	v3 =	vld [tilespmem:$0x10];
	_ =	sdelay $0x4  }
0x198: {  	v33 =	vshll.u32 v3, $0x1  }
0x199: {  	v3 =	vand.u32 $0x7, v3;
	v4 =	vand.u32 $0xFFFFFFF0, v33  }
0x19a: {  	v3 =	vor.u32 v3, v4  }
0x19b: {  	v4 =	vperm.xlane v3, v0;
	_ =	sdelay $0x1  }
0x19c: {  	v3 =	vperm.xlane v3, v2;
	v4 =	vadd.s32 v1, v4;
	_ =	sdelay $0x1  }
0x19d: {  	v3 =	vadd.s32 v1, v3;
	_ =	sdelay $0x2  }
0x19e: {  	[tilespmem:s17], [sflag:$0x1] =	stream.indirect_vreg.gather [hbm4b:s3+s2], $0x80, v4, vm0, $0xb8;
	[tilespmem:$0x8080] =	vst v63  }
0x19f: {  	_ = 	snop  }
0x1a0: {  	[tilespmem:s18], [sflag:$0x1] =	stream.indirect_vreg.gather [hbm4b:s3+s2], $0x80, v3, vm0, $0xb8;
	[tilespmem:$0x8080] =	vst v63  }
0x1a1: {  	v3 =	vld [tilespmem:$0x20];
	_ =	sdelay $0x4  }
0x1a2: {  	v34 =	vshll.u32 v3, $0x1  }
0x1a3: {  	v3 =	vand.u32 $0x7, v3;
	v4 =	vand.u32 $0xFFFFFFF0, v34  }
0x1a4: {  	v3 =	vor.u32 v3, v4  }
0x1a5: {  	v4 =	vperm.xlane v3, v0;
	_ =	sdelay $0x1  }
0x1a6: {  	v3 =	vperm.xlane v3, v2;
	v4 =	vadd.s32 v1, v4;
	_ =	sdelay $0x1  }
0x1a7: {  	v3 =	vadd.s32 v1, v3;
	_ =	sdelay $0x2  }
0x1a8: {  	[tilespmem:s19], [sflag:$0x1] =	stream.indirect_vreg.gather [hbm4b:s3+s2], $0x80, v4, vm0, $0xb8;
	[tilespmem:$0x8080] =	vst v63  }
0x1a9: {  	_ = 	snop  }
0x1aa: {  	[tilespmem:s20], [sflag:$0x1] =	stream.indirect_vreg.gather [hbm4b:s3+s2], $0x80, v3, vm0, $0xb8;
	[tilespmem:$0x8080] =	vst v63  }
0x1ab: {  	v3 =	vld [tilespmem:$0x30];
	_ =	sdelay $0x4  }
0x1ac: {  	v35 =	vshll.u32 v3, $0x1  }
0x1ad: {  	v3 =	vand.u32 $0x7, v3;
	v4 =	vand.u32 $0xFFFFFFF0, v35  }
0x1ae: {  	v3 =	vor.u32 v3, v4  }
0x1af: {  	v4 =	vperm.xlane v3, v0;
	_ =	sdelay $0x1  }
0x1b0: {  	v3 =	vperm.xlane v3, v2;
	v4 =	vadd.s32 v1, v4;
	_ =	sdelay $0x1  }
0x1b1: {  	v3 =	vadd.s32 v1, v3;
	_ =	sdelay $0x2  }
0x1b2: {  	[tilespmem:s21], [sflag:$0x1] =	stream.indirect_vreg.gather [hbm4b:s3+s2], $0x80, v4, vm0, $0xb8;
	[tilespmem:$0x8080] =	vst v63  }
0x1b3: {  	_ = 	snop  }
0x1b4: {  	[tilespmem:s22], [sflag:$0x1] =	stream.indirect_vreg.gather [hbm4b:s3+s2], $0x80, v3, vm0, $0xb8;
	[tilespmem:$0x8080] =	vst v63  }
0x1b5: {  	v3 =	vld [tilespmem:$0x40];
	_ =	sdelay $0x4  }
0x1b6: {  	v36 =	vshll.u32 v3, $0x1  }
0x1b7: {  	v3 =	vand.u32 $0x7, v3;
	v4 =	vand.u32 $0xFFFFFFF0, v36  }
0x1b8: {  	v3 =	vor.u32 v3, v4  }
0x1b9: {  	v4 =	vperm.xlane v3, v0;
	_ =	sdelay $0x1  }
0x1ba: {  	v3 =	vperm.xlane v3, v2;
	v4 =	vadd.s32 v1, v4;
	_ =	sdelay $0x1  }
0x1bb: {  	v3 =	vadd.s32 v1, v3;
	_ =	sdelay $0x2  }
0x1bc: {  	[tilespmem:s23], [sflag:$0x1] =	stream.indirect_vreg.gather [hbm4b:s3+s2], $0x80, v4, vm0, $0xb8;
	[tilespmem:$0x8080] =	vst v63  }
0x1bd: {  	_ = 	snop  }
0x1be: {  	[tilespmem:s24], [sflag:$0x1] =	stream.indirect_vreg.gather [hbm4b:s3+s2], $0x80, v3, vm0, $0xb8;
	[tilespmem:$0x8080] =	vst v63  }
0x1bf: {  	v3 =	vld [tilespmem:$0x50];
	_ =	sdelay $0x4  }
0x1c0: {  	v37 =	vshll.u32 v3, $0x1  }
0x1c1: {  	v3 =	vand.u32 $0x7, v3;
	v4 =	vand.u32 $0xFFFFFFF0, v37  }
0x1c2: {  	v3 =	vor.u32 v3, v4  }
0x1c3: {  	v4 =	vperm.xlane v3, v0;
	_ =	sdelay $0x1  }
0x1c4: {  	v3 =	vperm.xlane v3, v2;
	v4 =	vadd.s32 v1, v4;
	_ =	sdelay $0x1  }
0x1c5: {  	v3 =	vadd.s32 v1, v3;
	_ =	sdelay $0x2  }
0x1c6: {  	[tilespmem:s25], [sflag:$0x1] =	stream.indirect_vreg.gather [hbm4b:s3+s2], $0x80, v4, vm0, $0xb8;
	[tilespmem:$0x8080] =	vst v63  }
0x1c7: {  	_ = 	snop  }
0x1c8: {  	[tilespmem:s26], [sflag:$0x1] =	stream.indirect_vreg.gather [hbm4b:s3+s2], $0x80, v3, vm0, $0xb8;
	[tilespmem:$0x8080] =	vst v63  }
0x1c9: {  	v3 =	vld [tilespmem:$0x60];
	_ =	sdelay $0x4  }
0x1ca: {  	v38 =	vshll.u32 v3, $0x1  }
0x1cb: {  	v3 =	vand.u32 $0x7, v3;
	v4 =	vand.u32 $0xFFFFFFF0, v38  }
0x1cc: {  	v3 =	vor.u32 v3, v4  }
0x1cd: {  	v4 =	vperm.xlane v3, v0;
	_ =	sdelay $0x1  }
0x1ce: {  	v3 =	vperm.xlane v3, v2;
	v4 =	vadd.s32 v1, v4;
	_ =	sdelay $0x1  }
0x1cf: {  	v3 =	vadd.s32 v1, v3;
	_ =	sdelay $0x2  }
0x1d0: {  	[tilespmem:s28], [sflag:$0x1] =	stream.indirect_vreg.gather [hbm4b:s3+s2], $0x80, v4, vm0, $0xb8;
	[tilespmem:$0x8080] =	vst v63  }
0x1d1: {  	_ = 	snop  }
0x1d2: {  	[tilespmem:s29], [sflag:$0x1] =	stream.indirect_vreg.gather [hbm4b:s3+s2], $0x80, v3, vm0, $0xb8;
	[tilespmem:$0x8080] =	vst v63  }
0x1d3: {  	v3 =	vld [tilespmem:$0x70];
	_ =	sdelay $0x4  }
0x1d4: {  	v39 =	vshll.u32 v3, $0x1  }
0x1d5: {  	v3 =	vand.u32 $0x7, v3;
	v4 =	vand.u32 $0xFFFFFFF0, v39  }
0x1d6: {  	v3 =	vor.u32 v3, v4  }
0x1d7: {  	v4 =	vperm.xlane v3, v0;
	_ =	sdelay $0x1  }
0x1d8: {  	v3 =	vperm.xlane v3, v2;
	v4 =	vadd.s32 v1, v4;
	_ =	sdelay $0x1  }
0x1d9: {  	v3 =	vadd.s32 v1, v3;
	_ =	sdelay $0x2  }
0x1da: {  	[tilespmem:s30], [sflag:$0x1] =	stream.indirect_vreg.gather [hbm4b:s3+s2], $0x80, v4, vm0, $0xb8;
	[tilespmem:$0x8080] =	vst v63  }
0x1db: {  	_ = 	snop  }
0x1dc: {  	[tilespmem:s31], [sflag:$0x1] =	stream.indirect_vreg.gather [hbm4b:s3+s2], $0x80, v3, vm0, $0xb8;
	[tilespmem:$0x8080] =	vst v63  }
0x1dd: {  	_ =	swait.ge [sflag:s0], $0x8000  }
0x1de: {  	[sflag:s0] =	ssyncset.done $0x0  }
0x1df: {  	[sflag:s0] =	ssyncadd.s32 $0xFFFF8000  }
0x1e0: {  	[hbm4b:s6+s2] =	stream.linear.scatter [tilespmem:s15], [sflag:$0x2], $0x8000, $0x38;
	[tilespmem:$0x8080] =	vst v63  }
0x1e1: {  	_ =	swait.ge [sflag:s14], $0x8000  }
0x1e2: {  	[sflag:s14] =	ssyncset.done $0x0  }
0x1e3: {  	[sflag:s14] =	ssyncadd.s32 $0xFFFF8000  }
0x1e4: {  	[tilespmem:s2], [sflag:$0x2] =	stream.linear.gather [hbm4b:s7+s2], $0x80, $0x38;
	[tilespmem:$0x8080] =	vst v63  }
0x1e5: {  	_ =	swait.ge [sflag:s14], $0x80  }
0x1e6: {  	[sflag:s14] =	ssyncset.done $0x0  }
0x1e7: {  	[sflag:s14] =	ssyncadd.s32 $0xFFFFFF80  }
0x1e8: {  	v3 =	vld [tilespmem:$0x0];
	_ =	sdelay $0x4  }
0x1e9: {  	v40 =	vshll.u32 v3, $0x1  }
0x1ea: {  	v3 =	vand.u32 $0x7, v3;
	v4 =	vand.u32 $0xFFFFFFF0, v40  }
0x1eb: {  	v3 =	vor.u32 v3, v4  }
0x1ec: {  	v4 =	vperm.xlane v3, v0;
	_ =	sdelay $0x1  }
0x1ed: {  	v3 =	vperm.xlane v3, v2;
	v4 =	vadd.s32 v1, v4;
	_ =	sdelay $0x1  }
0x1ee: {  	v3 =	vadd.s32 v1, v3;
	_ =	sdelay $0x2  }
0x1ef: {  	[tilespmem:s15], [sflag:$0x1] =	stream.indirect_vreg.gather [hbm4b:s3+s2], $0x80, v4, vm0, $0xb8;
	[tilespmem:$0x8080] =	vst v63  }
0x1f0: {  	_ = 	snop  }
0x1f1: {  	[tilespmem:s16], [sflag:$0x1] =	stream.indirect_vreg.gather [hbm4b:s3+s2], $0x80, v3, vm0, $0xb8;
	[tilespmem:$0x8080] =	vst v63  }
0x1f2: {  	v3 =	vld [tilespmem:$0x10];
	_ =	sdelay $0x4  }
0x1f3: {  	v41 =	vshll.u32 v3, $0x1  }
0x1f4: {  	v3 =	vand.u32 $0x7, v3;
	v4 =	vand.u32 $0xFFFFFFF0, v41  }
0x1f5: {  	v3 =	vor.u32 v3, v4  }
0x1f6: {  	v4 =	vperm.xlane v3, v0;
	_ =	sdelay $0x1  }
0x1f7: {  	v3 =	vperm.xlane v3, v2;
	v4 =	vadd.s32 v1, v4;
	_ =	sdelay $0x1  }
0x1f8: {  	v3 =	vadd.s32 v1, v3;
	_ =	sdelay $0x2  }
0x1f9: {  	[tilespmem:s17], [sflag:$0x1] =	stream.indirect_vreg.gather [hbm4b:s3+s2], $0x80, v4, vm0, $0xb8;
	[tilespmem:$0x8080] =	vst v63  }
0x1fa: {  	_ = 	snop  }
0x1fb: {  	[tilespmem:s18], [sflag:$0x1] =	stream.indirect_vreg.gather [hbm4b:s3+s2], $0x80, v3, vm0, $0xb8;
	[tilespmem:$0x8080] =	vst v63  }
0x1fc: {  	v3 =	vld [tilespmem:$0x20];
	_ =	sdelay $0x4  }
0x1fd: {  	v42 =	vshll.u32 v3, $0x1  }
0x1fe: {  	v3 =	vand.u32 $0x7, v3;
	v4 =	vand.u32 $0xFFFFFFF0, v42  }
0x1ff: {  	v3 =	vor.u32 v3, v4  }
0x200: {  	v4 =	vperm.xlane v3, v0;
	_ =	sdelay $0x1  }
0x201: {  	v3 =	vperm.xlane v3, v2;
	v4 =	vadd.s32 v1, v4;
	_ =	sdelay $0x1  }
0x202: {  	v3 =	vadd.s32 v1, v3;
	_ =	sdelay $0x2  }
0x203: {  	[tilespmem:s19], [sflag:$0x1] =	stream.indirect_vreg.gather [hbm4b:s3+s2], $0x80, v4, vm0, $0xb8;
	[tilespmem:$0x8080] =	vst v63  }
0x204: {  	_ = 	snop  }
0x205: {  	[tilespmem:s20], [sflag:$0x1] =	stream.indirect_vreg.gather [hbm4b:s3+s2], $0x80, v3, vm0, $0xb8;
	[tilespmem:$0x8080] =	vst v63  }
0x206: {  	v3 =	vld [tilespmem:$0x30];
	_ =	sdelay $0x4  }
0x207: {  	v43 =	vshll.u32 v3, $0x1  }
0x208: {  	v3 =	vand.u32 $0x7, v3;
	v4 =	vand.u32 $0xFFFFFFF0, v43  }
0x209: {  	v3 =	vor.u32 v3, v4  }
0x20a: {  	v4 =	vperm.xlane v3, v0;
	_ =	sdelay $0x1  }
0x20b: {  	v3 =	vperm.xlane v3, v2;
	v4 =	vadd.s32 v1, v4;
	_ =	sdelay $0x1  }
0x20c: {  	v3 =	vadd.s32 v1, v3;
	_ =	sdelay $0x2  }
0x20d: {  	[tilespmem:s21], [sflag:$0x1] =	stream.indirect_vreg.gather [hbm4b:s3+s2], $0x80, v4, vm0, $0xb8;
	[tilespmem:$0x8080] =	vst v63  }
0x20e: {  	_ = 	snop  }
0x20f: {  	[tilespmem:s22], [sflag:$0x1] =	stream.indirect_vreg.gather [hbm4b:s3+s2], $0x80, v3, vm0, $0xb8;
	[tilespmem:$0x8080] =	vst v63  }
0x210: {  	v3 =	vld [tilespmem:$0x40];
	_ =	sdelay $0x4  }
0x211: {  	v44 =	vshll.u32 v3, $0x1  }
0x212: {  	v3 =	vand.u32 $0x7, v3;
	v4 =	vand.u32 $0xFFFFFFF0, v44  }
0x213: {  	v3 =	vor.u32 v3, v4  }
0x214: {  	v4 =	vperm.xlane v3, v0;
	_ =	sdelay $0x1  }
0x215: {  	v3 =	vperm.xlane v3, v2;
	v4 =	vadd.s32 v1, v4;
	_ =	sdelay $0x1  }
0x216: {  	v3 =	vadd.s32 v1, v3;
	_ =	sdelay $0x2  }
0x217: {  	[tilespmem:s23], [sflag:$0x1] =	stream.indirect_vreg.gather [hbm4b:s3+s2], $0x80, v4, vm0, $0xb8;
	[tilespmem:$0x8080] =	vst v63  }
0x218: {  	_ = 	snop  }
0x219: {  	[tilespmem:s24], [sflag:$0x1] =	stream.indirect_vreg.gather [hbm4b:s3+s2], $0x80, v3, vm0, $0xb8;
	[tilespmem:$0x8080] =	vst v63  }
0x21a: {  	v3 =	vld [tilespmem:$0x50];
	_ =	sdelay $0x4  }
0x21b: {  	v45 =	vshll.u32 v3, $0x1  }
0x21c: {  	v3 =	vand.u32 $0x7, v3;
	v4 =	vand.u32 $0xFFFFFFF0, v45  }
0x21d: {  	v3 =	vor.u32 v3, v4  }
0x21e: {  	v4 =	vperm.xlane v3, v0;
	_ =	sdelay $0x1  }
0x21f: {  	v3 =	vperm.xlane v3, v2;
	v4 =	vadd.s32 v1, v4;
	_ =	sdelay $0x1  }
0x220: {  	v3 =	vadd.s32 v1, v3;
	_ =	sdelay $0x2  }
0x221: {  	[tilespmem:s25], [sflag:$0x1] =	stream.indirect_vreg.gather [hbm4b:s3+s2], $0x80, v4, vm0, $0xb8;
	[tilespmem:$0x8080] =	vst v63  }
0x222: {  	_ = 	snop  }
0x223: {  	[tilespmem:s26], [sflag:$0x1] =	stream.indirect_vreg.gather [hbm4b:s3+s2], $0x80, v3, vm0, $0xb8;
	[tilespmem:$0x8080] =	vst v63  }
0x224: {  	v3 =	vld [tilespmem:$0x60];
	_ =	sdelay $0x4  }
0x225: {  	v46 =	vshll.u32 v3, $0x1  }
0x226: {  	v3 =	vand.u32 $0x7, v3;
	v4 =	vand.u32 $0xFFFFFFF0, v46  }
0x227: {  	v3 =	vor.u32 v3, v4  }
0x228: {  	v4 =	vperm.xlane v3, v0;
	_ =	sdelay $0x1  }
0x229: {  	v3 =	vperm.xlane v3, v2;
	v4 =	vadd.s32 v1, v4;
	_ =	sdelay $0x1  }
0x22a: {  	v3 =	vadd.s32 v1, v3;
	_ =	sdelay $0x2  }
0x22b: {  	[tilespmem:s28], [sflag:$0x1] =	stream.indirect_vreg.gather [hbm4b:s3+s2], $0x80, v4, vm0, $0xb8;
	[tilespmem:$0x8080] =	vst v63  }
0x22c: {  	_ = 	snop  }
0x22d: {  	[tilespmem:s29], [sflag:$0x1] =	stream.indirect_vreg.gather [hbm4b:s3+s2], $0x80, v3, vm0, $0xb8;
	[tilespmem:$0x8080] =	vst v63  }
0x22e: {  	v3 =	vld [tilespmem:$0x70];
	_ =	sdelay $0x4  }
0x22f: {  	v47 =	vshll.u32 v3, $0x1  }
0x230: {  	v3 =	vand.u32 $0x7, v3;
	v4 =	vand.u32 $0xFFFFFFF0, v47  }
0x231: {  	v3 =	vor.u32 v3, v4  }
0x232: {  	v4 =	vperm.xlane v3, v0;
	_ =	sdelay $0x1  }
0x233: {  	v3 =	vperm.xlane v3, v2;
	v4 =	vadd.s32 v1, v4;
	_ =	sdelay $0x1  }
0x234: {  	v3 =	vadd.s32 v1, v3;
	_ =	sdelay $0x2  }
0x235: {  	[tilespmem:s30], [sflag:$0x1] =	stream.indirect_vreg.gather [hbm4b:s3+s2], $0x80, v4, vm0, $0xb8;
	[tilespmem:$0x8080] =	vst v63  }
0x236: {  	_ = 	snop  }
0x237: {  	[tilespmem:s31], [sflag:$0x1] =	stream.indirect_vreg.gather [hbm4b:s3+s2], $0x80, v3, vm0, $0xb8;
	[tilespmem:$0x8080] =	vst v63  }
0x238: {  	_ =	swait.ge [sflag:s0], $0x8000  }
0x239: {  	[sflag:s0] =	ssyncset.done $0x0  }
0x23a: {  	[sflag:s0] =	ssyncadd.s32 $0xFFFF8000  }
0x23b: {  	[hbm4b:s8+s2] =	stream.linear.scatter [tilespmem:s15], [sflag:$0x2], $0x8000, $0x38;
	[tilespmem:$0x8080] =	vst v63  }
0x23c: {  	_ =	swait.ge [sflag:s14], $0x8000  }
0x23d: {  	[sflag:s14] =	ssyncset.done $0x0  }
0x23e: {  	[sflag:s14] =	ssyncadd.s32 $0xFFFF8000  }
0x23f: {  	[tilespmem:s2], [sflag:$0x2] =	stream.linear.gather [hbm4b:s9+s2], $0x80, $0x38;
	[tilespmem:$0x8080] =	vst v63  }
0x240: {  	_ =	swait.ge [sflag:s14], $0x80  }
0x241: {  	[sflag:s14] =	ssyncset.done $0x0  }
0x242: {  	[sflag:s14] =	ssyncadd.s32 $0xFFFFFF80  }
0x243: {  	v3 =	vld [tilespmem:$0x0];
	_ =	sdelay $0x4  }
0x244: {  	v48 =	vshll.u32 v3, $0x1  }
0x245: {  	v3 =	vand.u32 $0x7, v3;
	v4 =	vand.u32 $0xFFFFFFF0, v48  }
0x246: {  	v3 =	vor.u32 v3, v4  }
0x247: {  	v4 =	vperm.xlane v3, v0;
	_ =	sdelay $0x1  }
0x248: {  	v3 =	vperm.xlane v3, v2;
	v4 =	vadd.s32 v1, v4;
	_ =	sdelay $0x1  }
0x249: {  	v3 =	vadd.s32 v1, v3;
	_ =	sdelay $0x2  }
0x24a: {  	[tilespmem:s15], [sflag:$0x1] =	stream.indirect_vreg.gather [hbm4b:s3+s2], $0x80, v4, vm0, $0xb8;
	[tilespmem:$0x8080] =	vst v63  }
0x24b: {  	_ = 	snop  }
0x24c: {  	[tilespmem:s16], [sflag:$0x1] =	stream.indirect_vreg.gather [hbm4b:s3+s2], $0x80, v3, vm0, $0xb8;
	[tilespmem:$0x8080] =	vst v63  }
0x24d: {  	v3 =	vld [tilespmem:$0x10];
	_ =	sdelay $0x4  }
0x24e: {  	v49 =	vshll.u32 v3, $0x1  }
0x24f: {  	v3 =	vand.u32 $0x7, v3;
	v4 =	vand.u32 $0xFFFFFFF0, v49  }
0x250: {  	v3 =	vor.u32 v3, v4  }
0x251: {  	v4 =	vperm.xlane v3, v0;
	_ =	sdelay $0x1  }
0x252: {  	v3 =	vperm.xlane v3, v2;
	v4 =	vadd.s32 v1, v4;
	_ =	sdelay $0x1  }
0x253: {  	v3 =	vadd.s32 v1, v3;
	_ =	sdelay $0x2  }
0x254: {  	[tilespmem:s17], [sflag:$0x1] =	stream.indirect_vreg.gather [hbm4b:s3+s2], $0x80, v4, vm0, $0xb8;
	[tilespmem:$0x8080] =	vst v63  }
0x255: {  	_ = 	snop  }
0x256: {  	[tilespmem:s18], [sflag:$0x1] =	stream.indirect_vreg.gather [hbm4b:s3+s2], $0x80, v3, vm0, $0xb8;
	[tilespmem:$0x8080] =	vst v63  }
0x257: {  	v3 =	vld [tilespmem:$0x20];
	_ =	sdelay $0x4  }
0x258: {  	v50 =	vshll.u32 v3, $0x1  }
0x259: {  	v3 =	vand.u32 $0x7, v3;
	v4 =	vand.u32 $0xFFFFFFF0, v50  }
0x25a: {  	v3 =	vor.u32 v3, v4  }
0x25b: {  	v4 =	vperm.xlane v3, v0;
	_ =	sdelay $0x1  }
0x25c: {  	v3 =	vperm.xlane v3, v2;
	v4 =	vadd.s32 v1, v4;
	_ =	sdelay $0x1  }
0x25d: {  	v3 =	vadd.s32 v1, v3;
	_ =	sdelay $0x2  }
0x25e: {  	[tilespmem:s19], [sflag:$0x1] =	stream.indirect_vreg.gather [hbm4b:s3+s2], $0x80, v4, vm0, $0xb8;
	[tilespmem:$0x8080] =	vst v63  }
0x25f: {  	_ = 	snop  }
0x260: {  	[tilespmem:s20], [sflag:$0x1] =	stream.indirect_vreg.gather [hbm4b:s3+s2], $0x80, v3, vm0, $0xb8;
	[tilespmem:$0x8080] =	vst v63  }
0x261: {  	v3 =	vld [tilespmem:$0x30];
	_ =	sdelay $0x4  }
0x262: {  	v51 =	vshll.u32 v3, $0x1  }
0x263: {  	v3 =	vand.u32 $0x7, v3;
	v4 =	vand.u32 $0xFFFFFFF0, v51  }
0x264: {  	v3 =	vor.u32 v3, v4  }
0x265: {  	v4 =	vperm.xlane v3, v0;
	_ =	sdelay $0x1  }
0x266: {  	v3 =	vperm.xlane v3, v2;
	v4 =	vadd.s32 v1, v4;
	_ =	sdelay $0x1  }
0x267: {  	v3 =	vadd.s32 v1, v3;
	_ =	sdelay $0x2  }
0x268: {  	[tilespmem:s21], [sflag:$0x1] =	stream.indirect_vreg.gather [hbm4b:s3+s2], $0x80, v4, vm0, $0xb8;
	[tilespmem:$0x8080] =	vst v63  }
0x269: {  	_ = 	snop  }
0x26a: {  	[tilespmem:s22], [sflag:$0x1] =	stream.indirect_vreg.gather [hbm4b:s3+s2], $0x80, v3, vm0, $0xb8;
	[tilespmem:$0x8080] =	vst v63  }
0x26b: {  	v3 =	vld [tilespmem:$0x40];
	_ =	sdelay $0x4  }
0x26c: {  	v52 =	vshll.u32 v3, $0x1  }
0x26d: {  	v3 =	vand.u32 $0x7, v3;
	v4 =	vand.u32 $0xFFFFFFF0, v52  }
0x26e: {  	v3 =	vor.u32 v3, v4  }
0x26f: {  	v4 =	vperm.xlane v3, v0;
	_ =	sdelay $0x1  }
0x270: {  	v3 =	vperm.xlane v3, v2;
	v4 =	vadd.s32 v1, v4;
	_ =	sdelay $0x1  }
0x271: {  	v3 =	vadd.s32 v1, v3;
	_ =	sdelay $0x2  }
0x272: {  	[tilespmem:s23], [sflag:$0x1] =	stream.indirect_vreg.gather [hbm4b:s3+s2], $0x80, v4, vm0, $0xb8;
	[tilespmem:$0x8080] =	vst v63  }
0x273: {  	_ = 	snop  }
0x274: {  	[tilespmem:s24], [sflag:$0x1] =	stream.indirect_vreg.gather [hbm4b:s3+s2], $0x80, v3, vm0, $0xb8;
	[tilespmem:$0x8080] =	vst v63  }
0x275: {  	v3 =	vld [tilespmem:$0x50];
	_ =	sdelay $0x4  }
0x276: {  	v53 =	vshll.u32 v3, $0x1  }
0x277: {  	v3 =	vand.u32 $0x7, v3;
	v4 =	vand.u32 $0xFFFFFFF0, v53  }
0x278: {  	v3 =	vor.u32 v3, v4  }
0x279: {  	v4 =	vperm.xlane v3, v0;
	_ =	sdelay $0x1  }
0x27a: {  	v3 =	vperm.xlane v3, v2;
	v4 =	vadd.s32 v1, v4;
	_ =	sdelay $0x1  }
0x27b: {  	v3 =	vadd.s32 v1, v3;
	_ =	sdelay $0x2  }
0x27c: {  	[tilespmem:s25], [sflag:$0x1] =	stream.indirect_vreg.gather [hbm4b:s3+s2], $0x80, v4, vm0, $0xb8;
	[tilespmem:$0x8080] =	vst v63  }
0x27d: {  	_ = 	snop  }
0x27e: {  	[tilespmem:s26], [sflag:$0x1] =	stream.indirect_vreg.gather [hbm4b:s3+s2], $0x80, v3, vm0, $0xb8;
	[tilespmem:$0x8080] =	vst v63  }
0x27f: {  	v3 =	vld [tilespmem:$0x60];
	_ =	sdelay $0x4  }
0x280: {  	v54 =	vshll.u32 v3, $0x1  }
0x281: {  	v3 =	vand.u32 $0x7, v3;
	v4 =	vand.u32 $0xFFFFFFF0, v54  }
0x282: {  	v3 =	vor.u32 v3, v4  }
0x283: {  	v4 =	vperm.xlane v3, v0;
	_ =	sdelay $0x1  }
0x284: {  	v3 =	vperm.xlane v3, v2;
	v4 =	vadd.s32 v1, v4;
	_ =	sdelay $0x1  }
0x285: {  	v3 =	vadd.s32 v1, v3;
	_ =	sdelay $0x2  }
0x286: {  	[tilespmem:s28], [sflag:$0x1] =	stream.indirect_vreg.gather [hbm4b:s3+s2], $0x80, v4, vm0, $0xb8;
	[tilespmem:$0x8080] =	vst v63  }
0x287: {  	_ = 	snop  }
0x288: {  	[tilespmem:s29], [sflag:$0x1] =	stream.indirect_vreg.gather [hbm4b:s3+s2], $0x80, v3, vm0, $0xb8;
	[tilespmem:$0x8080] =	vst v63  }
0x289: {  	v3 =	vld [tilespmem:$0x70];
	_ =	sdelay $0x4  }
0x28a: {  	v55 =	vshll.u32 v3, $0x1  }
0x28b: {  	v3 =	vand.u32 $0x7, v3;
	v4 =	vand.u32 $0xFFFFFFF0, v55  }
0x28c: {  	v3 =	vor.u32 v3, v4  }
0x28d: {  	v4 =	vperm.xlane v3, v0;
	_ =	sdelay $0x1  }
0x28e: {  	v3 =	vperm.xlane v3, v2;
	v4 =	vadd.s32 v1, v4;
	_ =	sdelay $0x1  }
0x28f: {  	v3 =	vadd.s32 v1, v3;
	_ =	sdelay $0x2  }
0x290: {  	[tilespmem:s30], [sflag:$0x1] =	stream.indirect_vreg.gather [hbm4b:s3+s2], $0x80, v4, vm0, $0xb8;
	[tilespmem:$0x8080] =	vst v63  }
0x291: {  	_ = 	snop  }
0x292: {  	[tilespmem:s31], [sflag:$0x1] =	stream.indirect_vreg.gather [hbm4b:s3+s2], $0x80, v3, vm0, $0xb8;
	[tilespmem:$0x8080] =	vst v63  }
0x293: {  	_ =	swait.ge [sflag:s0], $0x8000  }
0x294: {  	[sflag:s0] =	ssyncset.done $0x0  }
0x295: {  	[sflag:s0] =	ssyncadd.s32 $0xFFFF8000  }
0x296: {  	[hbm4b:s10+s2] =	stream.linear.scatter [tilespmem:s15], [sflag:$0x2], $0x8000, $0x38;
	[tilespmem:$0x8080] =	vst v63  }
0x297: {  	_ =	swait.ge [sflag:s14], $0x8000  }
0x298: {  	[sflag:s14] =	ssyncset.done $0x0  }
0x299: {  	[sflag:s14] =	ssyncadd.s32 $0xFFFF8000  }
0x29a: {  	[tilespmem:s2], [sflag:$0x2] =	stream.linear.gather [hbm4b:s11+s2], $0x80, $0x38;
	[tilespmem:$0x8080] =	vst v63  }
0x29b: {  	_ =	swait.ge [sflag:s14], $0x80  }
0x29c: {  	[sflag:s14] =	ssyncset.done $0x0  }
0x29d: {  	[sflag:s14] =	ssyncadd.s32 $0xFFFFFF80  }
0x29e: {  	v3 =	vld [tilespmem:$0x0];
	_ =	sdelay $0x4  }
0x29f: {  	v56 =	vshll.u32 v3, $0x1  }
0x2a0: {  	v3 =	vand.u32 $0x7, v3;
	v4 =	vand.u32 $0xFFFFFFF0, v56  }
0x2a1: {  	v3 =	vor.u32 v3, v4  }
0x2a2: {  	v4 =	vperm.xlane v3, v0;
	_ =	sdelay $0x1  }
0x2a3: {  	v3 =	vperm.xlane v3, v2;
	v4 =	vadd.s32 v1, v4;
	_ =	sdelay $0x1  }
0x2a4: {  	v3 =	vadd.s32 v1, v3;
	_ =	sdelay $0x2  }
0x2a5: {  	[tilespmem:s15], [sflag:$0x1] =	stream.indirect_vreg.gather [hbm4b:s3+s2], $0x80, v4, vm0, $0xb8;
	[tilespmem:$0x8080] =	vst v63  }
0x2a6: {  	_ = 	snop  }
0x2a7: {  	[tilespmem:s16], [sflag:$0x1] =	stream.indirect_vreg.gather [hbm4b:s3+s2], $0x80, v3, vm0, $0xb8;
	[tilespmem:$0x8080] =	vst v63  }
0x2a8: {  	v3 =	vld [tilespmem:$0x10];
	_ =	sdelay $0x4  }
0x2a9: {  	v57 =	vshll.u32 v3, $0x1  }
0x2aa: {  	v3 =	vand.u32 $0x7, v3;
	v4 =	vand.u32 $0xFFFFFFF0, v57  }
0x2ab: {  	v3 =	vor.u32 v3, v4  }
0x2ac: {  	v4 =	vperm.xlane v3, v0;
	_ =	sdelay $0x1  }
0x2ad: {  	v3 =	vperm.xlane v3, v2;
	v4 =	vadd.s32 v1, v4;
	_ =	sdelay $0x1  }
0x2ae: {  	v3 =	vadd.s32 v1, v3;
	_ =	sdelay $0x2  }
0x2af: {  	[tilespmem:s17], [sflag:$0x1] =	stream.indirect_vreg.gather [hbm4b:s3+s2], $0x80, v4, vm0, $0xb8;
	[tilespmem:$0x8080] =	vst v63  }
0x2b0: {  	_ = 	snop  }
0x2b1: {  	[tilespmem:s18], [sflag:$0x1] =	stream.indirect_vreg.gather [hbm4b:s3+s2], $0x80, v3, vm0, $0xb8;
	[tilespmem:$0x8080] =	vst v63  }
0x2b2: {  	v3 =	vld [tilespmem:$0x20];
	_ =	sdelay $0x4  }
0x2b3: {  	v58 =	vshll.u32 v3, $0x1  }
0x2b4: {  	v3 =	vand.u32 $0x7, v3;
	v4 =	vand.u32 $0xFFFFFFF0, v58  }
0x2b5: {  	v3 =	vor.u32 v3, v4  }
0x2b6: {  	v4 =	vperm.xlane v3, v0;
	_ =	sdelay $0x1  }
0x2b7: {  	v3 =	vperm.xlane v3, v2;
	v4 =	vadd.s32 v1, v4;
	_ =	sdelay $0x1  }
0x2b8: {  	v3 =	vadd.s32 v1, v3;
	_ =	sdelay $0x2  }
0x2b9: {  	[tilespmem:s19], [sflag:$0x1] =	stream.indirect_vreg.gather [hbm4b:s3+s2], $0x80, v4, vm0, $0xb8;
	[tilespmem:$0x8080] =	vst v63  }
0x2ba: {  	_ = 	snop  }
0x2bb: {  	[tilespmem:s20], [sflag:$0x1] =	stream.indirect_vreg.gather [hbm4b:s3+s2], $0x80, v3, vm0, $0xb8;
	[tilespmem:$0x8080] =	vst v63  }
0x2bc: {  	v3 =	vld [tilespmem:$0x30];
	_ =	sdelay $0x4  }
0x2bd: {  	v59 =	vshll.u32 v3, $0x1  }
0x2be: {  	v3 =	vand.u32 $0x7, v3;
	v4 =	vand.u32 $0xFFFFFFF0, v59  }
0x2bf: {  	v3 =	vor.u32 v3, v4  }
0x2c0: {  	v4 =	vperm.xlane v3, v0;
	_ =	sdelay $0x1  }
0x2c1: {  	v3 =	vperm.xlane v3, v2;
	v4 =	vadd.s32 v1, v4;
	_ =	sdelay $0x1  }
0x2c2: {  	v3 =	vadd.s32 v1, v3;
	_ =	sdelay $0x2  }
0x2c3: {  	[tilespmem:s21], [sflag:$0x1] =	stream.indirect_vreg.gather [hbm4b:s3+s2], $0x80, v4, vm0, $0xb8;
	[tilespmem:$0x8080] =	vst v63  }
0x2c4: {  	_ = 	snop  }
0x2c5: {  	[tilespmem:s22], [sflag:$0x1] =	stream.indirect_vreg.gather [hbm4b:s3+s2], $0x80, v3, vm0, $0xb8;
	[tilespmem:$0x8080] =	vst v63  }
0x2c6: {  	v3 =	vld [tilespmem:$0x40];
	_ =	sdelay $0x4  }
0x2c7: {  	v60 =	vshll.u32 v3, $0x1  }
0x2c8: {  	v3 =	vand.u32 $0x7, v3;
	v4 =	vand.u32 $0xFFFFFFF0, v60  }
0x2c9: {  	v3 =	vor.u32 v3, v4  }
0x2ca: {  	v4 =	vperm.xlane v3, v0;
	_ =	sdelay $0x1  }
0x2cb: {  	v3 =	vperm.xlane v3, v2;
	v4 =	vadd.s32 v1, v4;
	_ =	sdelay $0x1  }
0x2cc: {  	v3 =	vadd.s32 v1, v3;
	_ =	sdelay $0x2  }
0x2cd: {  	[tilespmem:s23], [sflag:$0x1] =	stream.indirect_vreg.gather [hbm4b:s3+s2], $0x80, v4, vm0, $0xb8;
	[tilespmem:$0x8080] =	vst v63  }
0x2ce: {  	_ = 	snop  }
0x2cf: {  	[tilespmem:s24], [sflag:$0x1] =	stream.indirect_vreg.gather [hbm4b:s3+s2], $0x80, v3, vm0, $0xb8;
	[tilespmem:$0x8080] =	vst v63  }
0x2d0: {  	v3 =	vld [tilespmem:$0x50];
	_ =	sdelay $0x4  }
0x2d1: {  	v61 =	vshll.u32 v3, $0x1  }
0x2d2: {  	v3 =	vand.u32 $0x7, v3;
	v4 =	vand.u32 $0xFFFFFFF0, v61  }
0x2d3: {  	v3 =	vor.u32 v3, v4  }
0x2d4: {  	v4 =	vperm.xlane v3, v0;
	_ =	sdelay $0x1  }
0x2d5: {  	v3 =	vperm.xlane v3, v2;
	v4 =	vadd.s32 v1, v4;
	_ =	sdelay $0x1  }
0x2d6: {  	v3 =	vadd.s32 v1, v3;
	_ =	sdelay $0x2  }
0x2d7: {  	[tilespmem:s25], [sflag:$0x1] =	stream.indirect_vreg.gather [hbm4b:s3+s2], $0x80, v4, vm0, $0xb8;
	[tilespmem:$0x8080] =	vst v63  }
0x2d8: {  	_ = 	snop  }
0x2d9: {  	[tilespmem:s26], [sflag:$0x1] =	stream.indirect_vreg.gather [hbm4b:s3+s2], $0x80, v3, vm0, $0xb8;
	[tilespmem:$0x8080] =	vst v63  }
0x2da: {  	v3 =	vld [tilespmem:$0x60];
	_ =	sdelay $0x4  }
0x2db: {  	v62 =	vshll.u32 v3, $0x1  }
0x2dc: {  	v3 =	vand.u32 $0x7, v3;
	v4 =	vand.u32 $0xFFFFFFF0, v62  }
0x2dd: {  	v3 =	vor.u32 v3, v4  }
0x2de: {  	v4 =	vperm.xlane v3, v0;
	_ =	sdelay $0x1  }
0x2df: {  	v3 =	vperm.xlane v3, v2;
	v4 =	vadd.s32 v1, v4;
	_ =	sdelay $0x1  }
0x2e0: {  	v3 =	vadd.s32 v1, v3;
	_ =	sdelay $0x2  }
0x2e1: {  	[tilespmem:s28], [sflag:$0x1] =	stream.indirect_vreg.gather [hbm4b:s3+s2], $0x80, v4, vm0, $0xb8;
	[tilespmem:$0x8080] =	vst v63  }
0x2e2: {  	_ = 	snop  }
0x2e3: {  	[tilespmem:s29], [sflag:$0x1] =	stream.indirect_vreg.gather [hbm4b:s3+s2], $0x80, v3, vm0, $0xb8;
	[tilespmem:$0x8080] =	vst v63  }
0x2e4: {  	v3 =	vld [tilespmem:$0x70];
	_ =	sdelay $0x4  }
0x2e5: {  	v63 =	vshll.u32 v3, $0x1  }
0x2e6: {  	v3 =	vand.u32 $0x7, v3;
	v4 =	vand.u32 $0xFFFFFFF0, v63  }
0x2e7: {  	v3 =	vor.u32 v3, v4  }
0x2e8: {  	v4 =	vperm.xlane v3, v0;
	_ =	sdelay $0x1  }
0x2e9: {  	v3 =	vperm.xlane v3, v2;
	v4 =	vadd.s32 v1, v4;
	_ =	sdelay $0x1  }
0x2ea: {  	v3 =	vadd.s32 v1, v3;
	_ =	sdelay $0x2  }
0x2eb: {  	[tilespmem:s30], [sflag:$0x1] =	stream.indirect_vreg.gather [hbm4b:s3+s2], $0x80, v4, vm0, $0xb8;
	[tilespmem:$0x8080] =	vst v63  }
0x2ec: {  	_ = 	snop  }
0x2ed: {  	[tilespmem:s31], [sflag:$0x1] =	stream.indirect_vreg.gather [hbm4b:s3+s2], $0x80, v3, vm0, $0xb8;
	[tilespmem:$0x8080] =	vst v63  }
0x2ee: {  	_ =	swait.ge [sflag:s0], $0x8000  }
0x2ef: {  	p0 =	sne.s32 s13, $0x1;
	[sflag:s0] =	ssyncset.done $0x0  }
.Ltmp0:
0x2f0: {  	[sflag:s0] =	ssyncadd.s32 $0xFFFF8000;
	(pc) =	sbr.rel @p0 .LBB2_1-.Ltmp0, $4  }
0x2f1: {  	[hbm4b:s12+s2] =	stream.linear.scatter [tilespmem:s15], [sflag:$0x2], $0x8000, $0x38;
	[tilespmem:$0x8080] =	vst v63  }
0x2f2: {  	_ =	swait.ge [sflag:s14], $0x8000  }
0x2f3: {  	[sflag:s14] =	ssyncset.done $0x0  }
0x2f4: {  	s13 =	sadd.s32 $0xFFFFFFFF, s13;
	[sflag:s14] =	ssyncadd.s32 $0xFFFF8000  }
0x2f5: {  	_ =	sfence.sel $0x180000  }
0x2f6: {  	[bflag:$0x0] =	sbarrier.arrive $0xFFFF  }
0x2f7: {  	_ =	strace $0x9000004A  }
0x2f8: {  	s0 =	stileid.u32;
	[bflag:$0x2] =	sbarrier.arrive $0xFFFF  }
0x2f9: {  	p0 =	sne.s32 s0, $0x0;
	s0 =	rddreg [dreg:$0x1]  }
0x2fa: {  	s0 =	sadd.s32 @!p0 $0x100000, s0  }
0x2fb: {  	[sflag:s0] =	ssyncadd.tile.s32 @!p0 $0x1;
	_ =	shalt  }
.Lfunc_end2:
_tile_overlayer_lowered:
.L_overlay_start_2:
0x2fc: {  	(tag) =	ssettag $0x2  }
0x2fd: {  	s0 =	rddreg [dreg:$0x0];
	s2 =	stileid.u32  }
0x2fe: {  	s1 =	rddreg [dreg:$0x1];
	p0 =	sne.s32 s2, $0x0  }
0x2ff: {  	s3 =	rddreg [dreg:$0x2];
	[bflag:$0x3] =	sbarrier.arrive $0xFFFF;
	s2 =	simm.s32 @!p0 $0x1C02  }
0x300: {  	[timem:s3], [sflag:s2] =	dma.local @!p0 [hbm:s0], s1  }
0x301: {  	s0 =	simm.s32 @!p0 $0x2  }
0x302: {  	_ =	swait.ge @!p0 [sflag:s0], s1  }
0x303: {  	s1 =	ssub.s32 @!p0 $0x0, s1;
	[sflag:s0] =	ssyncset.done @!p0 $0x0  }
0x304: {  	[sflag:s0] =	ssyncadd.s32 @!p0 s1  }
0x305: {  	[bflag:$0x3] =	sbarrier.arrive $0xFFFF  }
0x306: {  	_ =	shalt  }

// kernel: kernel.17.cloned.1.call-start
scs
__scs_entry_jumppad:
0x0: {  	(pc) =	sbr.rel $0x88, $3  }
0x1: {  	(tag) =	ssettag $0x0;
	lr =	simm.s32 $0x1  }
0x2: {  	[smem:$0x3F9F] =	sst lr;
	_ =	strace $0xD0000000  }
0x3: {  	_ = 	snop  }
0x4: {  	_ = 	snop  }
0x5: {  	_ = 	snop  }
0x6: {  	_ = 	snop  }
0x7: {  	_ = 	snop  }
__scs_overlays_trampoline_lowered:
0x8: {  	[smem:$0x3FAE] =	sst s0  }
0x9: {  	[smem:$0x3FAF] =	sst s1  }
0xa: {  	[smem:$0x3FB0] =	sst s2  }
0xb: {  	[smem:$0x3FB1] =	sst s3  }
0xc: {  	[smem:$0x3FB2] =	sst s4  }
0xd: {  	[smem:$0x3FB3] =	sst s5  }
0xe: {  	[smem:$0x3FB4] =	sst s6  }
0xf: {  	[smem:$0x3FB5] =	sst s7  }
0x10: {  	[smem:$0x3FB6] =	sst s8  }
0x11: {  	[smem:$0x3FB7] =	sst s9;
	s0 =	simm.s32 @!p0 $0x0  }
0x12: {  	s1 =	sld [smem:$0x3F9D];
	s0 =	simm.s32 @p0 $0x1  }
0x13: {  	[smem:$0x3FB8] =	sst s0;
	s0 =	simm.s32 @!p1 $0x0  }
0x14: {  	s2 =	sld [smem:$0x3F9C];
	s0 =	simm.s32 @p1 $0x1  }
0x15: {  	[smem:$0x3FB9] =	sst s0;
	s0 =	simm.s32 @!p2 $0x0  }
0x16: {  	s3 =	sld [smem:$0x3FDB];
	s0 =	simm.s32 @p2 $0x1  }
0x17: {  	s4 =	simm.s32 $0x1BF5;
	[smem:$0x3FBB] =	sst s0  }
0x18: {  	s0 =	sld [smem:$0x3F9E];
	_ =	swait.ge [sflag:s4], $0x0  }
0x19: {  	s7 =	sld [smem:$0x3F9F]  }
0x1a: {  	s8 =	sadd.s32 $0xFFFFE003, lr  }
0x1b: {  	s9 =	sadd.s32 $0xFFFFFEF7, lr;
	s5 =	simm.s32 $0xFFFFFFFF;
	p2 =	slt.u32 s8, $0xFFFFF086  }
0x1c: {  	p1 =	slt.u32 s9, $0xF7A;
	s5 =	simm.s32 @!p2 $0x0  }
0x1d: {  	s5 =	simm.s32 @p1 $0x1;
	p0 =	seq.s32 s7, s2  }
0x1e: {  	s7 =	smul.u32 @!p0 $0xF7A, s2;
	p2 =	seq.s32 @!p0 s5, $0x0  }
0x1f: {  	s9 =	smul.u32 $0xF7A, s1;
	s8 =	simm.s32 @!p0 $0x1BF5;
	p2 =	por !p2, p0  }
0x20: {  	[sflag:s8] =	ssyncset.s32 @!p0 $0xFFFFF086;
	s6 =	sadd.s32 @!p0 s3, s7;
	s7 =	simm.s32 @!p0 $0x108  }
0x21: {  	s3 =	sadd.s32 s3, s9;
	s6 =	sadd.s32 @!p0 $0x88, s6;
	s7 =	simm.s32 @p2 $0x1082  }
0x22: {  	[simem:s7], [sflag:s8] =	dma.local @!p0 [hbm:s6], $0xF7A  }
0x23: {  	s9 =	sor.u32 $0xD0000000, s2;
	s6 =	simm.s32 $0x108;
	_ =	swait.ge @!p0 [sflag:s8], $0x0  }
0x24: {  	s3 =	sadd.s32 $0x88, s3;
	s6 =	simm.s32 @!p1 $0x1082;
	[sflag:s4] =	ssyncset.s32 $0xFFFFF086  }
0x25: {  	[simem:s6], [sflag:s4] =	dma.local [hbm:s3], $0xF7A  }
0x26: {  	[smem:$0x3F9F] =	sst s1;
	(tag) =	ssettag s2;
	_ =	strace s9  }
0x27: {  	s1 =	sld [smem:$0x3FAF]  }
0x28: {  	s2 =	sld [smem:$0x3FB0]  }
0x29: {  	s4 =	sld [smem:$0x3FB2]  }
0x2a: {  	p0 =	seq.s32 s5, $0x0;
	s5 =	sld [smem:$0x3FB3]  }
0x2b: {  	s6 =	sld [smem:$0x3FB4]  }
0x2c: {  	s7 =	sld [smem:$0x3FB5]  }
0x2d: {  	s3 =	simm.s32 $0x108;
	s8 =	sld [smem:$0x3FB6]  }
0x2e: {  	s3 =	simm.s32 @!p0 $0x1082;
	s9 =	sld [smem:$0x3FB7]  }
0x2f: {  	lr =	sadd.s32 s0, s3;
	s0 =	sld [smem:$0x3FAE]  }
0x30: {  	s3 =	sld [smem:$0x3FB1]  }
0x31: {  	[smem:$0x3FBA] =	sst s10  }
0x32: {  	s10 =	sld [smem:$0x3FB8];
	_ =	sdelay $0x3  }
0x33: {  	p0 =	seq.s32 s10, $0x1;
	s10 =	sld [smem:$0x3FBA];
	_ =	sdelay $0x3  }
0x34: {  	[smem:$0x3FBA] =	sst s10  }
0x35: {  	s10 =	sld [smem:$0x3FB9];
	_ =	sdelay $0x3  }
0x36: {  	p1 =	seq.s32 s10, $0x1;
	s10 =	sld [smem:$0x3FBA];
	_ =	sdelay $0x3  }
0x37: {  	[smem:$0x3FBA] =	sst s10  }
0x38: {  	s10 =	sld [smem:$0x3FBB]  }
0x39: {  	_ = 	snop;
	(pc) =	sbr.ind lr, $3  }
0x3a: {  	_ = 	snop  }
0x3b: {  	_ = 	snop  }
0x3c: {  	p2 =	seq.s32 s10, $0x1;
	s10 =	sld [smem:$0x3FBA]  }
0x3d: {  	_ =	shalt  }
0x3e: {  	_ =	shalt  }
0x3f: {  	_ =	shalt  }
0x40: {  	_ =	shalt  }
0x41: {  	_ =	shalt  }
0x42: {  	_ =	shalt  }
0x43: {  	_ =	shalt  }
0x44: {  	_ =	shalt  }
0x45: {  	_ =	shalt  }
0x46: {  	_ =	shalt  }
0x47: {  	_ =	shalt  }
0x48: {  	_ =	shalt  }
0x49: {  	_ =	shalt  }
0x4a: {  	_ =	shalt  }
0x4b: {  	_ =	shalt  }
0x4c: {  	_ =	shalt  }
0x4d: {  	_ =	shalt  }
0x4e: {  	_ =	shalt  }
0x4f: {  	_ =	shalt  }
0x50: {  	_ =	shalt  }
0x51: {  	_ =	shalt  }
0x52: {  	_ =	shalt  }
0x53: {  	_ =	shalt  }
0x54: {  	_ =	shalt  }
0x55: {  	_ =	shalt  }
0x56: {  	_ =	shalt  }
0x57: {  	_ =	shalt  }
0x58: {  	_ =	shalt  }
0x59: {  	_ =	shalt  }
0x5a: {  	_ =	shalt  }
0x5b: {  	_ =	shalt  }
0x5c: {  	_ =	shalt  }
0x5d: {  	_ =	shalt  }
0x5e: {  	_ =	shalt  }
0x5f: {  	_ =	shalt  }
0x60: {  	_ =	shalt  }
0x61: {  	_ =	shalt  }
0x62: {  	_ =	shalt  }
0x63: {  	_ =	shalt  }
0x64: {  	_ =	shalt  }
0x65: {  	_ =	shalt  }
0x66: {  	_ =	shalt  }
0x67: {  	_ =	shalt  }
0x68: {  	_ =	shalt  }
0x69: {  	_ =	shalt  }
0x6a: {  	_ =	shalt  }
0x6b: {  	_ =	shalt  }
0x6c: {  	_ =	shalt  }
0x6d: {  	_ =	shalt  }
0x6e: {  	_ =	shalt  }
0x6f: {  	_ =	shalt  }
0x70: {  	_ =	shalt  }
0x71: {  	_ =	shalt  }
0x72: {  	_ =	shalt  }
0x73: {  	_ =	shalt  }
0x74: {  	_ =	shalt  }
0x75: {  	_ =	shalt  }
0x76: {  	_ =	shalt  }
0x77: {  	_ =	shalt  }
0x78: {  	_ =	shalt  }
0x79: {  	_ =	shalt  }
0x7a: {  	_ =	shalt  }
0x7b: {  	_ =	shalt  }
0x7c: {  	_ =	shalt  }
0x7d: {  	_ =	shalt  }
0x7e: {  	_ =	shalt  }
0x7f: {  	_ =	shalt  }
0x80: {  	_ =	shalt  }
0x81: {  	_ =	shalt  }
0x82: {  	_ =	shalt  }
0x83: {  	_ =	shalt  }
0x84: {  	_ =	shalt  }
0x85: {  	_ =	shalt  }
0x86: {  	_ =	shalt  }
0x87: {  	_ =	shalt  }
.Lfunc_end0:
.L_simem_size_0:
called_computation.2_lowered:
.L_overlay_start_0:
0x88: {  	s2 =	sld [smem:$0x3FD9]  }
0x89: {  	s3 =	sld [smem:$0x3FFE];
	_ =	sdelay $0x1  }
0x8a: {  	s1 =	srdreg.scid  }
0x8b: {  	s0 =	sand.u32 $0x1, s1  }
0x8c: {  	s14 =	sshll.u32 s0, $0xA;
	s2 =	sadd.s32 s3, s2  }
0x8d: {  	s2 =	sadd.s32 s2, s14  }
0x8e: {  	[smem:$0x3FC6] =	sst s2  }
0x8f: {  	_ = 	snop  }
0x90: {  	s2 =	sld [smem:$0x3FD0];
	_ =	sdelay $0x2  }
0x91: {  	s15 =	simm.s32 $0xA;
	s4 =	simm.s32 $0x10  }
0x92: {  	[smem:s4], [sflag:s15] =	dma.local [hbm:s2], $0x1  }
0x93: {  	_ =	swait.eq [sflag:s15], $0x1  }
0x94: {  	[sflag:s15] =	ssyncset.done $0x0  }
0x95: {  	[sflag:s15] =	ssyncadd.s32 $0xFFFFFFFF  }
0x96: {  	s16 =	sld [smem:$0x10];
	(tm) =	ssettm $0x1  }
0x97: {  	s17 =	sld [smem:$0x3FFB];
	_ =	sdelay $0x3  }
0x98: {  	_ =	strace s17  }
0x99: {  	s3 =	sld [smem:$0x3FFC];
	_ =	sdelay $0x3  }
0x9a: {  	_ =	strace s3  }
0x9b: {  	s3 =	sld [smem:$0x3FFD];
	_ =	sdelay $0x3  }
0x9c: {  	_ =	strace s3  }
0x9d: {  	_ =	strace $0x8FFFFFFF  }
0x9e: {  	s18 =	sld [smem:$0x3FDB];
	_ =	sdelay $0x1  }
0x9f: {  	s19 =	simm.s32 $_scs_section_size  }
0xa0: {  	s5 =	simm.s32 $_size__tile_overlayer_lowered;
	s6 =	simm.s32 $_tile_overlayer_lowered  }
0xa1: {  	s22 =	simm.s32 $0x1BFF;
	s21 =	sshll.u32 s6, $0x1;
	s3 =	sadd.s32 s19, s18  }
0xa2: {  	s7 =	simm.s32 $0x0;
	s20 =	sshll.u32 s5, $0x1;
	s5 =	sadd.s32 s21, s3  }
0xa3: {  	[timem:s7], [sflag:s22] =	dma.local [hbm:s5], s20  }
0xa4: {  	_ =	swait.ge [sflag:s22], s20  }
0xa5: {  	s4 =	ssub.s32 $0x0, s20;
	[sflag:s22] =	ssyncset.done $0x0  }
0xa6: {  	[sflag:s22] =	ssyncadd.s32 s4;
	_ =	sdelay $0x1  }
0xa7: {  	s23 =	simm.s32 $0x1B8B  }
0xa8: {  	_ =	swait.ge [sflag:s23], $0x1  }
0xa9: {  	[sflag:s23] =	ssyncset.done $0x0  }
0xaa: {  	s25 =	simm.s32 $0x1B8E;
	s24 =	sld [smem:$0x3FFE];
	[sflag:s23] =	ssyncadd.s32 $0xFFFFFFFF  }
0xab: {  	s26 =	simm.s32 $execute0_lowered;
	[smem:$0x3FD2] =	sst s25  }
0xac: {  	s5 =	sshll.u32 s26, $0x1;
	_ =	strace $0x8000004C;
	[dreg:$0x1] =	wrdreg $0xFFFFFFFF  }
0xad: {  	s28 =	simm.s32 $_size_execute0_lowered;
	s3 =	sadd.s32 s3, s5;
	[dreg:$0x0] =	wrdreg $0x0  }
0xae: {  	s5 =	sshll.u32 s28, $0x1;
	[dreg:$0x2] =	wrdreg s3  }
0xaf: {  	[dreg:$0x3] =	wrdreg s5  }
0xb0: {  	[dreg:$0x4] =	wrdreg $0xC0  }
0xb1: {  	_ =	task [dreg:s7], $0x5FFFF  }
0xb2: {  	[dreg:$0x1] =	wrdreg $0xFFFFFFFF  }
0xb3: {  	[dreg:$0x0] =	wrdreg $0x60  }
0xb4: {  	[dreg:$0x2] =	wrdreg s24  }
0xb5: {  	[dreg:$0x3] =	wrdreg s16  }
0xb6: {  	[dreg:$0x4] =	wrdreg $0x9  }
0xb7: {  	_ =	task.clear_ibuf [dreg:s7], $0x5FFFF;
	_ =	strace $0x9000004C  }
0xb8: {  	s29 =	simm.s32 $0x9;
	_ =	strace $0x8000004E  }
0xb9: {  	_ =	swait.ge [sflag:s29], $0x1  }
0xba: {  	[sflag:s29] =	ssyncadd.s32 $0xFFFFFFFF  }
0xbb: {  	_ =	strace $0x9000004E  }
0xbc: {  	_ =	sfence  }
0xbd: {  	s30 =	sld [smem:$0x0];
	_ =	sdelay $0x2  }
0xbe: {  	s31 =	sshll.u32 s1, $0xD;
	s1 =	sshrl.u32 s1, $0x2  }
0xbf: {  	s3 =	sand.u32 $0x4000, s31;
	s1 =	sadd.s32 s1, s30  }
0xc0: {  	s0 =	sor.u32 s3, s0;
	s1 =	sshll.u32 s1, $0x11  }
0xc1: {  	s0 =	sor.u32 s1, s0  }
0xc2: {  	s0 =	sadd.s32 $0x8F2B, s0  }
0xc3: {  	[sflag:s0] =	ssyncadd.remote.s32 $0x1  }
0xc4: {  	_ =	sfence.sel $0xFFFF  }
0xc5: {  	[dreg:$0x0] =	wrdreg $0xFFFFFFFF;
	(pc) =	sbr.abs _section_cstart, $3  }
0xc6: {  	[dreg:$0x1] =	wrdreg $0xFFFFFFFF  }
0xc7: {  	_ =	task.clear_ibuf [dreg:s7], $0x2FFFF;
	_ =	strace $0x9FFFFFFF  }
0xc8: {  	(tm) =	ssettm $0x7FFFFFFF  }
0xc9: {  	_ =	shalt  }
tec
execute0_lowered:
.L_overlay_start_1:
0x0: {  	(tag) =	ssettag $0x1  }
0x1: {  	s0 =	rddreg [dreg:$0x0]  }
0x2: {  	s12 =	rddreg [dreg:$0x1];
	s3 =	srdreg.scid  }
0x3: {  	s2 =	simm.s32 $0x0;
	s1 =	stileid.u32;
	s28 =	simm.s32 $0x6080  }
0x4: {  	s29 =	simm.s32 $0x6880;
	s30 =	simm.s32 $0x7080;
	s31 =	simm.s32 $0x7880  }
0x5: {  	s4 =	sand.u32 $0x1, s3;
	[smem:$0x7FF] =	sst s2;
	s5 =	sshll.u32 s1, $0xB  }
0x6: {  	s3 =	sadd.s32 $0x84200, s0;
	s0 =	sadd.s32 $0x44400, s0;
	s6 =	sshll.u32 s4, $0xA  }
0x7: {  	_ =	strace $0x8000004D;
	s4 =	ssub.s32 $0x2, s4;
	s10 =	sor.u32 s6, s5  }
0x8: {  	s14 =	sshrl.u32 s4, $0x1;
	s5 =	sshrl.u32 s10, $0x3;
	s6 =	sshll.u32 s10, $0x5  }
0x9: {  	s7 =	sor.u32 $0x80, s10;
	s13 =	sor.u32 $0x100, s10;
	s20 =	sor.u32 $0x200, s10  }
0xa: {  	s23 =	sor.u32 $0x280, s10;
	s5 =	sadd.s32 s0, s5;
	s26 =	sadd.s32 s12, s6  }
0xb: {  	s1 =	sshrl.u32 s7, $0x3;
	s9 =	sshll.u32 s7, $0x5;
	s15 =	sshrl.u32 s13, $0x3  }
0xc: {  	s6 =	sshll.u32 s13, $0x5;
	s13 =	ssub.s32 s4, s14;
	s21 =	sshrl.u32 s20, $0x3  }
0xd: {  	s22 =	sshll.u32 s20, $0x5;
	s24 =	sshrl.u32 s23, $0x3;
	[dreg:$0x3] =	wrdreg s5  }
0xe: {  	s14 =	sor.u32 $0x380, s10;
	s20 =	simm.s32 $0x2880;
	[dreg:$0x4] =	wrdreg s26  }
0xf: {  	s8 =	sadd.s32 s0, s1;
	s11 =	sadd.s32 s12, s9;
	s5 =	sadd.s32 s0, s15  }
0x10: {  	s16 =	sadd.s32 s12, s6;
	s6 =	sadd.s32 s12, s22;
	s9 =	sshll.u32 s23, $0x5  }
0x11: {  	s7 =	sadd.s32 s0, s24;
	s26 =	sshrl.u32 s14, $0x3;
	s14 =	sshll.u32 s14, $0x5  }
0x12: {  	s13 =	smax.u32 s13, $0x1;
	s15 =	simm.s32 $0x80;
	[dreg:$0x5] =	wrdreg s8  }
0x13: {  	s22 =	simm.s32 $0x3880;
	s23 =	simm.s32 $0x4080;
	[dreg:$0x6] =	wrdreg s11  }
0x14: {  	s24 =	simm.s32 $0x4880;
	s8 =	sor.u32 $0x180, s10;
	[dreg:$0x7] =	wrdreg s5  }
0x15: {  	[dreg:$0x8] =	wrdreg s16;
	s5 =	sadd.s32 s0, s21;
	s11 =	sor.u32 $0x300, s10  }
0x16: {  	s16 =	simm.s32 $0x880;
	s21 =	simm.s32 $0x3080;
	s17 =	sshrl.u32 s8, $0x3  }
0x17: {  	s19 =	sshll.u32 s8, $0x5;
	s8 =	sadd.s32 s12, s9;
	s25 =	sshrl.u32 s11, $0x3  }
0x18: {  	s11 =	sshll.u32 s11, $0x5;
	s18 =	sadd.s32 s0, s17;
	s4 =	sadd.s32 s12, s19  }
0x19: {  	s9 =	sadd.s32 s0, s25;
	s10 =	sadd.s32 s12, s11;
	s11 =	sadd.s32 s0, s26  }
0x1a: {  	v2 =	vlaneseq.u32;
	s12 =	sadd.s32 s12, s14;
	s14 =	simm.s32 $0x2;
	s17 =	simm.s32 $0x1080  }
0x1b: {  	vm0 =	vmmov $0xffff;
	v1 =	vshrl.u32 v2, $0x3;
	s19 =	simm.s32 $0x2080;
	s25 =	simm.s32 $0x5080;
	s26 =	simm.s32 $0x5880  }
0x1c: {  	v0 =	vand.u32 $0x7, v2;
	v2 =	vor.u32 $0x8, v2;
	v1 =	vmul.u32 $0x8, v1;
	s0 =	simm.s32 $0x1;
	[dreg:$0x9] =	wrdreg s18;
	s18 =	simm.s32 $0x1880  }
.LBB2_1:
0x1d: {  	s1 =	rddreg [dreg:$0x3]  }
0x1e: {  	[tilespmem:s2], [sflag:$0x2] =	stream.linear.gather [hbm4b:s1+s2], $0x80, $0x38;
	[tilespmem:$0x8080] =	vst v63  }
0x1f: {  	_ =	swait.ge [sflag:s14], $0x80  }
0x20: {  	[sflag:s14] =	ssyncset.done $0x0  }
0x21: {  	[sflag:s14] =	ssyncadd.s32 $0xFFFFFF80  }
0x22: {  	v3 =	vld [tilespmem:$0x0];
	_ =	sdelay $0x4  }
0x23: {  	v4 =	vshll.u32 v3, $0x1  }
0x24: {  	v3 =	vand.u32 $0x7, v3;
	v4 =	vand.u32 $0xFFFFFFF0, v4  }
0x25: {  	v3 =	vor.u32 v3, v4  }
0x26: {  	v4 =	vperm.xlane v3, v0;
	_ =	sdelay $0x1  }
0x27: {  	v3 =	vperm.xlane v3, v2;
	v4 =	vadd.s32 v1, v4;
	_ =	sdelay $0x1  }
0x28: {  	v3 =	vadd.s32 v1, v3;
	_ =	sdelay $0x2  }
0x29: {  	[tilespmem:s15], [sflag:$0x1] =	stream.indirect_vreg.gather [hbm4b:s3+s2], $0x80, v4, vm0, $0xb8;
	[tilespmem:$0x8080] =	vst v63  }
0x2a: {  	_ = 	snop  }
0x2b: {  	[tilespmem:s16], [sflag:$0x1] =	stream.indirect_vreg.gather [hbm4b:s3+s2], $0x80, v3, vm0, $0xb8;
	[tilespmem:$0x8080] =	vst v63  }
0x2c: {  	v3 =	vld [tilespmem:$0x10];
	_ =	sdelay $0x4  }
0x2d: {  	v57 =	vshll.u32 v3, $0x1  }
0x2e: {  	v3 =	vand.u32 $0x7, v3;
	v4 =	vand.u32 $0xFFFFFFF0, v57  }
0x2f: {  	v3 =	vor.u32 v3, v4  }
0x30: {  	v4 =	vperm.xlane v3, v0;
	_ =	sdelay $0x1  }
0x31: {  	v3 =	vperm.xlane v3, v2;
	v4 =	vadd.s32 v1, v4;
	_ =	sdelay $0x1  }
0x32: {  	v3 =	vadd.s32 v1, v3;
	_ =	sdelay $0x2  }
0x33: {  	[tilespmem:s17], [sflag:$0x1] =	stream.indirect_vreg.gather [hbm4b:s3+s2], $0x80, v4, vm0, $0xb8;
	[tilespmem:$0x8080] =	vst v63  }
0x34: {  	_ = 	snop  }
0x35: {  	[tilespmem:s18], [sflag:$0x1] =	stream.indirect_vreg.gather [hbm4b:s3+s2], $0x80, v3, vm0, $0xb8;
	[tilespmem:$0x8080] =	vst v63  }
0x36: {  	v3 =	vld [tilespmem:$0x20];
	_ =	sdelay $0x4  }
0x37: {  	v58 =	vshll.u32 v3, $0x1  }
0x38: {  	v3 =	vand.u32 $0x7, v3;
	v4 =	vand.u32 $0xFFFFFFF0, v58  }
0x39: {  	v3 =	vor.u32 v3, v4  }
0x3a: {  	v4 =	vperm.xlane v3, v0;
	_ =	sdelay $0x1  }
0x3b: {  	v3 =	vperm.xlane v3, v2;
	v4 =	vadd.s32 v1, v4;
	_ =	sdelay $0x1  }
0x3c: {  	v3 =	vadd.s32 v1, v3;
	_ =	sdelay $0x2  }
0x3d: {  	[tilespmem:s19], [sflag:$0x1] =	stream.indirect_vreg.gather [hbm4b:s3+s2], $0x80, v4, vm0, $0xb8;
	[tilespmem:$0x8080] =	vst v63  }
0x3e: {  	_ = 	snop  }
0x3f: {  	[tilespmem:s20], [sflag:$0x1] =	stream.indirect_vreg.gather [hbm4b:s3+s2], $0x80, v3, vm0, $0xb8;
	[tilespmem:$0x8080] =	vst v63  }
0x40: {  	v3 =	vld [tilespmem:$0x30];
	_ =	sdelay $0x4  }
0x41: {  	v59 =	vshll.u32 v3, $0x1  }
0x42: {  	v3 =	vand.u32 $0x7, v3;
	v4 =	vand.u32 $0xFFFFFFF0, v59  }
0x43: {  	v3 =	vor.u32 v3, v4  }
0x44: {  	v4 =	vperm.xlane v3, v0;
	_ =	sdelay $0x1  }
0x45: {  	v3 =	vperm.xlane v3, v2;
	v4 =	vadd.s32 v1, v4;
	_ =	sdelay $0x1  }
0x46: {  	v3 =	vadd.s32 v1, v3;
	_ =	sdelay $0x2  }
0x47: {  	[tilespmem:s21], [sflag:$0x1] =	stream.indirect_vreg.gather [hbm4b:s3+s2], $0x80, v4, vm0, $0xb8;
	[tilespmem:$0x8080] =	vst v63  }
0x48: {  	_ = 	snop  }
0x49: {  	[tilespmem:s22], [sflag:$0x1] =	stream.indirect_vreg.gather [hbm4b:s3+s2], $0x80, v3, vm0, $0xb8;
	[tilespmem:$0x8080] =	vst v63  }
0x4a: {  	v3 =	vld [tilespmem:$0x40];
	_ =	sdelay $0x4  }
0x4b: {  	v60 =	vshll.u32 v3, $0x1  }
0x4c: {  	v3 =	vand.u32 $0x7, v3;
	v4 =	vand.u32 $0xFFFFFFF0, v60  }
0x4d: {  	v3 =	vor.u32 v3, v4  }
0x4e: {  	v4 =	vperm.xlane v3, v0;
	_ =	sdelay $0x1  }
0x4f: {  	v3 =	vperm.xlane v3, v2;
	v4 =	vadd.s32 v1, v4;
	_ =	sdelay $0x1  }
0x50: {  	v3 =	vadd.s32 v1, v3;
	_ =	sdelay $0x2  }
0x51: {  	[tilespmem:s23], [sflag:$0x1] =	stream.indirect_vreg.gather [hbm4b:s3+s2], $0x80, v4, vm0, $0xb8;
	[tilespmem:$0x8080] =	vst v63  }
0x52: {  	_ = 	snop  }
0x53: {  	[tilespmem:s24], [sflag:$0x1] =	stream.indirect_vreg.gather [hbm4b:s3+s2], $0x80, v3, vm0, $0xb8;
	[tilespmem:$0x8080] =	vst v63  }
0x54: {  	v3 =	vld [tilespmem:$0x50];
	_ =	sdelay $0x4  }
0x55: {  	v61 =	vshll.u32 v3, $0x1  }
0x56: {  	v3 =	vand.u32 $0x7, v3;
	v4 =	vand.u32 $0xFFFFFFF0, v61  }
0x57: {  	v3 =	vor.u32 v3, v4  }
0x58: {  	v4 =	vperm.xlane v3, v0;
	_ =	sdelay $0x1  }
0x59: {  	v3 =	vperm.xlane v3, v2;
	v4 =	vadd.s32 v1, v4;
	_ =	sdelay $0x1  }
0x5a: {  	v3 =	vadd.s32 v1, v3;
	_ =	sdelay $0x2  }
0x5b: {  	[tilespmem:s25], [sflag:$0x1] =	stream.indirect_vreg.gather [hbm4b:s3+s2], $0x80, v4, vm0, $0xb8;
	[tilespmem:$0x8080] =	vst v63  }
0x5c: {  	_ = 	snop  }
0x5d: {  	[tilespmem:s26], [sflag:$0x1] =	stream.indirect_vreg.gather [hbm4b:s3+s2], $0x80, v3, vm0, $0xb8;
	[tilespmem:$0x8080] =	vst v63  }
0x5e: {  	v3 =	vld [tilespmem:$0x60];
	_ =	sdelay $0x4  }
0x5f: {  	v62 =	vshll.u32 v3, $0x1  }
0x60: {  	v3 =	vand.u32 $0x7, v3;
	v4 =	vand.u32 $0xFFFFFFF0, v62  }
0x61: {  	v3 =	vor.u32 v3, v4  }
0x62: {  	v4 =	vperm.xlane v3, v0;
	_ =	sdelay $0x1  }
0x63: {  	v3 =	vperm.xlane v3, v2;
	v4 =	vadd.s32 v1, v4;
	_ =	sdelay $0x1  }
0x64: {  	v3 =	vadd.s32 v1, v3;
	_ =	sdelay $0x2  }
0x65: {  	[tilespmem:s28], [sflag:$0x1] =	stream.indirect_vreg.gather [hbm4b:s3+s2], $0x80, v4, vm0, $0xb8;
	[tilespmem:$0x8080] =	vst v63  }
0x66: {  	_ = 	snop  }
0x67: {  	[tilespmem:s29], [sflag:$0x1] =	stream.indirect_vreg.gather [hbm4b:s3+s2], $0x80, v3, vm0, $0xb8;
	[tilespmem:$0x8080] =	vst v63  }
0x68: {  	v3 =	vld [tilespmem:$0x70];
	_ =	sdelay $0x4  }
0x69: {  	v63 =	vshll.u32 v3, $0x1  }
0x6a: {  	v3 =	vand.u32 $0x7, v3;
	v4 =	vand.u32 $0xFFFFFFF0, v63  }
0x6b: {  	v3 =	vor.u32 v3, v4  }
0x6c: {  	v4 =	vperm.xlane v3, v0;
	_ =	sdelay $0x1  }
0x6d: {  	v3 =	vperm.xlane v3, v2;
	v4 =	vadd.s32 v1, v4;
	_ =	sdelay $0x1  }
0x6e: {  	v3 =	vadd.s32 v1, v3;
	_ =	sdelay $0x2  }
0x6f: {  	[tilespmem:s30], [sflag:$0x1] =	stream.indirect_vreg.gather [hbm4b:s3+s2], $0x80, v4, vm0, $0xb8;
	[tilespmem:$0x8080] =	vst v63  }
0x70: {  	_ = 	snop  }
0x71: {  	[tilespmem:s31], [sflag:$0x1] =	stream.indirect_vreg.gather [hbm4b:s3+s2], $0x80, v3, vm0, $0xb8;
	[tilespmem:$0x8080] =	vst v63  }
0x72: {  	_ =	swait.ge [sflag:s0], $0x8000  }
0x73: {  	[sflag:s0] =	ssyncset.done $0x0  }
0x74: {  	s1 =	rddreg [dreg:$0x4];
	[sflag:s0] =	ssyncadd.s32 $0xFFFF8000  }
0x75: {  	[hbm4b:s1+s2] =	stream.linear.scatter [tilespmem:s15], [sflag:$0x2], $0x8000, $0x38;
	[tilespmem:$0x8080] =	vst v63  }
0x76: {  	_ =	swait.ge [sflag:s14], $0x8000  }
0x77: {  	[sflag:s14] =	ssyncset.done $0x0  }
0x78: {  	s1 =	rddreg [dreg:$0x5];
	[sflag:s14] =	ssyncadd.s32 $0xFFFF8000  }
0x79: {  	[tilespmem:s2], [sflag:$0x2] =	stream.linear.gather [hbm4b:s1+s2], $0x80, $0x38;
	[tilespmem:$0x8080] =	vst v63  }
0x7a: {  	_ =	swait.ge [sflag:s14], $0x80  }
0x7b: {  	[sflag:s14] =	ssyncset.done $0x0  }
0x7c: {  	[sflag:s14] =	ssyncadd.s32 $0xFFFFFF80  }
0x7d: {  	v3 =	vld [tilespmem:$0x0];
	_ =	sdelay $0x4  }
0x7e: {  	v8 =	vshll.u32 v3, $0x1  }
0x7f: {  	v3 =	vand.u32 $0x7, v3;
	v4 =	vand.u32 $0xFFFFFFF0, v8  }
0x80: {  	v3 =	vor.u32 v3, v4  }
0x81: {  	v4 =	vperm.xlane v3, v0;
	_ =	sdelay $0x1  }
0x82: {  	v3 =	vperm.xlane v3, v2;
	v4 =	vadd.s32 v1, v4;
	_ =	sdelay $0x1  }
0x83: {  	v3 =	vadd.s32 v1, v3;
	_ =	sdelay $0x2  }
0x84: {  	[tilespmem:s15], [sflag:$0x1] =	stream.indirect_vreg.gather [hbm4b:s3+s2], $0x80, v4, vm0, $0xb8;
	[tilespmem:$0x8080] =	vst v63  }
0x85: {  	_ = 	snop  }
0x86: {  	[tilespmem:s16], [sflag:$0x1] =	stream.indirect_vreg.gather [hbm4b:s3+s2], $0x80, v3, vm0, $0xb8;
	[tilespmem:$0x8080] =	vst v63  }
0x87: {  	v3 =	vld [tilespmem:$0x10];
	_ =	sdelay $0x4  }
0x88: {  	v9 =	vshll.u32 v3, $0x1  }
0x89: {  	v3 =	vand.u32 $0x7, v3;
	v4 =	vand.u32 $0xFFFFFFF0, v9  }
0x8a: {  	v3 =	vor.u32 v3, v4  }
0x8b: {  	v4 =	vperm.xlane v3, v0;
	_ =	sdelay $0x1  }
0x8c: {  	v3 =	vperm.xlane v3, v2;
	v4 =	vadd.s32 v1, v4;
	_ =	sdelay $0x1  }
0x8d: {  	v3 =	vadd.s32 v1, v3;
	_ =	sdelay $0x2  }
0x8e: {  	[tilespmem:s17], [sflag:$0x1] =	stream.indirect_vreg.gather [hbm4b:s3+s2], $0x80, v4, vm0, $0xb8;
	[tilespmem:$0x8080] =	vst v63  }
0x8f: {  	_ = 	snop  }
0x90: {  	[tilespmem:s18], [sflag:$0x1] =	stream.indirect_vreg.gather [hbm4b:s3+s2], $0x80, v3, vm0, $0xb8;
	[tilespmem:$0x8080] =	vst v63  }
0x91: {  	v3 =	vld [tilespmem:$0x20];
	_ =	sdelay $0x4  }
0x92: {  	v10 =	vshll.u32 v3, $0x1  }
0x93: {  	v3 =	vand.u32 $0x7, v3;
	v4 =	vand.u32 $0xFFFFFFF0, v10  }
0x94: {  	v3 =	vor.u32 v3, v4  }
0x95: {  	v4 =	vperm.xlane v3, v0;
	_ =	sdelay $0x1  }
0x96: {  	v3 =	vperm.xlane v3, v2;
	v4 =	vadd.s32 v1, v4;
	_ =	sdelay $0x1  }
0x97: {  	v3 =	vadd.s32 v1, v3;
	_ =	sdelay $0x2  }
0x98: {  	[tilespmem:s19], [sflag:$0x1] =	stream.indirect_vreg.gather [hbm4b:s3+s2], $0x80, v4, vm0, $0xb8;
	[tilespmem:$0x8080] =	vst v63  }
0x99: {  	_ = 	snop  }
0x9a: {  	[tilespmem:s20], [sflag:$0x1] =	stream.indirect_vreg.gather [hbm4b:s3+s2], $0x80, v3, vm0, $0xb8;
	[tilespmem:$0x8080] =	vst v63  }
0x9b: {  	v3 =	vld [tilespmem:$0x30];
	_ =	sdelay $0x4  }
0x9c: {  	v11 =	vshll.u32 v3, $0x1  }
0x9d: {  	v3 =	vand.u32 $0x7, v3;
	v4 =	vand.u32 $0xFFFFFFF0, v11  }
0x9e: {  	v3 =	vor.u32 v3, v4  }
0x9f: {  	v4 =	vperm.xlane v3, v0;
	_ =	sdelay $0x1  }
0xa0: {  	v3 =	vperm.xlane v3, v2;
	v4 =	vadd.s32 v1, v4;
	_ =	sdelay $0x1  }
0xa1: {  	v3 =	vadd.s32 v1, v3;
	_ =	sdelay $0x2  }
0xa2: {  	[tilespmem:s21], [sflag:$0x1] =	stream.indirect_vreg.gather [hbm4b:s3+s2], $0x80, v4, vm0, $0xb8;
	[tilespmem:$0x8080] =	vst v63  }
0xa3: {  	_ = 	snop  }
0xa4: {  	[tilespmem:s22], [sflag:$0x1] =	stream.indirect_vreg.gather [hbm4b:s3+s2], $0x80, v3, vm0, $0xb8;
	[tilespmem:$0x8080] =	vst v63  }
0xa5: {  	v3 =	vld [tilespmem:$0x40];
	_ =	sdelay $0x4  }
0xa6: {  	v12 =	vshll.u32 v3, $0x1  }
0xa7: {  	v3 =	vand.u32 $0x7, v3;
	v4 =	vand.u32 $0xFFFFFFF0, v12  }
0xa8: {  	v3 =	vor.u32 v3, v4  }
0xa9: {  	v4 =	vperm.xlane v3, v0;
	_ =	sdelay $0x1  }
0xaa: {  	v3 =	vperm.xlane v3, v2;
	v4 =	vadd.s32 v1, v4;
	_ =	sdelay $0x1  }
0xab: {  	v3 =	vadd.s32 v1, v3;
	_ =	sdelay $0x2  }
0xac: {  	[tilespmem:s23], [sflag:$0x1] =	stream.indirect_vreg.gather [hbm4b:s3+s2], $0x80, v4, vm0, $0xb8;
	[tilespmem:$0x8080] =	vst v63  }
0xad: {  	_ = 	snop  }
0xae: {  	[tilespmem:s24], [sflag:$0x1] =	stream.indirect_vreg.gather [hbm4b:s3+s2], $0x80, v3, vm0, $0xb8;
	[tilespmem:$0x8080] =	vst v63  }
0xaf: {  	v3 =	vld [tilespmem:$0x50];
	_ =	sdelay $0x4  }
0xb0: {  	v13 =	vshll.u32 v3, $0x1  }
0xb1: {  	v3 =	vand.u32 $0x7, v3;
	v4 =	vand.u32 $0xFFFFFFF0, v13  }
0xb2: {  	v3 =	vor.u32 v3, v4  }
0xb3: {  	v4 =	vperm.xlane v3, v0;
	_ =	sdelay $0x1  }
0xb4: {  	v3 =	vperm.xlane v3, v2;
	v4 =	vadd.s32 v1, v4;
	_ =	sdelay $0x1  }
0xb5: {  	v3 =	vadd.s32 v1, v3;
	_ =	sdelay $0x2  }
0xb6: {  	[tilespmem:s25], [sflag:$0x1] =	stream.indirect_vreg.gather [hbm4b:s3+s2], $0x80, v4, vm0, $0xb8;
	[tilespmem:$0x8080] =	vst v63  }
0xb7: {  	_ = 	snop  }
0xb8: {  	[tilespmem:s26], [sflag:$0x1] =	stream.indirect_vreg.gather [hbm4b:s3+s2], $0x80, v3, vm0, $0xb8;
	[tilespmem:$0x8080] =	vst v63  }
0xb9: {  	v3 =	vld [tilespmem:$0x60];
	_ =	sdelay $0x4  }
0xba: {  	v14 =	vshll.u32 v3, $0x1  }
0xbb: {  	v3 =	vand.u32 $0x7, v3;
	v4 =	vand.u32 $0xFFFFFFF0, v14  }
0xbc: {  	v3 =	vor.u32 v3, v4  }
0xbd: {  	v4 =	vperm.xlane v3, v0;
	_ =	sdelay $0x1  }
0xbe: {  	v3 =	vperm.xlane v3, v2;
	v4 =	vadd.s32 v1, v4;
	_ =	sdelay $0x1  }
0xbf: {  	v3 =	vadd.s32 v1, v3;
	_ =	sdelay $0x2  }
0xc0: {  	[tilespmem:s28], [sflag:$0x1] =	stream.indirect_vreg.gather [hbm4b:s3+s2], $0x80, v4, vm0, $0xb8;
	[tilespmem:$0x8080] =	vst v63  }
0xc1: {  	_ = 	snop  }
0xc2: {  	[tilespmem:s29], [sflag:$0x1] =	stream.indirect_vreg.gather [hbm4b:s3+s2], $0x80, v3, vm0, $0xb8;
	[tilespmem:$0x8080] =	vst v63  }
0xc3: {  	v3 =	vld [tilespmem:$0x70];
	_ =	sdelay $0x4  }
0xc4: {  	v15 =	vshll.u32 v3, $0x1  }
0xc5: {  	v3 =	vand.u32 $0x7, v3;
	v4 =	vand.u32 $0xFFFFFFF0, v15  }
0xc6: {  	v3 =	vor.u32 v3, v4  }
0xc7: {  	v4 =	vperm.xlane v3, v0;
	_ =	sdelay $0x1  }
0xc8: {  	v3 =	vperm.xlane v3, v2;
	v4 =	vadd.s32 v1, v4;
	_ =	sdelay $0x1  }
0xc9: {  	v3 =	vadd.s32 v1, v3;
	_ =	sdelay $0x2  }
0xca: {  	[tilespmem:s30], [sflag:$0x1] =	stream.indirect_vreg.gather [hbm4b:s3+s2], $0x80, v4, vm0, $0xb8;
	[tilespmem:$0x8080] =	vst v63  }
0xcb: {  	_ = 	snop  }
0xcc: {  	[tilespmem:s31], [sflag:$0x1] =	stream.indirect_vreg.gather [hbm4b:s3+s2], $0x80, v3, vm0, $0xb8;
	[tilespmem:$0x8080] =	vst v63  }
0xcd: {  	_ =	swait.ge [sflag:s0], $0x8000  }
0xce: {  	[sflag:s0] =	ssyncset.done $0x0  }
0xcf: {  	s1 =	rddreg [dreg:$0x6];
	[sflag:s0] =	ssyncadd.s32 $0xFFFF8000  }
0xd0: {  	[hbm4b:s1+s2] =	stream.linear.scatter [tilespmem:s15], [sflag:$0x2], $0x8000, $0x38;
	[tilespmem:$0x8080] =	vst v63  }
0xd1: {  	_ =	swait.ge [sflag:s14], $0x8000  }
0xd2: {  	[sflag:s14] =	ssyncset.done $0x0  }
0xd3: {  	s1 =	rddreg [dreg:$0x7];
	[sflag:s14] =	ssyncadd.s32 $0xFFFF8000  }
0xd4: {  	[tilespmem:s2], [sflag:$0x2] =	stream.linear.gather [hbm4b:s1+s2], $0x80, $0x38;
	[tilespmem:$0x8080] =	vst v63  }
0xd5: {  	_ =	swait.ge [sflag:s14], $0x80  }
0xd6: {  	[sflag:s14] =	ssyncset.done $0x0  }
0xd7: {  	[sflag:s14] =	ssyncadd.s32 $0xFFFFFF80  }
0xd8: {  	v3 =	vld [tilespmem:$0x0];
	_ =	sdelay $0x4  }
0xd9: {  	v16 =	vshll.u32 v3, $0x1  }
0xda: {  	v3 =	vand.u32 $0x7, v3;
	v4 =	vand.u32 $0xFFFFFFF0, v16  }
0xdb: {  	v3 =	vor.u32 v3, v4  }
0xdc: {  	v4 =	vperm.xlane v3, v0;
	_ =	sdelay $0x1  }
0xdd: {  	v3 =	vperm.xlane v3, v2;
	v4 =	vadd.s32 v1, v4;
	_ =	sdelay $0x1  }
0xde: {  	v3 =	vadd.s32 v1, v3;
	_ =	sdelay $0x2  }
0xdf: {  	[tilespmem:s15], [sflag:$0x1] =	stream.indirect_vreg.gather [hbm4b:s3+s2], $0x80, v4, vm0, $0xb8;
	[tilespmem:$0x8080] =	vst v63  }
0xe0: {  	_ = 	snop  }
0xe1: {  	[tilespmem:s16], [sflag:$0x1] =	stream.indirect_vreg.gather [hbm4b:s3+s2], $0x80, v3, vm0, $0xb8;
	[tilespmem:$0x8080] =	vst v63  }
0xe2: {  	v3 =	vld [tilespmem:$0x10];
	_ =	sdelay $0x4  }
0xe3: {  	v17 =	vshll.u32 v3, $0x1  }
0xe4: {  	v3 =	vand.u32 $0x7, v3;
	v4 =	vand.u32 $0xFFFFFFF0, v17  }
0xe5: {  	v3 =	vor.u32 v3, v4  }
0xe6: {  	v4 =	vperm.xlane v3, v0;
	_ =	sdelay $0x1  }
0xe7: {  	v3 =	vperm.xlane v3, v2;
	v4 =	vadd.s32 v1, v4;
	_ =	sdelay $0x1  }
0xe8: {  	v3 =	vadd.s32 v1, v3;
	_ =	sdelay $0x2  }
0xe9: {  	[tilespmem:s17], [sflag:$0x1] =	stream.indirect_vreg.gather [hbm4b:s3+s2], $0x80, v4, vm0, $0xb8;
	[tilespmem:$0x8080] =	vst v63  }
0xea: {  	_ = 	snop  }
0xeb: {  	[tilespmem:s18], [sflag:$0x1] =	stream.indirect_vreg.gather [hbm4b:s3+s2], $0x80, v3, vm0, $0xb8;
	[tilespmem:$0x8080] =	vst v63  }
0xec: {  	v3 =	vld [tilespmem:$0x20];
	_ =	sdelay $0x4  }
0xed: {  	v18 =	vshll.u32 v3, $0x1  }
0xee: {  	v3 =	vand.u32 $0x7, v3;
	v4 =	vand.u32 $0xFFFFFFF0, v18  }
0xef: {  	v3 =	vor.u32 v3, v4  }
0xf0: {  	v4 =	vperm.xlane v3, v0;
	_ =	sdelay $0x1  }
0xf1: {  	v3 =	vperm.xlane v3, v2;
	v4 =	vadd.s32 v1, v4;
	_ =	sdelay $0x1  }
0xf2: {  	v3 =	vadd.s32 v1, v3;
	_ =	sdelay $0x2  }
0xf3: {  	[tilespmem:s19], [sflag:$0x1] =	stream.indirect_vreg.gather [hbm4b:s3+s2], $0x80, v4, vm0, $0xb8;
	[tilespmem:$0x8080] =	vst v63  }
0xf4: {  	_ = 	snop  }
0xf5: {  	[tilespmem:s20], [sflag:$0x1] =	stream.indirect_vreg.gather [hbm4b:s3+s2], $0x80, v3, vm0, $0xb8;
	[tilespmem:$0x8080] =	vst v63  }
0xf6: {  	v3 =	vld [tilespmem:$0x30];
	_ =	sdelay $0x4  }
0xf7: {  	v19 =	vshll.u32 v3, $0x1  }
0xf8: {  	v3 =	vand.u32 $0x7, v3;
	v4 =	vand.u32 $0xFFFFFFF0, v19  }
0xf9: {  	v3 =	vor.u32 v3, v4  }
0xfa: {  	v4 =	vperm.xlane v3, v0;
	_ =	sdelay $0x1  }
0xfb: {  	v3 =	vperm.xlane v3, v2;
	v4 =	vadd.s32 v1, v4;
	_ =	sdelay $0x1  }
0xfc: {  	v3 =	vadd.s32 v1, v3;
	_ =	sdelay $0x2  }
0xfd: {  	[tilespmem:s21], [sflag:$0x1] =	stream.indirect_vreg.gather [hbm4b:s3+s2], $0x80, v4, vm0, $0xb8;
	[tilespmem:$0x8080] =	vst v63  }
0xfe: {  	_ = 	snop  }
0xff: {  	[tilespmem:s22], [sflag:$0x1] =	stream.indirect_vreg.gather [hbm4b:s3+s2], $0x80, v3, vm0, $0xb8;
	[tilespmem:$0x8080] =	vst v63  }
0x100: {  	v3 =	vld [tilespmem:$0x40];
	_ =	sdelay $0x4  }
0x101: {  	v20 =	vshll.u32 v3, $0x1  }
0x102: {  	v3 =	vand.u32 $0x7, v3;
	v4 =	vand.u32 $0xFFFFFFF0, v20  }
0x103: {  	v3 =	vor.u32 v3, v4  }
0x104: {  	v4 =	vperm.xlane v3, v0;
	_ =	sdelay $0x1  }
0x105: {  	v3 =	vperm.xlane v3, v2;
	v4 =	vadd.s32 v1, v4;
	_ =	sdelay $0x1  }
0x106: {  	v3 =	vadd.s32 v1, v3;
	_ =	sdelay $0x2  }
0x107: {  	[tilespmem:s23], [sflag:$0x1] =	stream.indirect_vreg.gather [hbm4b:s3+s2], $0x80, v4, vm0, $0xb8;
	[tilespmem:$0x8080] =	vst v63  }
0x108: {  	_ = 	snop  }
0x109: {  	[tilespmem:s24], [sflag:$0x1] =	stream.indirect_vreg.gather [hbm4b:s3+s2], $0x80, v3, vm0, $0xb8;
	[tilespmem:$0x8080] =	vst v63  }
0x10a: {  	v3 =	vld [tilespmem:$0x50];
	_ =	sdelay $0x4  }
0x10b: {  	v21 =	vshll.u32 v3, $0x1  }
0x10c: {  	v3 =	vand.u32 $0x7, v3;
	v4 =	vand.u32 $0xFFFFFFF0, v21  }
0x10d: {  	v3 =	vor.u32 v3, v4  }
0x10e: {  	v4 =	vperm.xlane v3, v0;
	_ =	sdelay $0x1  }
0x10f: {  	v3 =	vperm.xlane v3, v2;
	v4 =	vadd.s32 v1, v4;
	_ =	sdelay $0x1  }
0x110: {  	v3 =	vadd.s32 v1, v3;
	_ =	sdelay $0x2  }
0x111: {  	[tilespmem:s25], [sflag:$0x1] =	stream.indirect_vreg.gather [hbm4b:s3+s2], $0x80, v4, vm0, $0xb8;
	[tilespmem:$0x8080] =	vst v63  }
0x112: {  	_ = 	snop  }
0x113: {  	[tilespmem:s26], [sflag:$0x1] =	stream.indirect_vreg.gather [hbm4b:s3+s2], $0x80, v3, vm0, $0xb8;
	[tilespmem:$0x8080] =	vst v63  }
0x114: {  	v3 =	vld [tilespmem:$0x60];
	_ =	sdelay $0x4  }
0x115: {  	v22 =	vshll.u32 v3, $0x1  }
0x116: {  	v3 =	vand.u32 $0x7, v3;
	v4 =	vand.u32 $0xFFFFFFF0, v22  }
0x117: {  	v3 =	vor.u32 v3, v4  }
0x118: {  	v4 =	vperm.xlane v3, v0;
	_ =	sdelay $0x1  }
0x119: {  	v3 =	vperm.xlane v3, v2;
	v4 =	vadd.s32 v1, v4;
	_ =	sdelay $0x1  }
0x11a: {  	v3 =	vadd.s32 v1, v3;
	_ =	sdelay $0x2  }
0x11b: {  	[tilespmem:s28], [sflag:$0x1] =	stream.indirect_vreg.gather [hbm4b:s3+s2], $0x80, v4, vm0, $0xb8;
	[tilespmem:$0x8080] =	vst v63  }
0x11c: {  	_ = 	snop  }
0x11d: {  	[tilespmem:s29], [sflag:$0x1] =	stream.indirect_vreg.gather [hbm4b:s3+s2], $0x80, v3, vm0, $0xb8;
	[tilespmem:$0x8080] =	vst v63  }
0x11e: {  	v3 =	vld [tilespmem:$0x70];
	_ =	sdelay $0x4  }
0x11f: {  	v23 =	vshll.u32 v3, $0x1  }
0x120: {  	v3 =	vand.u32 $0x7, v3;
	v4 =	vand.u32 $0xFFFFFFF0, v23  }
0x121: {  	v3 =	vor.u32 v3, v4  }
0x122: {  	v4 =	vperm.xlane v3, v0;
	_ =	sdelay $0x1  }
0x123: {  	v3 =	vperm.xlane v3, v2;
	v4 =	vadd.s32 v1, v4;
	_ =	sdelay $0x1  }
0x124: {  	v3 =	vadd.s32 v1, v3;
	_ =	sdelay $0x2  }
0x125: {  	[tilespmem:s30], [sflag:$0x1] =	stream.indirect_vreg.gather [hbm4b:s3+s2], $0x80, v4, vm0, $0xb8;
	[tilespmem:$0x8080] =	vst v63  }
0x126: {  	_ = 	snop  }
0x127: {  	[tilespmem:s31], [sflag:$0x1] =	stream.indirect_vreg.gather [hbm4b:s3+s2], $0x80, v3, vm0, $0xb8;
	[tilespmem:$0x8080] =	vst v63  }
0x128: {  	_ =	swait.ge [sflag:s0], $0x8000  }
0x129: {  	[sflag:s0] =	ssyncset.done $0x0  }
0x12a: {  	s1 =	rddreg [dreg:$0x8];
	[sflag:s0] =	ssyncadd.s32 $0xFFFF8000  }
0x12b: {  	[hbm4b:s1+s2] =	stream.linear.scatter [tilespmem:s15], [sflag:$0x2], $0x8000, $0x38;
	[tilespmem:$0x8080] =	vst v63  }
0x12c: {  	_ =	swait.ge [sflag:s14], $0x8000  }
0x12d: {  	[sflag:s14] =	ssyncset.done $0x0  }
0x12e: {  	s1 =	rddreg [dreg:$0x9];
	[sflag:s14] =	ssyncadd.s32 $0xFFFF8000  }
0x12f: {  	[tilespmem:s2], [sflag:$0x2] =	stream.linear.gather [hbm4b:s1+s2], $0x80, $0x38;
	[tilespmem:$0x8080] =	vst v63  }
0x130: {  	_ =	swait.ge [sflag:s14], $0x80  }
0x131: {  	[sflag:s14] =	ssyncset.done $0x0  }
0x132: {  	[sflag:s14] =	ssyncadd.s32 $0xFFFFFF80  }
0x133: {  	v3 =	vld [tilespmem:$0x0];
	_ =	sdelay $0x4  }
0x134: {  	v24 =	vshll.u32 v3, $0x1  }
0x135: {  	v3 =	vand.u32 $0x7, v3;
	v4 =	vand.u32 $0xFFFFFFF0, v24  }
0x136: {  	v3 =	vor.u32 v3, v4  }
0x137: {  	v4 =	vperm.xlane v3, v0;
	_ =	sdelay $0x1  }
0x138: {  	v3 =	vperm.xlane v3, v2;
	v4 =	vadd.s32 v1, v4;
	_ =	sdelay $0x1  }
0x139: {  	v3 =	vadd.s32 v1, v3;
	_ =	sdelay $0x2  }
0x13a: {  	[tilespmem:s15], [sflag:$0x1] =	stream.indirect_vreg.gather [hbm4b:s3+s2], $0x80, v4, vm0, $0xb8;
	[tilespmem:$0x8080] =	vst v63  }
0x13b: {  	_ = 	snop  }
0x13c: {  	[tilespmem:s16], [sflag:$0x1] =	stream.indirect_vreg.gather [hbm4b:s3+s2], $0x80, v3, vm0, $0xb8;
	[tilespmem:$0x8080] =	vst v63  }
0x13d: {  	v3 =	vld [tilespmem:$0x10];
	_ =	sdelay $0x4  }
0x13e: {  	v25 =	vshll.u32 v3, $0x1  }
0x13f: {  	v3 =	vand.u32 $0x7, v3;
	v4 =	vand.u32 $0xFFFFFFF0, v25  }
0x140: {  	v3 =	vor.u32 v3, v4  }
0x141: {  	v4 =	vperm.xlane v3, v0;
	_ =	sdelay $0x1  }
0x142: {  	v3 =	vperm.xlane v3, v2;
	v4 =	vadd.s32 v1, v4;
	_ =	sdelay $0x1  }
0x143: {  	v3 =	vadd.s32 v1, v3;
	_ =	sdelay $0x2  }
0x144: {  	[tilespmem:s17], [sflag:$0x1] =	stream.indirect_vreg.gather [hbm4b:s3+s2], $0x80, v4, vm0, $0xb8;
	[tilespmem:$0x8080] =	vst v63  }
0x145: {  	_ = 	snop  }
0x146: {  	[tilespmem:s18], [sflag:$0x1] =	stream.indirect_vreg.gather [hbm4b:s3+s2], $0x80, v3, vm0, $0xb8;
	[tilespmem:$0x8080] =	vst v63  }
0x147: {  	v3 =	vld [tilespmem:$0x20];
	_ =	sdelay $0x4  }
0x148: {  	v26 =	vshll.u32 v3, $0x1  }
0x149: {  	v3 =	vand.u32 $0x7, v3;
	v4 =	vand.u32 $0xFFFFFFF0, v26  }
0x14a: {  	v3 =	vor.u32 v3, v4  }
0x14b: {  	v4 =	vperm.xlane v3, v0;
	_ =	sdelay $0x1  }
0x14c: {  	v3 =	vperm.xlane v3, v2;
	v4 =	vadd.s32 v1, v4;
	_ =	sdelay $0x1  }
0x14d: {  	v3 =	vadd.s32 v1, v3;
	_ =	sdelay $0x2  }
0x14e: {  	[tilespmem:s19], [sflag:$0x1] =	stream.indirect_vreg.gather [hbm4b:s3+s2], $0x80, v4, vm0, $0xb8;
	[tilespmem:$0x8080] =	vst v63  }
0x14f: {  	_ = 	snop  }
0x150: {  	[tilespmem:s20], [sflag:$0x1] =	stream.indirect_vreg.gather [hbm4b:s3+s2], $0x80, v3, vm0, $0xb8;
	[tilespmem:$0x8080] =	vst v63  }
0x151: {  	v3 =	vld [tilespmem:$0x30];
	_ =	sdelay $0x4  }
0x152: {  	v27 =	vshll.u32 v3, $0x1  }
0x153: {  	v3 =	vand.u32 $0x7, v3;
	v4 =	vand.u32 $0xFFFFFFF0, v27  }
0x154: {  	v3 =	vor.u32 v3, v4  }
0x155: {  	v4 =	vperm.xlane v3, v0;
	_ =	sdelay $0x1  }
0x156: {  	v3 =	vperm.xlane v3, v2;
	v4 =	vadd.s32 v1, v4;
	_ =	sdelay $0x1  }
0x157: {  	v3 =	vadd.s32 v1, v3;
	_ =	sdelay $0x2  }
0x158: {  	[tilespmem:s21], [sflag:$0x1] =	stream.indirect_vreg.gather [hbm4b:s3+s2], $0x80, v4, vm0, $0xb8;
	[tilespmem:$0x8080] =	vst v63  }
0x159: {  	_ = 	snop  }
0x15a: {  	[tilespmem:s22], [sflag:$0x1] =	stream.indirect_vreg.gather [hbm4b:s3+s2], $0x80, v3, vm0, $0xb8;
	[tilespmem:$0x8080] =	vst v63  }
0x15b: {  	v3 =	vld [tilespmem:$0x40];
	_ =	sdelay $0x4  }
0x15c: {  	v28 =	vshll.u32 v3, $0x1  }
0x15d: {  	v3 =	vand.u32 $0x7, v3;
	v4 =	vand.u32 $0xFFFFFFF0, v28  }
0x15e: {  	v3 =	vor.u32 v3, v4  }
0x15f: {  	v4 =	vperm.xlane v3, v0;
	_ =	sdelay $0x1  }
0x160: {  	v3 =	vperm.xlane v3, v2;
	v4 =	vadd.s32 v1, v4;
	_ =	sdelay $0x1  }
0x161: {  	v3 =	vadd.s32 v1, v3;
	_ =	sdelay $0x2  }
0x162: {  	[tilespmem:s23], [sflag:$0x1] =	stream.indirect_vreg.gather [hbm4b:s3+s2], $0x80, v4, vm0, $0xb8;
	[tilespmem:$0x8080] =	vst v63  }
0x163: {  	_ = 	snop  }
0x164: {  	[tilespmem:s24], [sflag:$0x1] =	stream.indirect_vreg.gather [hbm4b:s3+s2], $0x80, v3, vm0, $0xb8;
	[tilespmem:$0x8080] =	vst v63  }
0x165: {  	v3 =	vld [tilespmem:$0x50];
	_ =	sdelay $0x4  }
0x166: {  	v29 =	vshll.u32 v3, $0x1  }
0x167: {  	v3 =	vand.u32 $0x7, v3;
	v4 =	vand.u32 $0xFFFFFFF0, v29  }
0x168: {  	v3 =	vor.u32 v3, v4  }
0x169: {  	v4 =	vperm.xlane v3, v0;
	_ =	sdelay $0x1  }
0x16a: {  	v3 =	vperm.xlane v3, v2;
	v4 =	vadd.s32 v1, v4;
	_ =	sdelay $0x1  }
0x16b: {  	v3 =	vadd.s32 v1, v3;
	_ =	sdelay $0x2  }
0x16c: {  	[tilespmem:s25], [sflag:$0x1] =	stream.indirect_vreg.gather [hbm4b:s3+s2], $0x80, v4, vm0, $0xb8;
	[tilespmem:$0x8080] =	vst v63  }
0x16d: {  	_ = 	snop  }
0x16e: {  	[tilespmem:s26], [sflag:$0x1] =	stream.indirect_vreg.gather [hbm4b:s3+s2], $0x80, v3, vm0, $0xb8;
	[tilespmem:$0x8080] =	vst v63  }
0x16f: {  	v3 =	vld [tilespmem:$0x60];
	_ =	sdelay $0x4  }
0x170: {  	v30 =	vshll.u32 v3, $0x1  }
0x171: {  	v3 =	vand.u32 $0x7, v3;
	v4 =	vand.u32 $0xFFFFFFF0, v30  }
0x172: {  	v3 =	vor.u32 v3, v4  }
0x173: {  	v4 =	vperm.xlane v3, v0;
	_ =	sdelay $0x1  }
0x174: {  	v3 =	vperm.xlane v3, v2;
	v4 =	vadd.s32 v1, v4;
	_ =	sdelay $0x1  }
0x175: {  	v3 =	vadd.s32 v1, v3;
	_ =	sdelay $0x2  }
0x176: {  	[tilespmem:s28], [sflag:$0x1] =	stream.indirect_vreg.gather [hbm4b:s3+s2], $0x80, v4, vm0, $0xb8;
	[tilespmem:$0x8080] =	vst v63  }
0x177: {  	_ = 	snop  }
0x178: {  	[tilespmem:s29], [sflag:$0x1] =	stream.indirect_vreg.gather [hbm4b:s3+s2], $0x80, v3, vm0, $0xb8;
	[tilespmem:$0x8080] =	vst v63  }
0x179: {  	v3 =	vld [tilespmem:$0x70];
	_ =	sdelay $0x4  }
0x17a: {  	v31 =	vshll.u32 v3, $0x1  }
0x17b: {  	v3 =	vand.u32 $0x7, v3;
	v4 =	vand.u32 $0xFFFFFFF0, v31  }
0x17c: {  	v3 =	vor.u32 v3, v4  }
0x17d: {  	v4 =	vperm.xlane v3, v0;
	_ =	sdelay $0x1  }
0x17e: {  	v3 =	vperm.xlane v3, v2;
	v4 =	vadd.s32 v1, v4;
	_ =	sdelay $0x1  }
0x17f: {  	v3 =	vadd.s32 v1, v3;
	_ =	sdelay $0x2  }
0x180: {  	[tilespmem:s30], [sflag:$0x1] =	stream.indirect_vreg.gather [hbm4b:s3+s2], $0x80, v4, vm0, $0xb8;
	[tilespmem:$0x8080] =	vst v63  }
0x181: {  	_ = 	snop  }
0x182: {  	[tilespmem:s31], [sflag:$0x1] =	stream.indirect_vreg.gather [hbm4b:s3+s2], $0x80, v3, vm0, $0xb8;
	[tilespmem:$0x8080] =	vst v63  }
0x183: {  	_ =	swait.ge [sflag:s0], $0x8000  }
0x184: {  	[sflag:s0] =	ssyncset.done $0x0  }
0x185: {  	[sflag:s0] =	ssyncadd.s32 $0xFFFF8000  }
0x186: {  	[hbm4b:s4+s2] =	stream.linear.scatter [tilespmem:s15], [sflag:$0x2], $0x8000, $0x38;
	[tilespmem:$0x8080] =	vst v63  }
0x187: {  	_ =	swait.ge [sflag:s14], $0x8000  }
0x188: {  	[sflag:s14] =	ssyncset.done $0x0  }
0x189: {  	[sflag:s14] =	ssyncadd.s32 $0xFFFF8000  }
0x18a: {  	[tilespmem:s2], [sflag:$0x2] =	stream.linear.gather [hbm4b:s5+s2], $0x80, $0x38;
	[tilespmem:$0x8080] =	vst v63  }
0x18b: {  	_ =	swait.ge [sflag:s14], $0x80  }
0x18c: {  	[sflag:s14] =	ssyncset.done $0x0  }
0x18d: {  	[sflag:s14] =	ssyncadd.s32 $0xFFFFFF80  }
0x18e: {  	v3 =	vld [tilespmem:$0x0];
	_ =	sdelay $0x4  }
0x18f: {  	v32 =	vshll.u32 v3, $0x1  }
0x190: {  	v3 =	vand.u32 $0x7, v3;
	v4 =	vand.u32 $0xFFFFFFF0, v32  }
0x191: {  	v3 =	vor.u32 v3, v4  }
0x192: {  	v4 =	vperm.xlane v3, v0;
	_ =	sdelay $0x1  }
0x193: {  	v3 =	vperm.xlane v3, v2;
	v4 =	vadd.s32 v1, v4;
	_ =	sdelay $0x1  }
0x194: {  	v3 =	vadd.s32 v1, v3;
	_ =	sdelay $0x2  }
0x195: {  	[tilespmem:s15], [sflag:$0x1] =	stream.indirect_vreg.gather [hbm4b:s3+s2], $0x80, v4, vm0, $0xb8;
	[tilespmem:$0x8080] =	vst v63  }
0x196: {  	_ = 	snop  }
0x197: {  	[tilespmem:s16], [sflag:$0x1] =	stream.indirect_vreg.gather [hbm4b:s3+s2], $0x80, v3, vm0, $0xb8;
	[tilespmem:$0x8080] =	vst v63  }
0x198: {  	v3 =	vld [tilespmem:$0x10];
	_ =	sdelay $0x4  }
0x199: {  	v33 =	vshll.u32 v3, $0x1  }
0x19a: {  	v3 =	vand.u32 $0x7, v3;
	v4 =	vand.u32 $0xFFFFFFF0, v33  }
0x19b: {  	v3 =	vor.u32 v3, v4  }
0x19c: {  	v4 =	vperm.xlane v3, v0;
	_ =	sdelay $0x1  }
0x19d: {  	v3 =	vperm.xlane v3, v2;
	v4 =	vadd.s32 v1, v4;
	_ =	sdelay $0x1  }
0x19e: {  	v3 =	vadd.s32 v1, v3;
	_ =	sdelay $0x2  }
0x19f: {  	[tilespmem:s17], [sflag:$0x1] =	stream.indirect_vreg.gather [hbm4b:s3+s2], $0x80, v4, vm0, $0xb8;
	[tilespmem:$0x8080] =	vst v63  }
0x1a0: {  	_ = 	snop  }
0x1a1: {  	[tilespmem:s18], [sflag:$0x1] =	stream.indirect_vreg.gather [hbm4b:s3+s2], $0x80, v3, vm0, $0xb8;
	[tilespmem:$0x8080] =	vst v63  }
0x1a2: {  	v3 =	vld [tilespmem:$0x20];
	_ =	sdelay $0x4  }
0x1a3: {  	v34 =	vshll.u32 v3, $0x1  }
0x1a4: {  	v3 =	vand.u32 $0x7, v3;
	v4 =	vand.u32 $0xFFFFFFF0, v34  }
0x1a5: {  	v3 =	vor.u32 v3, v4  }
0x1a6: {  	v4 =	vperm.xlane v3, v0;
	_ =	sdelay $0x1  }
0x1a7: {  	v3 =	vperm.xlane v3, v2;
	v4 =	vadd.s32 v1, v4;
	_ =	sdelay $0x1  }
0x1a8: {  	v3 =	vadd.s32 v1, v3;
	_ =	sdelay $0x2  }
0x1a9: {  	[tilespmem:s19], [sflag:$0x1] =	stream.indirect_vreg.gather [hbm4b:s3+s2], $0x80, v4, vm0, $0xb8;
	[tilespmem:$0x8080] =	vst v63  }
0x1aa: {  	_ = 	snop  }
0x1ab: {  	[tilespmem:s20], [sflag:$0x1] =	stream.indirect_vreg.gather [hbm4b:s3+s2], $0x80, v3, vm0, $0xb8;
	[tilespmem:$0x8080] =	vst v63  }
0x1ac: {  	v3 =	vld [tilespmem:$0x30];
	_ =	sdelay $0x4  }
0x1ad: {  	v35 =	vshll.u32 v3, $0x1  }
0x1ae: {  	v3 =	vand.u32 $0x7, v3;
	v4 =	vand.u32 $0xFFFFFFF0, v35  }
0x1af: {  	v3 =	vor.u32 v3, v4  }
0x1b0: {  	v4 =	vperm.xlane v3, v0;
	_ =	sdelay $0x1  }
0x1b1: {  	v3 =	vperm.xlane v3, v2;
	v4 =	vadd.s32 v1, v4;
	_ =	sdelay $0x1  }
0x1b2: {  	v3 =	vadd.s32 v1, v3;
	_ =	sdelay $0x2  }
0x1b3: {  	[tilespmem:s21], [sflag:$0x1] =	stream.indirect_vreg.gather [hbm4b:s3+s2], $0x80, v4, vm0, $0xb8;
	[tilespmem:$0x8080] =	vst v63  }
0x1b4: {  	_ = 	snop  }
0x1b5: {  	[tilespmem:s22], [sflag:$0x1] =	stream.indirect_vreg.gather [hbm4b:s3+s2], $0x80, v3, vm0, $0xb8;
	[tilespmem:$0x8080] =	vst v63  }
0x1b6: {  	v3 =	vld [tilespmem:$0x40];
	_ =	sdelay $0x4  }
0x1b7: {  	v36 =	vshll.u32 v3, $0x1  }
0x1b8: {  	v3 =	vand.u32 $0x7, v3;
	v4 =	vand.u32 $0xFFFFFFF0, v36  }
0x1b9: {  	v3 =	vor.u32 v3, v4  }
0x1ba: {  	v4 =	vperm.xlane v3, v0;
	_ =	sdelay $0x1  }
0x1bb: {  	v3 =	vperm.xlane v3, v2;
	v4 =	vadd.s32 v1, v4;
	_ =	sdelay $0x1  }
0x1bc: {  	v3 =	vadd.s32 v1, v3;
	_ =	sdelay $0x2  }
0x1bd: {  	[tilespmem:s23], [sflag:$0x1] =	stream.indirect_vreg.gather [hbm4b:s3+s2], $0x80, v4, vm0, $0xb8;
	[tilespmem:$0x8080] =	vst v63  }
0x1be: {  	_ = 	snop  }
0x1bf: {  	[tilespmem:s24], [sflag:$0x1] =	stream.indirect_vreg.gather [hbm4b:s3+s2], $0x80, v3, vm0, $0xb8;
	[tilespmem:$0x8080] =	vst v63  }
0x1c0: {  	v3 =	vld [tilespmem:$0x50];
	_ =	sdelay $0x4  }
0x1c1: {  	v37 =	vshll.u32 v3, $0x1  }
0x1c2: {  	v3 =	vand.u32 $0x7, v3;
	v4 =	vand.u32 $0xFFFFFFF0, v37  }
0x1c3: {  	v3 =	vor.u32 v3, v4  }
0x1c4: {  	v4 =	vperm.xlane v3, v0;
	_ =	sdelay $0x1  }
0x1c5: {  	v3 =	vperm.xlane v3, v2;
	v4 =	vadd.s32 v1, v4;
	_ =	sdelay $0x1  }
0x1c6: {  	v3 =	vadd.s32 v1, v3;
	_ =	sdelay $0x2  }
0x1c7: {  	[tilespmem:s25], [sflag:$0x1] =	stream.indirect_vreg.gather [hbm4b:s3+s2], $0x80, v4, vm0, $0xb8;
	[tilespmem:$0x8080] =	vst v63  }
0x1c8: {  	_ = 	snop  }
0x1c9: {  	[tilespmem:s26], [sflag:$0x1] =	stream.indirect_vreg.gather [hbm4b:s3+s2], $0x80, v3, vm0, $0xb8;
	[tilespmem:$0x8080] =	vst v63  }
0x1ca: {  	v3 =	vld [tilespmem:$0x60];
	_ =	sdelay $0x4  }
0x1cb: {  	v38 =	vshll.u32 v3, $0x1  }
0x1cc: {  	v3 =	vand.u32 $0x7, v3;
	v4 =	vand.u32 $0xFFFFFFF0, v38  }
0x1cd: {  	v3 =	vor.u32 v3, v4  }
0x1ce: {  	v4 =	vperm.xlane v3, v0;
	_ =	sdelay $0x1  }
0x1cf: {  	v3 =	vperm.xlane v3, v2;
	v4 =	vadd.s32 v1, v4;
	_ =	sdelay $0x1  }
0x1d0: {  	v3 =	vadd.s32 v1, v3;
	_ =	sdelay $0x2  }
0x1d1: {  	[tilespmem:s28], [sflag:$0x1] =	stream.indirect_vreg.gather [hbm4b:s3+s2], $0x80, v4, vm0, $0xb8;
	[tilespmem:$0x8080] =	vst v63  }
0x1d2: {  	_ = 	snop  }
0x1d3: {  	[tilespmem:s29], [sflag:$0x1] =	stream.indirect_vreg.gather [hbm4b:s3+s2], $0x80, v3, vm0, $0xb8;
	[tilespmem:$0x8080] =	vst v63  }
0x1d4: {  	v3 =	vld [tilespmem:$0x70];
	_ =	sdelay $0x4  }
0x1d5: {  	v39 =	vshll.u32 v3, $0x1  }
0x1d6: {  	v3 =	vand.u32 $0x7, v3;
	v4 =	vand.u32 $0xFFFFFFF0, v39  }
0x1d7: {  	v3 =	vor.u32 v3, v4  }
0x1d8: {  	v4 =	vperm.xlane v3, v0;
	_ =	sdelay $0x1  }
0x1d9: {  	v3 =	vperm.xlane v3, v2;
	v4 =	vadd.s32 v1, v4;
	_ =	sdelay $0x1  }
0x1da: {  	v3 =	vadd.s32 v1, v3;
	_ =	sdelay $0x2  }
0x1db: {  	[tilespmem:s30], [sflag:$0x1] =	stream.indirect_vreg.gather [hbm4b:s3+s2], $0x80, v4, vm0, $0xb8;
	[tilespmem:$0x8080] =	vst v63  }
0x1dc: {  	_ = 	snop  }
0x1dd: {  	[tilespmem:s31], [sflag:$0x1] =	stream.indirect_vreg.gather [hbm4b:s3+s2], $0x80, v3, vm0, $0xb8;
	[tilespmem:$0x8080] =	vst v63  }
0x1de: {  	_ =	swait.ge [sflag:s0], $0x8000  }
0x1df: {  	[sflag:s0] =	ssyncset.done $0x0  }
0x1e0: {  	[sflag:s0] =	ssyncadd.s32 $0xFFFF8000  }
0x1e1: {  	[hbm4b:s6+s2] =	stream.linear.scatter [tilespmem:s15], [sflag:$0x2], $0x8000, $0x38;
	[tilespmem:$0x8080] =	vst v63  }
0x1e2: {  	_ =	swait.ge [sflag:s14], $0x8000  }
0x1e3: {  	[sflag:s14] =	ssyncset.done $0x0  }
0x1e4: {  	[sflag:s14] =	ssyncadd.s32 $0xFFFF8000  }
0x1e5: {  	[tilespmem:s2], [sflag:$0x2] =	stream.linear.gather [hbm4b:s7+s2], $0x80, $0x38;
	[tilespmem:$0x8080] =	vst v63  }
0x1e6: {  	_ =	swait.ge [sflag:s14], $0x80  }
0x1e7: {  	[sflag:s14] =	ssyncset.done $0x0  }
0x1e8: {  	[sflag:s14] =	ssyncadd.s32 $0xFFFFFF80  }
0x1e9: {  	v3 =	vld [tilespmem:$0x0];
	_ =	sdelay $0x4  }
0x1ea: {  	v40 =	vshll.u32 v3, $0x1  }
0x1eb: {  	v3 =	vand.u32 $0x7, v3;
	v4 =	vand.u32 $0xFFFFFFF0, v40  }
0x1ec: {  	v3 =	vor.u32 v3, v4  }
0x1ed: {  	v4 =	vperm.xlane v3, v0;
	_ =	sdelay $0x1  }
0x1ee: {  	v3 =	vperm.xlane v3, v2;
	v4 =	vadd.s32 v1, v4;
	_ =	sdelay $0x1  }
0x1ef: {  	v3 =	vadd.s32 v1, v3;
	_ =	sdelay $0x2  }
0x1f0: {  	[tilespmem:s15], [sflag:$0x1] =	stream.indirect_vreg.gather [hbm4b:s3+s2], $0x80, v4, vm0, $0xb8;
	[tilespmem:$0x8080] =	vst v63  }
0x1f1: {  	_ = 	snop  }
0x1f2: {  	[tilespmem:s16], [sflag:$0x1] =	stream.indirect_vreg.gather [hbm4b:s3+s2], $0x80, v3, vm0, $0xb8;
	[tilespmem:$0x8080] =	vst v63  }
0x1f3: {  	v3 =	vld [tilespmem:$0x10];
	_ =	sdelay $0x4  }
0x1f4: {  	v41 =	vshll.u32 v3, $0x1  }
0x1f5: {  	v3 =	vand.u32 $0x7, v3;
	v4 =	vand.u32 $0xFFFFFFF0, v41  }
0x1f6: {  	v3 =	vor.u32 v3, v4  }
0x1f7: {  	v4 =	vperm.xlane v3, v0;
	_ =	sdelay $0x1  }
0x1f8: {  	v3 =	vperm.xlane v3, v2;
	v4 =	vadd.s32 v1, v4;
	_ =	sdelay $0x1  }
0x1f9: {  	v3 =	vadd.s32 v1, v3;
	_ =	sdelay $0x2  }
0x1fa: {  	[tilespmem:s17], [sflag:$0x1] =	stream.indirect_vreg.gather [hbm4b:s3+s2], $0x80, v4, vm0, $0xb8;
	[tilespmem:$0x8080] =	vst v63  }
0x1fb: {  	_ = 	snop  }
0x1fc: {  	[tilespmem:s18], [sflag:$0x1] =	stream.indirect_vreg.gather [hbm4b:s3+s2], $0x80, v3, vm0, $0xb8;
	[tilespmem:$0x8080] =	vst v63  }
0x1fd: {  	v3 =	vld [tilespmem:$0x20];
	_ =	sdelay $0x4  }
0x1fe: {  	v42 =	vshll.u32 v3, $0x1  }
0x1ff: {  	v3 =	vand.u32 $0x7, v3;
	v4 =	vand.u32 $0xFFFFFFF0, v42  }
0x200: {  	v3 =	vor.u32 v3, v4  }
0x201: {  	v4 =	vperm.xlane v3, v0;
	_ =	sdelay $0x1  }
0x202: {  	v3 =	vperm.xlane v3, v2;
	v4 =	vadd.s32 v1, v4;
	_ =	sdelay $0x1  }
0x203: {  	v3 =	vadd.s32 v1, v3;
	_ =	sdelay $0x2  }
0x204: {  	[tilespmem:s19], [sflag:$0x1] =	stream.indirect_vreg.gather [hbm4b:s3+s2], $0x80, v4, vm0, $0xb8;
	[tilespmem:$0x8080] =	vst v63  }
0x205: {  	_ = 	snop  }
0x206: {  	[tilespmem:s20], [sflag:$0x1] =	stream.indirect_vreg.gather [hbm4b:s3+s2], $0x80, v3, vm0, $0xb8;
	[tilespmem:$0x8080] =	vst v63  }
0x207: {  	v3 =	vld [tilespmem:$0x30];
	_ =	sdelay $0x4  }
0x208: {  	v43 =	vshll.u32 v3, $0x1  }
0x209: {  	v3 =	vand.u32 $0x7, v3;
	v4 =	vand.u32 $0xFFFFFFF0, v43  }
0x20a: {  	v3 =	vor.u32 v3, v4  }
0x20b: {  	v4 =	vperm.xlane v3, v0;
	_ =	sdelay $0x1  }
0x20c: {  	v3 =	vperm.xlane v3, v2;
	v4 =	vadd.s32 v1, v4;
	_ =	sdelay $0x1  }
0x20d: {  	v3 =	vadd.s32 v1, v3;
	_ =	sdelay $0x2  }
0x20e: {  	[tilespmem:s21], [sflag:$0x1] =	stream.indirect_vreg.gather [hbm4b:s3+s2], $0x80, v4, vm0, $0xb8;
	[tilespmem:$0x8080] =	vst v63  }
0x20f: {  	_ = 	snop  }
0x210: {  	[tilespmem:s22], [sflag:$0x1] =	stream.indirect_vreg.gather [hbm4b:s3+s2], $0x80, v3, vm0, $0xb8;
	[tilespmem:$0x8080] =	vst v63  }
0x211: {  	v3 =	vld [tilespmem:$0x40];
	_ =	sdelay $0x4  }
0x212: {  	v44 =	vshll.u32 v3, $0x1  }
0x213: {  	v3 =	vand.u32 $0x7, v3;
	v4 =	vand.u32 $0xFFFFFFF0, v44  }
0x214: {  	v3 =	vor.u32 v3, v4  }
0x215: {  	v4 =	vperm.xlane v3, v0;
	_ =	sdelay $0x1  }
0x216: {  	v3 =	vperm.xlane v3, v2;
	v4 =	vadd.s32 v1, v4;
	_ =	sdelay $0x1  }
0x217: {  	v3 =	vadd.s32 v1, v3;
	_ =	sdelay $0x2  }
0x218: {  	[tilespmem:s23], [sflag:$0x1] =	stream.indirect_vreg.gather [hbm4b:s3+s2], $0x80, v4, vm0, $0xb8;
	[tilespmem:$0x8080] =	vst v63  }
0x219: {  	_ = 	snop  }
0x21a: {  	[tilespmem:s24], [sflag:$0x1] =	stream.indirect_vreg.gather [hbm4b:s3+s2], $0x80, v3, vm0, $0xb8;
	[tilespmem:$0x8080] =	vst v63  }
0x21b: {  	v3 =	vld [tilespmem:$0x50];
	_ =	sdelay $0x4  }
0x21c: {  	v45 =	vshll.u32 v3, $0x1  }
0x21d: {  	v3 =	vand.u32 $0x7, v3;
	v4 =	vand.u32 $0xFFFFFFF0, v45  }
0x21e: {  	v3 =	vor.u32 v3, v4  }
0x21f: {  	v4 =	vperm.xlane v3, v0;
	_ =	sdelay $0x1  }
0x220: {  	v3 =	vperm.xlane v3, v2;
	v4 =	vadd.s32 v1, v4;
	_ =	sdelay $0x1  }
0x221: {  	v3 =	vadd.s32 v1, v3;
	_ =	sdelay $0x2  }
0x222: {  	[tilespmem:s25], [sflag:$0x1] =	stream.indirect_vreg.gather [hbm4b:s3+s2], $0x80, v4, vm0, $0xb8;
	[tilespmem:$0x8080] =	vst v63  }
0x223: {  	_ = 	snop  }
0x224: {  	[tilespmem:s26], [sflag:$0x1] =	stream.indirect_vreg.gather [hbm4b:s3+s2], $0x80, v3, vm0, $0xb8;
	[tilespmem:$0x8080] =	vst v63  }
0x225: {  	v3 =	vld [tilespmem:$0x60];
	_ =	sdelay $0x4  }
0x226: {  	v46 =	vshll.u32 v3, $0x1  }
0x227: {  	v3 =	vand.u32 $0x7, v3;
	v4 =	vand.u32 $0xFFFFFFF0, v46  }
0x228: {  	v3 =	vor.u32 v3, v4  }
0x229: {  	v4 =	vperm.xlane v3, v0;
	_ =	sdelay $0x1  }
0x22a: {  	v3 =	vperm.xlane v3, v2;
	v4 =	vadd.s32 v1, v4;
	_ =	sdelay $0x1  }
0x22b: {  	v3 =	vadd.s32 v1, v3;
	_ =	sdelay $0x2  }
0x22c: {  	[tilespmem:s28], [sflag:$0x1] =	stream.indirect_vreg.gather [hbm4b:s3+s2], $0x80, v4, vm0, $0xb8;
	[tilespmem:$0x8080] =	vst v63  }
0x22d: {  	_ = 	snop  }
0x22e: {  	[tilespmem:s29], [sflag:$0x1] =	stream.indirect_vreg.gather [hbm4b:s3+s2], $0x80, v3, vm0, $0xb8;
	[tilespmem:$0x8080] =	vst v63  }
0x22f: {  	v3 =	vld [tilespmem:$0x70];
	_ =	sdelay $0x4  }
0x230: {  	v47 =	vshll.u32 v3, $0x1  }
0x231: {  	v3 =	vand.u32 $0x7, v3;
	v4 =	vand.u32 $0xFFFFFFF0, v47  }
0x232: {  	v3 =	vor.u32 v3, v4  }
0x233: {  	v4 =	vperm.xlane v3, v0;
	_ =	sdelay $0x1  }
0x234: {  	v3 =	vperm.xlane v3, v2;
	v4 =	vadd.s32 v1, v4;
	_ =	sdelay $0x1  }
0x235: {  	v3 =	vadd.s32 v1, v3;
	_ =	sdelay $0x2  }
0x236: {  	[tilespmem:s30], [sflag:$0x1] =	stream.indirect_vreg.gather [hbm4b:s3+s2], $0x80, v4, vm0, $0xb8;
	[tilespmem:$0x8080] =	vst v63  }
0x237: {  	_ = 	snop  }
0x238: {  	[tilespmem:s31], [sflag:$0x1] =	stream.indirect_vreg.gather [hbm4b:s3+s2], $0x80, v3, vm0, $0xb8;
	[tilespmem:$0x8080] =	vst v63  }
0x239: {  	_ =	swait.ge [sflag:s0], $0x8000  }
0x23a: {  	[sflag:s0] =	ssyncset.done $0x0  }
0x23b: {  	[sflag:s0] =	ssyncadd.s32 $0xFFFF8000  }
0x23c: {  	[hbm4b:s8+s2] =	stream.linear.scatter [tilespmem:s15], [sflag:$0x2], $0x8000, $0x38;
	[tilespmem:$0x8080] =	vst v63  }
0x23d: {  	_ =	swait.ge [sflag:s14], $0x8000  }
0x23e: {  	[sflag:s14] =	ssyncset.done $0x0  }
0x23f: {  	[sflag:s14] =	ssyncadd.s32 $0xFFFF8000  }
0x240: {  	[tilespmem:s2], [sflag:$0x2] =	stream.linear.gather [hbm4b:s9+s2], $0x80, $0x38;
	[tilespmem:$0x8080] =	vst v63  }
0x241: {  	_ =	swait.ge [sflag:s14], $0x80  }
0x242: {  	[sflag:s14] =	ssyncset.done $0x0  }
0x243: {  	[sflag:s14] =	ssyncadd.s32 $0xFFFFFF80  }
0x244: {  	v3 =	vld [tilespmem:$0x0];
	_ =	sdelay $0x4  }
0x245: {  	v48 =	vshll.u32 v3, $0x1  }
0x246: {  	v3 =	vand.u32 $0x7, v3;
	v4 =	vand.u32 $0xFFFFFFF0, v48  }
0x247: {  	v3 =	vor.u32 v3, v4  }
0x248: {  	v4 =	vperm.xlane v3, v0;
	_ =	sdelay $0x1  }
0x249: {  	v3 =	vperm.xlane v3, v2;
	v4 =	vadd.s32 v1, v4;
	_ =	sdelay $0x1  }
0x24a: {  	v3 =	vadd.s32 v1, v3;
	_ =	sdelay $0x2  }
0x24b: {  	[tilespmem:s15], [sflag:$0x1] =	stream.indirect_vreg.gather [hbm4b:s3+s2], $0x80, v4, vm0, $0xb8;
	[tilespmem:$0x8080] =	vst v63  }
0x24c: {  	_ = 	snop  }
0x24d: {  	[tilespmem:s16], [sflag:$0x1] =	stream.indirect_vreg.gather [hbm4b:s3+s2], $0x80, v3, vm0, $0xb8;
	[tilespmem:$0x8080] =	vst v63  }
0x24e: {  	v3 =	vld [tilespmem:$0x10];
	_ =	sdelay $0x4  }
0x24f: {  	v49 =	vshll.u32 v3, $0x1  }
0x250: {  	v3 =	vand.u32 $0x7, v3;
	v4 =	vand.u32 $0xFFFFFFF0, v49  }
0x251: {  	v3 =	vor.u32 v3, v4  }
0x252: {  	v4 =	vperm.xlane v3, v0;
	_ =	sdelay $0x1  }
0x253: {  	v3 =	vperm.xlane v3, v2;
	v4 =	vadd.s32 v1, v4;
	_ =	sdelay $0x1  }
0x254: {  	v3 =	vadd.s32 v1, v3;
	_ =	sdelay $0x2  }
0x255: {  	[tilespmem:s17], [sflag:$0x1] =	stream.indirect_vreg.gather [hbm4b:s3+s2], $0x80, v4, vm0, $0xb8;
	[tilespmem:$0x8080] =	vst v63  }
0x256: {  	_ = 	snop  }
0x257: {  	[tilespmem:s18], [sflag:$0x1] =	stream.indirect_vreg.gather [hbm4b:s3+s2], $0x80, v3, vm0, $0xb8;
	[tilespmem:$0x8080] =	vst v63  }
0x258: {  	v3 =	vld [tilespmem:$0x20];
	_ =	sdelay $0x4  }
0x259: {  	v50 =	vshll.u32 v3, $0x1  }
0x25a: {  	v3 =	vand.u32 $0x7, v3;
	v4 =	vand.u32 $0xFFFFFFF0, v50  }
0x25b: {  	v3 =	vor.u32 v3, v4  }
0x25c: {  	v4 =	vperm.xlane v3, v0;
	_ =	sdelay $0x1  }
0x25d: {  	v3 =	vperm.xlane v3, v2;
	v4 =	vadd.s32 v1, v4;
	_ =	sdelay $0x1  }
0x25e: {  	v3 =	vadd.s32 v1, v3;
	_ =	sdelay $0x2  }
0x25f: {  	[tilespmem:s19], [sflag:$0x1] =	stream.indirect_vreg.gather [hbm4b:s3+s2], $0x80, v4, vm0, $0xb8;
	[tilespmem:$0x8080] =	vst v63  }
0x260: {  	_ = 	snop  }
0x261: {  	[tilespmem:s20], [sflag:$0x1] =	stream.indirect_vreg.gather [hbm4b:s3+s2], $0x80, v3, vm0, $0xb8;
	[tilespmem:$0x8080] =	vst v63  }
0x262: {  	v3 =	vld [tilespmem:$0x30];
	_ =	sdelay $0x4  }
0x263: {  	v51 =	vshll.u32 v3, $0x1  }
0x264: {  	v3 =	vand.u32 $0x7, v3;
	v4 =	vand.u32 $0xFFFFFFF0, v51  }
0x265: {  	v3 =	vor.u32 v3, v4  }
0x266: {  	v4 =	vperm.xlane v3, v0;
	_ =	sdelay $0x1  }
0x267: {  	v3 =	vperm.xlane v3, v2;
	v4 =	vadd.s32 v1, v4;
	_ =	sdelay $0x1  }
0x268: {  	v3 =	vadd.s32 v1, v3;
	_ =	sdelay $0x2  }
0x269: {  	[tilespmem:s21], [sflag:$0x1] =	stream.indirect_vreg.gather [hbm4b:s3+s2], $0x80, v4, vm0, $0xb8;
	[tilespmem:$0x8080] =	vst v63  }
0x26a: {  	_ = 	snop  }
0x26b: {  	[tilespmem:s22], [sflag:$0x1] =	stream.indirect_vreg.gather [hbm4b:s3+s2], $0x80, v3, vm0, $0xb8;
	[tilespmem:$0x8080] =	vst v63  }
0x26c: {  	v3 =	vld [tilespmem:$0x40];
	_ =	sdelay $0x4  }
0x26d: {  	v52 =	vshll.u32 v3, $0x1  }
0x26e: {  	v3 =	vand.u32 $0x7, v3;
	v4 =	vand.u32 $0xFFFFFFF0, v52  }
0x26f: {  	v3 =	vor.u32 v3, v4  }
0x270: {  	v4 =	vperm.xlane v3, v0;
	_ =	sdelay $0x1  }
0x271: {  	v3 =	vperm.xlane v3, v2;
	v4 =	vadd.s32 v1, v4;
	_ =	sdelay $0x1  }
0x272: {  	v3 =	vadd.s32 v1, v3;
	_ =	sdelay $0x2  }
0x273: {  	[tilespmem:s23], [sflag:$0x1] =	stream.indirect_vreg.gather [hbm4b:s3+s2], $0x80, v4, vm0, $0xb8;
	[tilespmem:$0x8080] =	vst v63  }
0x274: {  	_ = 	snop  }
0x275: {  	[tilespmem:s24], [sflag:$0x1] =	stream.indirect_vreg.gather [hbm4b:s3+s2], $0x80, v3, vm0, $0xb8;
	[tilespmem:$0x8080] =	vst v63  }
0x276: {  	v3 =	vld [tilespmem:$0x50];
	_ =	sdelay $0x4  }
0x277: {  	v53 =	vshll.u32 v3, $0x1  }
0x278: {  	v3 =	vand.u32 $0x7, v3;
	v4 =	vand.u32 $0xFFFFFFF0, v53  }
0x279: {  	v3 =	vor.u32 v3, v4  }
0x27a: {  	v4 =	vperm.xlane v3, v0;
	_ =	sdelay $0x1  }
0x27b: {  	v3 =	vperm.xlane v3, v2;
	v4 =	vadd.s32 v1, v4;
	_ =	sdelay $0x1  }
0x27c: {  	v3 =	vadd.s32 v1, v3;
	_ =	sdelay $0x2  }
0x27d: {  	[tilespmem:s25], [sflag:$0x1] =	stream.indirect_vreg.gather [hbm4b:s3+s2], $0x80, v4, vm0, $0xb8;
	[tilespmem:$0x8080] =	vst v63  }
0x27e: {  	_ = 	snop  }
0x27f: {  	[tilespmem:s26], [sflag:$0x1] =	stream.indirect_vreg.gather [hbm4b:s3+s2], $0x80, v3, vm0, $0xb8;
	[tilespmem:$0x8080] =	vst v63  }
0x280: {  	v3 =	vld [tilespmem:$0x60];
	_ =	sdelay $0x4  }
0x281: {  	v54 =	vshll.u32 v3, $0x1  }
0x282: {  	v3 =	vand.u32 $0x7, v3;
	v4 =	vand.u32 $0xFFFFFFF0, v54  }
0x283: {  	v3 =	vor.u32 v3, v4  }
0x284: {  	v4 =	vperm.xlane v3, v0;
	_ =	sdelay $0x1  }
0x285: {  	v3 =	vperm.xlane v3, v2;
	v4 =	vadd.s32 v1, v4;
	_ =	sdelay $0x1  }
0x286: {  	v3 =	vadd.s32 v1, v3;
	_ =	sdelay $0x2  }
0x287: {  	[tilespmem:s28], [sflag:$0x1] =	stream.indirect_vreg.gather [hbm4b:s3+s2], $0x80, v4, vm0, $0xb8;
	[tilespmem:$0x8080] =	vst v63  }
0x288: {  	_ = 	snop  }
0x289: {  	[tilespmem:s29], [sflag:$0x1] =	stream.indirect_vreg.gather [hbm4b:s3+s2], $0x80, v3, vm0, $0xb8;
	[tilespmem:$0x8080] =	vst v63  }
0x28a: {  	v3 =	vld [tilespmem:$0x70];
	_ =	sdelay $0x4  }
0x28b: {  	v55 =	vshll.u32 v3, $0x1  }
0x28c: {  	v3 =	vand.u32 $0x7, v3;
	v4 =	vand.u32 $0xFFFFFFF0, v55  }
0x28d: {  	v3 =	vor.u32 v3, v4  }
0x28e: {  	v4 =	vperm.xlane v3, v0;
	_ =	sdelay $0x1  }
0x28f: {  	v3 =	vperm.xlane v3, v2;
	v4 =	vadd.s32 v1, v4;
	_ =	sdelay $0x1  }
0x290: {  	v3 =	vadd.s32 v1, v3;
	_ =	sdelay $0x2  }
0x291: {  	[tilespmem:s30], [sflag:$0x1] =	stream.indirect_vreg.gather [hbm4b:s3+s2], $0x80, v4, vm0, $0xb8;
	[tilespmem:$0x8080] =	vst v63  }
0x292: {  	_ = 	snop  }
0x293: {  	[tilespmem:s31], [sflag:$0x1] =	stream.indirect_vreg.gather [hbm4b:s3+s2], $0x80, v3, vm0, $0xb8;
	[tilespmem:$0x8080] =	vst v63  }
0x294: {  	_ =	swait.ge [sflag:s0], $0x8000  }
0x295: {  	[sflag:s0] =	ssyncset.done $0x0  }
0x296: {  	[sflag:s0] =	ssyncadd.s32 $0xFFFF8000  }
0x297: {  	[hbm4b:s10+s2] =	stream.linear.scatter [tilespmem:s15], [sflag:$0x2], $0x8000, $0x38;
	[tilespmem:$0x8080] =	vst v63  }
0x298: {  	_ =	swait.ge [sflag:s14], $0x8000  }
0x299: {  	[sflag:s14] =	ssyncset.done $0x0  }
0x29a: {  	[sflag:s14] =	ssyncadd.s32 $0xFFFF8000  }
0x29b: {  	[tilespmem:s2], [sflag:$0x2] =	stream.linear.gather [hbm4b:s11+s2], $0x80, $0x38;
	[tilespmem:$0x8080] =	vst v63  }
0x29c: {  	_ =	swait.ge [sflag:s14], $0x80  }
0x29d: {  	[sflag:s14] =	ssyncset.done $0x0  }
0x29e: {  	[sflag:s14] =	ssyncadd.s32 $0xFFFFFF80  }
0x29f: {  	v3 =	vld [tilespmem:$0x0];
	_ =	sdelay $0x4  }
0x2a0: {  	v56 =	vshll.u32 v3, $0x1  }
0x2a1: {  	v3 =	vand.u32 $0x7, v3;
	v4 =	vand.u32 $0xFFFFFFF0, v56  }
0x2a2: {  	v3 =	vor.u32 v3, v4  }
0x2a3: {  	v4 =	vperm.xlane v3, v0;
	_ =	sdelay $0x1  }
0x2a4: {  	v3 =	vperm.xlane v3, v2;
	v4 =	vadd.s32 v1, v4;
	_ =	sdelay $0x1  }
0x2a5: {  	v3 =	vadd.s32 v1, v3;
	_ =	sdelay $0x2  }
0x2a6: {  	[tilespmem:s15], [sflag:$0x1] =	stream.indirect_vreg.gather [hbm4b:s3+s2], $0x80, v4, vm0, $0xb8;
	[tilespmem:$0x8080] =	vst v63  }
0x2a7: {  	_ = 	snop  }
0x2a8: {  	[tilespmem:s16], [sflag:$0x1] =	stream.indirect_vreg.gather [hbm4b:s3+s2], $0x80, v3, vm0, $0xb8;
	[tilespmem:$0x8080] =	vst v63  }
0x2a9: {  	v3 =	vld [tilespmem:$0x10];
	_ =	sdelay $0x4  }
0x2aa: {  	v57 =	vshll.u32 v3, $0x1  }
0x2ab: {  	v3 =	vand.u32 $0x7, v3;
	v4 =	vand.u32 $0xFFFFFFF0, v57  }
0x2ac: {  	v3 =	vor.u32 v3, v4  }
0x2ad: {  	v4 =	vperm.xlane v3, v0;
	_ =	sdelay $0x1  }
0x2ae: {  	v3 =	vperm.xlane v3, v2;
	v4 =	vadd.s32 v1, v4;
	_ =	sdelay $0x1  }
0x2af: {  	v3 =	vadd.s32 v1, v3;
	_ =	sdelay $0x2  }
0x2b0: {  	[tilespmem:s17], [sflag:$0x1] =	stream.indirect_vreg.gather [hbm4b:s3+s2], $0x80, v4, vm0, $0xb8;
	[tilespmem:$0x8080] =	vst v63  }
0x2b1: {  	_ = 	snop  }
0x2b2: {  	[tilespmem:s18], [sflag:$0x1] =	stream.indirect_vreg.gather [hbm4b:s3+s2], $0x80, v3, vm0, $0xb8;
	[tilespmem:$0x8080] =	vst v63  }
0x2b3: {  	v3 =	vld [tilespmem:$0x20];
	_ =	sdelay $0x4  }
0x2b4: {  	v58 =	vshll.u32 v3, $0x1  }
0x2b5: {  	v3 =	vand.u32 $0x7, v3;
	v4 =	vand.u32 $0xFFFFFFF0, v58  }
0x2b6: {  	v3 =	vor.u32 v3, v4  }
0x2b7: {  	v4 =	vperm.xlane v3, v0;
	_ =	sdelay $0x1  }
0x2b8: {  	v3 =	vperm.xlane v3, v2;
	v4 =	vadd.s32 v1, v4;
	_ =	sdelay $0x1  }
0x2b9: {  	v3 =	vadd.s32 v1, v3;
	_ =	sdelay $0x2  }
0x2ba: {  	[tilespmem:s19], [sflag:$0x1] =	stream.indirect_vreg.gather [hbm4b:s3+s2], $0x80, v4, vm0, $0xb8;
	[tilespmem:$0x8080] =	vst v63  }
0x2bb: {  	_ = 	snop  }
0x2bc: {  	[tilespmem:s20], [sflag:$0x1] =	stream.indirect_vreg.gather [hbm4b:s3+s2], $0x80, v3, vm0, $0xb8;
	[tilespmem:$0x8080] =	vst v63  }
0x2bd: {  	v3 =	vld [tilespmem:$0x30];
	_ =	sdelay $0x4  }
0x2be: {  	v59 =	vshll.u32 v3, $0x1  }
0x2bf: {  	v3 =	vand.u32 $0x7, v3;
	v4 =	vand.u32 $0xFFFFFFF0, v59  }
0x2c0: {  	v3 =	vor.u32 v3, v4  }
0x2c1: {  	v4 =	vperm.xlane v3, v0;
	_ =	sdelay $0x1  }
0x2c2: {  	v3 =	vperm.xlane v3, v2;
	v4 =	vadd.s32 v1, v4;
	_ =	sdelay $0x1  }
0x2c3: {  	v3 =	vadd.s32 v1, v3;
	_ =	sdelay $0x2  }
0x2c4: {  	[tilespmem:s21], [sflag:$0x1] =	stream.indirect_vreg.gather [hbm4b:s3+s2], $0x80, v4, vm0, $0xb8;
	[tilespmem:$0x8080] =	vst v63  }
0x2c5: {  	_ = 	snop  }
0x2c6: {  	[tilespmem:s22], [sflag:$0x1] =	stream.indirect_vreg.gather [hbm4b:s3+s2], $0x80, v3, vm0, $0xb8;
	[tilespmem:$0x8080] =	vst v63  }
0x2c7: {  	v3 =	vld [tilespmem:$0x40];
	_ =	sdelay $0x4  }
0x2c8: {  	v60 =	vshll.u32 v3, $0x1  }
0x2c9: {  	v3 =	vand.u32 $0x7, v3;
	v4 =	vand.u32 $0xFFFFFFF0, v60  }
0x2ca: {  	v3 =	vor.u32 v3, v4  }
0x2cb: {  	v4 =	vperm.xlane v3, v0;
	_ =	sdelay $0x1  }
0x2cc: {  	v3 =	vperm.xlane v3, v2;
	v4 =	vadd.s32 v1, v4;
	_ =	sdelay $0x1  }
0x2cd: {  	v3 =	vadd.s32 v1, v3;
	_ =	sdelay $0x2  }
0x2ce: {  	[tilespmem:s23], [sflag:$0x1] =	stream.indirect_vreg.gather [hbm4b:s3+s2], $0x80, v4, vm0, $0xb8;
	[tilespmem:$0x8080] =	vst v63  }
0x2cf: {  	_ = 	snop  }
0x2d0: {  	[tilespmem:s24], [sflag:$0x1] =	stream.indirect_vreg.gather [hbm4b:s3+s2], $0x80, v3, vm0, $0xb8;
	[tilespmem:$0x8080] =	vst v63  }
0x2d1: {  	v3 =	vld [tilespmem:$0x50];
	_ =	sdelay $0x4  }
0x2d2: {  	v61 =	vshll.u32 v3, $0x1  }
0x2d3: {  	v3 =	vand.u32 $0x7, v3;
	v4 =	vand.u32 $0xFFFFFFF0, v61  }
0x2d4: {  	v3 =	vor.u32 v3, v4  }
0x2d5: {  	v4 =	vperm.xlane v3, v0;
	_ =	sdelay $0x1  }
0x2d6: {  	v3 =	vperm.xlane v3, v2;
	v4 =	vadd.s32 v1, v4;
	_ =	sdelay $0x1  }
0x2d7: {  	v3 =	vadd.s32 v1, v3;
	_ =	sdelay $0x2  }
0x2d8: {  	[tilespmem:s25], [sflag:$0x1] =	stream.indirect_vreg.gather [hbm4b:s3+s2], $0x80, v4, vm0, $0xb8;
	[tilespmem:$0x8080] =	vst v63  }
0x2d9: {  	_ = 	snop  }
0x2da: {  	[tilespmem:s26], [sflag:$0x1] =	stream.indirect_vreg.gather [hbm4b:s3+s2], $0x80, v3, vm0, $0xb8;
	[tilespmem:$0x8080] =	vst v63  }
0x2db: {  	v3 =	vld [tilespmem:$0x60];
	_ =	sdelay $0x4  }
0x2dc: {  	v62 =	vshll.u32 v3, $0x1  }
0x2dd: {  	v3 =	vand.u32 $0x7, v3;
	v4 =	vand.u32 $0xFFFFFFF0, v62  }
0x2de: {  	v3 =	vor.u32 v3, v4  }
0x2df: {  	v4 =	vperm.xlane v3, v0;
	_ =	sdelay $0x1  }
0x2e0: {  	v3 =	vperm.xlane v3, v2;
	v4 =	vadd.s32 v1, v4;
	_ =	sdelay $0x1  }
0x2e1: {  	v3 =	vadd.s32 v1, v3;
	_ =	sdelay $0x2  }
0x2e2: {  	[tilespmem:s28], [sflag:$0x1] =	stream.indirect_vreg.gather [hbm4b:s3+s2], $0x80, v4, vm0, $0xb8;
	[tilespmem:$0x8080] =	vst v63  }
0x2e3: {  	_ = 	snop  }
0x2e4: {  	[tilespmem:s29], [sflag:$0x1] =	stream.indirect_vreg.gather [hbm4b:s3+s2], $0x80, v3, vm0, $0xb8;
	[tilespmem:$0x8080] =	vst v63  }
0x2e5: {  	v3 =	vld [tilespmem:$0x70];
	_ =	sdelay $0x4  }
0x2e6: {  	v63 =	vshll.u32 v3, $0x1  }
0x2e7: {  	v3 =	vand.u32 $0x7, v3;
	v4 =	vand.u32 $0xFFFFFFF0, v63  }
0x2e8: {  	v3 =	vor.u32 v3, v4  }
0x2e9: {  	v4 =	vperm.xlane v3, v0;
	_ =	sdelay $0x1  }
0x2ea: {  	v3 =	vperm.xlane v3, v2;
	v4 =	vadd.s32 v1, v4;
	_ =	sdelay $0x1  }
0x2eb: {  	v3 =	vadd.s32 v1, v3;
	_ =	sdelay $0x2  }
0x2ec: {  	[tilespmem:s30], [sflag:$0x1] =	stream.indirect_vreg.gather [hbm4b:s3+s2], $0x80, v4, vm0, $0xb8;
	[tilespmem:$0x8080] =	vst v63  }
0x2ed: {  	_ = 	snop  }
0x2ee: {  	[tilespmem:s31], [sflag:$0x1] =	stream.indirect_vreg.gather [hbm4b:s3+s2], $0x80, v3, vm0, $0xb8;
	[tilespmem:$0x8080] =	vst v63  }
0x2ef: {  	_ =	swait.ge [sflag:s0], $0x8000  }
0x2f0: {  	p0 =	sne.s32 s13, $0x1;
	[sflag:s0] =	ssyncset.done $0x0  }
.Ltmp0:
0x2f1: {  	[sflag:s0] =	ssyncadd.s32 $0xFFFF8000;
	(pc) =	sbr.rel @p0 .LBB2_1-.Ltmp0, $4  }
0x2f2: {  	[hbm4b:s12+s2] =	stream.linear.scatter [tilespmem:s15], [sflag:$0x2], $0x8000, $0x38;
	[tilespmem:$0x8080] =	vst v63  }
0x2f3: {  	_ =	swait.ge [sflag:s14], $0x8000  }
0x2f4: {  	[sflag:s14] =	ssyncset.done $0x0  }
0x2f5: {  	s13 =	sadd.s32 $0xFFFFFFFF, s13;
	[sflag:s14] =	ssyncadd.s32 $0xFFFF8000  }
0x2f6: {  	_ =	sfence.sel $0x180000  }
0x2f7: {  	[bflag:$0x0] =	sbarrier.arrive $0xFFFF  }
0x2f8: {  	_ =	strace $0x9000004D  }
0x2f9: {  	s0 =	stileid.u32;
	[bflag:$0x2] =	sbarrier.arrive $0xFFFF  }
0x2fa: {  	p0 =	sne.s32 s0, $0x0;
	s0 =	rddreg [dreg:$0x2]  }
0x2fb: {  	s0 =	sadd.s32 @!p0 $0x100000, s0  }
0x2fc: {  	[sflag:s0] =	ssyncadd.tile.s32 @!p0 $0x1;
	_ =	shalt  }
.Lfunc_end2:
_tile_overlayer_lowered:
.L_overlay_start_2:
0x2fd: {  	(tag) =	ssettag $0x2  }
0x2fe: {  	s0 =	rddreg [dreg:$0x0];
	s2 =	stileid.u32  }
0x2ff: {  	s1 =	rddreg [dreg:$0x1];
	p0 =	sne.s32 s2, $0x0  }
0x300: {  	s3 =	rddreg [dreg:$0x2];
	[bflag:$0x3] =	sbarrier.arrive $0xFFFF;
	s2 =	simm.s32 @!p0 $0x1C02  }
0x301: {  	[timem:s3], [sflag:s2] =	dma.local @!p0 [hbm:s0], s1  }
0x302: {  	s0 =	simm.s32 @!p0 $0x2  }
0x303: {  	_ =	swait.ge @!p0 [sflag:s0], s1  }
0x304: {  	s1 =	ssub.s32 @!p0 $0x0, s1;
	[sflag:s0] =	ssyncset.done @!p0 $0x0  }
0x305: {  	[sflag:s0] =	ssyncadd.s32 @!p0 s1  }
0x306: {  	[bflag:$0x3] =	sbarrier.arrive $0xFFFF  }
0x307: {  	_ =	shalt  }

// kernel: kernel.20.cloned.1.call-start
scs
__scs_entry_jumppad:
0x0: {  	(pc) =	sbr.rel $0x88, $3  }
0x1: {  	(tag) =	ssettag $0x0;
	lr =	simm.s32 $0x1  }
0x2: {  	[smem:$0x3F9F] =	sst lr;
	_ =	strace $0xD0000000  }
0x3: {  	_ = 	snop  }
0x4: {  	_ = 	snop  }
0x5: {  	_ = 	snop  }
0x6: {  	_ = 	snop  }
0x7: {  	_ = 	snop  }
__scs_overlays_trampoline_lowered:
0x8: {  	[smem:$0x3FAE] =	sst s0  }
0x9: {  	[smem:$0x3FAF] =	sst s1  }
0xa: {  	[smem:$0x3FB0] =	sst s2  }
0xb: {  	[smem:$0x3FB1] =	sst s3  }
0xc: {  	[smem:$0x3FB2] =	sst s4  }
0xd: {  	[smem:$0x3FB3] =	sst s5  }
0xe: {  	[smem:$0x3FB4] =	sst s6  }
0xf: {  	[smem:$0x3FB5] =	sst s7  }
0x10: {  	[smem:$0x3FB6] =	sst s8  }
0x11: {  	[smem:$0x3FB7] =	sst s9;
	s0 =	simm.s32 @!p0 $0x0  }
0x12: {  	s1 =	sld [smem:$0x3F9D];
	s0 =	simm.s32 @p0 $0x1  }
0x13: {  	[smem:$0x3FB8] =	sst s0;
	s0 =	simm.s32 @!p1 $0x0  }
0x14: {  	s2 =	sld [smem:$0x3F9C];
	s0 =	simm.s32 @p1 $0x1  }
0x15: {  	[smem:$0x3FB9] =	sst s0;
	s0 =	simm.s32 @!p2 $0x0  }
0x16: {  	s3 =	sld [smem:$0x3FDB];
	s0 =	simm.s32 @p2 $0x1  }
0x17: {  	s4 =	simm.s32 $0x1BF5;
	[smem:$0x3FBB] =	sst s0  }
0x18: {  	s0 =	sld [smem:$0x3F9E];
	_ =	swait.ge [sflag:s4], $0x0  }
0x19: {  	s7 =	sld [smem:$0x3F9F]  }
0x1a: {  	s8 =	sadd.s32 $0xFFFFE003, lr  }
0x1b: {  	s9 =	sadd.s32 $0xFFFFFEF7, lr;
	s5 =	simm.s32 $0xFFFFFFFF;
	p2 =	slt.u32 s8, $0xFFFFF086  }
0x1c: {  	p1 =	slt.u32 s9, $0xF7A;
	s5 =	simm.s32 @!p2 $0x0  }
0x1d: {  	s5 =	simm.s32 @p1 $0x1;
	p0 =	seq.s32 s7, s2  }
0x1e: {  	s7 =	smul.u32 @!p0 $0xF7A, s2;
	p2 =	seq.s32 @!p0 s5, $0x0  }
0x1f: {  	s9 =	smul.u32 $0xF7A, s1;
	s8 =	simm.s32 @!p0 $0x1BF5;
	p2 =	por !p2, p0  }
0x20: {  	[sflag:s8] =	ssyncset.s32 @!p0 $0xFFFFF086;
	s6 =	sadd.s32 @!p0 s3, s7;
	s7 =	simm.s32 @!p0 $0x108  }
0x21: {  	s3 =	sadd.s32 s3, s9;
	s6 =	sadd.s32 @!p0 $0x88, s6;
	s7 =	simm.s32 @p2 $0x1082  }
0x22: {  	[simem:s7], [sflag:s8] =	dma.local @!p0 [hbm:s6], $0xF7A  }
0x23: {  	s9 =	sor.u32 $0xD0000000, s2;
	s6 =	simm.s32 $0x108;
	_ =	swait.ge @!p0 [sflag:s8], $0x0  }
0x24: {  	s3 =	sadd.s32 $0x88, s3;
	s6 =	simm.s32 @!p1 $0x1082;
	[sflag:s4] =	ssyncset.s32 $0xFFFFF086  }
0x25: {  	[simem:s6], [sflag:s4] =	dma.local [hbm:s3], $0xF7A  }
0x26: {  	[smem:$0x3F9F] =	sst s1;
	(tag) =	ssettag s2;
	_ =	strace s9  }
0x27: {  	s1 =	sld [smem:$0x3FAF]  }
0x28: {  	s2 =	sld [smem:$0x3FB0]  }
0x29: {  	s4 =	sld [smem:$0x3FB2]  }
0x2a: {  	p0 =	seq.s32 s5, $0x0;
	s5 =	sld [smem:$0x3FB3]  }
0x2b: {  	s6 =	sld [smem:$0x3FB4]  }
0x2c: {  	s7 =	sld [smem:$0x3FB5]  }
0x2d: {  	s3 =	simm.s32 $0x108;
	s8 =	sld [smem:$0x3FB6]  }
0x2e: {  	s3 =	simm.s32 @!p0 $0x1082;
	s9 =	sld [smem:$0x3FB7]  }
0x2f: {  	lr =	sadd.s32 s0, s3;
	s0 =	sld [smem:$0x3FAE]  }
0x30: {  	s3 =	sld [smem:$0x3FB1]  }
0x31: {  	[smem:$0x3FBA] =	sst s10  }
0x32: {  	s10 =	sld [smem:$0x3FB8];
	_ =	sdelay $0x3  }
0x33: {  	p0 =	seq.s32 s10, $0x1;
	s10 =	sld [smem:$0x3FBA];
	_ =	sdelay $0x3  }
0x34: {  	[smem:$0x3FBA] =	sst s10  }
0x35: {  	s10 =	sld [smem:$0x3FB9];
	_ =	sdelay $0x3  }
0x36: {  	p1 =	seq.s32 s10, $0x1;
	s10 =	sld [smem:$0x3FBA];
	_ =	sdelay $0x3  }
0x37: {  	[smem:$0x3FBA] =	sst s10  }
0x38: {  	s10 =	sld [smem:$0x3FBB]  }
0x39: {  	_ = 	snop;
	(pc) =	sbr.ind lr, $3  }
0x3a: {  	_ = 	snop  }
0x3b: {  	_ = 	snop  }
0x3c: {  	p2 =	seq.s32 s10, $0x1;
	s10 =	sld [smem:$0x3FBA]  }
0x3d: {  	_ =	shalt  }
0x3e: {  	_ =	shalt  }
0x3f: {  	_ =	shalt  }
0x40: {  	_ =	shalt  }
0x41: {  	_ =	shalt  }
0x42: {  	_ =	shalt  }
0x43: {  	_ =	shalt  }
0x44: {  	_ =	shalt  }
0x45: {  	_ =	shalt  }
0x46: {  	_ =	shalt  }
0x47: {  	_ =	shalt  }
0x48: {  	_ =	shalt  }
0x49: {  	_ =	shalt  }
0x4a: {  	_ =	shalt  }
0x4b: {  	_ =	shalt  }
0x4c: {  	_ =	shalt  }
0x4d: {  	_ =	shalt  }
0x4e: {  	_ =	shalt  }
0x4f: {  	_ =	shalt  }
0x50: {  	_ =	shalt  }
0x51: {  	_ =	shalt  }
0x52: {  	_ =	shalt  }
0x53: {  	_ =	shalt  }
0x54: {  	_ =	shalt  }
0x55: {  	_ =	shalt  }
0x56: {  	_ =	shalt  }
0x57: {  	_ =	shalt  }
0x58: {  	_ =	shalt  }
0x59: {  	_ =	shalt  }
0x5a: {  	_ =	shalt  }
0x5b: {  	_ =	shalt  }
0x5c: {  	_ =	shalt  }
0x5d: {  	_ =	shalt  }
0x5e: {  	_ =	shalt  }
0x5f: {  	_ =	shalt  }
0x60: {  	_ =	shalt  }
0x61: {  	_ =	shalt  }
0x62: {  	_ =	shalt  }
0x63: {  	_ =	shalt  }
0x64: {  	_ =	shalt  }
0x65: {  	_ =	shalt  }
0x66: {  	_ =	shalt  }
0x67: {  	_ =	shalt  }
0x68: {  	_ =	shalt  }
0x69: {  	_ =	shalt  }
0x6a: {  	_ =	shalt  }
0x6b: {  	_ =	shalt  }
0x6c: {  	_ =	shalt  }
0x6d: {  	_ =	shalt  }
0x6e: {  	_ =	shalt  }
0x6f: {  	_ =	shalt  }
0x70: {  	_ =	shalt  }
0x71: {  	_ =	shalt  }
0x72: {  	_ =	shalt  }
0x73: {  	_ =	shalt  }
0x74: {  	_ =	shalt  }
0x75: {  	_ =	shalt  }
0x76: {  	_ =	shalt  }
0x77: {  	_ =	shalt  }
0x78: {  	_ =	shalt  }
0x79: {  	_ =	shalt  }
0x7a: {  	_ =	shalt  }
0x7b: {  	_ =	shalt  }
0x7c: {  	_ =	shalt  }
0x7d: {  	_ =	shalt  }
0x7e: {  	_ =	shalt  }
0x7f: {  	_ =	shalt  }
0x80: {  	_ =	shalt  }
0x81: {  	_ =	shalt  }
0x82: {  	_ =	shalt  }
0x83: {  	_ =	shalt  }
0x84: {  	_ =	shalt  }
0x85: {  	_ =	shalt  }
0x86: {  	_ =	shalt  }
0x87: {  	_ =	shalt  }
.Lfunc_end0:
.L_simem_size_0:
called_computation.3_lowered:
.L_overlay_start_0:
0x88: {  	s2 =	sld [smem:$0x3FD9]  }
0x89: {  	s3 =	sld [smem:$0x3FFE];
	_ =	sdelay $0x1  }
0x8a: {  	s1 =	srdreg.scid  }
0x8b: {  	s0 =	sand.u32 $0x1, s1  }
0x8c: {  	s14 =	sshll.u32 s0, $0xA;
	s2 =	sadd.s32 s3, s2  }
0x8d: {  	s2 =	sadd.s32 s2, s14  }
0x8e: {  	[smem:$0x3FC6] =	sst s2  }
0x8f: {  	_ = 	snop  }
0x90: {  	s2 =	sld [smem:$0x3FD0];
	_ =	sdelay $0x2  }
0x91: {  	s15 =	simm.s32 $0xA;
	s4 =	simm.s32 $0x10  }
0x92: {  	[smem:s4], [sflag:s15] =	dma.local [hbm:s2], $0x1  }
0x93: {  	_ =	swait.eq [sflag:s15], $0x1  }
0x94: {  	[sflag:s15] =	ssyncset.done $0x0  }
0x95: {  	[sflag:s15] =	ssyncadd.s32 $0xFFFFFFFF  }
0x96: {  	s16 =	sld [smem:$0x10];
	(tm) =	ssettm $0x1  }
0x97: {  	s17 =	sld [smem:$0x3FFB];
	_ =	sdelay $0x3  }
0x98: {  	_ =	strace s17  }
0x99: {  	s3 =	sld [smem:$0x3FFC];
	_ =	sdelay $0x3  }
0x9a: {  	_ =	strace s3  }
0x9b: {  	s3 =	sld [smem:$0x3FFD];
	_ =	sdelay $0x3  }
0x9c: {  	_ =	strace s3  }
0x9d: {  	_ =	strace $0x8FFFFFFF  }
0x9e: {  	s18 =	sld [smem:$0x3FDB];
	_ =	sdelay $0x1  }
0x9f: {  	s19 =	simm.s32 $_scs_section_size  }
0xa0: {  	s5 =	simm.s32 $_size__tile_overlayer_lowered;
	s6 =	simm.s32 $_tile_overlayer_lowered  }
0xa1: {  	s22 =	simm.s32 $0x1BFF;
	s21 =	sshll.u32 s6, $0x1;
	s3 =	sadd.s32 s19, s18  }
0xa2: {  	s7 =	simm.s32 $0x0;
	s20 =	sshll.u32 s5, $0x1;
	s5 =	sadd.s32 s21, s3  }
0xa3: {  	[timem:s7], [sflag:s22] =	dma.local [hbm:s5], s20  }
0xa4: {  	_ =	swait.ge [sflag:s22], s20  }
0xa5: {  	s4 =	ssub.s32 $0x0, s20;
	[sflag:s22] =	ssyncset.done $0x0  }
0xa6: {  	[sflag:s22] =	ssyncadd.s32 s4;
	_ =	sdelay $0x1  }
0xa7: {  	s23 =	simm.s32 $0x1B8B  }
0xa8: {  	_ =	swait.ge [sflag:s23], $0x1  }
0xa9: {  	[sflag:s23] =	ssyncset.done $0x0  }
0xaa: {  	s25 =	simm.s32 $0x1B8E;
	s24 =	sld [smem:$0x3FFE];
	[sflag:s23] =	ssyncadd.s32 $0xFFFFFFFF  }
0xab: {  	s26 =	simm.s32 $execute0_lowered;
	[smem:$0x3FD2] =	sst s25  }
0xac: {  	s5 =	sshll.u32 s26, $0x1;
	_ =	strace $0x8000004F;
	[dreg:$0x1] =	wrdreg $0xFFFFFFFF  }
0xad: {  	s28 =	simm.s32 $_size_execute0_lowered;
	s3 =	sadd.s32 s3, s5;
	[dreg:$0x0] =	wrdreg $0x0  }
0xae: {  	s5 =	sshll.u32 s28, $0x1;
	[dreg:$0x2] =	wrdreg s3  }
0xaf: {  	[dreg:$0x3] =	wrdreg s5  }
0xb0: {  	[dreg:$0x4] =	wrdreg $0xC0  }
0xb1: {  	_ =	task [dreg:s7], $0x5FFFF  }
0xb2: {  	[dreg:$0x1] =	wrdreg $0xFFFFFFFF  }
0xb3: {  	[dreg:$0x0] =	wrdreg $0x60  }
0xb4: {  	[dreg:$0x2] =	wrdreg s24  }
0xb5: {  	[dreg:$0x3] =	wrdreg s16  }
0xb6: {  	[dreg:$0x4] =	wrdreg $0x9  }
0xb7: {  	_ =	task.clear_ibuf [dreg:s7], $0x5FFFF;
	_ =	strace $0x9000004F  }
0xb8: {  	s29 =	simm.s32 $0x9;
	_ =	strace $0x80000051  }
0xb9: {  	_ =	swait.ge [sflag:s29], $0x1  }
0xba: {  	[sflag:s29] =	ssyncadd.s32 $0xFFFFFFFF  }
0xbb: {  	_ =	strace $0x90000051  }
0xbc: {  	_ =	sfence  }
0xbd: {  	s30 =	sld [smem:$0x0];
	_ =	sdelay $0x2  }
0xbe: {  	s31 =	sshll.u32 s1, $0xD;
	s1 =	sshrl.u32 s1, $0x2  }
0xbf: {  	s3 =	sand.u32 $0x4000, s31;
	s1 =	sadd.s32 s1, s30  }
0xc0: {  	s0 =	sor.u32 s3, s0;
	s1 =	sshll.u32 s1, $0x11  }
0xc1: {  	s0 =	sor.u32 s1, s0  }
0xc2: {  	s0 =	sadd.s32 $0x8F2B, s0  }
0xc3: {  	[sflag:s0] =	ssyncadd.remote.s32 $0x1  }
0xc4: {  	_ =	sfence.sel $0xFFFF  }
0xc5: {  	[dreg:$0x0] =	wrdreg $0xFFFFFFFF;
	(pc) =	sbr.abs _section_cstart, $3  }
0xc6: {  	[dreg:$0x1] =	wrdreg $0xFFFFFFFF  }
0xc7: {  	_ =	task.clear_ibuf [dreg:s7], $0x2FFFF;
	_ =	strace $0x9FFFFFFF  }
0xc8: {  	(tm) =	ssettm $0x7FFFFFFF  }
0xc9: {  	_ =	shalt  }
tec
execute0_lowered:
.L_overlay_start_1:
0x0: {  	(tag) =	ssettag $0x1  }
0x1: {  	s0 =	rddreg [dreg:$0x0]  }
0x2: {  	s11 =	rddreg [dreg:$0x1];
	s3 =	srdreg.scid  }
0x3: {  	s2 =	simm.s32 $0x0;
	s1 =	stileid.u32;
	s28 =	simm.s32 $0x6080  }
0x4: {  	s29 =	simm.s32 $0x6880;
	s30 =	simm.s32 $0x7080;
	s31 =	simm.s32 $0x7880  }
0x5: {  	s4 =	sand.u32 $0x1, s3;
	[smem:$0x7FF] =	sst s2;
	s5 =	sshll.u32 s1, $0xB  }
0x6: {  	s3 =	sadd.s32 $0x4200, s0;
	s0 =	sadd.s32 $0x2C5400, s0;
	s6 =	sshll.u32 s4, $0xA  }
0x7: {  	_ =	strace $0x80000050;
	s4 =	ssub.s32 $0x2, s4;
	s10 =	sor.u32 s6, s5  }
0x8: {  	s14 =	sshrl.u32 s4, $0x1;
	s5 =	sshrl.u32 s10, $0x3;
	s6 =	sshll.u32 s10, $0x5  }
0x9: {  	s7 =	sor.u32 $0x80, s10;
	s13 =	sor.u32 $0x100, s10;
	s20 =	sor.u32 $0x200, s10  }
0xa: {  	s23 =	sor.u32 $0x280, s10;
	s5 =	sadd.s32 s11, s5;
	s26 =	sadd.s32 s0, s6  }
0xb: {  	s1 =	sshrl.u32 s7, $0x3;
	s9 =	sshll.u32 s7, $0x5;
	s15 =	sshrl.u32 s13, $0x3  }
0xc: {  	s6 =	sshll.u32 s13, $0x5;
	s13 =	ssub.s32 s4, s14;
	s21 =	sshrl.u32 s20, $0x3  }
0xd: {  	s22 =	sshll.u32 s20, $0x5;
	s24 =	sshrl.u32 s23, $0x3;
	[dreg:$0x3] =	wrdreg s5  }
0xe: {  	s14 =	sor.u32 $0x380, s10;
	s20 =	simm.s32 $0x2880;
	[dreg:$0x4] =	wrdreg s26  }
0xf: {  	s8 =	sadd.s32 s11, s1;
	s12 =	sadd.s32 s0, s9;
	s5 =	sadd.s32 s11, s15  }
0x10: {  	s16 =	sadd.s32 s0, s6;
	s6 =	sadd.s32 s0, s22;
	s9 =	sshll.u32 s23, $0x5  }
0x11: {  	s7 =	sadd.s32 s11, s24;
	s26 =	sshrl.u32 s14, $0x3;
	s14 =	sshll.u32 s14, $0x5  }
0x12: {  	s13 =	smax.u32 s13, $0x1;
	s15 =	simm.s32 $0x80;
	[dreg:$0x5] =	wrdreg s8  }
0x13: {  	s22 =	simm.s32 $0x3880;
	s23 =	simm.s32 $0x4080;
	[dreg:$0x6] =	wrdreg s12  }
0x14: {  	s24 =	simm.s32 $0x4880;
	s8 =	sor.u32 $0x180, s10;
	[dreg:$0x7] =	wrdreg s5  }
0x15: {  	[dreg:$0x8] =	wrdreg s16;
	s5 =	sadd.s32 s11, s21;
	s12 =	sor.u32 $0x300, s10  }
0x16: {  	s16 =	simm.s32 $0x880;
	s21 =	simm.s32 $0x3080;
	s17 =	sshrl.u32 s8, $0x3  }
0x17: {  	s19 =	sshll.u32 s8, $0x5;
	s8 =	sadd.s32 s0, s9;
	s25 =	sshrl.u32 s12, $0x3  }
0x18: {  	s12 =	sshll.u32 s12, $0x5;
	s18 =	sadd.s32 s11, s17;
	s4 =	sadd.s32 s0, s19  }
0x19: {  	s9 =	sadd.s32 s11, s25;
	s10 =	sadd.s32 s0, s12;
	s11 =	sadd.s32 s11, s26  }
0x1a: {  	v2 =	vlaneseq.u32;
	s12 =	sadd.s32 s0, s14;
	s14 =	simm.s32 $0x2;
	s17 =	simm.s32 $0x1080  }
0x1b: {  	vm0 =	vmmov $0xffff;
	v1 =	vshrl.u32 v2, $0x3;
	s19 =	simm.s32 $0x2080;
	s25 =	simm.s32 $0x5080;
	s26 =	simm.s32 $0x5880  }
0x1c: {  	v0 =	vand.u32 $0x7, v2;
	v2 =	vor.u32 $0x8, v2;
	v1 =	vmul.u32 $0x8, v1;
	s0 =	simm.s32 $0x1;
	[dreg:$0x9] =	wrdreg s18;
	s18 =	simm.s32 $0x1880  }
.LBB2_1:
0x1d: {  	s1 =	rddreg [dreg:$0x3]  }
0x1e: {  	[tilespmem:s2], [sflag:$0x2] =	stream.linear.gather [hbm4b:s1+s2], $0x80, $0x38;
	[tilespmem:$0x8080] =	vst v63  }
0x1f: {  	_ =	swait.ge [sflag:s14], $0x80  }
0x20: {  	[sflag:s14] =	ssyncset.done $0x0  }
0x21: {  	[sflag:s14] =	ssyncadd.s32 $0xFFFFFF80  }
0x22: {  	v3 =	vld [tilespmem:$0x0];
	_ =	sdelay $0x4  }
0x23: {  	v4 =	vshll.u32 v3, $0x1  }
0x24: {  	v3 =	vand.u32 $0x7, v3;
	v4 =	vand.u32 $0xFFFFFFF0, v4  }
0x25: {  	v3 =	vor.u32 v3, v4  }
0x26: {  	v4 =	vperm.xlane v3, v0;
	_ =	sdelay $0x1  }
0x27: {  	v3 =	vperm.xlane v3, v2;
	v4 =	vadd.s32 v1, v4;
	_ =	sdelay $0x1  }
0x28: {  	v3 =	vadd.s32 v1, v3;
	_ =	sdelay $0x2  }
0x29: {  	[tilespmem:s15], [sflag:$0x1] =	stream.indirect_vreg.gather [hbm4b:s3+s2], $0x80, v4, vm0, $0xb8;
	[tilespmem:$0x8080] =	vst v63  }
0x2a: {  	_ = 	snop  }
0x2b: {  	[tilespmem:s16], [sflag:$0x1] =	stream.indirect_vreg.gather [hbm4b:s3+s2], $0x80, v3, vm0, $0xb8;
	[tilespmem:$0x8080] =	vst v63  }
0x2c: {  	v3 =	vld [tilespmem:$0x10];
	_ =	sdelay $0x4  }
0x2d: {  	v57 =	vshll.u32 v3, $0x1  }
0x2e: {  	v3 =	vand.u32 $0x7, v3;
	v4 =	vand.u32 $0xFFFFFFF0, v57  }
0x2f: {  	v3 =	vor.u32 v3, v4  }
0x30: {  	v4 =	vperm.xlane v3, v0;
	_ =	sdelay $0x1  }
0x31: {  	v3 =	vperm.xlane v3, v2;
	v4 =	vadd.s32 v1, v4;
	_ =	sdelay $0x1  }
0x32: {  	v3 =	vadd.s32 v1, v3;
	_ =	sdelay $0x2  }
0x33: {  	[tilespmem:s17], [sflag:$0x1] =	stream.indirect_vreg.gather [hbm4b:s3+s2], $0x80, v4, vm0, $0xb8;
	[tilespmem:$0x8080] =	vst v63  }
0x34: {  	_ = 	snop  }
0x35: {  	[tilespmem:s18], [sflag:$0x1] =	stream.indirect_vreg.gather [hbm4b:s3+s2], $0x80, v3, vm0, $0xb8;
	[tilespmem:$0x8080] =	vst v63  }
0x36: {  	v3 =	vld [tilespmem:$0x20];
	_ =	sdelay $0x4  }
0x37: {  	v58 =	vshll.u32 v3, $0x1  }
0x38: {  	v3 =	vand.u32 $0x7, v3;
	v4 =	vand.u32 $0xFFFFFFF0, v58  }
0x39: {  	v3 =	vor.u32 v3, v4  }
0x3a: {  	v4 =	vperm.xlane v3, v0;
	_ =	sdelay $0x1  }
0x3b: {  	v3 =	vperm.xlane v3, v2;
	v4 =	vadd.s32 v1, v4;
	_ =	sdelay $0x1  }
0x3c: {  	v3 =	vadd.s32 v1, v3;
	_ =	sdelay $0x2  }
0x3d: {  	[tilespmem:s19], [sflag:$0x1] =	stream.indirect_vreg.gather [hbm4b:s3+s2], $0x80, v4, vm0, $0xb8;
	[tilespmem:$0x8080] =	vst v63  }
0x3e: {  	_ = 	snop  }
0x3f: {  	[tilespmem:s20], [sflag:$0x1] =	stream.indirect_vreg.gather [hbm4b:s3+s2], $0x80, v3, vm0, $0xb8;
	[tilespmem:$0x8080] =	vst v63  }
0x40: {  	v3 =	vld [tilespmem:$0x30];
	_ =	sdelay $0x4  }
0x41: {  	v59 =	vshll.u32 v3, $0x1  }
0x42: {  	v3 =	vand.u32 $0x7, v3;
	v4 =	vand.u32 $0xFFFFFFF0, v59  }
0x43: {  	v3 =	vor.u32 v3, v4  }
0x44: {  	v4 =	vperm.xlane v3, v0;
	_ =	sdelay $0x1  }
0x45: {  	v3 =	vperm.xlane v3, v2;
	v4 =	vadd.s32 v1, v4;
	_ =	sdelay $0x1  }
0x46: {  	v3 =	vadd.s32 v1, v3;
	_ =	sdelay $0x2  }
0x47: {  	[tilespmem:s21], [sflag:$0x1] =	stream.indirect_vreg.gather [hbm4b:s3+s2], $0x80, v4, vm0, $0xb8;
	[tilespmem:$0x8080] =	vst v63  }
0x48: {  	_ = 	snop  }
0x49: {  	[tilespmem:s22], [sflag:$0x1] =	stream.indirect_vreg.gather [hbm4b:s3+s2], $0x80, v3, vm0, $0xb8;
	[tilespmem:$0x8080] =	vst v63  }
0x4a: {  	v3 =	vld [tilespmem:$0x40];
	_ =	sdelay $0x4  }
0x4b: {  	v60 =	vshll.u32 v3, $0x1  }
0x4c: {  	v3 =	vand.u32 $0x7, v3;
	v4 =	vand.u32 $0xFFFFFFF0, v60  }
0x4d: {  	v3 =	vor.u32 v3, v4  }
0x4e: {  	v4 =	vperm.xlane v3, v0;
	_ =	sdelay $0x1  }
0x4f: {  	v3 =	vperm.xlane v3, v2;
	v4 =	vadd.s32 v1, v4;
	_ =	sdelay $0x1  }
0x50: {  	v3 =	vadd.s32 v1, v3;
	_ =	sdelay $0x2  }
0x51: {  	[tilespmem:s23], [sflag:$0x1] =	stream.indirect_vreg.gather [hbm4b:s3+s2], $0x80, v4, vm0, $0xb8;
	[tilespmem:$0x8080] =	vst v63  }
0x52: {  	_ = 	snop  }
0x53: {  	[tilespmem:s24], [sflag:$0x1] =	stream.indirect_vreg.gather [hbm4b:s3+s2], $0x80, v3, vm0, $0xb8;
	[tilespmem:$0x8080] =	vst v63  }
0x54: {  	v3 =	vld [tilespmem:$0x50];
	_ =	sdelay $0x4  }
0x55: {  	v61 =	vshll.u32 v3, $0x1  }
0x56: {  	v3 =	vand.u32 $0x7, v3;
	v4 =	vand.u32 $0xFFFFFFF0, v61  }
0x57: {  	v3 =	vor.u32 v3, v4  }
0x58: {  	v4 =	vperm.xlane v3, v0;
	_ =	sdelay $0x1  }
0x59: {  	v3 =	vperm.xlane v3, v2;
	v4 =	vadd.s32 v1, v4;
	_ =	sdelay $0x1  }
0x5a: {  	v3 =	vadd.s32 v1, v3;
	_ =	sdelay $0x2  }
0x5b: {  	[tilespmem:s25], [sflag:$0x1] =	stream.indirect_vreg.gather [hbm4b:s3+s2], $0x80, v4, vm0, $0xb8;
	[tilespmem:$0x8080] =	vst v63  }
0x5c: {  	_ = 	snop  }
0x5d: {  	[tilespmem:s26], [sflag:$0x1] =	stream.indirect_vreg.gather [hbm4b:s3+s2], $0x80, v3, vm0, $0xb8;
	[tilespmem:$0x8080] =	vst v63  }
0x5e: {  	v3 =	vld [tilespmem:$0x60];
	_ =	sdelay $0x4  }
0x5f: {  	v62 =	vshll.u32 v3, $0x1  }
0x60: {  	v3 =	vand.u32 $0x7, v3;
	v4 =	vand.u32 $0xFFFFFFF0, v62  }
0x61: {  	v3 =	vor.u32 v3, v4  }
0x62: {  	v4 =	vperm.xlane v3, v0;
	_ =	sdelay $0x1  }
0x63: {  	v3 =	vperm.xlane v3, v2;
	v4 =	vadd.s32 v1, v4;
	_ =	sdelay $0x1  }
0x64: {  	v3 =	vadd.s32 v1, v3;
	_ =	sdelay $0x2  }
0x65: {  	[tilespmem:s28], [sflag:$0x1] =	stream.indirect_vreg.gather [hbm4b:s3+s2], $0x80, v4, vm0, $0xb8;
	[tilespmem:$0x8080] =	vst v63  }
0x66: {  	_ = 	snop  }
0x67: {  	[tilespmem:s29], [sflag:$0x1] =	stream.indirect_vreg.gather [hbm4b:s3+s2], $0x80, v3, vm0, $0xb8;
	[tilespmem:$0x8080] =	vst v63  }
0x68: {  	v3 =	vld [tilespmem:$0x70];
	_ =	sdelay $0x4  }
0x69: {  	v63 =	vshll.u32 v3, $0x1  }
0x6a: {  	v3 =	vand.u32 $0x7, v3;
	v4 =	vand.u32 $0xFFFFFFF0, v63  }
0x6b: {  	v3 =	vor.u32 v3, v4  }
0x6c: {  	v4 =	vperm.xlane v3, v0;
	_ =	sdelay $0x1  }
0x6d: {  	v3 =	vperm.xlane v3, v2;
	v4 =	vadd.s32 v1, v4;
	_ =	sdelay $0x1  }
0x6e: {  	v3 =	vadd.s32 v1, v3;
	_ =	sdelay $0x2  }
0x6f: {  	[tilespmem:s30], [sflag:$0x1] =	stream.indirect_vreg.gather [hbm4b:s3+s2], $0x80, v4, vm0, $0xb8;
	[tilespmem:$0x8080] =	vst v63  }
0x70: {  	_ = 	snop  }
0x71: {  	[tilespmem:s31], [sflag:$0x1] =	stream.indirect_vreg.gather [hbm4b:s3+s2], $0x80, v3, vm0, $0xb8;
	[tilespmem:$0x8080] =	vst v63  }
0x72: {  	_ =	swait.ge [sflag:s0], $0x8000  }
0x73: {  	[sflag:s0] =	ssyncset.done $0x0  }
0x74: {  	s1 =	rddreg [dreg:$0x4];
	[sflag:s0] =	ssyncadd.s32 $0xFFFF8000  }
0x75: {  	[hbm4b:s1+s2] =	stream.linear.scatter [tilespmem:s15], [sflag:$0x2], $0x8000, $0x38;
	[tilespmem:$0x8080] =	vst v63  }
0x76: {  	_ =	swait.ge [sflag:s14], $0x8000  }
0x77: {  	[sflag:s14] =	ssyncset.done $0x0  }
0x78: {  	s1 =	rddreg [dreg:$0x5];
	[sflag:s14] =	ssyncadd.s32 $0xFFFF8000  }
0x79: {  	[tilespmem:s2], [sflag:$0x2] =	stream.linear.gather [hbm4b:s1+s2], $0x80, $0x38;
	[tilespmem:$0x8080] =	vst v63  }
0x7a: {  	_ =	swait.ge [sflag:s14], $0x80  }
0x7b: {  	[sflag:s14] =	ssyncset.done $0x0  }
0x7c: {  	[sflag:s14] =	ssyncadd.s32 $0xFFFFFF80  }
0x7d: {  	v3 =	vld [tilespmem:$0x0];
	_ =	sdelay $0x4  }
0x7e: {  	v8 =	vshll.u32 v3, $0x1  }
0x7f: {  	v3 =	vand.u32 $0x7, v3;
	v4 =	vand.u32 $0xFFFFFFF0, v8  }
0x80: {  	v3 =	vor.u32 v3, v4  }
0x81: {  	v4 =	vperm.xlane v3, v0;
	_ =	sdelay $0x1  }
0x82: {  	v3 =	vperm.xlane v3, v2;
	v4 =	vadd.s32 v1, v4;
	_ =	sdelay $0x1  }
0x83: {  	v3 =	vadd.s32 v1, v3;
	_ =	sdelay $0x2  }
0x84: {  	[tilespmem:s15], [sflag:$0x1] =	stream.indirect_vreg.gather [hbm4b:s3+s2], $0x80, v4, vm0, $0xb8;
	[tilespmem:$0x8080] =	vst v63  }
0x85: {  	_ = 	snop  }
0x86: {  	[tilespmem:s16], [sflag:$0x1] =	stream.indirect_vreg.gather [hbm4b:s3+s2], $0x80, v3, vm0, $0xb8;
	[tilespmem:$0x8080] =	vst v63  }
0x87: {  	v3 =	vld [tilespmem:$0x10];
	_ =	sdelay $0x4  }
0x88: {  	v9 =	vshll.u32 v3, $0x1  }
0x89: {  	v3 =	vand.u32 $0x7, v3;
	v4 =	vand.u32 $0xFFFFFFF0, v9  }
0x8a: {  	v3 =	vor.u32 v3, v4  }
0x8b: {  	v4 =	vperm.xlane v3, v0;
	_ =	sdelay $0x1  }
0x8c: {  	v3 =	vperm.xlane v3, v2;
	v4 =	vadd.s32 v1, v4;
	_ =	sdelay $0x1  }
0x8d: {  	v3 =	vadd.s32 v1, v3;
	_ =	sdelay $0x2  }
0x8e: {  	[tilespmem:s17], [sflag:$0x1] =	stream.indirect_vreg.gather [hbm4b:s3+s2], $0x80, v4, vm0, $0xb8;
	[tilespmem:$0x8080] =	vst v63  }
0x8f: {  	_ = 	snop  }
0x90: {  	[tilespmem:s18], [sflag:$0x1] =	stream.indirect_vreg.gather [hbm4b:s3+s2], $0x80, v3, vm0, $0xb8;
	[tilespmem:$0x8080] =	vst v63  }
0x91: {  	v3 =	vld [tilespmem:$0x20];
	_ =	sdelay $0x4  }
0x92: {  	v10 =	vshll.u32 v3, $0x1  }
0x93: {  	v3 =	vand.u32 $0x7, v3;
	v4 =	vand.u32 $0xFFFFFFF0, v10  }
0x94: {  	v3 =	vor.u32 v3, v4  }
0x95: {  	v4 =	vperm.xlane v3, v0;
	_ =	sdelay $0x1  }
0x96: {  	v3 =	vperm.xlane v3, v2;
	v4 =	vadd.s32 v1, v4;
	_ =	sdelay $0x1  }
0x97: {  	v3 =	vadd.s32 v1, v3;
	_ =	sdelay $0x2  }
0x98: {  	[tilespmem:s19], [sflag:$0x1] =	stream.indirect_vreg.gather [hbm4b:s3+s2], $0x80, v4, vm0, $0xb8;
	[tilespmem:$0x8080] =	vst v63  }
0x99: {  	_ = 	snop  }
0x9a: {  	[tilespmem:s20], [sflag:$0x1] =	stream.indirect_vreg.gather [hbm4b:s3+s2], $0x80, v3, vm0, $0xb8;
	[tilespmem:$0x8080] =	vst v63  }
0x9b: {  	v3 =	vld [tilespmem:$0x30];
	_ =	sdelay $0x4  }
0x9c: {  	v11 =	vshll.u32 v3, $0x1  }
0x9d: {  	v3 =	vand.u32 $0x7, v3;
	v4 =	vand.u32 $0xFFFFFFF0, v11  }
0x9e: {  	v3 =	vor.u32 v3, v4  }
0x9f: {  	v4 =	vperm.xlane v3, v0;
	_ =	sdelay $0x1  }
0xa0: {  	v3 =	vperm.xlane v3, v2;
	v4 =	vadd.s32 v1, v4;
	_ =	sdelay $0x1  }
0xa1: {  	v3 =	vadd.s32 v1, v3;
	_ =	sdelay $0x2  }
0xa2: {  	[tilespmem:s21], [sflag:$0x1] =	stream.indirect_vreg.gather [hbm4b:s3+s2], $0x80, v4, vm0, $0xb8;
	[tilespmem:$0x8080] =	vst v63  }
0xa3: {  	_ = 	snop  }
0xa4: {  	[tilespmem:s22], [sflag:$0x1] =	stream.indirect_vreg.gather [hbm4b:s3+s2], $0x80, v3, vm0, $0xb8;
	[tilespmem:$0x8080] =	vst v63  }
0xa5: {  	v3 =	vld [tilespmem:$0x40];
	_ =	sdelay $0x4  }
0xa6: {  	v12 =	vshll.u32 v3, $0x1  }
0xa7: {  	v3 =	vand.u32 $0x7, v3;
	v4 =	vand.u32 $0xFFFFFFF0, v12  }
0xa8: {  	v3 =	vor.u32 v3, v4  }
0xa9: {  	v4 =	vperm.xlane v3, v0;
	_ =	sdelay $0x1  }
0xaa: {  	v3 =	vperm.xlane v3, v2;
	v4 =	vadd.s32 v1, v4;
	_ =	sdelay $0x1  }
0xab: {  	v3 =	vadd.s32 v1, v3;
	_ =	sdelay $0x2  }
0xac: {  	[tilespmem:s23], [sflag:$0x1] =	stream.indirect_vreg.gather [hbm4b:s3+s2], $0x80, v4, vm0, $0xb8;
	[tilespmem:$0x8080] =	vst v63  }
0xad: {  	_ = 	snop  }
0xae: {  	[tilespmem:s24], [sflag:$0x1] =	stream.indirect_vreg.gather [hbm4b:s3+s2], $0x80, v3, vm0, $0xb8;
	[tilespmem:$0x8080] =	vst v63  }
0xaf: {  	v3 =	vld [tilespmem:$0x50];
	_ =	sdelay $0x4  }
0xb0: {  	v13 =	vshll.u32 v3, $0x1  }
0xb1: {  	v3 =	vand.u32 $0x7, v3;
	v4 =	vand.u32 $0xFFFFFFF0, v13  }
0xb2: {  	v3 =	vor.u32 v3, v4  }
0xb3: {  	v4 =	vperm.xlane v3, v0;
	_ =	sdelay $0x1  }
0xb4: {  	v3 =	vperm.xlane v3, v2;
	v4 =	vadd.s32 v1, v4;
	_ =	sdelay $0x1  }
0xb5: {  	v3 =	vadd.s32 v1, v3;
	_ =	sdelay $0x2  }
0xb6: {  	[tilespmem:s25], [sflag:$0x1] =	stream.indirect_vreg.gather [hbm4b:s3+s2], $0x80, v4, vm0, $0xb8;
	[tilespmem:$0x8080] =	vst v63  }
0xb7: {  	_ = 	snop  }
0xb8: {  	[tilespmem:s26], [sflag:$0x1] =	stream.indirect_vreg.gather [hbm4b:s3+s2], $0x80, v3, vm0, $0xb8;
	[tilespmem:$0x8080] =	vst v63  }
0xb9: {  	v3 =	vld [tilespmem:$0x60];
	_ =	sdelay $0x4  }
0xba: {  	v14 =	vshll.u32 v3, $0x1  }
0xbb: {  	v3 =	vand.u32 $0x7, v3;
	v4 =	vand.u32 $0xFFFFFFF0, v14  }
0xbc: {  	v3 =	vor.u32 v3, v4  }
0xbd: {  	v4 =	vperm.xlane v3, v0;
	_ =	sdelay $0x1  }
0xbe: {  	v3 =	vperm.xlane v3, v2;
	v4 =	vadd.s32 v1, v4;
	_ =	sdelay $0x1  }
0xbf: {  	v3 =	vadd.s32 v1, v3;
	_ =	sdelay $0x2  }
0xc0: {  	[tilespmem:s28], [sflag:$0x1] =	stream.indirect_vreg.gather [hbm4b:s3+s2], $0x80, v4, vm0, $0xb8;
	[tilespmem:$0x8080] =	vst v63  }
0xc1: {  	_ = 	snop  }
0xc2: {  	[tilespmem:s29], [sflag:$0x1] =	stream.indirect_vreg.gather [hbm4b:s3+s2], $0x80, v3, vm0, $0xb8;
	[tilespmem:$0x8080] =	vst v63  }
0xc3: {  	v3 =	vld [tilespmem:$0x70];
	_ =	sdelay $0x4  }
0xc4: {  	v15 =	vshll.u32 v3, $0x1  }
0xc5: {  	v3 =	vand.u32 $0x7, v3;
	v4 =	vand.u32 $0xFFFFFFF0, v15  }
0xc6: {  	v3 =	vor.u32 v3, v4  }
0xc7: {  	v4 =	vperm.xlane v3, v0;
	_ =	sdelay $0x1  }
0xc8: {  	v3 =	vperm.xlane v3, v2;
	v4 =	vadd.s32 v1, v4;
	_ =	sdelay $0x1  }
0xc9: {  	v3 =	vadd.s32 v1, v3;
	_ =	sdelay $0x2  }
0xca: {  	[tilespmem:s30], [sflag:$0x1] =	stream.indirect_vreg.gather [hbm4b:s3+s2], $0x80, v4, vm0, $0xb8;
	[tilespmem:$0x8080] =	vst v63  }
0xcb: {  	_ = 	snop  }
0xcc: {  	[tilespmem:s31], [sflag:$0x1] =	stream.indirect_vreg.gather [hbm4b:s3+s2], $0x80, v3, vm0, $0xb8;
	[tilespmem:$0x8080] =	vst v63  }
0xcd: {  	_ =	swait.ge [sflag:s0], $0x8000  }
0xce: {  	[sflag:s0] =	ssyncset.done $0x0  }
0xcf: {  	s1 =	rddreg [dreg:$0x6];
	[sflag:s0] =	ssyncadd.s32 $0xFFFF8000  }
0xd0: {  	[hbm4b:s1+s2] =	stream.linear.scatter [tilespmem:s15], [sflag:$0x2], $0x8000, $0x38;
	[tilespmem:$0x8080] =	vst v63  }
0xd1: {  	_ =	swait.ge [sflag:s14], $0x8000  }
0xd2: {  	[sflag:s14] =	ssyncset.done $0x0  }
0xd3: {  	s1 =	rddreg [dreg:$0x7];
	[sflag:s14] =	ssyncadd.s32 $0xFFFF8000  }
0xd4: {  	[tilespmem:s2], [sflag:$0x2] =	stream.linear.gather [hbm4b:s1+s2], $0x80, $0x38;
	[tilespmem:$0x8080] =	vst v63  }
0xd5: {  	_ =	swait.ge [sflag:s14], $0x80  }
0xd6: {  	[sflag:s14] =	ssyncset.done $0x0  }
0xd7: {  	[sflag:s14] =	ssyncadd.s32 $0xFFFFFF80  }
0xd8: {  	v3 =	vld [tilespmem:$0x0];
	_ =	sdelay $0x4  }
0xd9: {  	v16 =	vshll.u32 v3, $0x1  }
0xda: {  	v3 =	vand.u32 $0x7, v3;
	v4 =	vand.u32 $0xFFFFFFF0, v16  }
0xdb: {  	v3 =	vor.u32 v3, v4  }
0xdc: {  	v4 =	vperm.xlane v3, v0;
	_ =	sdelay $0x1  }
0xdd: {  	v3 =	vperm.xlane v3, v2;
	v4 =	vadd.s32 v1, v4;
	_ =	sdelay $0x1  }
0xde: {  	v3 =	vadd.s32 v1, v3;
	_ =	sdelay $0x2  }
0xdf: {  	[tilespmem:s15], [sflag:$0x1] =	stream.indirect_vreg.gather [hbm4b:s3+s2], $0x80, v4, vm0, $0xb8;
	[tilespmem:$0x8080] =	vst v63  }
0xe0: {  	_ = 	snop  }
0xe1: {  	[tilespmem:s16], [sflag:$0x1] =	stream.indirect_vreg.gather [hbm4b:s3+s2], $0x80, v3, vm0, $0xb8;
	[tilespmem:$0x8080] =	vst v63  }
0xe2: {  	v3 =	vld [tilespmem:$0x10];
	_ =	sdelay $0x4  }
0xe3: {  	v17 =	vshll.u32 v3, $0x1  }
0xe4: {  	v3 =	vand.u32 $0x7, v3;
	v4 =	vand.u32 $0xFFFFFFF0, v17  }
0xe5: {  	v3 =	vor.u32 v3, v4  }
0xe6: {  	v4 =	vperm.xlane v3, v0;
	_ =	sdelay $0x1  }
0xe7: {  	v3 =	vperm.xlane v3, v2;
	v4 =	vadd.s32 v1, v4;
	_ =	sdelay $0x1  }
0xe8: {  	v3 =	vadd.s32 v1, v3;
	_ =	sdelay $0x2  }
0xe9: {  	[tilespmem:s17], [sflag:$0x1] =	stream.indirect_vreg.gather [hbm4b:s3+s2], $0x80, v4, vm0, $0xb8;
	[tilespmem:$0x8080] =	vst v63  }
0xea: {  	_ = 	snop  }
0xeb: {  	[tilespmem:s18], [sflag:$0x1] =	stream.indirect_vreg.gather [hbm4b:s3+s2], $0x80, v3, vm0, $0xb8;
	[tilespmem:$0x8080] =	vst v63  }
0xec: {  	v3 =	vld [tilespmem:$0x20];
	_ =	sdelay $0x4  }
0xed: {  	v18 =	vshll.u32 v3, $0x1  }
0xee: {  	v3 =	vand.u32 $0x7, v3;
	v4 =	vand.u32 $0xFFFFFFF0, v18  }
0xef: {  	v3 =	vor.u32 v3, v4  }
0xf0: {  	v4 =	vperm.xlane v3, v0;
	_ =	sdelay $0x1  }
0xf1: {  	v3 =	vperm.xlane v3, v2;
	v4 =	vadd.s32 v1, v4;
	_ =	sdelay $0x1  }
0xf2: {  	v3 =	vadd.s32 v1, v3;
	_ =	sdelay $0x2  }
0xf3: {  	[tilespmem:s19], [sflag:$0x1] =	stream.indirect_vreg.gather [hbm4b:s3+s2], $0x80, v4, vm0, $0xb8;
	[tilespmem:$0x8080] =	vst v63  }
0xf4: {  	_ = 	snop  }
0xf5: {  	[tilespmem:s20], [sflag:$0x1] =	stream.indirect_vreg.gather [hbm4b:s3+s2], $0x80, v3, vm0, $0xb8;
	[tilespmem:$0x8080] =	vst v63  }
0xf6: {  	v3 =	vld [tilespmem:$0x30];
	_ =	sdelay $0x4  }
0xf7: {  	v19 =	vshll.u32 v3, $0x1  }
0xf8: {  	v3 =	vand.u32 $0x7, v3;
	v4 =	vand.u32 $0xFFFFFFF0, v19  }
0xf9: {  	v3 =	vor.u32 v3, v4  }
0xfa: {  	v4 =	vperm.xlane v3, v0;
	_ =	sdelay $0x1  }
0xfb: {  	v3 =	vperm.xlane v3, v2;
	v4 =	vadd.s32 v1, v4;
	_ =	sdelay $0x1  }
0xfc: {  	v3 =	vadd.s32 v1, v3;
	_ =	sdelay $0x2  }
0xfd: {  	[tilespmem:s21], [sflag:$0x1] =	stream.indirect_vreg.gather [hbm4b:s3+s2], $0x80, v4, vm0, $0xb8;
	[tilespmem:$0x8080] =	vst v63  }
0xfe: {  	_ = 	snop  }
0xff: {  	[tilespmem:s22], [sflag:$0x1] =	stream.indirect_vreg.gather [hbm4b:s3+s2], $0x80, v3, vm0, $0xb8;
	[tilespmem:$0x8080] =	vst v63  }
0x100: {  	v3 =	vld [tilespmem:$0x40];
	_ =	sdelay $0x4  }
0x101: {  	v20 =	vshll.u32 v3, $0x1  }
0x102: {  	v3 =	vand.u32 $0x7, v3;
	v4 =	vand.u32 $0xFFFFFFF0, v20  }
0x103: {  	v3 =	vor.u32 v3, v4  }
0x104: {  	v4 =	vperm.xlane v3, v0;
	_ =	sdelay $0x1  }
0x105: {  	v3 =	vperm.xlane v3, v2;
	v4 =	vadd.s32 v1, v4;
	_ =	sdelay $0x1  }
0x106: {  	v3 =	vadd.s32 v1, v3;
	_ =	sdelay $0x2  }
0x107: {  	[tilespmem:s23], [sflag:$0x1] =	stream.indirect_vreg.gather [hbm4b:s3+s2], $0x80, v4, vm0, $0xb8;
	[tilespmem:$0x8080] =	vst v63  }
0x108: {  	_ = 	snop  }
0x109: {  	[tilespmem:s24], [sflag:$0x1] =	stream.indirect_vreg.gather [hbm4b:s3+s2], $0x80, v3, vm0, $0xb8;
	[tilespmem:$0x8080] =	vst v63  }
0x10a: {  	v3 =	vld [tilespmem:$0x50];
	_ =	sdelay $0x4  }
0x10b: {  	v21 =	vshll.u32 v3, $0x1  }
0x10c: {  	v3 =	vand.u32 $0x7, v3;
	v4 =	vand.u32 $0xFFFFFFF0, v21  }
0x10d: {  	v3 =	vor.u32 v3, v4  }
0x10e: {  	v4 =	vperm.xlane v3, v0;
	_ =	sdelay $0x1  }
0x10f: {  	v3 =	vperm.xlane v3, v2;
	v4 =	vadd.s32 v1, v4;
	_ =	sdelay $0x1  }
0x110: {  	v3 =	vadd.s32 v1, v3;
	_ =	sdelay $0x2  }
0x111: {  	[tilespmem:s25], [sflag:$0x1] =	stream.indirect_vreg.gather [hbm4b:s3+s2], $0x80, v4, vm0, $0xb8;
	[tilespmem:$0x8080] =	vst v63  }
0x112: {  	_ = 	snop  }
0x113: {  	[tilespmem:s26], [sflag:$0x1] =	stream.indirect_vreg.gather [hbm4b:s3+s2], $0x80, v3, vm0, $0xb8;
	[tilespmem:$0x8080] =	vst v63  }
0x114: {  	v3 =	vld [tilespmem:$0x60];
	_ =	sdelay $0x4  }
0x115: {  	v22 =	vshll.u32 v3, $0x1  }
0x116: {  	v3 =	vand.u32 $0x7, v3;
	v4 =	vand.u32 $0xFFFFFFF0, v22  }
0x117: {  	v3 =	vor.u32 v3, v4  }
0x118: {  	v4 =	vperm.xlane v3, v0;
	_ =	sdelay $0x1  }
0x119: {  	v3 =	vperm.xlane v3, v2;
	v4 =	vadd.s32 v1, v4;
	_ =	sdelay $0x1  }
0x11a: {  	v3 =	vadd.s32 v1, v3;
	_ =	sdelay $0x2  }
0x11b: {  	[tilespmem:s28], [sflag:$0x1] =	stream.indirect_vreg.gather [hbm4b:s3+s2], $0x80, v4, vm0, $0xb8;
	[tilespmem:$0x8080] =	vst v63  }
0x11c: {  	_ = 	snop  }
0x11d: {  	[tilespmem:s29], [sflag:$0x1] =	stream.indirect_vreg.gather [hbm4b:s3+s2], $0x80, v3, vm0, $0xb8;
	[tilespmem:$0x8080] =	vst v63  }
0x11e: {  	v3 =	vld [tilespmem:$0x70];
	_ =	sdelay $0x4  }
0x11f: {  	v23 =	vshll.u32 v3, $0x1  }
0x120: {  	v3 =	vand.u32 $0x7, v3;
	v4 =	vand.u32 $0xFFFFFFF0, v23  }
0x121: {  	v3 =	vor.u32 v3, v4  }
0x122: {  	v4 =	vperm.xlane v3, v0;
	_ =	sdelay $0x1  }
0x123: {  	v3 =	vperm.xlane v3, v2;
	v4 =	vadd.s32 v1, v4;
	_ =	sdelay $0x1  }
0x124: {  	v3 =	vadd.s32 v1, v3;
	_ =	sdelay $0x2  }
0x125: {  	[tilespmem:s30], [sflag:$0x1] =	stream.indirect_vreg.gather [hbm4b:s3+s2], $0x80, v4, vm0, $0xb8;
	[tilespmem:$0x8080] =	vst v63  }
0x126: {  	_ = 	snop  }
0x127: {  	[tilespmem:s31], [sflag:$0x1] =	stream.indirect_vreg.gather [hbm4b:s3+s2], $0x80, v3, vm0, $0xb8;
	[tilespmem:$0x8080] =	vst v63  }
0x128: {  	_ =	swait.ge [sflag:s0], $0x8000  }
0x129: {  	[sflag:s0] =	ssyncset.done $0x0  }
0x12a: {  	s1 =	rddreg [dreg:$0x8];
	[sflag:s0] =	ssyncadd.s32 $0xFFFF8000  }
0x12b: {  	[hbm4b:s1+s2] =	stream.linear.scatter [tilespmem:s15], [sflag:$0x2], $0x8000, $0x38;
	[tilespmem:$0x8080] =	vst v63  }
0x12c: {  	_ =	swait.ge [sflag:s14], $0x8000  }
0x12d: {  	[sflag:s14] =	ssyncset.done $0x0  }
0x12e: {  	s1 =	rddreg [dreg:$0x9];
	[sflag:s14] =	ssyncadd.s32 $0xFFFF8000  }
0x12f: {  	[tilespmem:s2], [sflag:$0x2] =	stream.linear.gather [hbm4b:s1+s2], $0x80, $0x38;
	[tilespmem:$0x8080] =	vst v63  }
0x130: {  	_ =	swait.ge [sflag:s14], $0x80  }
0x131: {  	[sflag:s14] =	ssyncset.done $0x0  }
0x132: {  	[sflag:s14] =	ssyncadd.s32 $0xFFFFFF80  }
0x133: {  	v3 =	vld [tilespmem:$0x0];
	_ =	sdelay $0x4  }
0x134: {  	v24 =	vshll.u32 v3, $0x1  }
0x135: {  	v3 =	vand.u32 $0x7, v3;
	v4 =	vand.u32 $0xFFFFFFF0, v24  }
0x136: {  	v3 =	vor.u32 v3, v4  }
0x137: {  	v4 =	vperm.xlane v3, v0;
	_ =	sdelay $0x1  }
0x138: {  	v3 =	vperm.xlane v3, v2;
	v4 =	vadd.s32 v1, v4;
	_ =	sdelay $0x1  }
0x139: {  	v3 =	vadd.s32 v1, v3;
	_ =	sdelay $0x2  }
0x13a: {  	[tilespmem:s15], [sflag:$0x1] =	stream.indirect_vreg.gather [hbm4b:s3+s2], $0x80, v4, vm0, $0xb8;
	[tilespmem:$0x8080] =	vst v63  }
0x13b: {  	_ = 	snop  }
0x13c: {  	[tilespmem:s16], [sflag:$0x1] =	stream.indirect_vreg.gather [hbm4b:s3+s2], $0x80, v3, vm0, $0xb8;
	[tilespmem:$0x8080] =	vst v63  }
0x13d: {  	v3 =	vld [tilespmem:$0x10];
	_ =	sdelay $0x4  }
0x13e: {  	v25 =	vshll.u32 v3, $0x1  }
0x13f: {  	v3 =	vand.u32 $0x7, v3;
	v4 =	vand.u32 $0xFFFFFFF0, v25  }
0x140: {  	v3 =	vor.u32 v3, v4  }
0x141: {  	v4 =	vperm.xlane v3, v0;
	_ =	sdelay $0x1  }
0x142: {  	v3 =	vperm.xlane v3, v2;
	v4 =	vadd.s32 v1, v4;
	_ =	sdelay $0x1  }
0x143: {  	v3 =	vadd.s32 v1, v3;
	_ =	sdelay $0x2  }
0x144: {  	[tilespmem:s17], [sflag:$0x1] =	stream.indirect_vreg.gather [hbm4b:s3+s2], $0x80, v4, vm0, $0xb8;
	[tilespmem:$0x8080] =	vst v63  }
0x145: {  	_ = 	snop  }
0x146: {  	[tilespmem:s18], [sflag:$0x1] =	stream.indirect_vreg.gather [hbm4b:s3+s2], $0x80, v3, vm0, $0xb8;
	[tilespmem:$0x8080] =	vst v63  }
0x147: {  	v3 =	vld [tilespmem:$0x20];
	_ =	sdelay $0x4  }
0x148: {  	v26 =	vshll.u32 v3, $0x1  }
0x149: {  	v3 =	vand.u32 $0x7, v3;
	v4 =	vand.u32 $0xFFFFFFF0, v26  }
0x14a: {  	v3 =	vor.u32 v3, v4  }
0x14b: {  	v4 =	vperm.xlane v3, v0;
	_ =	sdelay $0x1  }
0x14c: {  	v3 =	vperm.xlane v3, v2;
	v4 =	vadd.s32 v1, v4;
	_ =	sdelay $0x1  }
0x14d: {  	v3 =	vadd.s32 v1, v3;
	_ =	sdelay $0x2  }
0x14e: {  	[tilespmem:s19], [sflag:$0x1] =	stream.indirect_vreg.gather [hbm4b:s3+s2], $0x80, v4, vm0, $0xb8;
	[tilespmem:$0x8080] =	vst v63  }
0x14f: {  	_ = 	snop  }
0x150: {  	[tilespmem:s20], [sflag:$0x1] =	stream.indirect_vreg.gather [hbm4b:s3+s2], $0x80, v3, vm0, $0xb8;
	[tilespmem:$0x8080] =	vst v63  }
0x151: {  	v3 =	vld [tilespmem:$0x30];
	_ =	sdelay $0x4  }
0x152: {  	v27 =	vshll.u32 v3, $0x1  }
0x153: {  	v3 =	vand.u32 $0x7, v3;
	v4 =	vand.u32 $0xFFFFFFF0, v27  }
0x154: {  	v3 =	vor.u32 v3, v4  }
0x155: {  	v4 =	vperm.xlane v3, v0;
	_ =	sdelay $0x1  }
0x156: {  	v3 =	vperm.xlane v3, v2;
	v4 =	vadd.s32 v1, v4;
	_ =	sdelay $0x1  }
0x157: {  	v3 =	vadd.s32 v1, v3;
	_ =	sdelay $0x2  }
0x158: {  	[tilespmem:s21], [sflag:$0x1] =	stream.indirect_vreg.gather [hbm4b:s3+s2], $0x80, v4, vm0, $0xb8;
	[tilespmem:$0x8080] =	vst v63  }
0x159: {  	_ = 	snop  }
0x15a: {  	[tilespmem:s22], [sflag:$0x1] =	stream.indirect_vreg.gather [hbm4b:s3+s2], $0x80, v3, vm0, $0xb8;
	[tilespmem:$0x8080] =	vst v63  }
0x15b: {  	v3 =	vld [tilespmem:$0x40];
	_ =	sdelay $0x4  }
0x15c: {  	v28 =	vshll.u32 v3, $0x1  }
0x15d: {  	v3 =	vand.u32 $0x7, v3;
	v4 =	vand.u32 $0xFFFFFFF0, v28  }
0x15e: {  	v3 =	vor.u32 v3, v4  }
0x15f: {  	v4 =	vperm.xlane v3, v0;
	_ =	sdelay $0x1  }
0x160: {  	v3 =	vperm.xlane v3, v2;
	v4 =	vadd.s32 v1, v4;
	_ =	sdelay $0x1  }
0x161: {  	v3 =	vadd.s32 v1, v3;
	_ =	sdelay $0x2  }
0x162: {  	[tilespmem:s23], [sflag:$0x1] =	stream.indirect_vreg.gather [hbm4b:s3+s2], $0x80, v4, vm0, $0xb8;
	[tilespmem:$0x8080] =	vst v63  }
0x163: {  	_ = 	snop  }
0x164: {  	[tilespmem:s24], [sflag:$0x1] =	stream.indirect_vreg.gather [hbm4b:s3+s2], $0x80, v3, vm0, $0xb8;
	[tilespmem:$0x8080] =	vst v63  }
0x165: {  	v3 =	vld [tilespmem:$0x50];
	_ =	sdelay $0x4  }
0x166: {  	v29 =	vshll.u32 v3, $0x1  }
0x167: {  	v3 =	vand.u32 $0x7, v3;
	v4 =	vand.u32 $0xFFFFFFF0, v29  }
0x168: {  	v3 =	vor.u32 v3, v4  }
0x169: {  	v4 =	vperm.xlane v3, v0;
	_ =	sdelay $0x1  }
0x16a: {  	v3 =	vperm.xlane v3, v2;
	v4 =	vadd.s32 v1, v4;
	_ =	sdelay $0x1  }
0x16b: {  	v3 =	vadd.s32 v1, v3;
	_ =	sdelay $0x2  }
0x16c: {  	[tilespmem:s25], [sflag:$0x1] =	stream.indirect_vreg.gather [hbm4b:s3+s2], $0x80, v4, vm0, $0xb8;
	[tilespmem:$0x8080] =	vst v63  }
0x16d: {  	_ = 	snop  }
0x16e: {  	[tilespmem:s26], [sflag:$0x1] =	stream.indirect_vreg.gather [hbm4b:s3+s2], $0x80, v3, vm0, $0xb8;
	[tilespmem:$0x8080] =	vst v63  }
0x16f: {  	v3 =	vld [tilespmem:$0x60];
	_ =	sdelay $0x4  }
0x170: {  	v30 =	vshll.u32 v3, $0x1  }
0x171: {  	v3 =	vand.u32 $0x7, v3;
	v4 =	vand.u32 $0xFFFFFFF0, v30  }
0x172: {  	v3 =	vor.u32 v3, v4  }
0x173: {  	v4 =	vperm.xlane v3, v0;
	_ =	sdelay $0x1  }
0x174: {  	v3 =	vperm.xlane v3, v2;
	v4 =	vadd.s32 v1, v4;
	_ =	sdelay $0x1  }
0x175: {  	v3 =	vadd.s32 v1, v3;
	_ =	sdelay $0x2  }
0x176: {  	[tilespmem:s28], [sflag:$0x1] =	stream.indirect_vreg.gather [hbm4b:s3+s2], $0x80, v4, vm0, $0xb8;
	[tilespmem:$0x8080] =	vst v63  }
0x177: {  	_ = 	snop  }
0x178: {  	[tilespmem:s29], [sflag:$0x1] =	stream.indirect_vreg.gather [hbm4b:s3+s2], $0x80, v3, vm0, $0xb8;
	[tilespmem:$0x8080] =	vst v63  }
0x179: {  	v3 =	vld [tilespmem:$0x70];
	_ =	sdelay $0x4  }
0x17a: {  	v31 =	vshll.u32 v3, $0x1  }
0x17b: {  	v3 =	vand.u32 $0x7, v3;
	v4 =	vand.u32 $0xFFFFFFF0, v31  }
0x17c: {  	v3 =	vor.u32 v3, v4  }
0x17d: {  	v4 =	vperm.xlane v3, v0;
	_ =	sdelay $0x1  }
0x17e: {  	v3 =	vperm.xlane v3, v2;
	v4 =	vadd.s32 v1, v4;
	_ =	sdelay $0x1  }
0x17f: {  	v3 =	vadd.s32 v1, v3;
	_ =	sdelay $0x2  }
0x180: {  	[tilespmem:s30], [sflag:$0x1] =	stream.indirect_vreg.gather [hbm4b:s3+s2], $0x80, v4, vm0, $0xb8;
	[tilespmem:$0x8080] =	vst v63  }
0x181: {  	_ = 	snop  }
0x182: {  	[tilespmem:s31], [sflag:$0x1] =	stream.indirect_vreg.gather [hbm4b:s3+s2], $0x80, v3, vm0, $0xb8;
	[tilespmem:$0x8080] =	vst v63  }
0x183: {  	_ =	swait.ge [sflag:s0], $0x8000  }
0x184: {  	[sflag:s0] =	ssyncset.done $0x0  }
0x185: {  	[sflag:s0] =	ssyncadd.s32 $0xFFFF8000  }
0x186: {  	[hbm4b:s4+s2] =	stream.linear.scatter [tilespmem:s15], [sflag:$0x2], $0x8000, $0x38;
	[tilespmem:$0x8080] =	vst v63  }
0x187: {  	_ =	swait.ge [sflag:s14], $0x8000  }
0x188: {  	[sflag:s14] =	ssyncset.done $0x0  }
0x189: {  	[sflag:s14] =	ssyncadd.s32 $0xFFFF8000  }
0x18a: {  	[tilespmem:s2], [sflag:$0x2] =	stream.linear.gather [hbm4b:s5+s2], $0x80, $0x38;
	[tilespmem:$0x8080] =	vst v63  }
0x18b: {  	_ =	swait.ge [sflag:s14], $0x80  }
0x18c: {  	[sflag:s14] =	ssyncset.done $0x0  }
0x18d: {  	[sflag:s14] =	ssyncadd.s32 $0xFFFFFF80  }
0x18e: {  	v3 =	vld [tilespmem:$0x0];
	_ =	sdelay $0x4  }
0x18f: {  	v32 =	vshll.u32 v3, $0x1  }
0x190: {  	v3 =	vand.u32 $0x7, v3;
	v4 =	vand.u32 $0xFFFFFFF0, v32  }
0x191: {  	v3 =	vor.u32 v3, v4  }
0x192: {  	v4 =	vperm.xlane v3, v0;
	_ =	sdelay $0x1  }
0x193: {  	v3 =	vperm.xlane v3, v2;
	v4 =	vadd.s32 v1, v4;
	_ =	sdelay $0x1  }
0x194: {  	v3 =	vadd.s32 v1, v3;
	_ =	sdelay $0x2  }
0x195: {  	[tilespmem:s15], [sflag:$0x1] =	stream.indirect_vreg.gather [hbm4b:s3+s2], $0x80, v4, vm0, $0xb8;
	[tilespmem:$0x8080] =	vst v63  }
0x196: {  	_ = 	snop  }
0x197: {  	[tilespmem:s16], [sflag:$0x1] =	stream.indirect_vreg.gather [hbm4b:s3+s2], $0x80, v3, vm0, $0xb8;
	[tilespmem:$0x8080] =	vst v63  }
0x198: {  	v3 =	vld [tilespmem:$0x10];
	_ =	sdelay $0x4  }
0x199: {  	v33 =	vshll.u32 v3, $0x1  }
0x19a: {  	v3 =	vand.u32 $0x7, v3;
	v4 =	vand.u32 $0xFFFFFFF0, v33  }
0x19b: {  	v3 =	vor.u32 v3, v4  }
0x19c: {  	v4 =	vperm.xlane v3, v0;
	_ =	sdelay $0x1  }
0x19d: {  	v3 =	vperm.xlane v3, v2;
	v4 =	vadd.s32 v1, v4;
	_ =	sdelay $0x1  }
0x19e: {  	v3 =	vadd.s32 v1, v3;
	_ =	sdelay $0x2  }
0x19f: {  	[tilespmem:s17], [sflag:$0x1] =	stream.indirect_vreg.gather [hbm4b:s3+s2], $0x80, v4, vm0, $0xb8;
	[tilespmem:$0x8080] =	vst v63  }
0x1a0: {  	_ = 	snop  }
0x1a1: {  	[tilespmem:s18], [sflag:$0x1] =	stream.indirect_vreg.gather [hbm4b:s3+s2], $0x80, v3, vm0, $0xb8;
	[tilespmem:$0x8080] =	vst v63  }
0x1a2: {  	v3 =	vld [tilespmem:$0x20];
	_ =	sdelay $0x4  }
0x1a3: {  	v34 =	vshll.u32 v3, $0x1  }
0x1a4: {  	v3 =	vand.u32 $0x7, v3;
	v4 =	vand.u32 $0xFFFFFFF0, v34  }
0x1a5: {  	v3 =	vor.u32 v3, v4  }
0x1a6: {  	v4 =	vperm.xlane v3, v0;
	_ =	sdelay $0x1  }
0x1a7: {  	v3 =	vperm.xlane v3, v2;
	v4 =	vadd.s32 v1, v4;
	_ =	sdelay $0x1  }
0x1a8: {  	v3 =	vadd.s32 v1, v3;
	_ =	sdelay $0x2  }
0x1a9: {  	[tilespmem:s19], [sflag:$0x1] =	stream.indirect_vreg.gather [hbm4b:s3+s2], $0x80, v4, vm0, $0xb8;
	[tilespmem:$0x8080] =	vst v63  }
0x1aa: {  	_ = 	snop  }
0x1ab: {  	[tilespmem:s20], [sflag:$0x1] =	stream.indirect_vreg.gather [hbm4b:s3+s2], $0x80, v3, vm0, $0xb8;
	[tilespmem:$0x8080] =	vst v63  }
0x1ac: {  	v3 =	vld [tilespmem:$0x30];
	_ =	sdelay $0x4  }
0x1ad: {  	v35 =	vshll.u32 v3, $0x1  }
0x1ae: {  	v3 =	vand.u32 $0x7, v3;
	v4 =	vand.u32 $0xFFFFFFF0, v35  }
0x1af: {  	v3 =	vor.u32 v3, v4  }
0x1b0: {  	v4 =	vperm.xlane v3, v0;
	_ =	sdelay $0x1  }
0x1b1: {  	v3 =	vperm.xlane v3, v2;
	v4 =	vadd.s32 v1, v4;
	_ =	sdelay $0x1  }
0x1b2: {  	v3 =	vadd.s32 v1, v3;
	_ =	sdelay $0x2  }
0x1b3: {  	[tilespmem:s21], [sflag:$0x1] =	stream.indirect_vreg.gather [hbm4b:s3+s2], $0x80, v4, vm0, $0xb8;
	[tilespmem:$0x8080] =	vst v63  }
0x1b4: {  	_ = 	snop  }
0x1b5: {  	[tilespmem:s22], [sflag:$0x1] =	stream.indirect_vreg.gather [hbm4b:s3+s2], $0x80, v3, vm0, $0xb8;
	[tilespmem:$0x8080] =	vst v63  }
0x1b6: {  	v3 =	vld [tilespmem:$0x40];
	_ =	sdelay $0x4  }
0x1b7: {  	v36 =	vshll.u32 v3, $0x1  }
0x1b8: {  	v3 =	vand.u32 $0x7, v3;
	v4 =	vand.u32 $0xFFFFFFF0, v36  }
0x1b9: {  	v3 =	vor.u32 v3, v4  }
0x1ba: {  	v4 =	vperm.xlane v3, v0;
	_ =	sdelay $0x1  }
0x1bb: {  	v3 =	vperm.xlane v3, v2;
	v4 =	vadd.s32 v1, v4;
	_ =	sdelay $0x1  }
0x1bc: {  	v3 =	vadd.s32 v1, v3;
	_ =	sdelay $0x2  }
0x1bd: {  	[tilespmem:s23], [sflag:$0x1] =	stream.indirect_vreg.gather [hbm4b:s3+s2], $0x80, v4, vm0, $0xb8;
	[tilespmem:$0x8080] =	vst v63  }
0x1be: {  	_ = 	snop  }
0x1bf: {  	[tilespmem:s24], [sflag:$0x1] =	stream.indirect_vreg.gather [hbm4b:s3+s2], $0x80, v3, vm0, $0xb8;
	[tilespmem:$0x8080] =	vst v63  }
0x1c0: {  	v3 =	vld [tilespmem:$0x50];
	_ =	sdelay $0x4  }
0x1c1: {  	v37 =	vshll.u32 v3, $0x1  }
0x1c2: {  	v3 =	vand.u32 $0x7, v3;
	v4 =	vand.u32 $0xFFFFFFF0, v37  }
0x1c3: {  	v3 =	vor.u32 v3, v4  }
0x1c4: {  	v4 =	vperm.xlane v3, v0;
	_ =	sdelay $0x1  }
0x1c5: {  	v3 =	vperm.xlane v3, v2;
	v4 =	vadd.s32 v1, v4;
	_ =	sdelay $0x1  }
0x1c6: {  	v3 =	vadd.s32 v1, v3;
	_ =	sdelay $0x2  }
0x1c7: {  	[tilespmem:s25], [sflag:$0x1] =	stream.indirect_vreg.gather [hbm4b:s3+s2], $0x80, v4, vm0, $0xb8;
	[tilespmem:$0x8080] =	vst v63  }
0x1c8: {  	_ = 	snop  }
0x1c9: {  	[tilespmem:s26], [sflag:$0x1] =	stream.indirect_vreg.gather [hbm4b:s3+s2], $0x80, v3, vm0, $0xb8;
	[tilespmem:$0x8080] =	vst v63  }
0x1ca: {  	v3 =	vld [tilespmem:$0x60];
	_ =	sdelay $0x4  }
0x1cb: {  	v38 =	vshll.u32 v3, $0x1  }
0x1cc: {  	v3 =	vand.u32 $0x7, v3;
	v4 =	vand.u32 $0xFFFFFFF0, v38  }
0x1cd: {  	v3 =	vor.u32 v3, v4  }
0x1ce: {  	v4 =	vperm.xlane v3, v0;
	_ =	sdelay $0x1  }
0x1cf: {  	v3 =	vperm.xlane v3, v2;
	v4 =	vadd.s32 v1, v4;
	_ =	sdelay $0x1  }
0x1d0: {  	v3 =	vadd.s32 v1, v3;
	_ =	sdelay $0x2  }
0x1d1: {  	[tilespmem:s28], [sflag:$0x1] =	stream.indirect_vreg.gather [hbm4b:s3+s2], $0x80, v4, vm0, $0xb8;
	[tilespmem:$0x8080] =	vst v63  }
0x1d2: {  	_ = 	snop  }
0x1d3: {  	[tilespmem:s29], [sflag:$0x1] =	stream.indirect_vreg.gather [hbm4b:s3+s2], $0x80, v3, vm0, $0xb8;
	[tilespmem:$0x8080] =	vst v63  }
0x1d4: {  	v3 =	vld [tilespmem:$0x70];
	_ =	sdelay $0x4  }
0x1d5: {  	v39 =	vshll.u32 v3, $0x1  }
0x1d6: {  	v3 =	vand.u32 $0x7, v3;
	v4 =	vand.u32 $0xFFFFFFF0, v39  }
0x1d7: {  	v3 =	vor.u32 v3, v4  }
0x1d8: {  	v4 =	vperm.xlane v3, v0;
	_ =	sdelay $0x1  }
0x1d9: {  	v3 =	vperm.xlane v3, v2;
	v4 =	vadd.s32 v1, v4;
	_ =	sdelay $0x1  }
0x1da: {  	v3 =	vadd.s32 v1, v3;
	_ =	sdelay $0x2  }
0x1db: {  	[tilespmem:s30], [sflag:$0x1] =	stream.indirect_vreg.gather [hbm4b:s3+s2], $0x80, v4, vm0, $0xb8;
	[tilespmem:$0x8080] =	vst v63  }
0x1dc: {  	_ = 	snop  }
0x1dd: {  	[tilespmem:s31], [sflag:$0x1] =	stream.indirect_vreg.gather [hbm4b:s3+s2], $0x80, v3, vm0, $0xb8;
	[tilespmem:$0x8080] =	vst v63  }
0x1de: {  	_ =	swait.ge [sflag:s0], $0x8000  }
0x1df: {  	[sflag:s0] =	ssyncset.done $0x0  }
0x1e0: {  	[sflag:s0] =	ssyncadd.s32 $0xFFFF8000  }
0x1e1: {  	[hbm4b:s6+s2] =	stream.linear.scatter [tilespmem:s15], [sflag:$0x2], $0x8000, $0x38;
	[tilespmem:$0x8080] =	vst v63  }
0x1e2: {  	_ =	swait.ge [sflag:s14], $0x8000  }
0x1e3: {  	[sflag:s14] =	ssyncset.done $0x0  }
0x1e4: {  	[sflag:s14] =	ssyncadd.s32 $0xFFFF8000  }
0x1e5: {  	[tilespmem:s2], [sflag:$0x2] =	stream.linear.gather [hbm4b:s7+s2], $0x80, $0x38;
	[tilespmem:$0x8080] =	vst v63  }
0x1e6: {  	_ =	swait.ge [sflag:s14], $0x80  }
0x1e7: {  	[sflag:s14] =	ssyncset.done $0x0  }
0x1e8: {  	[sflag:s14] =	ssyncadd.s32 $0xFFFFFF80  }
0x1e9: {  	v3 =	vld [tilespmem:$0x0];
	_ =	sdelay $0x4  }
0x1ea: {  	v40 =	vshll.u32 v3, $0x1  }
0x1eb: {  	v3 =	vand.u32 $0x7, v3;
	v4 =	vand.u32 $0xFFFFFFF0, v40  }
0x1ec: {  	v3 =	vor.u32 v3, v4  }
0x1ed: {  	v4 =	vperm.xlane v3, v0;
	_ =	sdelay $0x1  }
0x1ee: {  	v3 =	vperm.xlane v3, v2;
	v4 =	vadd.s32 v1, v4;
	_ =	sdelay $0x1  }
0x1ef: {  	v3 =	vadd.s32 v1, v3;
	_ =	sdelay $0x2  }
0x1f0: {  	[tilespmem:s15], [sflag:$0x1] =	stream.indirect_vreg.gather [hbm4b:s3+s2], $0x80, v4, vm0, $0xb8;
	[tilespmem:$0x8080] =	vst v63  }
0x1f1: {  	_ = 	snop  }
0x1f2: {  	[tilespmem:s16], [sflag:$0x1] =	stream.indirect_vreg.gather [hbm4b:s3+s2], $0x80, v3, vm0, $0xb8;
	[tilespmem:$0x8080] =	vst v63  }
0x1f3: {  	v3 =	vld [tilespmem:$0x10];
	_ =	sdelay $0x4  }
0x1f4: {  	v41 =	vshll.u32 v3, $0x1  }
0x1f5: {  	v3 =	vand.u32 $0x7, v3;
	v4 =	vand.u32 $0xFFFFFFF0, v41  }
0x1f6: {  	v3 =	vor.u32 v3, v4  }
0x1f7: {  	v4 =	vperm.xlane v3, v0;
	_ =	sdelay $0x1  }
0x1f8: {  	v3 =	vperm.xlane v3, v2;
	v4 =	vadd.s32 v1, v4;
	_ =	sdelay $0x1  }
0x1f9: {  	v3 =	vadd.s32 v1, v3;
	_ =	sdelay $0x2  }
0x1fa: {  	[tilespmem:s17], [sflag:$0x1] =	stream.indirect_vreg.gather [hbm4b:s3+s2], $0x80, v4, vm0, $0xb8;
	[tilespmem:$0x8080] =	vst v63  }
0x1fb: {  	_ = 	snop  }
0x1fc: {  	[tilespmem:s18], [sflag:$0x1] =	stream.indirect_vreg.gather [hbm4b:s3+s2], $0x80, v3, vm0, $0xb8;
	[tilespmem:$0x8080] =	vst v63  }
0x1fd: {  	v3 =	vld [tilespmem:$0x20];
	_ =	sdelay $0x4  }
0x1fe: {  	v42 =	vshll.u32 v3, $0x1  }
0x1ff: {  	v3 =	vand.u32 $0x7, v3;
	v4 =	vand.u32 $0xFFFFFFF0, v42  }
0x200: {  	v3 =	vor.u32 v3, v4  }
0x201: {  	v4 =	vperm.xlane v3, v0;
	_ =	sdelay $0x1  }
0x202: {  	v3 =	vperm.xlane v3, v2;
	v4 =	vadd.s32 v1, v4;
	_ =	sdelay $0x1  }
0x203: {  	v3 =	vadd.s32 v1, v3;
	_ =	sdelay $0x2  }
0x204: {  	[tilespmem:s19], [sflag:$0x1] =	stream.indirect_vreg.gather [hbm4b:s3+s2], $0x80, v4, vm0, $0xb8;
	[tilespmem:$0x8080] =	vst v63  }
0x205: {  	_ = 	snop  }
0x206: {  	[tilespmem:s20], [sflag:$0x1] =	stream.indirect_vreg.gather [hbm4b:s3+s2], $0x80, v3, vm0, $0xb8;
	[tilespmem:$0x8080] =	vst v63  }
0x207: {  	v3 =	vld [tilespmem:$0x30];
	_ =	sdelay $0x4  }
0x208: {  	v43 =	vshll.u32 v3, $0x1  }
0x209: {  	v3 =	vand.u32 $0x7, v3;
	v4 =	vand.u32 $0xFFFFFFF0, v43  }
0x20a: {  	v3 =	vor.u32 v3, v4  }
0x20b: {  	v4 =	vperm.xlane v3, v0;
	_ =	sdelay $0x1  }
0x20c: {  	v3 =	vperm.xlane v3, v2;
	v4 =	vadd.s32 v1, v4;
	_ =	sdelay $0x1  }
0x20d: {  	v3 =	vadd.s32 v1, v3;
	_ =	sdelay $0x2  }
0x20e: {  	[tilespmem:s21], [sflag:$0x1] =	stream.indirect_vreg.gather [hbm4b:s3+s2], $0x80, v4, vm0, $0xb8;
	[tilespmem:$0x8080] =	vst v63  }
0x20f: {  	_ = 	snop  }
0x210: {  	[tilespmem:s22], [sflag:$0x1] =	stream.indirect_vreg.gather [hbm4b:s3+s2], $0x80, v3, vm0, $0xb8;
	[tilespmem:$0x8080] =	vst v63  }
0x211: {  	v3 =	vld [tilespmem:$0x40];
	_ =	sdelay $0x4  }
0x212: {  	v44 =	vshll.u32 v3, $0x1  }
0x213: {  	v3 =	vand.u32 $0x7, v3;
	v4 =	vand.u32 $0xFFFFFFF0, v44  }
0x214: {  	v3 =	vor.u32 v3, v4  }
0x215: {  	v4 =	vperm.xlane v3, v0;
	_ =	sdelay $0x1  }
0x216: {  	v3 =	vperm.xlane v3, v2;
	v4 =	vadd.s32 v1, v4;
	_ =	sdelay $0x1  }
0x217: {  	v3 =	vadd.s32 v1, v3;
	_ =	sdelay $0x2  }
0x218: {  	[tilespmem:s23], [sflag:$0x1] =	stream.indirect_vreg.gather [hbm4b:s3+s2], $0x80, v4, vm0, $0xb8;
	[tilespmem:$0x8080] =	vst v63  }
0x219: {  	_ = 	snop  }
0x21a: {  	[tilespmem:s24], [sflag:$0x1] =	stream.indirect_vreg.gather [hbm4b:s3+s2], $0x80, v3, vm0, $0xb8;
	[tilespmem:$0x8080] =	vst v63  }
0x21b: {  	v3 =	vld [tilespmem:$0x50];
	_ =	sdelay $0x4  }
0x21c: {  	v45 =	vshll.u32 v3, $0x1  }
0x21d: {  	v3 =	vand.u32 $0x7, v3;
	v4 =	vand.u32 $0xFFFFFFF0, v45  }
0x21e: {  	v3 =	vor.u32 v3, v4  }
0x21f: {  	v4 =	vperm.xlane v3, v0;
	_ =	sdelay $0x1  }
0x220: {  	v3 =	vperm.xlane v3, v2;
	v4 =	vadd.s32 v1, v4;
	_ =	sdelay $0x1  }
0x221: {  	v3 =	vadd.s32 v1, v3;
	_ =	sdelay $0x2  }
0x222: {  	[tilespmem:s25], [sflag:$0x1] =	stream.indirect_vreg.gather [hbm4b:s3+s2], $0x80, v4, vm0, $0xb8;
	[tilespmem:$0x8080] =	vst v63  }
0x223: {  	_ = 	snop  }
0x224: {  	[tilespmem:s26], [sflag:$0x1] =	stream.indirect_vreg.gather [hbm4b:s3+s2], $0x80, v3, vm0, $0xb8;
	[tilespmem:$0x8080] =	vst v63  }
0x225: {  	v3 =	vld [tilespmem:$0x60];
	_ =	sdelay $0x4  }
0x226: {  	v46 =	vshll.u32 v3, $0x1  }
0x227: {  	v3 =	vand.u32 $0x7, v3;
	v4 =	vand.u32 $0xFFFFFFF0, v46  }
0x228: {  	v3 =	vor.u32 v3, v4  }
0x229: {  	v4 =	vperm.xlane v3, v0;
	_ =	sdelay $0x1  }
0x22a: {  	v3 =	vperm.xlane v3, v2;
	v4 =	vadd.s32 v1, v4;
	_ =	sdelay $0x1  }
0x22b: {  	v3 =	vadd.s32 v1, v3;
	_ =	sdelay $0x2  }
0x22c: {  	[tilespmem:s28], [sflag:$0x1] =	stream.indirect_vreg.gather [hbm4b:s3+s2], $0x80, v4, vm0, $0xb8;
	[tilespmem:$0x8080] =	vst v63  }
0x22d: {  	_ = 	snop  }
0x22e: {  	[tilespmem:s29], [sflag:$0x1] =	stream.indirect_vreg.gather [hbm4b:s3+s2], $0x80, v3, vm0, $0xb8;
	[tilespmem:$0x8080] =	vst v63  }
0x22f: {  	v3 =	vld [tilespmem:$0x70];
	_ =	sdelay $0x4  }
0x230: {  	v47 =	vshll.u32 v3, $0x1  }
0x231: {  	v3 =	vand.u32 $0x7, v3;
	v4 =	vand.u32 $0xFFFFFFF0, v47  }
0x232: {  	v3 =	vor.u32 v3, v4  }
0x233: {  	v4 =	vperm.xlane v3, v0;
	_ =	sdelay $0x1  }
0x234: {  	v3 =	vperm.xlane v3, v2;
	v4 =	vadd.s32 v1, v4;
	_ =	sdelay $0x1  }
0x235: {  	v3 =	vadd.s32 v1, v3;
	_ =	sdelay $0x2  }
0x236: {  	[tilespmem:s30], [sflag:$0x1] =	stream.indirect_vreg.gather [hbm4b:s3+s2], $0x80, v4, vm0, $0xb8;
	[tilespmem:$0x8080] =	vst v63  }
0x237: {  	_ = 	snop  }
0x238: {  	[tilespmem:s31], [sflag:$0x1] =	stream.indirect_vreg.gather [hbm4b:s3+s2], $0x80, v3, vm0, $0xb8;
	[tilespmem:$0x8080] =	vst v63  }
0x239: {  	_ =	swait.ge [sflag:s0], $0x8000  }
0x23a: {  	[sflag:s0] =	ssyncset.done $0x0  }
0x23b: {  	[sflag:s0] =	ssyncadd.s32 $0xFFFF8000  }
0x23c: {  	[hbm4b:s8+s2] =	stream.linear.scatter [tilespmem:s15], [sflag:$0x2], $0x8000, $0x38;
	[tilespmem:$0x8080] =	vst v63  }
0x23d: {  	_ =	swait.ge [sflag:s14], $0x8000  }
0x23e: {  	[sflag:s14] =	ssyncset.done $0x0  }
0x23f: {  	[sflag:s14] =	ssyncadd.s32 $0xFFFF8000  }
0x240: {  	[tilespmem:s2], [sflag:$0x2] =	stream.linear.gather [hbm4b:s9+s2], $0x80, $0x38;
	[tilespmem:$0x8080] =	vst v63  }
0x241: {  	_ =	swait.ge [sflag:s14], $0x80  }
0x242: {  	[sflag:s14] =	ssyncset.done $0x0  }
0x243: {  	[sflag:s14] =	ssyncadd.s32 $0xFFFFFF80  }
0x244: {  	v3 =	vld [tilespmem:$0x0];
	_ =	sdelay $0x4  }
0x245: {  	v48 =	vshll.u32 v3, $0x1  }
0x246: {  	v3 =	vand.u32 $0x7, v3;
	v4 =	vand.u32 $0xFFFFFFF0, v48  }
0x247: {  	v3 =	vor.u32 v3, v4  }
0x248: {  	v4 =	vperm.xlane v3, v0;
	_ =	sdelay $0x1  }
0x249: {  	v3 =	vperm.xlane v3, v2;
	v4 =	vadd.s32 v1, v4;
	_ =	sdelay $0x1  }
0x24a: {  	v3 =	vadd.s32 v1, v3;
	_ =	sdelay $0x2  }
0x24b: {  	[tilespmem:s15], [sflag:$0x1] =	stream.indirect_vreg.gather [hbm4b:s3+s2], $0x80, v4, vm0, $0xb8;
	[tilespmem:$0x8080] =	vst v63  }
0x24c: {  	_ = 	snop  }
0x24d: {  	[tilespmem:s16], [sflag:$0x1] =	stream.indirect_vreg.gather [hbm4b:s3+s2], $0x80, v3, vm0, $0xb8;
	[tilespmem:$0x8080] =	vst v63  }
0x24e: {  	v3 =	vld [tilespmem:$0x10];
	_ =	sdelay $0x4  }
0x24f: {  	v49 =	vshll.u32 v3, $0x1  }
0x250: {  	v3 =	vand.u32 $0x7, v3;
	v4 =	vand.u32 $0xFFFFFFF0, v49  }
0x251: {  	v3 =	vor.u32 v3, v4  }
0x252: {  	v4 =	vperm.xlane v3, v0;
	_ =	sdelay $0x1  }
0x253: {  	v3 =	vperm.xlane v3, v2;
	v4 =	vadd.s32 v1, v4;
	_ =	sdelay $0x1  }
0x254: {  	v3 =	vadd.s32 v1, v3;
	_ =	sdelay $0x2  }
0x255: {  	[tilespmem:s17], [sflag:$0x1] =	stream.indirect_vreg.gather [hbm4b:s3+s2], $0x80, v4, vm0, $0xb8;
	[tilespmem:$0x8080] =	vst v63  }
0x256: {  	_ = 	snop  }
0x257: {  	[tilespmem:s18], [sflag:$0x1] =	stream.indirect_vreg.gather [hbm4b:s3+s2], $0x80, v3, vm0, $0xb8;
	[tilespmem:$0x8080] =	vst v63  }
0x258: {  	v3 =	vld [tilespmem:$0x20];
	_ =	sdelay $0x4  }
0x259: {  	v50 =	vshll.u32 v3, $0x1  }
0x25a: {  	v3 =	vand.u32 $0x7, v3;
	v4 =	vand.u32 $0xFFFFFFF0, v50  }
0x25b: {  	v3 =	vor.u32 v3, v4  }
0x25c: {  	v4 =	vperm.xlane v3, v0;
	_ =	sdelay $0x1  }
0x25d: {  	v3 =	vperm.xlane v3, v2;
	v4 =	vadd.s32 v1, v4;
	_ =	sdelay $0x1  }
0x25e: {  	v3 =	vadd.s32 v1, v3;
	_ =	sdelay $0x2  }
0x25f: {  	[tilespmem:s19], [sflag:$0x1] =	stream.indirect_vreg.gather [hbm4b:s3+s2], $0x80, v4, vm0, $0xb8;
	[tilespmem:$0x8080] =	vst v63  }
0x260: {  	_ = 	snop  }
0x261: {  	[tilespmem:s20], [sflag:$0x1] =	stream.indirect_vreg.gather [hbm4b:s3+s2], $0x80, v3, vm0, $0xb8;
	[tilespmem:$0x8080] =	vst v63  }
0x262: {  	v3 =	vld [tilespmem:$0x30];
	_ =	sdelay $0x4  }
0x263: {  	v51 =	vshll.u32 v3, $0x1  }
0x264: {  	v3 =	vand.u32 $0x7, v3;
	v4 =	vand.u32 $0xFFFFFFF0, v51  }
0x265: {  	v3 =	vor.u32 v3, v4  }
0x266: {  	v4 =	vperm.xlane v3, v0;
	_ =	sdelay $0x1  }
0x267: {  	v3 =	vperm.xlane v3, v2;
	v4 =	vadd.s32 v1, v4;
	_ =	sdelay $0x1  }
0x268: {  	v3 =	vadd.s32 v1, v3;
	_ =	sdelay $0x2  }
0x269: {  	[tilespmem:s21], [sflag:$0x1] =	stream.indirect_vreg.gather [hbm4b:s3+s2], $0x80, v4, vm0, $0xb8;
	[tilespmem:$0x8080] =	vst v63  }
0x26a: {  	_ = 	snop  }
0x26b: {  	[tilespmem:s22], [sflag:$0x1] =	stream.indirect_vreg.gather [hbm4b:s3+s2], $0x80, v3, vm0, $0xb8;
	[tilespmem:$0x8080] =	vst v63  }
0x26c: {  	v3 =	vld [tilespmem:$0x40];
	_ =	sdelay $0x4  }
0x26d: {  	v52 =	vshll.u32 v3, $0x1  }
0x26e: {  	v3 =	vand.u32 $0x7, v3;
	v4 =	vand.u32 $0xFFFFFFF0, v52  }
0x26f: {  	v3 =	vor.u32 v3, v4  }
0x270: {  	v4 =	vperm.xlane v3, v0;
	_ =	sdelay $0x1  }
0x271: {  	v3 =	vperm.xlane v3, v2;
	v4 =	vadd.s32 v1, v4;
	_ =	sdelay $0x1  }
0x272: {  	v3 =	vadd.s32 v1, v3;
	_ =	sdelay $0x2  }
0x273: {  	[tilespmem:s23], [sflag:$0x1] =	stream.indirect_vreg.gather [hbm4b:s3+s2], $0x80, v4, vm0, $0xb8;
	[tilespmem:$0x8080] =	vst v63  }
0x274: {  	_ = 	snop  }
0x275: {  	[tilespmem:s24], [sflag:$0x1] =	stream.indirect_vreg.gather [hbm4b:s3+s2], $0x80, v3, vm0, $0xb8;
	[tilespmem:$0x8080] =	vst v63  }
0x276: {  	v3 =	vld [tilespmem:$0x50];
	_ =	sdelay $0x4  }
0x277: {  	v53 =	vshll.u32 v3, $0x1  }
0x278: {  	v3 =	vand.u32 $0x7, v3;
	v4 =	vand.u32 $0xFFFFFFF0, v53  }
0x279: {  	v3 =	vor.u32 v3, v4  }
0x27a: {  	v4 =	vperm.xlane v3, v0;
	_ =	sdelay $0x1  }
0x27b: {  	v3 =	vperm.xlane v3, v2;
	v4 =	vadd.s32 v1, v4;
	_ =	sdelay $0x1  }
0x27c: {  	v3 =	vadd.s32 v1, v3;
	_ =	sdelay $0x2  }
0x27d: {  	[tilespmem:s25], [sflag:$0x1] =	stream.indirect_vreg.gather [hbm4b:s3+s2], $0x80, v4, vm0, $0xb8;
	[tilespmem:$0x8080] =	vst v63  }
0x27e: {  	_ = 	snop  }
0x27f: {  	[tilespmem:s26], [sflag:$0x1] =	stream.indirect_vreg.gather [hbm4b:s3+s2], $0x80, v3, vm0, $0xb8;
	[tilespmem:$0x8080] =	vst v63  }
0x280: {  	v3 =	vld [tilespmem:$0x60];
	_ =	sdelay $0x4  }
0x281: {  	v54 =	vshll.u32 v3, $0x1  }
0x282: {  	v3 =	vand.u32 $0x7, v3;
	v4 =	vand.u32 $0xFFFFFFF0, v54  }
0x283: {  	v3 =	vor.u32 v3, v4  }
0x284: {  	v4 =	vperm.xlane v3, v0;
	_ =	sdelay $0x1  }
0x285: {  	v3 =	vperm.xlane v3, v2;
	v4 =	vadd.s32 v1, v4;
	_ =	sdelay $0x1  }
0x286: {  	v3 =	vadd.s32 v1, v3;
	_ =	sdelay $0x2  }
0x287: {  	[tilespmem:s28], [sflag:$0x1] =	stream.indirect_vreg.gather [hbm4b:s3+s2], $0x80, v4, vm0, $0xb8;
	[tilespmem:$0x8080] =	vst v63  }
0x288: {  	_ = 	snop  }
0x289: {  	[tilespmem:s29], [sflag:$0x1] =	stream.indirect_vreg.gather [hbm4b:s3+s2], $0x80, v3, vm0, $0xb8;
	[tilespmem:$0x8080] =	vst v63  }
0x28a: {  	v3 =	vld [tilespmem:$0x70];
	_ =	sdelay $0x4  }
0x28b: {  	v55 =	vshll.u32 v3, $0x1  }
0x28c: {  	v3 =	vand.u32 $0x7, v3;
	v4 =	vand.u32 $0xFFFFFFF0, v55  }
0x28d: {  	v3 =	vor.u32 v3, v4  }
0x28e: {  	v4 =	vperm.xlane v3, v0;
	_ =	sdelay $0x1  }
0x28f: {  	v3 =	vperm.xlane v3, v2;
	v4 =	vadd.s32 v1, v4;
	_ =	sdelay $0x1  }
0x290: {  	v3 =	vadd.s32 v1, v3;
	_ =	sdelay $0x2  }
0x291: {  	[tilespmem:s30], [sflag:$0x1] =	stream.indirect_vreg.gather [hbm4b:s3+s2], $0x80, v4, vm0, $0xb8;
	[tilespmem:$0x8080] =	vst v63  }
0x292: {  	_ = 	snop  }
0x293: {  	[tilespmem:s31], [sflag:$0x1] =	stream.indirect_vreg.gather [hbm4b:s3+s2], $0x80, v3, vm0, $0xb8;
	[tilespmem:$0x8080] =	vst v63  }
0x294: {  	_ =	swait.ge [sflag:s0], $0x8000  }
0x295: {  	[sflag:s0] =	ssyncset.done $0x0  }
0x296: {  	[sflag:s0] =	ssyncadd.s32 $0xFFFF8000  }
0x297: {  	[hbm4b:s10+s2] =	stream.linear.scatter [tilespmem:s15], [sflag:$0x2], $0x8000, $0x38;
	[tilespmem:$0x8080] =	vst v63  }
0x298: {  	_ =	swait.ge [sflag:s14], $0x8000  }
0x299: {  	[sflag:s14] =	ssyncset.done $0x0  }
0x29a: {  	[sflag:s14] =	ssyncadd.s32 $0xFFFF8000  }
0x29b: {  	[tilespmem:s2], [sflag:$0x2] =	stream.linear.gather [hbm4b:s11+s2], $0x80, $0x38;
	[tilespmem:$0x8080] =	vst v63  }
0x29c: {  	_ =	swait.ge [sflag:s14], $0x80  }
0x29d: {  	[sflag:s14] =	ssyncset.done $0x0  }
0x29e: {  	[sflag:s14] =	ssyncadd.s32 $0xFFFFFF80  }
0x29f: {  	v3 =	vld [tilespmem:$0x0];
	_ =	sdelay $0x4  }
0x2a0: {  	v56 =	vshll.u32 v3, $0x1  }
0x2a1: {  	v3 =	vand.u32 $0x7, v3;
	v4 =	vand.u32 $0xFFFFFFF0, v56  }
0x2a2: {  	v3 =	vor.u32 v3, v4  }
0x2a3: {  	v4 =	vperm.xlane v3, v0;
	_ =	sdelay $0x1  }
0x2a4: {  	v3 =	vperm.xlane v3, v2;
	v4 =	vadd.s32 v1, v4;
	_ =	sdelay $0x1  }
0x2a5: {  	v3 =	vadd.s32 v1, v3;
	_ =	sdelay $0x2  }
0x2a6: {  	[tilespmem:s15], [sflag:$0x1] =	stream.indirect_vreg.gather [hbm4b:s3+s2], $0x80, v4, vm0, $0xb8;
	[tilespmem:$0x8080] =	vst v63  }
0x2a7: {  	_ = 	snop  }
0x2a8: {  	[tilespmem:s16], [sflag:$0x1] =	stream.indirect_vreg.gather [hbm4b:s3+s2], $0x80, v3, vm0, $0xb8;
	[tilespmem:$0x8080] =	vst v63  }
0x2a9: {  	v3 =	vld [tilespmem:$0x10];
	_ =	sdelay $0x4  }
0x2aa: {  	v57 =	vshll.u32 v3, $0x1  }
0x2ab: {  	v3 =	vand.u32 $0x7, v3;
	v4 =	vand.u32 $0xFFFFFFF0, v57  }
0x2ac: {  	v3 =	vor.u32 v3, v4  }
0x2ad: {  	v4 =	vperm.xlane v3, v0;
	_ =	sdelay $0x1  }
0x2ae: {  	v3 =	vperm.xlane v3, v2;
	v4 =	vadd.s32 v1, v4;
	_ =	sdelay $0x1  }
0x2af: {  	v3 =	vadd.s32 v1, v3;
	_ =	sdelay $0x2  }
0x2b0: {  	[tilespmem:s17], [sflag:$0x1] =	stream.indirect_vreg.gather [hbm4b:s3+s2], $0x80, v4, vm0, $0xb8;
	[tilespmem:$0x8080] =	vst v63  }
0x2b1: {  	_ = 	snop  }
0x2b2: {  	[tilespmem:s18], [sflag:$0x1] =	stream.indirect_vreg.gather [hbm4b:s3+s2], $0x80, v3, vm0, $0xb8;
	[tilespmem:$0x8080] =	vst v63  }
0x2b3: {  	v3 =	vld [tilespmem:$0x20];
	_ =	sdelay $0x4  }
0x2b4: {  	v58 =	vshll.u32 v3, $0x1  }
0x2b5: {  	v3 =	vand.u32 $0x7, v3;
	v4 =	vand.u32 $0xFFFFFFF0, v58  }
0x2b6: {  	v3 =	vor.u32 v3, v4  }
0x2b7: {  	v4 =	vperm.xlane v3, v0;
	_ =	sdelay $0x1  }
0x2b8: {  	v3 =	vperm.xlane v3, v2;
	v4 =	vadd.s32 v1, v4;
	_ =	sdelay $0x1  }
0x2b9: {  	v3 =	vadd.s32 v1, v3;
	_ =	sdelay $0x2  }
0x2ba: {  	[tilespmem:s19], [sflag:$0x1] =	stream.indirect_vreg.gather [hbm4b:s3+s2], $0x80, v4, vm0, $0xb8;
	[tilespmem:$0x8080] =	vst v63  }
0x2bb: {  	_ = 	snop  }
0x2bc: {  	[tilespmem:s20], [sflag:$0x1] =	stream.indirect_vreg.gather [hbm4b:s3+s2], $0x80, v3, vm0, $0xb8;
	[tilespmem:$0x8080] =	vst v63  }
0x2bd: {  	v3 =	vld [tilespmem:$0x30];
	_ =	sdelay $0x4  }
0x2be: {  	v59 =	vshll.u32 v3, $0x1  }
0x2bf: {  	v3 =	vand.u32 $0x7, v3;
	v4 =	vand.u32 $0xFFFFFFF0, v59  }
0x2c0: {  	v3 =	vor.u32 v3, v4  }
0x2c1: {  	v4 =	vperm.xlane v3, v0;
	_ =	sdelay $0x1  }
0x2c2: {  	v3 =	vperm.xlane v3, v2;
	v4 =	vadd.s32 v1, v4;
	_ =	sdelay $0x1  }
0x2c3: {  	v3 =	vadd.s32 v1, v3;
	_ =	sdelay $0x2  }
0x2c4: {  	[tilespmem:s21], [sflag:$0x1] =	stream.indirect_vreg.gather [hbm4b:s3+s2], $0x80, v4, vm0, $0xb8;
	[tilespmem:$0x8080] =	vst v63  }
0x2c5: {  	_ = 	snop  }
0x2c6: {  	[tilespmem:s22], [sflag:$0x1] =	stream.indirect_vreg.gather [hbm4b:s3+s2], $0x80, v3, vm0, $0xb8;
	[tilespmem:$0x8080] =	vst v63  }
0x2c7: {  	v3 =	vld [tilespmem:$0x40];
	_ =	sdelay $0x4  }
0x2c8: {  	v60 =	vshll.u32 v3, $0x1  }
0x2c9: {  	v3 =	vand.u32 $0x7, v3;
	v4 =	vand.u32 $0xFFFFFFF0, v60  }
0x2ca: {  	v3 =	vor.u32 v3, v4  }
0x2cb: {  	v4 =	vperm.xlane v3, v0;
	_ =	sdelay $0x1  }
0x2cc: {  	v3 =	vperm.xlane v3, v2;
	v4 =	vadd.s32 v1, v4;
	_ =	sdelay $0x1  }
0x2cd: {  	v3 =	vadd.s32 v1, v3;
	_ =	sdelay $0x2  }
0x2ce: {  	[tilespmem:s23], [sflag:$0x1] =	stream.indirect_vreg.gather [hbm4b:s3+s2], $0x80, v4, vm0, $0xb8;
	[tilespmem:$0x8080] =	vst v63  }
0x2cf: {  	_ = 	snop  }
0x2d0: {  	[tilespmem:s24], [sflag:$0x1] =	stream.indirect_vreg.gather [hbm4b:s3+s2], $0x80, v3, vm0, $0xb8;
	[tilespmem:$0x8080] =	vst v63  }
0x2d1: {  	v3 =	vld [tilespmem:$0x50];
	_ =	sdelay $0x4  }
0x2d2: {  	v61 =	vshll.u32 v3, $0x1  }
0x2d3: {  	v3 =	vand.u32 $0x7, v3;
	v4 =	vand.u32 $0xFFFFFFF0, v61  }
0x2d4: {  	v3 =	vor.u32 v3, v4  }
0x2d5: {  	v4 =	vperm.xlane v3, v0;
	_ =	sdelay $0x1  }
0x2d6: {  	v3 =	vperm.xlane v3, v2;
	v4 =	vadd.s32 v1, v4;
	_ =	sdelay $0x1  }
0x2d7: {  	v3 =	vadd.s32 v1, v3;
	_ =	sdelay $0x2  }
0x2d8: {  	[tilespmem:s25], [sflag:$0x1] =	stream.indirect_vreg.gather [hbm4b:s3+s2], $0x80, v4, vm0, $0xb8;
	[tilespmem:$0x8080] =	vst v63  }
0x2d9: {  	_ = 	snop  }
0x2da: {  	[tilespmem:s26], [sflag:$0x1] =	stream.indirect_vreg.gather [hbm4b:s3+s2], $0x80, v3, vm0, $0xb8;
	[tilespmem:$0x8080] =	vst v63  }
0x2db: {  	v3 =	vld [tilespmem:$0x60];
	_ =	sdelay $0x4  }
0x2dc: {  	v62 =	vshll.u32 v3, $0x1  }
0x2dd: {  	v3 =	vand.u32 $0x7, v3;
	v4 =	vand.u32 $0xFFFFFFF0, v62  }
0x2de: {  	v3 =	vor.u32 v3, v4  }
0x2df: {  	v4 =	vperm.xlane v3, v0;
	_ =	sdelay $0x1  }
0x2e0: {  	v3 =	vperm.xlane v3, v2;
	v4 =	vadd.s32 v1, v4;
	_ =	sdelay $0x1  }
0x2e1: {  	v3 =	vadd.s32 v1, v3;
	_ =	sdelay $0x2  }
0x2e2: {  	[tilespmem:s28], [sflag:$0x1] =	stream.indirect_vreg.gather [hbm4b:s3+s2], $0x80, v4, vm0, $0xb8;
	[tilespmem:$0x8080] =	vst v63  }
0x2e3: {  	_ = 	snop  }
0x2e4: {  	[tilespmem:s29], [sflag:$0x1] =	stream.indirect_vreg.gather [hbm4b:s3+s2], $0x80, v3, vm0, $0xb8;
	[tilespmem:$0x8080] =	vst v63  }
0x2e5: {  	v3 =	vld [tilespmem:$0x70];
	_ =	sdelay $0x4  }
0x2e6: {  	v63 =	vshll.u32 v3, $0x1  }
0x2e7: {  	v3 =	vand.u32 $0x7, v3;
	v4 =	vand.u32 $0xFFFFFFF0, v63  }
0x2e8: {  	v3 =	vor.u32 v3, v4  }
0x2e9: {  	v4 =	vperm.xlane v3, v0;
	_ =	sdelay $0x1  }
0x2ea: {  	v3 =	vperm.xlane v3, v2;
	v4 =	vadd.s32 v1, v4;
	_ =	sdelay $0x1  }
0x2eb: {  	v3 =	vadd.s32 v1, v3;
	_ =	sdelay $0x2  }
0x2ec: {  	[tilespmem:s30], [sflag:$0x1] =	stream.indirect_vreg.gather [hbm4b:s3+s2], $0x80, v4, vm0, $0xb8;
	[tilespmem:$0x8080] =	vst v63  }
0x2ed: {  	_ = 	snop  }
0x2ee: {  	[tilespmem:s31], [sflag:$0x1] =	stream.indirect_vreg.gather [hbm4b:s3+s2], $0x80, v3, vm0, $0xb8;
	[tilespmem:$0x8080] =	vst v63  }
0x2ef: {  	_ =	swait.ge [sflag:s0], $0x8000  }
0x2f0: {  	p0 =	sne.s32 s13, $0x1;
	[sflag:s0] =	ssyncset.done $0x0  }
.Ltmp0:
0x2f1: {  	[sflag:s0] =	ssyncadd.s32 $0xFFFF8000;
	(pc) =	sbr.rel @p0 .LBB2_1-.Ltmp0, $4  }
0x2f2: {  	[hbm4b:s12+s2] =	stream.linear.scatter [tilespmem:s15], [sflag:$0x2], $0x8000, $0x38;
	[tilespmem:$0x8080] =	vst v63  }
0x2f3: {  	_ =	swait.ge [sflag:s14], $0x8000  }
0x2f4: {  	[sflag:s14] =	ssyncset.done $0x0  }
0x2f5: {  	s13 =	sadd.s32 $0xFFFFFFFF, s13;
	[sflag:s14] =	ssyncadd.s32 $0xFFFF8000  }
0x2f6: {  	_ =	sfence.sel $0x180000  }
0x2f7: {  	[bflag:$0x0] =	sbarrier.arrive $0xFFFF  }
0x2f8: {  	_ =	strace $0x90000050  }
0x2f9: {  	s0 =	stileid.u32;
	[bflag:$0x2] =	sbarrier.arrive $0xFFFF  }
0x2fa: {  	p0 =	sne.s32 s0, $0x0;
	s0 =	rddreg [dreg:$0x2]  }
0x2fb: {  	s0 =	sadd.s32 @!p0 $0x100000, s0  }
0x2fc: {  	[sflag:s0] =	ssyncadd.tile.s32 @!p0 $0x1;
	_ =	shalt  }
.Lfunc_end2:
_tile_overlayer_lowered:
.L_overlay_start_2:
0x2fd: {  	(tag) =	ssettag $0x2  }
0x2fe: {  	s0 =	rddreg [dreg:$0x0];
	s2 =	stileid.u32  }
0x2ff: {  	s1 =	rddreg [dreg:$0x1];
	p0 =	sne.s32 s2, $0x0  }
0x300: {  	s3 =	rddreg [dreg:$0x2];
	[bflag:$0x3] =	sbarrier.arrive $0xFFFF;
	s2 =	simm.s32 @!p0 $0x1C02  }
0x301: {  	[timem:s3], [sflag:s2] =	dma.local @!p0 [hbm:s0], s1  }
0x302: {  	s0 =	simm.s32 @!p0 $0x2  }
0x303: {  	_ =	swait.ge @!p0 [sflag:s0], s1  }
0x304: {  	s1 =	ssub.s32 @!p0 $0x0, s1;
	[sflag:s0] =	ssyncset.done @!p0 $0x0  }
0x305: {  	[sflag:s0] =	ssyncadd.s32 @!p0 s1  }
0x306: {  	[bflag:$0x3] =	sbarrier.arrive $0xFFFF  }
0x307: {  	_ =	shalt  }

</sc_bundles>
